<compile_context>
chip_gen: v7x
topology: tpu7x:2x2x1
jax: 0.10.2.dev20260603
libtpu: 0.0.44.dev20260713+nightly
codegen_flags: <defaults>
</compile_context>

<pallas_src>
import functools

import jax
import jax.numpy as jnp
from jax import lax
from jax.experimental import pallas as pl
from jax.experimental.pallas import tpu as pltpu
from jax.experimental.pallas import tpu_sc as plsc

V = 1000
BT = 4096 * 20
NC = 2
NS = 16
L = 16
NW = NC * NS
B_PER_W = BT // NW

TR = V // 8
TI = BT // 128
CT = 16
NCH = TI // CT
SLABS = 4


def _pre_body(t_ref, lse_ref, tt_ref):
    t = t_ref[...]
    m = jnp.max(t, axis=1, keepdims=True)
    s = jnp.sum(jnp.exp(t - m), axis=1, keepdims=True)
    lse_ref[...] = m + jnp.log(s)
    tt_ref[...] = t.T


_pre_call = pl.pallas_call(
    _pre_body,
    out_shape=(
        jax.ShapeDtypeStruct((V, 1), jnp.float32),
        jax.ShapeDtypeStruct((V, V), jnp.float32),
    ),
)


def _fin_body(p_ref, o_ref):
    o_ref[...] = (jnp.sum(p_ref[...]) * (1.0 / BT)).reshape(1, 1)


_fin_call = pl.pallas_call(
    _fin_body,
    out_shape=jax.ShapeDtypeStruct((1, 1), jnp.float32),
)


_mesh = plsc.VectorSubcoreMesh(core_axis_name="c", subcore_axis_name="s")


@functools.partial(
    pl.kernel,
    out_type=(
        jax.ShapeDtypeStruct((TR, TI, 8, 128), jnp.float32),
        jax.ShapeDtypeStruct((NW, L), jnp.float32),
    ),
    mesh=_mesh,
    compiler_params=pltpu.CompilerParams(
        use_tc_tiling_on_sc=False, needs_layout_passes=False),
    scratch_types=[
        pltpu.VMEM((SLABS, 8 * V), jnp.float32),
        pltpu.VMEM((CT * 128,), jnp.int32),
        pltpu.VMEM((CT * 128,), jnp.int32),
        pltpu.VMEM((SLABS, CT, 8, 128), jnp.float32),
        pltpu.VMEM((B_PER_W,), jnp.int32),
        pltpu.VMEM((B_PER_W,), jnp.int32),
        pltpu.VMEM((B_PER_W,), jnp.int32),
        pltpu.VMEM((B_PER_W,), jnp.float32),
        pltpu.VMEM((V,), jnp.float32),
        pltpu.VMEM((L,), jnp.float32),
        pltpu.SemaphoreType.DMA,
        pltpu.SemaphoreType.DMA,
        pltpu.SemaphoreType.DMA,
        pltpu.SemaphoreType.DMA,
        pltpu.SemaphoreType.DMA,
        pltpu.SemaphoreType.DMA,
        pltpu.SemaphoreType.DMA,
    ],
)
def _sc_gather(x_hbm, tgt_hbm, lse_hbm, tt_hbm, out_hbm, part_hbm,
               slab4, xca, xcb, buf4, xloc, tloc, fidx, picked, lseloc,
               accv, sem0, sem1, sem2, sem3, semxa, semxb, semg):
    wid = lax.axis_index("s") * NC + lax.axis_index("c")

    base = wid * B_PER_W
    pltpu.sync_copy(x_hbm.at[pl.ds(base, B_PER_W)], xloc)
    pltpu.sync_copy(tgt_hbm.at[pl.ds(base, B_PER_W)], tloc)
    pltpu.sync_copy(lse_hbm, lseloc)

    @plsc.parallel_loop(0, B_PER_W // L, unroll=4)
    def fidx_body(k):
        xv = xloc[pl.ds(k * L, L)]
        tv = tloc[pl.ds(k * L, L)]
        fidx[pl.ds(k * L, L)] = tv * V + xv
    gather_handle = pltpu.async_copy(tt_hbm.at[fidx], picked, semg)

    def fill(slab, buf, xc):
        @plsc.parallel_loop(0, CT * 8, unroll=4)
        def grp_body(u):
            t = u // 8
            g = u % 8
            xg = xc[pl.ds(u * L, L)]
            for v in range(8):
                val = plsc.load_gather(slab, [xg + (v * V)])
                buf[t, v, pl.ds(g * L, L)] = val

    def xchunk(c):
        return x_hbm.at[pl.ds(c * (CT * 128), CT * 128)]

    trs = [wid + s * NW for s in range(SLABS)]
    sems = (sem0, sem1, sem2, sem3)
    for s in range(SLABS):
        @pl.when(trs[s] < TR)
        def _load_slab():
            pltpu.sync_copy(tt_hbm.at[pl.ds(trs[s] * (8 * V), 8 * V)],
                            slab4.at[s])

    pltpu.sync_copy(xchunk(0), xca)
    pltpu.async_copy(xchunk(1), xcb, semxb)

    def chunk_pair(cc, carry):
        c0 = cc * 2
        for half, xc, semx in ((0, xca, semxa), (1, xcb, semxb)):
            c = c0 + half

            if half == 1:
                pltpu.make_async_copy(xchunk(c), xc, semx).wait()
            else:
                @pl.when(cc > 0)
                def _wait_xc():
                    pltpu.make_async_copy(xchunk(c), xc, semx).wait()

            for s in range(SLABS):
                tr = trs[s]

                @pl.when(tr < TR)
                def _unit():
                    @pl.when(c > 0)
                    def _drain():
                        pltpu.make_async_copy(
                            buf4.at[s],
                            out_hbm.at[tr, pl.ds((c - 1) * CT, CT)],
                            sems[s]).wait()

                    fill(slab4.at[s], buf4.at[s], xc)
                    pltpu.async_copy(
                        buf4.at[s], out_hbm.at[tr, pl.ds(c * CT, CT)],
                        sems[s])

            @pl.when(c + 2 < NCH)
            def _prefetch():
                pltpu.async_copy(xchunk(c + 2), xc, semx)
        return carry

    lax.fori_loop(0, NCH // 2, chunk_pair, jnp.int32(0))
    for s in range(SLABS):
        @pl.when(trs[s] < TR)
        def _final_drain():
            pltpu.make_async_copy(
                buf4.at[s], out_hbm.at[trs[s], pl.ds((NCH - 1) * CT, CT)],
                sems[s]).wait()

    gather_handle.wait()

    @plsc.parallel_loop(0, B_PER_W // L, unroll=4,
                        carry=jnp.zeros((L,), jnp.float32))
    def acc_loop(k, acc):
        lsev = plsc.load_gather(lseloc, [xloc[pl.ds(k * L, L)]])
        return acc + (lsev - picked[pl.ds(k * L, L)])

    acc = acc_loop
    accv[...] = acc
    pltpu.sync_copy(accv, part_hbm.at[wid])


def kernel(x, targets, table):
    xf = x.reshape(BT).astype(jnp.int32)
    tf = targets.reshape(BT).astype(jnp.int32)
    lse2, tt = _pre_call(table)
    out4, part = _sc_gather(xf, tf, lse2.reshape(V), tt.reshape(V * V))
    logits = out4.transpose(1, 3, 0, 2).reshape(BT, V)
    loss = _fin_call(part)[0, 0]
    return logits, loss

# --- scband reference (transcript-rebuilt; emitter-appended) ---
"""Pipeline reference for scband-bigram-lm-30734785970323 (READ-ONLY COPY).

The authoritative reference and input builder live on the scoring server;
editing this copy changes nothing except your own understanding.
"""

import jax, jax.numpy as jnp
import numpy as np

VOCAB = 1000
B = 4096
T = 20

def setup_inputs(seed: int = 0) -> dict:
    key = jax.random.key(seed)
    k1, k2, k3 = jax.random.split(key, 3)
    x = jax.random.randint(k1, (B, T), 0, VOCAB, dtype=jnp.int64 if jax.config.jax_enable_x64 else jnp.int32)
    targets = jax.random.randint(k2, (B, T), 0, VOCAB, dtype=jnp.int64 if jax.config.jax_enable_x64 else jnp.int32)
    table = jax.random.normal(k3, (VOCAB, VOCAB), dtype=jnp.float32)
    return {"x": x, "targets": targets, "table": table}

def reference(x, targets, table):
    # logits = self.embedding(x)  -> gather rows of the vocab x vocab table
    logits = jnp.take(table, x, axis=0)  # [B, T, V]
    b, t, c = logits.shape
    logits = logits.reshape(b * t, c)
    tgt = targets.reshape(b * t)
    # torch.nn.CrossEntropyLoss with default mean reduction
    logp = jax.nn.log_softmax(logits, axis=-1)
    nll = -jnp.take_along_axis(logp, tgt[:, None], axis=1)[:, 0]
    l = jnp.mean(nll)
    return (logits, l)

if __name__ == "__main__":
    import jax
    _d = setup_inputs()
    print(jax.jit(kernel)(*tuple(_d.values())))

</pallas_src>

<mosaic_0001>
#map = affine_map<(d0, d1) -> (0)>
#map1 = affine_map<(d0, d1) -> (0, 0, 0, 0)>
#map2 = affine_map<(d0, d1) -> (0, 0)>
module attributes {stable_mosaic.version = 14 : i64} {
  func.func @_sc_gather(%arg0: i32, %arg1: i32, %arg2: memref<81920xi32, #tpu.memory_space<hbm>>, %arg3: memref<81920xi32, #tpu.memory_space<hbm>>, %arg4: memref<1000xf32, #tpu.memory_space<hbm>>, %arg5: memref<1000000xf32, #tpu.memory_space<hbm>>, %arg6: memref<125x640x8x128xf32, #tpu.memory_space<hbm>>, %arg7: memref<32x16xf32, #tpu.memory_space<hbm>>, %arg8: memref<4x8000xf32, #tpu.memory_space<vmem>>, %arg9: memref<2048xi32, #tpu.memory_space<vmem>>, %arg10: memref<2048xi32, #tpu.memory_space<vmem>>, %arg11: memref<4x16x8x128xf32, #tpu.memory_space<vmem>>, %arg12: memref<2560xi32, #tpu.memory_space<vmem>>, %arg13: memref<2560xi32, #tpu.memory_space<vmem>>, %arg14: memref<2560xi32, #tpu.memory_space<vmem>>, %arg15: memref<2560xf32, #tpu.memory_space<vmem>>, %arg16: memref<1000xf32, #tpu.memory_space<vmem>>, %arg17: memref<16xf32, #tpu.memory_space<vmem>>, %arg18: memref<!tpu.dma_semaphore, #tpu.memory_space<semaphore_mem>>, %arg19: memref<!tpu.dma_semaphore, #tpu.memory_space<semaphore_mem>>, %arg20: memref<!tpu.dma_semaphore, #tpu.memory_space<semaphore_mem>>, %arg21: memref<!tpu.dma_semaphore, #tpu.memory_space<semaphore_mem>>, %arg22: memref<!tpu.dma_semaphore, #tpu.memory_space<semaphore_mem>>, %arg23: memref<!tpu.dma_semaphore, #tpu.memory_space<semaphore_mem>>, %arg24: memref<!tpu.dma_semaphore, #tpu.memory_space<semaphore_mem>>) attributes {dimension_semantics = [#tpu.dimension_semantics<core_parallel>, #tpu.dimension_semantics<subcore_parallel>], iteration_bounds = array<i64: 2, 16>, scalar_prefetch = 0 : i64, scratch_operands = 17 : i64, tpu.core_type = #tpu.core_type<sc_vector_subcore>, window_params = [{transform_indices = #map}, {transform_indices = #map}, {transform_indices = #map}, {transform_indices = #map}, {transform_indices = #map1}, {transform_indices = #map2}]} {
    %mul3A = arith.constant 2 : i32
    %mul3A_0 = arith.muli %arg1, %mul3A : i32
    %add3A = arith.addi %mul3A_0, %arg0 : i32
    %mul3A_1 = arith.constant 2560 : i32
    %mul3A_2 = arith.muli %add3A, %mul3A_1 : i32
    "tpu.region"() ({
      %run_scoped3A = tpu.sem_alloc : memref<!tpu.dma_semaphore, #tpu.memory_space<semaphore_mem>>
      %dma_start3A_67 = tpu.memref_slice %arg2[%mul3A_2] : memref<81920xi32, #tpu.memory_space<hbm>> -> memref<2560xi32, #tpu.memory_space<hbm>>
      %dma_start3A_68 = tpu.memref_slice %arg2[%mul3A_2] : memref<81920xi32, #tpu.memory_space<hbm>> -> memref<2560xi32, #tpu.memory_space<hbm>>
      tpu.enqueue_dma source(%dma_start3A_68 : memref<2560xi32, #tpu.memory_space<hbm>>) target(%arg12 : memref<2560xi32, #tpu.memory_space<vmem>>) target_semaphore(%run_scoped3A : memref<!tpu.dma_semaphore, #tpu.memory_space<semaphore_mem>>)
      %dma_wait3A_69 = tpu.memref_slice %arg2[%mul3A_2] : memref<81920xi32, #tpu.memory_space<hbm>> -> memref<2560xi32, #tpu.memory_space<hbm>>
      %dma_wait3A_70 = tpu.memref_slice %arg2[%mul3A_2] : memref<81920xi32, #tpu.memory_space<hbm>> -> memref<2560xi32, #tpu.memory_space<hbm>>
      tpu.wait_dma2 semaphore(%run_scoped3A : memref<!tpu.dma_semaphore, #tpu.memory_space<semaphore_mem>>) src(%dma_wait3A_70 : memref<2560xi32, #tpu.memory_space<hbm>>) dst(%arg12 : memref<2560xi32, #tpu.memory_space<vmem>>)
      tpu.yield
    }) : () -> ()
    "tpu.region"() ({
      %run_scoped3A = tpu.sem_alloc : memref<!tpu.dma_semaphore, #tpu.memory_space<semaphore_mem>>
      %dma_start3A_67 = tpu.memref_slice %arg3[%mul3A_2] : memref<81920xi32, #tpu.memory_space<hbm>> -> memref<2560xi32, #tpu.memory_space<hbm>>
      %dma_start3A_68 = tpu.memref_slice %arg3[%mul3A_2] : memref<81920xi32, #tpu.memory_space<hbm>> -> memref<2560xi32, #tpu.memory_space<hbm>>
      tpu.enqueue_dma source(%dma_start3A_68 : memref<2560xi32, #tpu.memory_space<hbm>>) target(%arg13 : memref<2560xi32, #tpu.memory_space<vmem>>) target_semaphore(%run_scoped3A : memref<!tpu.dma_semaphore, #tpu.memory_space<semaphore_mem>>)
      %dma_wait3A_69 = tpu.memref_slice %arg3[%mul3A_2] : memref<81920xi32, #tpu.memory_space<hbm>> -> memref<2560xi32, #tpu.memory_space<hbm>>
      %dma_wait3A_70 = tpu.memref_slice %arg3[%mul3A_2] : memref<81920xi32, #tpu.memory_space<hbm>> -> memref<2560xi32, #tpu.memory_space<hbm>>
      tpu.wait_dma2 semaphore(%run_scoped3A : memref<!tpu.dma_semaphore, #tpu.memory_space<semaphore_mem>>) src(%dma_wait3A_70 : memref<2560xi32, #tpu.memory_space<hbm>>) dst(%arg13 : memref<2560xi32, #tpu.memory_space<vmem>>)
      tpu.yield
    }) : () -> ()
    "tpu.region"() ({
      %run_scoped3A = tpu.sem_alloc : memref<!tpu.dma_semaphore, #tpu.memory_space<semaphore_mem>>
      tpu.enqueue_dma source(%arg4 : memref<1000xf32, #tpu.memory_space<hbm>>) target(%arg16 : memref<1000xf32, #tpu.memory_space<vmem>>) target_semaphore(%run_scoped3A : memref<!tpu.dma_semaphore, #tpu.memory_space<semaphore_mem>>)
      tpu.wait_dma2 semaphore(%run_scoped3A : memref<!tpu.dma_semaphore, #tpu.memory_space<semaphore_mem>>) src(%arg4 : memref<1000xf32, #tpu.memory_space<hbm>>) dst(%arg16 : memref<1000xf32, #tpu.memory_space<vmem>>)
      tpu.yield
    }) : () -> ()
    %parallel_loop3A = arith.constant 0 : i32
    %parallel_loop3A_3 = arith.constant 160 : i32
    %parallel_loop3A_4 = arith.constant 1 : i32
    scf.for %parallel_loop3A_67 = %parallel_loop3A to %parallel_loop3A_3 step %parallel_loop3A_4  : i32 {
      %parallel_loop3A_68 = arith.constant 16 : i32
      %parallel_loop3A_69 = arith.muli %parallel_loop3A_67, %parallel_loop3A_68 : i32
      %parallel_loop3A_70 = arith.index_cast %parallel_loop3A_69 : i32 to index
      %parallel_loop3A_71 = tpu.vector_load %arg12[%parallel_loop3A_70] {strides = array<i32>} : memref<2560xi32, #tpu.memory_space<vmem>>, vector<16xi32>,
      %parallel_loop3A_72 = arith.constant 16 : i32
      %parallel_loop3A_73 = arith.muli %parallel_loop3A_67, %parallel_loop3A_72 : i32
      %parallel_loop3A_74 = arith.index_cast %parallel_loop3A_73 : i32 to index
      %parallel_loop3A_75 = tpu.vector_load %arg13[%parallel_loop3A_74] {strides = array<i32>} : memref<2560xi32, #tpu.memory_space<vmem>>, vector<16xi32>,
      %parallel_loop3A_76 = arith.constant 1000 : i32
      %parallel_loop3A_77 = vector.broadcast %parallel_loop3A_76 : i32 to vector<16xi32>
      %parallel_loop3A_78 = arith.muli %parallel_loop3A_75, %parallel_loop3A_77 : vector<16xi32>
      %parallel_loop3A_79 = arith.addi %parallel_loop3A_78, %parallel_loop3A_71 : vector<16xi32>
      %parallel_loop3A_80 = arith.constant 16 : i32
      %parallel_loop3A_81 = arith.muli %parallel_loop3A_67, %parallel_loop3A_80 : i32
      %parallel_loop3A_82 = arith.index_cast %parallel_loop3A_81 : i32 to index
      %parallel_loop3A_83 = tpu.vector_load %arg14[%parallel_loop3A_82] {strides = array<i32>} : memref<2560xi32, #tpu.memory_space<vmem>>, vector<16xi32>,
      tpu.vector_store %arg14[%parallel_loop3A_82], %parallel_loop3A_79 {strides = array<i32>} : memref<2560xi32, #tpu.memory_space<vmem>>, vector<16xi32>,
    } {sc.loop_unroll_factor = 4 : i64, sc.parallel_access}
    %dma_start3A = arith.constant 0 : i32
    %dma_start3A_5 = tpu.memref_slice %arg5[%dma_start3A] : memref<1000000xf32, #tpu.memory_space<hbm>> -> memref<1000000xf32, #tpu.memory_space<hbm>>
    tpu.enqueue_indirect_dma source(%dma_start3A_5 : memref<1000000xf32, #tpu.memory_space<hbm>>) target(%arg15 : memref<2560xf32, #tpu.memory_space<vmem>>) offsets(%arg14 : memref<2560xi32, #tpu.memory_space<vmem>>) semaphore(%arg24 : memref<!tpu.dma_semaphore, #tpu.memory_space<semaphore_mem>>)
    %add3A_6 = arith.constant 0 : i32
    %add3A_7 = arith.addi %add3A, %add3A_6 : i32
    %add3A_8 = arith.constant 32 : i32
    %add3A_9 = arith.addi %add3A, %add3A_8 : i32
    %add3A_10 = arith.constant 64 : i32
    %add3A_11 = arith.addi %add3A, %add3A_10 : i32
    %add3A_12 = arith.constant 96 : i32
    %add3A_13 = arith.addi %add3A, %add3A_12 : i32
    %lt3A = arith.constant 125 : i32
    %lt3A_14 = arith.cmpi slt, %add3A_7, %lt3A : i32
    %convert_element_type3A = arith.extui %lt3A_14 : i1 to i32
    %cond3A = arith.constant 0 : i32
    %cond3A_15 = arith.cmpi ne, %convert_element_type3A, %cond3A : i32
    scf.if %cond3A_15 {
      %mul3A_67 = arith.constant 8000 : i32
      %mul3A_68 = arith.muli %add3A_7, %mul3A_67 : i32
      %run_scoped3A = arith.constant 0 : i32
      "tpu.region"() ({
        %run_scoped3A_69 = tpu.sem_alloc : memref<!tpu.dma_semaphore, #tpu.memory_space<semaphore_mem>>
        %dma_start3A_70 = arith.constant 0 : i32
        %dma_start3A_71 = tpu.memref_slice %arg8[%run_scoped3A, %dma_start3A_70] : memref<4x8000xf32, #tpu.memory_space<vmem>> -> memref<1x8000xf32, #tpu.memory_space<vmem>>
        %dma_start3A_72 = tpu.memref_squeeze %dma_start3A_71 : memref<1x8000xf32, #tpu.memory_space<vmem>> -> memref<8000xf32, #tpu.memory_space<vmem>>
        %dma_start3A_73 = tpu.memref_slice %arg5[%mul3A_68] : memref<1000000xf32, #tpu.memory_space<hbm>> -> memref<8000xf32, #tpu.memory_space<hbm>>
        %dma_start3A_74 = arith.constant 0 : i32
        %dma_start3A_75 = tpu.memref_slice %arg8[%run_scoped3A, %dma_start3A_74] : memref<4x8000xf32, #tpu.memory_space<vmem>> -> memref<1x8000xf32, #tpu.memory_space<vmem>>
        %dma_start3A_76 = tpu.memref_squeeze %dma_start3A_75 : memref<1x8000xf32, #tpu.memory_space<vmem>> -> memref<8000xf32, #tpu.memory_space<vmem>>
        %dma_start3A_77 = tpu.memref_slice %arg5[%mul3A_68] : memref<1000000xf32, #tpu.memory_space<hbm>> -> memref<8000xf32, #tpu.memory_space<hbm>>
        tpu.enqueue_dma source(%dma_start3A_77 : memref<8000xf32, #tpu.memory_space<hbm>>) target(%dma_start3A_76 : memref<8000xf32, #tpu.memory_space<vmem>>) target_semaphore(%run_scoped3A_69 : memref<!tpu.dma_semaphore, #tpu.memory_space<semaphore_mem>>)
        %dma_wait3A_78 = arith.constant 0 : i32
        %dma_wait3A_79 = tpu.memref_slice %arg8[%run_scoped3A, %dma_wait3A_78] : memref<4x8000xf32, #tpu.memory_space<vmem>> -> memref<1x8000xf32, #tpu.memory_space<vmem>>
        %dma_wait3A_80 = tpu.memref_squeeze %dma_wait3A_79 : memref<1x8000xf32, #tpu.memory_space<vmem>> -> memref<8000xf32, #tpu.memory_space<vmem>>
        %dma_wait3A_81 = tpu.memref_slice %arg5[%mul3A_68] : memref<1000000xf32, #tpu.memory_space<hbm>> -> memref<8000xf32, #tpu.memory_space<hbm>>
        %dma_wait3A_82 = arith.constant 0 : i32
        %dma_wait3A_83 = tpu.memref_slice %arg8[%run_scoped3A, %dma_wait3A_82] : memref<4x8000xf32, #tpu.memory_space<vmem>> -> memref<1x8000xf32, #tpu.memory_space<vmem>>
        %dma_wait3A_84 = tpu.memref_squeeze %dma_wait3A_83 : memref<1x8000xf32, #tpu.memory_space<vmem>> -> memref<8000xf32, #tpu.memory_space<vmem>>
        %dma_wait3A_85 = tpu.memref_slice %arg5[%mul3A_68] : memref<1000000xf32, #tpu.memory_space<hbm>> -> memref<8000xf32, #tpu.memory_space<hbm>>
        tpu.wait_dma2 semaphore(%run_scoped3A_69 : memref<!tpu.dma_semaphore, #tpu.memory_space<semaphore_mem>>) src(%dma_wait3A_85 : memref<8000xf32, #tpu.memory_space<hbm>>) dst(%dma_wait3A_84 : memref<8000xf32, #tpu.memory_space<vmem>>)
        tpu.yield
      }) : () -> ()
    } else {
    }
    %lt3A_16 = arith.constant 125 : i32
    %lt3A_17 = arith.cmpi slt, %add3A_9, %lt3A_16 : i32
    %convert_element_type3A_18 = arith.extui %lt3A_17 : i1 to i32
    %cond3A_19 = arith.constant 0 : i32
    %cond3A_20 = arith.cmpi ne, %convert_element_type3A_18, %cond3A_19 : i32
    scf.if %cond3A_20 {
      %mul3A_67 = arith.constant 8000 : i32
      %mul3A_68 = arith.muli %add3A_9, %mul3A_67 : i32
      %run_scoped3A = arith.constant 1 : i32
      "tpu.region"() ({
        %run_scoped3A_69 = tpu.sem_alloc : memref<!tpu.dma_semaphore, #tpu.memory_space<semaphore_mem>>
        %dma_start3A_70 = arith.constant 0 : i32
        %dma_start3A_71 = tpu.memref_slice %arg8[%run_scoped3A, %dma_start3A_70] : memref<4x8000xf32, #tpu.memory_space<vmem>> -> memref<1x8000xf32, #tpu.memory_space<vmem>>
        %dma_start3A_72 = tpu.memref_squeeze %dma_start3A_71 : memref<1x8000xf32, #tpu.memory_space<vmem>> -> memref<8000xf32, #tpu.memory_space<vmem>>
        %dma_start3A_73 = tpu.memref_slice %arg5[%mul3A_68] : memref<1000000xf32, #tpu.memory_space<hbm>> -> memref<8000xf32, #tpu.memory_space<hbm>>
        %dma_start3A_74 = arith.constant 0 : i32
        %dma_start3A_75 = tpu.memref_slice %arg8[%run_scoped3A, %dma_start3A_74] : memref<4x8000xf32, #tpu.memory_space<vmem>> -> memref<1x8000xf32, #tpu.memory_space<vmem>>
        %dma_start3A_76 = tpu.memref_squeeze %dma_start3A_75 : memref<1x8000xf32, #tpu.memory_space<vmem>> -> memref<8000xf32, #tpu.memory_space<vmem>>
        %dma_start3A_77 = tpu.memref_slice %arg5[%mul3A_68] : memref<1000000xf32, #tpu.memory_space<hbm>> -> memref<8000xf32, #tpu.memory_space<hbm>>
        tpu.enqueue_dma source(%dma_start3A_77 : memref<8000xf32, #tpu.memory_space<hbm>>) target(%dma_start3A_76 : memref<8000xf32, #tpu.memory_space<vmem>>) target_semaphore(%run_scoped3A_69 : memref<!tpu.dma_semaphore, #tpu.memory_space<semaphore_mem>>)
        %dma_wait3A_78 = arith.constant 0 : i32
        %dma_wait3A_79 = tpu.memref_slice %arg8[%run_scoped3A, %dma_wait3A_78] : memref<4x8000xf32, #tpu.memory_space<vmem>> -> memref<1x8000xf32, #tpu.memory_space<vmem>>
        %dma_wait3A_80 = tpu.memref_squeeze %dma_wait3A_79 : memref<1x8000xf32, #tpu.memory_space<vmem>> -> memref<8000xf32, #tpu.memory_space<vmem>>
        %dma_wait3A_81 = tpu.memref_slice %arg5[%mul3A_68] : memref<1000000xf32, #tpu.memory_space<hbm>> -> memref<8000xf32, #tpu.memory_space<hbm>>
        %dma_wait3A_82 = arith.constant 0 : i32
        %dma_wait3A_83 = tpu.memref_slice %arg8[%run_scoped3A, %dma_wait3A_82] : memref<4x8000xf32, #tpu.memory_space<vmem>> -> memref<1x8000xf32, #tpu.memory_space<vmem>>
        %dma_wait3A_84 = tpu.memref_squeeze %dma_wait3A_83 : memref<1x8000xf32, #tpu.memory_space<vmem>> -> memref<8000xf32, #tpu.memory_space<vmem>>
        %dma_wait3A_85 = tpu.memref_slice %arg5[%mul3A_68] : memref<1000000xf32, #tpu.memory_space<hbm>> -> memref<8000xf32, #tpu.memory_space<hbm>>
        tpu.wait_dma2 semaphore(%run_scoped3A_69 : memref<!tpu.dma_semaphore, #tpu.memory_space<semaphore_mem>>) src(%dma_wait3A_85 : memref<8000xf32, #tpu.memory_space<hbm>>) dst(%dma_wait3A_84 : memref<8000xf32, #tpu.memory_space<vmem>>)
        tpu.yield
      }) : () -> ()
    } else {
    }
    %lt3A_21 = arith.constant 125 : i32
    %lt3A_22 = arith.cmpi slt, %add3A_11, %lt3A_21 : i32
    %convert_element_type3A_23 = arith.extui %lt3A_22 : i1 to i32
    %cond3A_24 = arith.constant 0 : i32
    %cond3A_25 = arith.cmpi ne, %convert_element_type3A_23, %cond3A_24 : i32
    scf.if %cond3A_25 {
      %mul3A_67 = arith.constant 8000 : i32
      %mul3A_68 = arith.muli %add3A_11, %mul3A_67 : i32
      %run_scoped3A = arith.constant 2 : i32
      "tpu.region"() ({
        %run_scoped3A_69 = tpu.sem_alloc : memref<!tpu.dma_semaphore, #tpu.memory_space<semaphore_mem>>
        %dma_start3A_70 = arith.constant 0 : i32
        %dma_start3A_71 = tpu.memref_slice %arg8[%run_scoped3A, %dma_start3A_70] : memref<4x8000xf32, #tpu.memory_space<vmem>> -> memref<1x8000xf32, #tpu.memory_space<vmem>>
        %dma_start3A_72 = tpu.memref_squeeze %dma_start3A_71 : memref<1x8000xf32, #tpu.memory_space<vmem>> -> memref<8000xf32, #tpu.memory_space<vmem>>
        %dma_start3A_73 = tpu.memref_slice %arg5[%mul3A_68] : memref<1000000xf32, #tpu.memory_space<hbm>> -> memref<8000xf32, #tpu.memory_space<hbm>>
        %dma_start3A_74 = arith.constant 0 : i32
        %dma_start3A_75 = tpu.memref_slice %arg8[%run_scoped3A, %dma_start3A_74] : memref<4x8000xf32, #tpu.memory_space<vmem>> -> memref<1x8000xf32, #tpu.memory_space<vmem>>
        %dma_start3A_76 = tpu.memref_squeeze %dma_start3A_75 : memref<1x8000xf32, #tpu.memory_space<vmem>> -> memref<8000xf32, #tpu.memory_space<vmem>>
        %dma_start3A_77 = tpu.memref_slice %arg5[%mul3A_68] : memref<1000000xf32, #tpu.memory_space<hbm>> -> memref<8000xf32, #tpu.memory_space<hbm>>
        tpu.enqueue_dma source(%dma_start3A_77 : memref<8000xf32, #tpu.memory_space<hbm>>) target(%dma_start3A_76 : memref<8000xf32, #tpu.memory_space<vmem>>) target_semaphore(%run_scoped3A_69 : memref<!tpu.dma_semaphore, #tpu.memory_space<semaphore_mem>>)
        %dma_wait3A_78 = arith.constant 0 : i32
        %dma_wait3A_79 = tpu.memref_slice %arg8[%run_scoped3A, %dma_wait3A_78] : memref<4x8000xf32, #tpu.memory_space<vmem>> -> memref<1x8000xf32, #tpu.memory_space<vmem>>
        %dma_wait3A_80 = tpu.memref_squeeze %dma_wait3A_79 : memref<1x8000xf32, #tpu.memory_space<vmem>> -> memref<8000xf32, #tpu.memory_space<vmem>>
        %dma_wait3A_81 = tpu.memref_slice %arg5[%mul3A_68] : memref<1000000xf32, #tpu.memory_space<hbm>> -> memref<8000xf32, #tpu.memory_space<hbm>>
        %dma_wait3A_82 = arith.constant 0 : i32
        %dma_wait3A_83 = tpu.memref_slice %arg8[%run_scoped3A, %dma_wait3A_82] : memref<4x8000xf32, #tpu.memory_space<vmem>> -> memref<1x8000xf32, #tpu.memory_space<vmem>>
        %dma_wait3A_84 = tpu.memref_squeeze %dma_wait3A_83 : memref<1x8000xf32, #tpu.memory_space<vmem>> -> memref<8000xf32, #tpu.memory_space<vmem>>
        %dma_wait3A_85 = tpu.memref_slice %arg5[%mul3A_68] : memref<1000000xf32, #tpu.memory_space<hbm>> -> memref<8000xf32, #tpu.memory_space<hbm>>
        tpu.wait_dma2 semaphore(%run_scoped3A_69 : memref<!tpu.dma_semaphore, #tpu.memory_space<semaphore_mem>>) src(%dma_wait3A_85 : memref<8000xf32, #tpu.memory_space<hbm>>) dst(%dma_wait3A_84 : memref<8000xf32, #tpu.memory_space<vmem>>)
        tpu.yield
      }) : () -> ()
    } else {
    }
    %lt3A_26 = arith.constant 125 : i32
    %lt3A_27 = arith.cmpi slt, %add3A_13, %lt3A_26 : i32
    %convert_element_type3A_28 = arith.extui %lt3A_27 : i1 to i32
    %cond3A_29 = arith.constant 0 : i32
    %cond3A_30 = arith.cmpi ne, %convert_element_type3A_28, %cond3A_29 : i32
    scf.if %cond3A_30 {
      %mul3A_67 = arith.constant 8000 : i32
      %mul3A_68 = arith.muli %add3A_13, %mul3A_67 : i32
      %run_scoped3A = arith.constant 3 : i32
      "tpu.region"() ({
        %run_scoped3A_69 = tpu.sem_alloc : memref<!tpu.dma_semaphore, #tpu.memory_space<semaphore_mem>>
        %dma_start3A_70 = arith.constant 0 : i32
        %dma_start3A_71 = tpu.memref_slice %arg8[%run_scoped3A, %dma_start3A_70] : memref<4x8000xf32, #tpu.memory_space<vmem>> -> memref<1x8000xf32, #tpu.memory_space<vmem>>
        %dma_start3A_72 = tpu.memref_squeeze %dma_start3A_71 : memref<1x8000xf32, #tpu.memory_space<vmem>> -> memref<8000xf32, #tpu.memory_space<vmem>>
        %dma_start3A_73 = tpu.memref_slice %arg5[%mul3A_68] : memref<1000000xf32, #tpu.memory_space<hbm>> -> memref<8000xf32, #tpu.memory_space<hbm>>
        %dma_start3A_74 = arith.constant 0 : i32
        %dma_start3A_75 = tpu.memref_slice %arg8[%run_scoped3A, %dma_start3A_74] : memref<4x8000xf32, #tpu.memory_space<vmem>> -> memref<1x8000xf32, #tpu.memory_space<vmem>>
        %dma_start3A_76 = tpu.memref_squeeze %dma_start3A_75 : memref<1x8000xf32, #tpu.memory_space<vmem>> -> memref<8000xf32, #tpu.memory_space<vmem>>
        %dma_start3A_77 = tpu.memref_slice %arg5[%mul3A_68] : memref<1000000xf32, #tpu.memory_space<hbm>> -> memref<8000xf32, #tpu.memory_space<hbm>>
        tpu.enqueue_dma source(%dma_start3A_77 : memref<8000xf32, #tpu.memory_space<hbm>>) target(%dma_start3A_76 : memref<8000xf32, #tpu.memory_space<vmem>>) target_semaphore(%run_scoped3A_69 : memref<!tpu.dma_semaphore, #tpu.memory_space<semaphore_mem>>)
        %dma_wait3A_78 = arith.constant 0 : i32
        %dma_wait3A_79 = tpu.memref_slice %arg8[%run_scoped3A, %dma_wait3A_78] : memref<4x8000xf32, #tpu.memory_space<vmem>> -> memref<1x8000xf32, #tpu.memory_space<vmem>>
        %dma_wait3A_80 = tpu.memref_squeeze %dma_wait3A_79 : memref<1x8000xf32, #tpu.memory_space<vmem>> -> memref<8000xf32, #tpu.memory_space<vmem>>
        %dma_wait3A_81 = tpu.memref_slice %arg5[%mul3A_68] : memref<1000000xf32, #tpu.memory_space<hbm>> -> memref<8000xf32, #tpu.memory_space<hbm>>
        %dma_wait3A_82 = arith.constant 0 : i32
        %dma_wait3A_83 = tpu.memref_slice %arg8[%run_scoped3A, %dma_wait3A_82] : memref<4x8000xf32, #tpu.memory_space<vmem>> -> memref<1x8000xf32, #tpu.memory_space<vmem>>
        %dma_wait3A_84 = tpu.memref_squeeze %dma_wait3A_83 : memref<1x8000xf32, #tpu.memory_space<vmem>> -> memref<8000xf32, #tpu.memory_space<vmem>>
        %dma_wait3A_85 = tpu.memref_slice %arg5[%mul3A_68] : memref<1000000xf32, #tpu.memory_space<hbm>> -> memref<8000xf32, #tpu.memory_space<hbm>>
        tpu.wait_dma2 semaphore(%run_scoped3A_69 : memref<!tpu.dma_semaphore, #tpu.memory_space<semaphore_mem>>) src(%dma_wait3A_85 : memref<8000xf32, #tpu.memory_space<hbm>>) dst(%dma_wait3A_84 : memref<8000xf32, #tpu.memory_space<vmem>>)
        tpu.yield
      }) : () -> ()
    } else {
    }
    "tpu.region"() ({
      %run_scoped3A = tpu.sem_alloc : memref<!tpu.dma_semaphore, #tpu.memory_space<semaphore_mem>>
      %dma_start3A_67 = arith.constant 0 : i32
      %dma_start3A_68 = tpu.memref_slice %arg2[%dma_start3A_67] : memref<81920xi32, #tpu.memory_space<hbm>> -> memref<2048xi32, #tpu.memory_space<hbm>>
      %dma_start3A_69 = arith.constant 0 : i32
      %dma_start3A_70 = tpu.memref_slice %arg2[%dma_start3A_69] : memref<81920xi32, #tpu.memory_space<hbm>> -> memref<2048xi32, #tpu.memory_space<hbm>>
      tpu.enqueue_dma source(%dma_start3A_70 : memref<2048xi32, #tpu.memory_space<hbm>>) target(%arg9 : memref<2048xi32, #tpu.memory_space<vmem>>) target_semaphore(%run_scoped3A : memref<!tpu.dma_semaphore, #tpu.memory_space<semaphore_mem>>)
      %dma_wait3A_71 = arith.constant 0 : i32
      %dma_wait3A_72 = tpu.memref_slice %arg2[%dma_wait3A_71] : memref<81920xi32, #tpu.memory_space<hbm>> -> memref<2048xi32, #tpu.memory_space<hbm>>
      %dma_wait3A_73 = arith.constant 0 : i32
      %dma_wait3A_74 = tpu.memref_slice %arg2[%dma_wait3A_73] : memref<81920xi32, #tpu.memory_space<hbm>> -> memref<2048xi32, #tpu.memory_space<hbm>>
      tpu.wait_dma2 semaphore(%run_scoped3A : memref<!tpu.dma_semaphore, #tpu.memory_space<semaphore_mem>>) src(%dma_wait3A_74 : memref<2048xi32, #tpu.memory_space<hbm>>) dst(%arg9 : memref<2048xi32, #tpu.memory_space<vmem>>)
      tpu.yield
    }) : () -> ()
    %dma_start3A_31 = arith.constant 2048 : i32
    %dma_start3A_32 = tpu.memref_slice %arg2[%dma_start3A_31] : memref<81920xi32, #tpu.memory_space<hbm>> -> memref<2048xi32, #tpu.memory_space<hbm>>
    %dma_start3A_33 = arith.constant 2048 : i32
    %dma_start3A_34 = tpu.memref_slice %arg2[%dma_start3A_33] : memref<81920xi32, #tpu.memory_space<hbm>> -> memref<2048xi32, #tpu.memory_space<hbm>>
    tpu.enqueue_dma source(%dma_start3A_34 : memref<2048xi32, #tpu.memory_space<hbm>>) target(%arg10 : memref<2048xi32, #tpu.memory_space<vmem>>) target_semaphore(%arg23 : memref<!tpu.dma_semaphore, #tpu.memory_space<semaphore_mem>>)
    %scan3A = arith.constant 0 : i32
    %scan3A_35 = arith.constant 0 : i32
    %scan3A_36 = arith.constant 20 : i32
    %scan3A_37 = arith.addi %scan3A_35, %scan3A_36 : i32
    %scan3A_38 = arith.constant 1 : i32
    scf.for %scan3A_67 = %scan3A_35 to %scan3A_37 step %scan3A_38  : i32 {
      %mul3A_68 = arith.constant 2 : i32
      %mul3A_69 = arith.muli %scan3A_67, %mul3A_68 : i32
      %add3A_70 = arith.constant 0 : i32
      %add3A_71 = arith.addi %mul3A_69, %add3A_70 : i32
      %gt3A = arith.constant 0 : i32
      %gt3A_72 = arith.cmpi sgt, %scan3A_67, %gt3A : i32
      %convert_element_type3A_73 = arith.extui %gt3A_72 : i1 to i32
      %cond3A_74 = arith.constant 0 : i32
      %cond3A_75 = arith.cmpi ne, %convert_element_type3A_73, %cond3A_74 : i32
      scf.if %cond3A_75 {
        %mul3A_136 = arith.constant 2048 : i32
        %mul3A_137 = arith.muli %add3A_71, %mul3A_136 : i32
        %dma_wait3A_138 = tpu.memref_slice %arg2[%mul3A_137] : memref<81920xi32, #tpu.memory_space<hbm>> -> memref<2048xi32, #tpu.memory_space<hbm>>
        %dma_wait3A_139 = tpu.memref_slice %arg2[%mul3A_137] : memref<81920xi32, #tpu.memory_space<hbm>> -> memref<2048xi32, #tpu.memory_space<hbm>>
        tpu.wait_dma2 semaphore(%arg22 : memref<!tpu.dma_semaphore, #tpu.memory_space<semaphore_mem>>) src(%dma_wait3A_139 : memref<2048xi32, #tpu.memory_space<hbm>>) dst(%arg9 : memref<2048xi32, #tpu.memory_space<vmem>>)
      } else {
      }
      %lt3A_76 = arith.constant 125 : i32
      %lt3A_77 = arith.cmpi slt, %add3A_7, %lt3A_76 : i32
      %convert_element_type3A_78 = arith.extui %lt3A_77 : i1 to i32
      %cond3A_79 = arith.constant 0 : i32
      %cond3A_80 = arith.cmpi ne, %convert_element_type3A_78, %cond3A_79 : i32
      scf.if %cond3A_80 {
        %gt3A_136 = arith.constant 0 : i32
        %gt3A_137 = arith.cmpi sgt, %add3A_71, %gt3A_136 : i32
        %convert_element_type3A_138 = arith.extui %gt3A_137 : i1 to i32
        %cond3A_139 = arith.constant 0 : i32
        %cond3A_140 = arith.cmpi ne, %convert_element_type3A_138, %cond3A_139 : i32
        scf.if %cond3A_140 {
          %sub3A = arith.constant 1 : i32
          %sub3A_167 = arith.subi %add3A_71, %sub3A : i32
          %mul3A_168 = arith.constant 16 : i32
          %mul3A_169 = arith.muli %sub3A_167, %mul3A_168 : i32
          %dma_wait3A_170 = arith.constant 0 : i32
          %dma_wait3A_171 = arith.constant 0 : i32
          %dma_wait3A_172 = arith.constant 0 : i32
          %dma_wait3A_173 = arith.constant 0 : i32
          %dma_wait3A_174 = tpu.memref_slice %arg11[%dma_wait3A_170, %dma_wait3A_171, %dma_wait3A_172, %dma_wait3A_173] : memref<4x16x8x128xf32, #tpu.memory_space<vmem>> -> memref<1x16x8x128xf32, #tpu.memory_space<vmem>>
          %dma_wait3A_175 = tpu.memref_squeeze %dma_wait3A_174 : memref<1x16x8x128xf32, #tpu.memory_space<vmem>> -> memref<16x8x128xf32, #tpu.memory_space<vmem>>
          %dma_wait3A_176 = arith.constant 0 : i32
          %dma_wait3A_177 = arith.constant 0 : i32
          %dma_wait3A_178 = tpu.memref_slice %arg6[%add3A_7, %mul3A_169, %dma_wait3A_176, %dma_wait3A_177] : memref<125x640x8x128xf32, #tpu.memory_space<hbm>> -> memref<1x16x8x128xf32, #tpu.memory_space<hbm>>
          %dma_wait3A_179 = tpu.memref_squeeze %dma_wait3A_178 : memref<1x16x8x128xf32, #tpu.memory_space<hbm>> -> memref<16x8x128xf32, #tpu.memory_space<hbm>>
          %dma_wait3A_180 = arith.constant 0 : i32
          %dma_wait3A_181 = arith.constant 0 : i32
          %dma_wait3A_182 = tpu.memref_slice %arg6[%add3A_7, %mul3A_169, %dma_wait3A_180, %dma_wait3A_181] : memref<125x640x8x128xf32, #tpu.memory_space<hbm>> -> memref<1x16x8x128xf32, #tpu.memory_space<hbm>>
          %dma_wait3A_183 = tpu.memref_squeeze %dma_wait3A_182 : memref<1x16x8x128xf32, #tpu.memory_space<hbm>> -> memref<16x8x128xf32, #tpu.memory_space<hbm>>
          %dma_wait3A_184 = arith.constant 0 : i32
          %dma_wait3A_185 = arith.constant 0 : i32
          %dma_wait3A_186 = arith.constant 0 : i32
          %dma_wait3A_187 = tpu.memref_slice %arg11[%dma_wait3A_170, %dma_wait3A_184, %dma_wait3A_185, %dma_wait3A_186] : memref<4x16x8x128xf32, #tpu.memory_space<vmem>> -> memref<1x16x8x128xf32, #tpu.memory_space<vmem>>
          %dma_wait3A_188 = tpu.memref_squeeze %dma_wait3A_187 : memref<1x16x8x128xf32, #tpu.memory_space<vmem>> -> memref<16x8x128xf32, #tpu.memory_space<vmem>>
          tpu.wait_dma2 semaphore(%arg18 : memref<!tpu.dma_semaphore, #tpu.memory_space<semaphore_mem>>) src(%dma_wait3A_188 : memref<16x8x128xf32, #tpu.memory_space<vmem>>) dst(%dma_wait3A_183 : memref<16x8x128xf32, #tpu.memory_space<hbm>>)
        } else {
        }
        %parallel_loop3A_141 = arith.constant 0 : i32
        %parallel_loop3A_142 = arith.constant 128 : i32
        %parallel_loop3A_143 = arith.constant 1 : i32
        %parallel_loop3A_144 = arith.constant 0 : i32
        %parallel_loop3A_145 = arith.constant 0 : i32
        scf.for %parallel_loop3A_167 = %parallel_loop3A_141 to %parallel_loop3A_142 step %parallel_loop3A_143  : i32 {
          %parallel_loop3A_168 = arith.constant 8 : i32
          %parallel_loop3A_169 = arith.divsi %parallel_loop3A_167, %parallel_loop3A_168 : i32
          %parallel_loop3A_170 = arith.constant 0 : i32
          %parallel_loop3A_171 = arith.cmpi sgt, %parallel_loop3A_167, %parallel_loop3A_170 : i32
          %parallel_loop3A_172 = arith.extui %parallel_loop3A_171 : i1 to i32
          %parallel_loop3A_173 = arith.constant 0 : i32
          %parallel_loop3A_174 = arith.cmpi slt, %parallel_loop3A_167, %parallel_loop3A_173 : i32
          %parallel_loop3A_175 = arith.extui %parallel_loop3A_174 : i1 to i32
          %parallel_loop3A_176 = arith.subi %parallel_loop3A_172, %parallel_loop3A_175 : i32
          %parallel_loop3A_177 = arith.constant 0 : i32
          %parallel_loop3A_178 = arith.cmpi sgt, %parallel_loop3A_168, %parallel_loop3A_177 : i32
          %parallel_loop3A_179 = arith.extui %parallel_loop3A_178 : i1 to i32
          %parallel_loop3A_180 = arith.constant 0 : i32
          %parallel_loop3A_181 = arith.cmpi slt, %parallel_loop3A_168, %parallel_loop3A_180 : i32
          %parallel_loop3A_182 = arith.extui %parallel_loop3A_181 : i1 to i32
          %parallel_loop3A_183 = arith.subi %parallel_loop3A_179, %parallel_loop3A_182 : i32
          %parallel_loop3A_184 = arith.cmpi ne, %parallel_loop3A_176, %parallel_loop3A_183 : i32
          %parallel_loop3A_185 = arith.remsi %parallel_loop3A_167, %parallel_loop3A_168 : i32
          %parallel_loop3A_186 = arith.constant 0 : i32
          %parallel_loop3A_187 = arith.cmpi ne, %parallel_loop3A_185, %parallel_loop3A_186 : i32
          %parallel_loop3A_188 = arith.andi %parallel_loop3A_184, %parallel_loop3A_187 : i1
          %parallel_loop3A_189 = arith.constant 1 : i32
          %parallel_loop3A_190 = arith.subi %parallel_loop3A_169, %parallel_loop3A_189 : i32
          %parallel_loop3A_191 = arith.select %parallel_loop3A_188, %parallel_loop3A_190, %parallel_loop3A_169 : i32
          %parallel_loop3A_192 = arith.constant 8 : i32
          %parallel_loop3A_193 = arith.constant 0 : i32
          %parallel_loop3A_194 = arith.cmpi eq, %parallel_loop3A_192, %parallel_loop3A_193 : i32
          %parallel_loop3A_195 = arith.constant 1 : i32
          %parallel_loop3A_196 = arith.select %parallel_loop3A_194, %parallel_loop3A_195, %parallel_loop3A_192 : i32
          %parallel_loop3A_197 = arith.remsi %parallel_loop3A_167, %parallel_loop3A_196 : i32
          %parallel_loop3A_198 = arith.constant 0 : i32
          %parallel_loop3A_199 = arith.cmpi ne, %parallel_loop3A_197, %parallel_loop3A_198 : i32
          %parallel_loop3A_200 = arith.constant 0 : i32
          %parallel_loop3A_201 = arith.cmpi slt, %parallel_loop3A_197, %parallel_loop3A_200 : i32
          %parallel_loop3A_202 = arith.constant 0 : i32
          %parallel_loop3A_203 = arith.cmpi slt, %parallel_loop3A_196, %parallel_loop3A_202 : i32
          %parallel_loop3A_204 = arith.xori %parallel_loop3A_201, %parallel_loop3A_203 : i1
          %parallel_loop3A_205 = arith.andi %parallel_loop3A_204, %parallel_loop3A_199 : i1
          %parallel_loop3A_206 = arith.addi %parallel_loop3A_197, %parallel_loop3A_196 : i32
          %parallel_loop3A_207 = arith.select %parallel_loop3A_205, %parallel_loop3A_206, %parallel_loop3A_197 : i32
          %parallel_loop3A_208 = arith.constant 16 : i32
          %parallel_loop3A_209 = arith.muli %parallel_loop3A_167, %parallel_loop3A_208 : i32
          %parallel_loop3A_210 = arith.index_cast %parallel_loop3A_209 : i32 to index
          %parallel_loop3A_211 = tpu.vector_load %arg9[%parallel_loop3A_210] {strides = array<i32>} : memref<2048xi32, #tpu.memory_space<vmem>>, vector<16xi32>,
          %parallel_loop3A_212 = arith.constant 0 : i32
          %parallel_loop3A_213 = vector.broadcast %parallel_loop3A_212 : i32 to vector<16xi32>
          %parallel_loop3A_214 = arith.addi %parallel_loop3A_211, %parallel_loop3A_213 : vector<16xi32>
          %parallel_loop3A_215 = arith.constant 0 : i32
          %parallel_loop3A_216 = tpu.memref_slice %arg8[%parallel_loop3A_144, %parallel_loop3A_215] : memref<4x8000xf32, #tpu.memory_space<vmem>> -> memref<1x8000xf32, #tpu.memory_space<vmem>>
          %parallel_loop3A_217 = tpu.memref_squeeze %parallel_loop3A_216 : memref<1x8000xf32, #tpu.memory_space<vmem>> -> memref<8000xf32, #tpu.memory_space<vmem>>
          %parallel_loop3A_218 = tpu.vector_load_idx %parallel_loop3A_217[%parallel_loop3A_214] : memref<8000xf32, #tpu.memory_space<vmem>>[vector<16xi32>], vector<16xf32>,
          %parallel_loop3A_219 = arith.constant 16 : i32
          %parallel_loop3A_220 = arith.muli %parallel_loop3A_207, %parallel_loop3A_219 : i32
          %parallel_loop3A_221 = arith.constant 0 : i32
          %parallel_loop3A_222 = arith.constant 0 : i32
          %parallel_loop3A_223 = arith.constant 0 : i32
          %parallel_loop3A_224 = arith.constant 0 : i32
          %parallel_loop3A_225 = tpu.memref_slice %arg11[%parallel_loop3A_145, %parallel_loop3A_222, %parallel_loop3A_223, %parallel_loop3A_224] : memref<4x16x8x128xf32, #tpu.memory_space<vmem>> -> memref<1x16x8x128xf32, #tpu.memory_space<vmem>>
          %parallel_loop3A_226 = tpu.memref_squeeze %parallel_loop3A_225 : memref<1x16x8x128xf32, #tpu.memory_space<vmem>> -> memref<16x8x128xf32, #tpu.memory_space<vmem>>
          %parallel_loop3A_227 = arith.index_cast %parallel_loop3A_191 : i32 to index
          %parallel_loop3A_228 = arith.index_cast %parallel_loop3A_221 : i32 to index
          %parallel_loop3A_229 = arith.index_cast %parallel_loop3A_220 : i32 to index
          %parallel_loop3A_230 = tpu.vector_load %parallel_loop3A_226[%parallel_loop3A_227, %parallel_loop3A_228, %parallel_loop3A_229] {strides = array<i32>} : memref<16x8x128xf32, #tpu.memory_space<vmem>>, vector<16xf32>,
          tpu.vector_store %parallel_loop3A_226[%parallel_loop3A_227, %parallel_loop3A_228, %parallel_loop3A_229], %parallel_loop3A_218 {strides = array<i32>} : memref<16x8x128xf32, #tpu.memory_space<vmem>>, vector<16xf32>,
          %parallel_loop3A_231 = arith.constant 1000 : i32
          %parallel_loop3A_232 = vector.broadcast %parallel_loop3A_231 : i32 to vector<16xi32>
          %parallel_loop3A_233 = arith.addi %parallel_loop3A_211, %parallel_loop3A_232 : vector<16xi32>
          %parallel_loop3A_234 = arith.constant 0 : i32
          %parallel_loop3A_235 = tpu.memref_slice %arg8[%parallel_loop3A_144, %parallel_loop3A_234] : memref<4x8000xf32, #tpu.memory_space<vmem>> -> memref<1x8000xf32, #tpu.memory_space<vmem>>
          %parallel_loop3A_236 = tpu.memref_squeeze %parallel_loop3A_235 : memref<1x8000xf32, #tpu.memory_space<vmem>> -> memref<8000xf32, #tpu.memory_space<vmem>>
          %parallel_loop3A_237 = tpu.vector_load_idx %parallel_loop3A_236[%parallel_loop3A_233] : memref<8000xf32, #tpu.memory_space<vmem>>[vector<16xi32>], vector<16xf32>,
          %parallel_loop3A_238 = arith.constant 16 : i32
          %parallel_loop3A_239 = arith.muli %parallel_loop3A_207, %parallel_loop3A_238 : i32
          %parallel_loop3A_240 = arith.constant 1 : i32
          %parallel_loop3A_241 = arith.constant 0 : i32
          %parallel_loop3A_242 = arith.constant 0 : i32
          %parallel_loop3A_243 = arith.constant 0 : i32
          %parallel_loop3A_244 = tpu.memref_slice %arg11[%parallel_loop3A_145, %parallel_loop3A_241, %parallel_loop3A_242, %parallel_loop3A_243] : memref<4x16x8x128xf32, #tpu.memory_space<vmem>> -> memref<1x16x8x128xf32, #tpu.memory_space<vmem>>
          %parallel_loop3A_245 = tpu.memref_squeeze %parallel_loop3A_244 : memref<1x16x8x128xf32, #tpu.memory_space<vmem>> -> memref<16x8x128xf32, #tpu.memory_space<vmem>>
          %parallel_loop3A_246 = arith.index_cast %parallel_loop3A_191 : i32 to index
          %parallel_loop3A_247 = arith.index_cast %parallel_loop3A_240 : i32 to index
          %parallel_loop3A_248 = arith.index_cast %parallel_loop3A_239 : i32 to index
          %parallel_loop3A_249 = tpu.vector_load %parallel_loop3A_245[%parallel_loop3A_246, %parallel_loop3A_247, %parallel_loop3A_248] {strides = array<i32>} : memref<16x8x128xf32, #tpu.memory_space<vmem>>, vector<16xf32>,
          tpu.vector_store %parallel_loop3A_245[%parallel_loop3A_246, %parallel_loop3A_247, %parallel_loop3A_248], %parallel_loop3A_237 {strides = array<i32>} : memref<16x8x128xf32, #tpu.memory_space<vmem>>, vector<16xf32>,
          %parallel_loop3A_250 = arith.constant 2000 : i32
          %parallel_loop3A_251 = vector.broadcast %parallel_loop3A_250 : i32 to vector<16xi32>
          %parallel_loop3A_252 = arith.addi %parallel_loop3A_211, %parallel_loop3A_251 : vector<16xi32>
          %parallel_loop3A_253 = arith.constant 0 : i32
          %parallel_loop3A_254 = tpu.memref_slice %arg8[%parallel_loop3A_144, %parallel_loop3A_253] : memref<4x8000xf32, #tpu.memory_space<vmem>> -> memref<1x8000xf32, #tpu.memory_space<vmem>>
          %parallel_loop3A_255 = tpu.memref_squeeze %parallel_loop3A_254 : memref<1x8000xf32, #tpu.memory_space<vmem>> -> memref<8000xf32, #tpu.memory_space<vmem>>
          %parallel_loop3A_256 = tpu.vector_load_idx %parallel_loop3A_255[%parallel_loop3A_252] : memref<8000xf32, #tpu.memory_space<vmem>>[vector<16xi32>], vector<16xf32>,
          %parallel_loop3A_257 = arith.constant 16 : i32
          %parallel_loop3A_258 = arith.muli %parallel_loop3A_207, %parallel_loop3A_257 : i32
          %parallel_loop3A_259 = arith.constant 2 : i32
          %parallel_loop3A_260 = arith.constant 0 : i32
          %parallel_loop3A_261 = arith.constant 0 : i32
          %parallel_loop3A_262 = arith.constant 0 : i32
          %parallel_loop3A_263 = tpu.memref_slice %arg11[%parallel_loop3A_145, %parallel_loop3A_260, %parallel_loop3A_261, %parallel_loop3A_262] : memref<4x16x8x128xf32, #tpu.memory_space<vmem>> -> memref<1x16x8x128xf32, #tpu.memory_space<vmem>>
          %parallel_loop3A_264 = tpu.memref_squeeze %parallel_loop3A_263 : memref<1x16x8x128xf32, #tpu.memory_space<vmem>> -> memref<16x8x128xf32, #tpu.memory_space<vmem>>
          %parallel_loop3A_265 = arith.index_cast %parallel_loop3A_191 : i32 to index
          %parallel_loop3A_266 = arith.index_cast %parallel_loop3A_259 : i32 to index
          %parallel_loop3A_267 = arith.index_cast %parallel_loop3A_258 : i32 to index
          %parallel_loop3A_268 = tpu.vector_load %parallel_loop3A_264[%parallel_loop3A_265, %parallel_loop3A_266, %parallel_loop3A_267] {strides = array<i32>} : memref<16x8x128xf32, #tpu.memory_space<vmem>>, vector<16xf32>,
          tpu.vector_store %parallel_loop3A_264[%parallel_loop3A_265, %parallel_loop3A_266, %parallel_loop3A_267], %parallel_loop3A_256 {strides = array<i32>} : memref<16x8x128xf32, #tpu.memory_space<vmem>>, vector<16xf32>,
          %parallel_loop3A_269 = arith.constant 3000 : i32
          %parallel_loop3A_270 = vector.broadcast %parallel_loop3A_269 : i32 to vector<16xi32>
          %parallel_loop3A_271 = arith.addi %parallel_loop3A_211, %parallel_loop3A_270 : vector<16xi32>
          %parallel_loop3A_272 = arith.constant 0 : i32
          %parallel_loop3A_273 = tpu.memref_slice %arg8[%parallel_loop3A_144, %parallel_loop3A_272] : memref<4x8000xf32, #tpu.memory_space<vmem>> -> memref<1x8000xf32, #tpu.memory_space<vmem>>
          %parallel_loop3A_274 = tpu.memref_squeeze %parallel_loop3A_273 : memref<1x8000xf32, #tpu.memory_space<vmem>> -> memref<8000xf32, #tpu.memory_space<vmem>>
          %parallel_loop3A_275 = tpu.vector_load_idx %parallel_loop3A_274[%parallel_loop3A_271] : memref<8000xf32, #tpu.memory_space<vmem>>[vector<16xi32>], vector<16xf32>,
          %parallel_loop3A_276 = arith.constant 16 : i32
          %parallel_loop3A_277 = arith.muli %parallel_loop3A_207, %parallel_loop3A_276 : i32
          %parallel_loop3A_278 = arith.constant 3 : i32
          %parallel_loop3A_279 = arith.constant 0 : i32
          %parallel_loop3A_280 = arith.constant 0 : i32
          %parallel_loop3A_281 = arith.constant 0 : i32
          %parallel_loop3A_282 = tpu.memref_slice %arg11[%parallel_loop3A_145, %parallel_loop3A_279, %parallel_loop3A_280, %parallel_loop3A_281] : memref<4x16x8x128xf32, #tpu.memory_space<vmem>> -> memref<1x16x8x128xf32, #tpu.memory_space<vmem>>
          %parallel_loop3A_283 = tpu.memref_squeeze %parallel_loop3A_282 : memref<1x16x8x128xf32, #tpu.memory_space<vmem>> -> memref<16x8x128xf32, #tpu.memory_space<vmem>>
          %parallel_loop3A_284 = arith.index_cast %parallel_loop3A_191 : i32 to index
          %parallel_loop3A_285 = arith.index_cast %parallel_loop3A_278 : i32 to index
          %parallel_loop3A_286 = arith.index_cast %parallel_loop3A_277 : i32 to index
          %parallel_loop3A_287 = tpu.vector_load %parallel_loop3A_283[%parallel_loop3A_284, %parallel_loop3A_285, %parallel_loop3A_286] {strides = array<i32>} : memref<16x8x128xf32, #tpu.memory_space<vmem>>, vector<16xf32>,
          tpu.vector_store %parallel_loop3A_283[%parallel_loop3A_284, %parallel_loop3A_285, %parallel_loop3A_286], %parallel_loop3A_275 {strides = array<i32>} : memref<16x8x128xf32, #tpu.memory_space<vmem>>, vector<16xf32>,
          %parallel_loop3A_288 = arith.constant 4000 : i32
          %parallel_loop3A_289 = vector.broadcast %parallel_loop3A_288 : i32 to vector<16xi32>
          %parallel_loop3A_290 = arith.addi %parallel_loop3A_211, %parallel_loop3A_289 : vector<16xi32>
          %parallel_loop3A_291 = arith.constant 0 : i32
          %parallel_loop3A_292 = tpu.memref_slice %arg8[%parallel_loop3A_144, %parallel_loop3A_291] : memref<4x8000xf32, #tpu.memory_space<vmem>> -> memref<1x8000xf32, #tpu.memory_space<vmem>>
          %parallel_loop3A_293 = tpu.memref_squeeze %parallel_loop3A_292 : memref<1x8000xf32, #tpu.memory_space<vmem>> -> memref<8000xf32, #tpu.memory_space<vmem>>
          %parallel_loop3A_294 = tpu.vector_load_idx %parallel_loop3A_293[%parallel_loop3A_290] : memref<8000xf32, #tpu.memory_space<vmem>>[vector<16xi32>], vector<16xf32>,
          %parallel_loop3A_295 = arith.constant 16 : i32
          %parallel_loop3A_296 = arith.muli %parallel_loop3A_207, %parallel_loop3A_295 : i32
          %parallel_loop3A_297 = arith.constant 4 : i32
          %parallel_loop3A_298 = arith.constant 0 : i32
          %parallel_loop3A_299 = arith.constant 0 : i32
          %parallel_loop3A_300 = arith.constant 0 : i32
          %parallel_loop3A_301 = tpu.memref_slice %arg11[%parallel_loop3A_145, %parallel_loop3A_298, %parallel_loop3A_299, %parallel_loop3A_300] : memref<4x16x8x128xf32, #tpu.memory_space<vmem>> -> memref<1x16x8x128xf32, #tpu.memory_space<vmem>>
          %parallel_loop3A_302 = tpu.memref_squeeze %parallel_loop3A_301 : memref<1x16x8x128xf32, #tpu.memory_space<vmem>> -> memref<16x8x128xf32, #tpu.memory_space<vmem>>
          %parallel_loop3A_303 = arith.index_cast %parallel_loop3A_191 : i32 to index
          %parallel_loop3A_304 = arith.index_cast %parallel_loop3A_297 : i32 to index
          %parallel_loop3A_305 = arith.index_cast %parallel_loop3A_296 : i32 to index
          %parallel_loop3A_306 = tpu.vector_load %parallel_loop3A_302[%parallel_loop3A_303, %parallel_loop3A_304, %parallel_loop3A_305] {strides = array<i32>} : memref<16x8x128xf32, #tpu.memory_space<vmem>>, vector<16xf32>,
          tpu.vector_store %parallel_loop3A_302[%parallel_loop3A_303, %parallel_loop3A_304, %parallel_loop3A_305], %parallel_loop3A_294 {strides = array<i32>} : memref<16x8x128xf32, #tpu.memory_space<vmem>>, vector<16xf32>,
          %parallel_loop3A_307 = arith.constant 5000 : i32
          %parallel_loop3A_308 = vector.broadcast %parallel_loop3A_307 : i32 to vector<16xi32>
          %parallel_loop3A_309 = arith.addi %parallel_loop3A_211, %parallel_loop3A_308 : vector<16xi32>
          %parallel_loop3A_310 = arith.constant 0 : i32
          %parallel_loop3A_311 = tpu.memref_slice %arg8[%parallel_loop3A_144, %parallel_loop3A_310] : memref<4x8000xf32, #tpu.memory_space<vmem>> -> memref<1x8000xf32, #tpu.memory_space<vmem>>
          %parallel_loop3A_312 = tpu.memref_squeeze %parallel_loop3A_311 : memref<1x8000xf32, #tpu.memory_space<vmem>> -> memref<8000xf32, #tpu.memory_space<vmem>>
          %parallel_loop3A_313 = tpu.vector_load_idx %parallel_loop3A_312[%parallel_loop3A_309] : memref<8000xf32, #tpu.memory_space<vmem>>[vector<16xi32>], vector<16xf32>,
          %parallel_loop3A_314 = arith.constant 16 : i32
          %parallel_loop3A_315 = arith.muli %parallel_loop3A_207, %parallel_loop3A_314 : i32
          %parallel_loop3A_316 = arith.constant 5 : i32
          %parallel_loop3A_317 = arith.constant 0 : i32
          %parallel_loop3A_318 = arith.constant 0 : i32
          %parallel_loop3A_319 = arith.constant 0 : i32
          %parallel_loop3A_320 = tpu.memref_slice %arg11[%parallel_loop3A_145, %parallel_loop3A_317, %parallel_loop3A_318, %parallel_loop3A_319] : memref<4x16x8x128xf32, #tpu.memory_space<vmem>> -> memref<1x16x8x128xf32, #tpu.memory_space<vmem>>
          %parallel_loop3A_321 = tpu.memref_squeeze %parallel_loop3A_320 : memref<1x16x8x128xf32, #tpu.memory_space<vmem>> -> memref<16x8x128xf32, #tpu.memory_space<vmem>>
          %parallel_loop3A_322 = arith.index_cast %parallel_loop3A_191 : i32 to index
          %parallel_loop3A_323 = arith.index_cast %parallel_loop3A_316 : i32 to index
          %parallel_loop3A_324 = arith.index_cast %parallel_loop3A_315 : i32 to index
          %parallel_loop3A_325 = tpu.vector_load %parallel_loop3A_321[%parallel_loop3A_322, %parallel_loop3A_323, %parallel_loop3A_324] {strides = array<i32>} : memref<16x8x128xf32, #tpu.memory_space<vmem>>, vector<16xf32>,
          tpu.vector_store %parallel_loop3A_321[%parallel_loop3A_322, %parallel_loop3A_323, %parallel_loop3A_324], %parallel_loop3A_313 {strides = array<i32>} : memref<16x8x128xf32, #tpu.memory_space<vmem>>, vector<16xf32>,
          %parallel_loop3A_326 = arith.constant 6000 : i32
          %parallel_loop3A_327 = vector.broadcast %parallel_loop3A_326 : i32 to vector<16xi32>
          %parallel_loop3A_328 = arith.addi %parallel_loop3A_211, %parallel_loop3A_327 : vector<16xi32>
          %parallel_loop3A_329 = arith.constant 0 : i32
          %parallel_loop3A_330 = tpu.memref_slice %arg8[%parallel_loop3A_144, %parallel_loop3A_329] : memref<4x8000xf32, #tpu.memory_space<vmem>> -> memref<1x8000xf32, #tpu.memory_space<vmem>>
          %parallel_loop3A_331 = tpu.memref_squeeze %parallel_loop3A_330 : memref<1x8000xf32, #tpu.memory_space<vmem>> -> memref<8000xf32, #tpu.memory_space<vmem>>
          %parallel_loop3A_332 = tpu.vector_load_idx %parallel_loop3A_331[%parallel_loop3A_328] : memref<8000xf32, #tpu.memory_space<vmem>>[vector<16xi32>], vector<16xf32>,
          %parallel_loop3A_333 = arith.constant 16 : i32
          %parallel_loop3A_334 = arith.muli %parallel_loop3A_207, %parallel_loop3A_333 : i32
          %parallel_loop3A_335 = arith.constant 6 : i32
          %parallel_loop3A_336 = arith.constant 0 : i32
          %parallel_loop3A_337 = arith.constant 0 : i32
          %parallel_loop3A_338 = arith.constant 0 : i32
          %parallel_loop3A_339 = tpu.memref_slice %arg11[%parallel_loop3A_145, %parallel_loop3A_336, %parallel_loop3A_337, %parallel_loop3A_338] : memref<4x16x8x128xf32, #tpu.memory_space<vmem>> -> memref<1x16x8x128xf32, #tpu.memory_space<vmem>>
          %parallel_loop3A_340 = tpu.memref_squeeze %parallel_loop3A_339 : memref<1x16x8x128xf32, #tpu.memory_space<vmem>> -> memref<16x8x128xf32, #tpu.memory_space<vmem>>
          %parallel_loop3A_341 = arith.index_cast %parallel_loop3A_191 : i32 to index
          %parallel_loop3A_342 = arith.index_cast %parallel_loop3A_335 : i32 to index
          %parallel_loop3A_343 = arith.index_cast %parallel_loop3A_334 : i32 to index
          %parallel_loop3A_344 = tpu.vector_load %parallel_loop3A_340[%parallel_loop3A_341, %parallel_loop3A_342, %parallel_loop3A_343] {strides = array<i32>} : memref<16x8x128xf32, #tpu.memory_space<vmem>>, vector<16xf32>,
          tpu.vector_store %parallel_loop3A_340[%parallel_loop3A_341, %parallel_loop3A_342, %parallel_loop3A_343], %parallel_loop3A_332 {strides = array<i32>} : memref<16x8x128xf32, #tpu.memory_space<vmem>>, vector<16xf32>,
          %parallel_loop3A_345 = arith.constant 7000 : i32
          %parallel_loop3A_346 = vector.broadcast %parallel_loop3A_345 : i32 to vector<16xi32>
          %parallel_loop3A_347 = arith.addi %parallel_loop3A_211, %parallel_loop3A_346 : vector<16xi32>
          %parallel_loop3A_348 = arith.constant 0 : i32
          %parallel_loop3A_349 = tpu.memref_slice %arg8[%parallel_loop3A_144, %parallel_loop3A_348] : memref<4x8000xf32, #tpu.memory_space<vmem>> -> memref<1x8000xf32, #tpu.memory_space<vmem>>
          %parallel_loop3A_350 = tpu.memref_squeeze %parallel_loop3A_349 : memref<1x8000xf32, #tpu.memory_space<vmem>> -> memref<8000xf32, #tpu.memory_space<vmem>>
          %parallel_loop3A_351 = tpu.vector_load_idx %parallel_loop3A_350[%parallel_loop3A_347] : memref<8000xf32, #tpu.memory_space<vmem>>[vector<16xi32>], vector<16xf32>,
          %parallel_loop3A_352 = arith.constant 16 : i32
          %parallel_loop3A_353 = arith.muli %parallel_loop3A_207, %parallel_loop3A_352 : i32
          %parallel_loop3A_354 = arith.constant 7 : i32
          %parallel_loop3A_355 = arith.constant 0 : i32
          %parallel_loop3A_356 = arith.constant 0 : i32
          %parallel_loop3A_357 = arith.constant 0 : i32
          %parallel_loop3A_358 = tpu.memref_slice %arg11[%parallel_loop3A_145, %parallel_loop3A_355, %parallel_loop3A_356, %parallel_loop3A_357] : memref<4x16x8x128xf32, #tpu.memory_space<vmem>> -> memref<1x16x8x128xf32, #tpu.memory_space<vmem>>
          %parallel_loop3A_359 = tpu.memref_squeeze %parallel_loop3A_358 : memref<1x16x8x128xf32, #tpu.memory_space<vmem>> -> memref<16x8x128xf32, #tpu.memory_space<vmem>>
          %parallel_loop3A_360 = arith.index_cast %parallel_loop3A_191 : i32 to index
          %parallel_loop3A_361 = arith.index_cast %parallel_loop3A_354 : i32 to index
          %parallel_loop3A_362 = arith.index_cast %parallel_loop3A_353 : i32 to index
          %parallel_loop3A_363 = tpu.vector_load %parallel_loop3A_359[%parallel_loop3A_360, %parallel_loop3A_361, %parallel_loop3A_362] {strides = array<i32>} : memref<16x8x128xf32, #tpu.memory_space<vmem>>, vector<16xf32>,
          tpu.vector_store %parallel_loop3A_359[%parallel_loop3A_360, %parallel_loop3A_361, %parallel_loop3A_362], %parallel_loop3A_351 {strides = array<i32>} : memref<16x8x128xf32, #tpu.memory_space<vmem>>, vector<16xf32>,
        } {sc.loop_unroll_factor = 4 : i64, sc.parallel_access}
        %mul3A_146 = arith.constant 16 : i32
        %mul3A_147 = arith.muli %add3A_71, %mul3A_146 : i32
        %dma_start3A_148 = arith.constant 0 : i32
        %dma_start3A_149 = arith.constant 0 : i32
        %dma_start3A_150 = arith.constant 0 : i32
        %dma_start3A_151 = arith.constant 0 : i32
        %dma_start3A_152 = tpu.memref_slice %arg11[%dma_start3A_148, %dma_start3A_149, %dma_start3A_150, %dma_start3A_151] : memref<4x16x8x128xf32, #tpu.memory_space<vmem>> -> memref<1x16x8x128xf32, #tpu.memory_space<vmem>>
        %dma_start3A_153 = tpu.memref_squeeze %dma_start3A_152 : memref<1x16x8x128xf32, #tpu.memory_space<vmem>> -> memref<16x8x128xf32, #tpu.memory_space<vmem>>
        %dma_start3A_154 = arith.constant 0 : i32
        %dma_start3A_155 = arith.constant 0 : i32
        %dma_start3A_156 = tpu.memref_slice %arg6[%add3A_7, %mul3A_147, %dma_start3A_154, %dma_start3A_155] : memref<125x640x8x128xf32, #tpu.memory_space<hbm>> -> memref<1x16x8x128xf32, #tpu.memory_space<hbm>>
        %dma_start3A_157 = tpu.memref_squeeze %dma_start3A_156 : memref<1x16x8x128xf32, #tpu.memory_space<hbm>> -> memref<16x8x128xf32, #tpu.memory_space<hbm>>
        %dma_start3A_158 = arith.constant 0 : i32
        %dma_start3A_159 = arith.constant 0 : i32
        %dma_start3A_160 = tpu.memref_slice %arg6[%add3A_7, %mul3A_147, %dma_start3A_158, %dma_start3A_159] : memref<125x640x8x128xf32, #tpu.memory_space<hbm>> -> memref<1x16x8x128xf32, #tpu.memory_space<hbm>>
        %dma_start3A_161 = tpu.memref_squeeze %dma_start3A_160 : memref<1x16x8x128xf32, #tpu.memory_space<hbm>> -> memref<16x8x128xf32, #tpu.memory_space<hbm>>
        %dma_start3A_162 = arith.constant 0 : i32
        %dma_start3A_163 = arith.constant 0 : i32
        %dma_start3A_164 = arith.constant 0 : i32
        %dma_start3A_165 = tpu.memref_slice %arg11[%dma_start3A_148, %dma_start3A_162, %dma_start3A_163, %dma_start3A_164] : memref<4x16x8x128xf32, #tpu.memory_space<vmem>> -> memref<1x16x8x128xf32, #tpu.memory_space<vmem>>
        %dma_start3A_166 = tpu.memref_squeeze %dma_start3A_165 : memref<1x16x8x128xf32, #tpu.memory_space<vmem>> -> memref<16x8x128xf32, #tpu.memory_space<vmem>>
        tpu.enqueue_dma source(%dma_start3A_166 : memref<16x8x128xf32, #tpu.memory_space<vmem>>) target(%dma_start3A_161 : memref<16x8x128xf32, #tpu.memory_space<hbm>>) target_semaphore(%arg18 : memref<!tpu.dma_semaphore, #tpu.memory_space<semaphore_mem>>)
      } else {
      }
      %lt3A_81 = arith.constant 125 : i32
      %lt3A_82 = arith.cmpi slt, %add3A_9, %lt3A_81 : i32
      %convert_element_type3A_83 = arith.extui %lt3A_82 : i1 to i32
      %cond3A_84 = arith.constant 0 : i32
      %cond3A_85 = arith.cmpi ne, %convert_element_type3A_83, %cond3A_84 : i32
      scf.if %cond3A_85 {
        %gt3A_136 = arith.constant 0 : i32
        %gt3A_137 = arith.cmpi sgt, %add3A_71, %gt3A_136 : i32
        %convert_element_type3A_138 = arith.extui %gt3A_137 : i1 to i32
        %cond3A_139 = arith.constant 0 : i32
        %cond3A_140 = arith.cmpi ne, %convert_element_type3A_138, %cond3A_139 : i32
        scf.if %cond3A_140 {
          %sub3A = arith.constant 1 : i32
          %sub3A_167 = arith.subi %add3A_71, %sub3A : i32
          %mul3A_168 = arith.constant 16 : i32
          %mul3A_169 = arith.muli %sub3A_167, %mul3A_168 : i32
          %dma_wait3A_170 = arith.constant 1 : i32
          %dma_wait3A_171 = arith.constant 0 : i32
          %dma_wait3A_172 = arith.constant 0 : i32
          %dma_wait3A_173 = arith.constant 0 : i32
          %dma_wait3A_174 = tpu.memref_slice %arg11[%dma_wait3A_170, %dma_wait3A_171, %dma_wait3A_172, %dma_wait3A_173] : memref<4x16x8x128xf32, #tpu.memory_space<vmem>> -> memref<1x16x8x128xf32, #tpu.memory_space<vmem>>
          %dma_wait3A_175 = tpu.memref_squeeze %dma_wait3A_174 : memref<1x16x8x128xf32, #tpu.memory_space<vmem>> -> memref<16x8x128xf32, #tpu.memory_space<vmem>>
          %dma_wait3A_176 = arith.constant 0 : i32
          %dma_wait3A_177 = arith.constant 0 : i32
          %dma_wait3A_178 = tpu.memref_slice %arg6[%add3A_9, %mul3A_169, %dma_wait3A_176, %dma_wait3A_177] : memref<125x640x8x128xf32, #tpu.memory_space<hbm>> -> memref<1x16x8x128xf32, #tpu.memory_space<hbm>>
          %dma_wait3A_179 = tpu.memref_squeeze %dma_wait3A_178 : memref<1x16x8x128xf32, #tpu.memory_space<hbm>> -> memref<16x8x128xf32, #tpu.memory_space<hbm>>
          %dma_wait3A_180 = arith.constant 0 : i32
          %dma_wait3A_181 = arith.constant 0 : i32
          %dma_wait3A_182 = tpu.memref_slice %arg6[%add3A_9, %mul3A_169, %dma_wait3A_180, %dma_wait3A_181] : memref<125x640x8x128xf32, #tpu.memory_space<hbm>> -> memref<1x16x8x128xf32, #tpu.memory_space<hbm>>
          %dma_wait3A_183 = tpu.memref_squeeze %dma_wait3A_182 : memref<1x16x8x128xf32, #tpu.memory_space<hbm>> -> memref<16x8x128xf32, #tpu.memory_space<hbm>>
          %dma_wait3A_184 = arith.constant 0 : i32
          %dma_wait3A_185 = arith.constant 0 : i32
          %dma_wait3A_186 = arith.constant 0 : i32
          %dma_wait3A_187 = tpu.memref_slice %arg11[%dma_wait3A_170, %dma_wait3A_184, %dma_wait3A_185, %dma_wait3A_186] : memref<4x16x8x128xf32, #tpu.memory_space<vmem>> -> memref<1x16x8x128xf32, #tpu.memory_space<vmem>>
          %dma_wait3A_188 = tpu.memref_squeeze %dma_wait3A_187 : memref<1x16x8x128xf32, #tpu.memory_space<vmem>> -> memref<16x8x128xf32, #tpu.memory_space<vmem>>
          tpu.wait_dma2 semaphore(%arg19 : memref<!tpu.dma_semaphore, #tpu.memory_space<semaphore_mem>>) src(%dma_wait3A_188 : memref<16x8x128xf32, #tpu.memory_space<vmem>>) dst(%dma_wait3A_183 : memref<16x8x128xf32, #tpu.memory_space<hbm>>)
        } else {
        }
        %parallel_loop3A_141 = arith.constant 0 : i32
        %parallel_loop3A_142 = arith.constant 128 : i32
        %parallel_loop3A_143 = arith.constant 1 : i32
        %parallel_loop3A_144 = arith.constant 1 : i32
        %parallel_loop3A_145 = arith.constant 1 : i32
        scf.for %parallel_loop3A_167 = %parallel_loop3A_141 to %parallel_loop3A_142 step %parallel_loop3A_143  : i32 {
          %parallel_loop3A_168 = arith.constant 8 : i32
          %parallel_loop3A_169 = arith.divsi %parallel_loop3A_167, %parallel_loop3A_168 : i32
          %parallel_loop3A_170 = arith.constant 0 : i32
          %parallel_loop3A_171 = arith.cmpi sgt, %parallel_loop3A_167, %parallel_loop3A_170 : i32
          %parallel_loop3A_172 = arith.extui %parallel_loop3A_171 : i1 to i32
          %parallel_loop3A_173 = arith.constant 0 : i32
          %parallel_loop3A_174 = arith.cmpi slt, %parallel_loop3A_167, %parallel_loop3A_173 : i32
          %parallel_loop3A_175 = arith.extui %parallel_loop3A_174 : i1 to i32
          %parallel_loop3A_176 = arith.subi %parallel_loop3A_172, %parallel_loop3A_175 : i32
          %parallel_loop3A_177 = arith.constant 0 : i32
          %parallel_loop3A_178 = arith.cmpi sgt, %parallel_loop3A_168, %parallel_loop3A_177 : i32
          %parallel_loop3A_179 = arith.extui %parallel_loop3A_178 : i1 to i32
          %parallel_loop3A_180 = arith.constant 0 : i32
          %parallel_loop3A_181 = arith.cmpi slt, %parallel_loop3A_168, %parallel_loop3A_180 : i32
          %parallel_loop3A_182 = arith.extui %parallel_loop3A_181 : i1 to i32
          %parallel_loop3A_183 = arith.subi %parallel_loop3A_179, %parallel_loop3A_182 : i32
          %parallel_loop3A_184 = arith.cmpi ne, %parallel_loop3A_176, %parallel_loop3A_183 : i32
          %parallel_loop3A_185 = arith.remsi %parallel_loop3A_167, %parallel_loop3A_168 : i32
          %parallel_loop3A_186 = arith.constant 0 : i32
          %parallel_loop3A_187 = arith.cmpi ne, %parallel_loop3A_185, %parallel_loop3A_186 : i32
          %parallel_loop3A_188 = arith.andi %parallel_loop3A_184, %parallel_loop3A_187 : i1
          %parallel_loop3A_189 = arith.constant 1 : i32
          %parallel_loop3A_190 = arith.subi %parallel_loop3A_169, %parallel_loop3A_189 : i32
          %parallel_loop3A_191 = arith.select %parallel_loop3A_188, %parallel_loop3A_190, %parallel_loop3A_169 : i32
          %parallel_loop3A_192 = arith.constant 8 : i32
          %parallel_loop3A_193 = arith.constant 0 : i32
          %parallel_loop3A_194 = arith.cmpi eq, %parallel_loop3A_192, %parallel_loop3A_193 : i32
          %parallel_loop3A_195 = arith.constant 1 : i32
          %parallel_loop3A_196 = arith.select %parallel_loop3A_194, %parallel_loop3A_195, %parallel_loop3A_192 : i32
          %parallel_loop3A_197 = arith.remsi %parallel_loop3A_167, %parallel_loop3A_196 : i32
          %parallel_loop3A_198 = arith.constant 0 : i32
          %parallel_loop3A_199 = arith.cmpi ne, %parallel_loop3A_197, %parallel_loop3A_198 : i32
          %parallel_loop3A_200 = arith.constant 0 : i32
          %parallel_loop3A_201 = arith.cmpi slt, %parallel_loop3A_197, %parallel_loop3A_200 : i32
          %parallel_loop3A_202 = arith.constant 0 : i32
          %parallel_loop3A_203 = arith.cmpi slt, %parallel_loop3A_196, %parallel_loop3A_202 : i32
          %parallel_loop3A_204 = arith.xori %parallel_loop3A_201, %parallel_loop3A_203 : i1
          %parallel_loop3A_205 = arith.andi %parallel_loop3A_204, %parallel_loop3A_199 : i1
          %parallel_loop3A_206 = arith.addi %parallel_loop3A_197, %parallel_loop3A_196 : i32
          %parallel_loop3A_207 = arith.select %parallel_loop3A_205, %parallel_loop3A_206, %parallel_loop3A_197 : i32
          %parallel_loop3A_208 = arith.constant 16 : i32
          %parallel_loop3A_209 = arith.muli %parallel_loop3A_167, %parallel_loop3A_208 : i32
          %parallel_loop3A_210 = arith.index_cast %parallel_loop3A_209 : i32 to index
          %parallel_loop3A_211 = tpu.vector_load %arg9[%parallel_loop3A_210] {strides = array<i32>} : memref<2048xi32, #tpu.memory_space<vmem>>, vector<16xi32>,
          %parallel_loop3A_212 = arith.constant 0 : i32
          %parallel_loop3A_213 = vector.broadcast %parallel_loop3A_212 : i32 to vector<16xi32>
          %parallel_loop3A_214 = arith.addi %parallel_loop3A_211, %parallel_loop3A_213 : vector<16xi32>
          %parallel_loop3A_215 = arith.constant 0 : i32
          %parallel_loop3A_216 = tpu.memref_slice %arg8[%parallel_loop3A_144, %parallel_loop3A_215] : memref<4x8000xf32, #tpu.memory_space<vmem>> -> memref<1x8000xf32, #tpu.memory_space<vmem>>
          %parallel_loop3A_217 = tpu.memref_squeeze %parallel_loop3A_216 : memref<1x8000xf32, #tpu.memory_space<vmem>> -> memref<8000xf32, #tpu.memory_space<vmem>>
          %parallel_loop3A_218 = tpu.vector_load_idx %parallel_loop3A_217[%parallel_loop3A_214] : memref<8000xf32, #tpu.memory_space<vmem>>[vector<16xi32>], vector<16xf32>,
          %parallel_loop3A_219 = arith.constant 16 : i32
          %parallel_loop3A_220 = arith.muli %parallel_loop3A_207, %parallel_loop3A_219 : i32
          %parallel_loop3A_221 = arith.constant 0 : i32
          %parallel_loop3A_222 = arith.constant 0 : i32
          %parallel_loop3A_223 = arith.constant 0 : i32
          %parallel_loop3A_224 = arith.constant 0 : i32
          %parallel_loop3A_225 = tpu.memref_slice %arg11[%parallel_loop3A_145, %parallel_loop3A_222, %parallel_loop3A_223, %parallel_loop3A_224] : memref<4x16x8x128xf32, #tpu.memory_space<vmem>> -> memref<1x16x8x128xf32, #tpu.memory_space<vmem>>
          %parallel_loop3A_226 = tpu.memref_squeeze %parallel_loop3A_225 : memref<1x16x8x128xf32, #tpu.memory_space<vmem>> -> memref<16x8x128xf32, #tpu.memory_space<vmem>>
          %parallel_loop3A_227 = arith.index_cast %parallel_loop3A_191 : i32 to index
          %parallel_loop3A_228 = arith.index_cast %parallel_loop3A_221 : i32 to index
          %parallel_loop3A_229 = arith.index_cast %parallel_loop3A_220 : i32 to index
          %parallel_loop3A_230 = tpu.vector_load %parallel_loop3A_226[%parallel_loop3A_227, %parallel_loop3A_228, %parallel_loop3A_229] {strides = array<i32>} : memref<16x8x128xf32, #tpu.memory_space<vmem>>, vector<16xf32>,
          tpu.vector_store %parallel_loop3A_226[%parallel_loop3A_227, %parallel_loop3A_228, %parallel_loop3A_229], %parallel_loop3A_218 {strides = array<i32>} : memref<16x8x128xf32, #tpu.memory_space<vmem>>, vector<16xf32>,
          %parallel_loop3A_231 = arith.constant 1000 : i32
          %parallel_loop3A_232 = vector.broadcast %parallel_loop3A_231 : i32 to vector<16xi32>
          %parallel_loop3A_233 = arith.addi %parallel_loop3A_211, %parallel_loop3A_232 : vector<16xi32>
          %parallel_loop3A_234 = arith.constant 0 : i32
          %parallel_loop3A_235 = tpu.memref_slice %arg8[%parallel_loop3A_144, %parallel_loop3A_234] : memref<4x8000xf32, #tpu.memory_space<vmem>> -> memref<1x8000xf32, #tpu.memory_space<vmem>>
          %parallel_loop3A_236 = tpu.memref_squeeze %parallel_loop3A_235 : memref<1x8000xf32, #tpu.memory_space<vmem>> -> memref<8000xf32, #tpu.memory_space<vmem>>
          %parallel_loop3A_237 = tpu.vector_load_idx %parallel_loop3A_236[%parallel_loop3A_233] : memref<8000xf32, #tpu.memory_space<vmem>>[vector<16xi32>], vector<16xf32>,
          %parallel_loop3A_238 = arith.constant 16 : i32
          %parallel_loop3A_239 = arith.muli %parallel_loop3A_207, %parallel_loop3A_238 : i32
          %parallel_loop3A_240 = arith.constant 1 : i32
          %parallel_loop3A_241 = arith.constant 0 : i32
          %parallel_loop3A_242 = arith.constant 0 : i32
          %parallel_loop3A_243 = arith.constant 0 : i32
          %parallel_loop3A_244 = tpu.memref_slice %arg11[%parallel_loop3A_145, %parallel_loop3A_241, %parallel_loop3A_242, %parallel_loop3A_243] : memref<4x16x8x128xf32, #tpu.memory_space<vmem>> -> memref<1x16x8x128xf32, #tpu.memory_space<vmem>>
          %parallel_loop3A_245 = tpu.memref_squeeze %parallel_loop3A_244 : memref<1x16x8x128xf32, #tpu.memory_space<vmem>> -> memref<16x8x128xf32, #tpu.memory_space<vmem>>
          %parallel_loop3A_246 = arith.index_cast %parallel_loop3A_191 : i32 to index
          %parallel_loop3A_247 = arith.index_cast %parallel_loop3A_240 : i32 to index
          %parallel_loop3A_248 = arith.index_cast %parallel_loop3A_239 : i32 to index
          %parallel_loop3A_249 = tpu.vector_load %parallel_loop3A_245[%parallel_loop3A_246, %parallel_loop3A_247, %parallel_loop3A_248] {strides = array<i32>} : memref<16x8x128xf32, #tpu.memory_space<vmem>>, vector<16xf32>,
          tpu.vector_store %parallel_loop3A_245[%parallel_loop3A_246, %parallel_loop3A_247, %parallel_loop3A_248], %parallel_loop3A_237 {strides = array<i32>} : memref<16x8x128xf32, #tpu.memory_space<vmem>>, vector<16xf32>,
          %parallel_loop3A_250 = arith.constant 2000 : i32
          %parallel_loop3A_251 = vector.broadcast %parallel_loop3A_250 : i32 to vector<16xi32>
          %parallel_loop3A_252 = arith.addi %parallel_loop3A_211, %parallel_loop3A_251 : vector<16xi32>
          %parallel_loop3A_253 = arith.constant 0 : i32
          %parallel_loop3A_254 = tpu.memref_slice %arg8[%parallel_loop3A_144, %parallel_loop3A_253] : memref<4x8000xf32, #tpu.memory_space<vmem>> -> memref<1x8000xf32, #tpu.memory_space<vmem>>
          %parallel_loop3A_255 = tpu.memref_squeeze %parallel_loop3A_254 : memref<1x8000xf32, #tpu.memory_space<vmem>> -> memref<8000xf32, #tpu.memory_space<vmem>>
          %parallel_loop3A_256 = tpu.vector_load_idx %parallel_loop3A_255[%parallel_loop3A_252] : memref<8000xf32, #tpu.memory_space<vmem>>[vector<16xi32>], vector<16xf32>,
          %parallel_loop3A_257 = arith.constant 16 : i32
          %parallel_loop3A_258 = arith.muli %parallel_loop3A_207, %parallel_loop3A_257 : i32
          %parallel_loop3A_259 = arith.constant 2 : i32
          %parallel_loop3A_260 = arith.constant 0 : i32
          %parallel_loop3A_261 = arith.constant 0 : i32
          %parallel_loop3A_262 = arith.constant 0 : i32
          %parallel_loop3A_263 = tpu.memref_slice %arg11[%parallel_loop3A_145, %parallel_loop3A_260, %parallel_loop3A_261, %parallel_loop3A_262] : memref<4x16x8x128xf32, #tpu.memory_space<vmem>> -> memref<1x16x8x128xf32, #tpu.memory_space<vmem>>
          %parallel_loop3A_264 = tpu.memref_squeeze %parallel_loop3A_263 : memref<1x16x8x128xf32, #tpu.memory_space<vmem>> -> memref<16x8x128xf32, #tpu.memory_space<vmem>>
          %parallel_loop3A_265 = arith.index_cast %parallel_loop3A_191 : i32 to index
          %parallel_loop3A_266 = arith.index_cast %parallel_loop3A_259 : i32 to index
          %parallel_loop3A_267 = arith.index_cast %parallel_loop3A_258 : i32 to index
          %parallel_loop3A_268 = tpu.vector_load %parallel_loop3A_264[%parallel_loop3A_265, %parallel_loop3A_266, %parallel_loop3A_267] {strides = array<i32>} : memref<16x8x128xf32, #tpu.memory_space<vmem>>, vector<16xf32>,
          tpu.vector_store %parallel_loop3A_264[%parallel_loop3A_265, %parallel_loop3A_266, %parallel_loop3A_267], %parallel_loop3A_256 {strides = array<i32>} : memref<16x8x128xf32, #tpu.memory_space<vmem>>, vector<16xf32>,
          %parallel_loop3A_269 = arith.constant 3000 : i32
          %parallel_loop3A_270 = vector.broadcast %parallel_loop3A_269 : i32 to vector<16xi32>
          %parallel_loop3A_271 = arith.addi %parallel_loop3A_211, %parallel_loop3A_270 : vector<16xi32>
          %parallel_loop3A_272 = arith.constant 0 : i32
          %parallel_loop3A_273 = tpu.memref_slice %arg8[%parallel_loop3A_144, %parallel_loop3A_272] : memref<4x8000xf32, #tpu.memory_space<vmem>> -> memref<1x8000xf32, #tpu.memory_space<vmem>>
          %parallel_loop3A_274 = tpu.memref_squeeze %parallel_loop3A_273 : memref<1x8000xf32, #tpu.memory_space<vmem>> -> memref<8000xf32, #tpu.memory_space<vmem>>
          %parallel_loop3A_275 = tpu.vector_load_idx %parallel_loop3A_274[%parallel_loop3A_271] : memref<8000xf32, #tpu.memory_space<vmem>>[vector<16xi32>], vector<16xf32>,
          %parallel_loop3A_276 = arith.constant 16 : i32
          %parallel_loop3A_277 = arith.muli %parallel_loop3A_207, %parallel_loop3A_276 : i32
          %parallel_loop3A_278 = arith.constant 3 : i32
          %parallel_loop3A_279 = arith.constant 0 : i32
          %parallel_loop3A_280 = arith.constant 0 : i32
          %parallel_loop3A_281 = arith.constant 0 : i32
          %parallel_loop3A_282 = tpu.memref_slice %arg11[%parallel_loop3A_145, %parallel_loop3A_279, %parallel_loop3A_280, %parallel_loop3A_281] : memref<4x16x8x128xf32, #tpu.memory_space<vmem>> -> memref<1x16x8x128xf32, #tpu.memory_space<vmem>>
          %parallel_loop3A_283 = tpu.memref_squeeze %parallel_loop3A_282 : memref<1x16x8x128xf32, #tpu.memory_space<vmem>> -> memref<16x8x128xf32, #tpu.memory_space<vmem>>
          %parallel_loop3A_284 = arith.index_cast %parallel_loop3A_191 : i32 to index
          %parallel_loop3A_285 = arith.index_cast %parallel_loop3A_278 : i32 to index
          %parallel_loop3A_286 = arith.index_cast %parallel_loop3A_277 : i32 to index
          %parallel_loop3A_287 = tpu.vector_load %parallel_loop3A_283[%parallel_loop3A_284, %parallel_loop3A_285, %parallel_loop3A_286] {strides = array<i32>} : memref<16x8x128xf32, #tpu.memory_space<vmem>>, vector<16xf32>,
          tpu.vector_store %parallel_loop3A_283[%parallel_loop3A_284, %parallel_loop3A_285, %parallel_loop3A_286], %parallel_loop3A_275 {strides = array<i32>} : memref<16x8x128xf32, #tpu.memory_space<vmem>>, vector<16xf32>,
          %parallel_loop3A_288 = arith.constant 4000 : i32
          %parallel_loop3A_289 = vector.broadcast %parallel_loop3A_288 : i32 to vector<16xi32>
          %parallel_loop3A_290 = arith.addi %parallel_loop3A_211, %parallel_loop3A_289 : vector<16xi32>
          %parallel_loop3A_291 = arith.constant 0 : i32
          %parallel_loop3A_292 = tpu.memref_slice %arg8[%parallel_loop3A_144, %parallel_loop3A_291] : memref<4x8000xf32, #tpu.memory_space<vmem>> -> memref<1x8000xf32, #tpu.memory_space<vmem>>
          %parallel_loop3A_293 = tpu.memref_squeeze %parallel_loop3A_292 : memref<1x8000xf32, #tpu.memory_space<vmem>> -> memref<8000xf32, #tpu.memory_space<vmem>>
          %parallel_loop3A_294 = tpu.vector_load_idx %parallel_loop3A_293[%parallel_loop3A_290] : memref<8000xf32, #tpu.memory_space<vmem>>[vector<16xi32>], vector<16xf32>,
          %parallel_loop3A_295 = arith.constant 16 : i32
          %parallel_loop3A_296 = arith.muli %parallel_loop3A_207, %parallel_loop3A_295 : i32
          %parallel_loop3A_297 = arith.constant 4 : i32
          %parallel_loop3A_298 = arith.constant 0 : i32
          %parallel_loop3A_299 = arith.constant 0 : i32
          %parallel_loop3A_300 = arith.constant 0 : i32
          %parallel_loop3A_301 = tpu.memref_slice %arg11[%parallel_loop3A_145, %parallel_loop3A_298, %parallel_loop3A_299, %parallel_loop3A_300] : memref<4x16x8x128xf32, #tpu.memory_space<vmem>> -> memref<1x16x8x128xf32, #tpu.memory_space<vmem>>
          %parallel_loop3A_302 = tpu.memref_squeeze %parallel_loop3A_301 : memref<1x16x8x128xf32, #tpu.memory_space<vmem>> -> memref<16x8x128xf32, #tpu.memory_space<vmem>>
          %parallel_loop3A_303 = arith.index_cast %parallel_loop3A_191 : i32 to index
          %parallel_loop3A_304 = arith.index_cast %parallel_loop3A_297 : i32 to index
          %parallel_loop3A_305 = arith.index_cast %parallel_loop3A_296 : i32 to index
          %parallel_loop3A_306 = tpu.vector_load %parallel_loop3A_302[%parallel_loop3A_303, %parallel_loop3A_304, %parallel_loop3A_305] {strides = array<i32>} : memref<16x8x128xf32, #tpu.memory_space<vmem>>, vector<16xf32>,
          tpu.vector_store %parallel_loop3A_302[%parallel_loop3A_303, %parallel_loop3A_304, %parallel_loop3A_305], %parallel_loop3A_294 {strides = array<i32>} : memref<16x8x128xf32, #tpu.memory_space<vmem>>, vector<16xf32>,
          %parallel_loop3A_307 = arith.constant 5000 : i32
          %parallel_loop3A_308 = vector.broadcast %parallel_loop3A_307 : i32 to vector<16xi32>
          %parallel_loop3A_309 = arith.addi %parallel_loop3A_211, %parallel_loop3A_308 : vector<16xi32>
          %parallel_loop3A_310 = arith.constant 0 : i32
          %parallel_loop3A_311 = tpu.memref_slice %arg8[%parallel_loop3A_144, %parallel_loop3A_310] : memref<4x8000xf32, #tpu.memory_space<vmem>> -> memref<1x8000xf32, #tpu.memory_space<vmem>>
          %parallel_loop3A_312 = tpu.memref_squeeze %parallel_loop3A_311 : memref<1x8000xf32, #tpu.memory_space<vmem>> -> memref<8000xf32, #tpu.memory_space<vmem>>
          %parallel_loop3A_313 = tpu.vector_load_idx %parallel_loop3A_312[%parallel_loop3A_309] : memref<8000xf32, #tpu.memory_space<vmem>>[vector<16xi32>], vector<16xf32>,
          %parallel_loop3A_314 = arith.constant 16 : i32
          %parallel_loop3A_315 = arith.muli %parallel_loop3A_207, %parallel_loop3A_314 : i32
          %parallel_loop3A_316 = arith.constant 5 : i32
          %parallel_loop3A_317 = arith.constant 0 : i32
          %parallel_loop3A_318 = arith.constant 0 : i32
          %parallel_loop3A_319 = arith.constant 0 : i32
          %parallel_loop3A_320 = tpu.memref_slice %arg11[%parallel_loop3A_145, %parallel_loop3A_317, %parallel_loop3A_318, %parallel_loop3A_319] : memref<4x16x8x128xf32, #tpu.memory_space<vmem>> -> memref<1x16x8x128xf32, #tpu.memory_space<vmem>>
          %parallel_loop3A_321 = tpu.memref_squeeze %parallel_loop3A_320 : memref<1x16x8x128xf32, #tpu.memory_space<vmem>> -> memref<16x8x128xf32, #tpu.memory_space<vmem>>
          %parallel_loop3A_322 = arith.index_cast %parallel_loop3A_191 : i32 to index
          %parallel_loop3A_323 = arith.index_cast %parallel_loop3A_316 : i32 to index
          %parallel_loop3A_324 = arith.index_cast %parallel_loop3A_315 : i32 to index
          %parallel_loop3A_325 = tpu.vector_load %parallel_loop3A_321[%parallel_loop3A_322, %parallel_loop3A_323, %parallel_loop3A_324] {strides = array<i32>} : memref<16x8x128xf32, #tpu.memory_space<vmem>>, vector<16xf32>,
          tpu.vector_store %parallel_loop3A_321[%parallel_loop3A_322, %parallel_loop3A_323, %parallel_loop3A_324], %parallel_loop3A_313 {strides = array<i32>} : memref<16x8x128xf32, #tpu.memory_space<vmem>>, vector<16xf32>,
          %parallel_loop3A_326 = arith.constant 6000 : i32
          %parallel_loop3A_327 = vector.broadcast %parallel_loop3A_326 : i32 to vector<16xi32>
          %parallel_loop3A_328 = arith.addi %parallel_loop3A_211, %parallel_loop3A_327 : vector<16xi32>
          %parallel_loop3A_329 = arith.constant 0 : i32
          %parallel_loop3A_330 = tpu.memref_slice %arg8[%parallel_loop3A_144, %parallel_loop3A_329] : memref<4x8000xf32, #tpu.memory_space<vmem>> -> memref<1x8000xf32, #tpu.memory_space<vmem>>
          %parallel_loop3A_331 = tpu.memref_squeeze %parallel_loop3A_330 : memref<1x8000xf32, #tpu.memory_space<vmem>> -> memref<8000xf32, #tpu.memory_space<vmem>>
          %parallel_loop3A_332 = tpu.vector_load_idx %parallel_loop3A_331[%parallel_loop3A_328] : memref<8000xf32, #tpu.memory_space<vmem>>[vector<16xi32>], vector<16xf32>,
          %parallel_loop3A_333 = arith.constant 16 : i32
          %parallel_loop3A_334 = arith.muli %parallel_loop3A_207, %parallel_loop3A_333 : i32
          %parallel_loop3A_335 = arith.constant 6 : i32
          %parallel_loop3A_336 = arith.constant 0 : i32
          %parallel_loop3A_337 = arith.constant 0 : i32
          %parallel_loop3A_338 = arith.constant 0 : i32
          %parallel_loop3A_339 = tpu.memref_slice %arg11[%parallel_loop3A_145, %parallel_loop3A_336, %parallel_loop3A_337, %parallel_loop3A_338] : memref<4x16x8x128xf32, #tpu.memory_space<vmem>> -> memref<1x16x8x128xf32, #tpu.memory_space<vmem>>
          %parallel_loop3A_340 = tpu.memref_squeeze %parallel_loop3A_339 : memref<1x16x8x128xf32, #tpu.memory_space<vmem>> -> memref<16x8x128xf32, #tpu.memory_space<vmem>>
          %parallel_loop3A_341 = arith.index_cast %parallel_loop3A_191 : i32 to index
          %parallel_loop3A_342 = arith.index_cast %parallel_loop3A_335 : i32 to index
          %parallel_loop3A_343 = arith.index_cast %parallel_loop3A_334 : i32 to index
          %parallel_loop3A_344 = tpu.vector_load %parallel_loop3A_340[%parallel_loop3A_341, %parallel_loop3A_342, %parallel_loop3A_343] {strides = array<i32>} : memref<16x8x128xf32, #tpu.memory_space<vmem>>, vector<16xf32>,
          tpu.vector_store %parallel_loop3A_340[%parallel_loop3A_341, %parallel_loop3A_342, %parallel_loop3A_343], %parallel_loop3A_332 {strides = array<i32>} : memref<16x8x128xf32, #tpu.memory_space<vmem>>, vector<16xf32>,
          %parallel_loop3A_345 = arith.constant 7000 : i32
          %parallel_loop3A_346 = vector.broadcast %parallel_loop3A_345 : i32 to vector<16xi32>
          %parallel_loop3A_347 = arith.addi %parallel_loop3A_211, %parallel_loop3A_346 : vector<16xi32>
          %parallel_loop3A_348 = arith.constant 0 : i32
          %parallel_loop3A_349 = tpu.memref_slice %arg8[%parallel_loop3A_144, %parallel_loop3A_348] : memref<4x8000xf32, #tpu.memory_space<vmem>> -> memref<1x8000xf32, #tpu.memory_space<vmem>>
          %parallel_loop3A_350 = tpu.memref_squeeze %parallel_loop3A_349 : memref<1x8000xf32, #tpu.memory_space<vmem>> -> memref<8000xf32, #tpu.memory_space<vmem>>
          %parallel_loop3A_351 = tpu.vector_load_idx %parallel_loop3A_350[%parallel_loop3A_347] : memref<8000xf32, #tpu.memory_space<vmem>>[vector<16xi32>], vector<16xf32>,
          %parallel_loop3A_352 = arith.constant 16 : i32
          %parallel_loop3A_353 = arith.muli %parallel_loop3A_207, %parallel_loop3A_352 : i32
          %parallel_loop3A_354 = arith.constant 7 : i32
          %parallel_loop3A_355 = arith.constant 0 : i32
          %parallel_loop3A_356 = arith.constant 0 : i32
          %parallel_loop3A_357 = arith.constant 0 : i32
          %parallel_loop3A_358 = tpu.memref_slice %arg11[%parallel_loop3A_145, %parallel_loop3A_355, %parallel_loop3A_356, %parallel_loop3A_357] : memref<4x16x8x128xf32, #tpu.memory_space<vmem>> -> memref<1x16x8x128xf32, #tpu.memory_space<vmem>>
          %parallel_loop3A_359 = tpu.memref_squeeze %parallel_loop3A_358 : memref<1x16x8x128xf32, #tpu.memory_space<vmem>> -> memref<16x8x128xf32, #tpu.memory_space<vmem>>
          %parallel_loop3A_360 = arith.index_cast %parallel_loop3A_191 : i32 to index
          %parallel_loop3A_361 = arith.index_cast %parallel_loop3A_354 : i32 to index
          %parallel_loop3A_362 = arith.index_cast %parallel_loop3A_353 : i32 to index
          %parallel_loop3A_363 = tpu.vector_load %parallel_loop3A_359[%parallel_loop3A_360, %parallel_loop3A_361, %parallel_loop3A_362] {strides = array<i32>} : memref<16x8x128xf32, #tpu.memory_space<vmem>>, vector<16xf32>,
          tpu.vector_store %parallel_loop3A_359[%parallel_loop3A_360, %parallel_loop3A_361, %parallel_loop3A_362], %parallel_loop3A_351 {strides = array<i32>} : memref<16x8x128xf32, #tpu.memory_space<vmem>>, vector<16xf32>,
        } {sc.loop_unroll_factor = 4 : i64, sc.parallel_access}
        %mul3A_146 = arith.constant 16 : i32
        %mul3A_147 = arith.muli %add3A_71, %mul3A_146 : i32
        %dma_start3A_148 = arith.constant 1 : i32
        %dma_start3A_149 = arith.constant 0 : i32
        %dma_start3A_150 = arith.constant 0 : i32
        %dma_start3A_151 = arith.constant 0 : i32
        %dma_start3A_152 = tpu.memref_slice %arg11[%dma_start3A_148, %dma_start3A_149, %dma_start3A_150, %dma_start3A_151] : memref<4x16x8x128xf32, #tpu.memory_space<vmem>> -> memref<1x16x8x128xf32, #tpu.memory_space<vmem>>
        %dma_start3A_153 = tpu.memref_squeeze %dma_start3A_152 : memref<1x16x8x128xf32, #tpu.memory_space<vmem>> -> memref<16x8x128xf32, #tpu.memory_space<vmem>>
        %dma_start3A_154 = arith.constant 0 : i32
        %dma_start3A_155 = arith.constant 0 : i32
        %dma_start3A_156 = tpu.memref_slice %arg6[%add3A_9, %mul3A_147, %dma_start3A_154, %dma_start3A_155] : memref<125x640x8x128xf32, #tpu.memory_space<hbm>> -> memref<1x16x8x128xf32, #tpu.memory_space<hbm>>
        %dma_start3A_157 = tpu.memref_squeeze %dma_start3A_156 : memref<1x16x8x128xf32, #tpu.memory_space<hbm>> -> memref<16x8x128xf32, #tpu.memory_space<hbm>>
        %dma_start3A_158 = arith.constant 0 : i32
        %dma_start3A_159 = arith.constant 0 : i32
        %dma_start3A_160 = tpu.memref_slice %arg6[%add3A_9, %mul3A_147, %dma_start3A_158, %dma_start3A_159] : memref<125x640x8x128xf32, #tpu.memory_space<hbm>> -> memref<1x16x8x128xf32, #tpu.memory_space<hbm>>
        %dma_start3A_161 = tpu.memref_squeeze %dma_start3A_160 : memref<1x16x8x128xf32, #tpu.memory_space<hbm>> -> memref<16x8x128xf32, #tpu.memory_space<hbm>>
        %dma_start3A_162 = arith.constant 0 : i32
        %dma_start3A_163 = arith.constant 0 : i32
        %dma_start3A_164 = arith.constant 0 : i32
        %dma_start3A_165 = tpu.memref_slice %arg11[%dma_start3A_148, %dma_start3A_162, %dma_start3A_163, %dma_start3A_164] : memref<4x16x8x128xf32, #tpu.memory_space<vmem>> -> memref<1x16x8x128xf32, #tpu.memory_space<vmem>>
        %dma_start3A_166 = tpu.memref_squeeze %dma_start3A_165 : memref<1x16x8x128xf32, #tpu.memory_space<vmem>> -> memref<16x8x128xf32, #tpu.memory_space<vmem>>
        tpu.enqueue_dma source(%dma_start3A_166 : memref<16x8x128xf32, #tpu.memory_space<vmem>>) target(%dma_start3A_161 : memref<16x8x128xf32, #tpu.memory_space<hbm>>) target_semaphore(%arg19 : memref<!tpu.dma_semaphore, #tpu.memory_space<semaphore_mem>>)
      } else {
      }
      %lt3A_86 = arith.constant 125 : i32
      %lt3A_87 = arith.cmpi slt, %add3A_11, %lt3A_86 : i32
      %convert_element_type3A_88 = arith.extui %lt3A_87 : i1 to i32
      %cond3A_89 = arith.constant 0 : i32
      %cond3A_90 = arith.cmpi ne, %convert_element_type3A_88, %cond3A_89 : i32
      scf.if %cond3A_90 {
        %gt3A_136 = arith.constant 0 : i32
        %gt3A_137 = arith.cmpi sgt, %add3A_71, %gt3A_136 : i32
        %convert_element_type3A_138 = arith.extui %gt3A_137 : i1 to i32
        %cond3A_139 = arith.constant 0 : i32
        %cond3A_140 = arith.cmpi ne, %convert_element_type3A_138, %cond3A_139 : i32
        scf.if %cond3A_140 {
          %sub3A = arith.constant 1 : i32
          %sub3A_167 = arith.subi %add3A_71, %sub3A : i32
          %mul3A_168 = arith.constant 16 : i32
          %mul3A_169 = arith.muli %sub3A_167, %mul3A_168 : i32
          %dma_wait3A_170 = arith.constant 2 : i32
          %dma_wait3A_171 = arith.constant 0 : i32
          %dma_wait3A_172 = arith.constant 0 : i32
          %dma_wait3A_173 = arith.constant 0 : i32
          %dma_wait3A_174 = tpu.memref_slice %arg11[%dma_wait3A_170, %dma_wait3A_171, %dma_wait3A_172, %dma_wait3A_173] : memref<4x16x8x128xf32, #tpu.memory_space<vmem>> -> memref<1x16x8x128xf32, #tpu.memory_space<vmem>>
          %dma_wait3A_175 = tpu.memref_squeeze %dma_wait3A_174 : memref<1x16x8x128xf32, #tpu.memory_space<vmem>> -> memref<16x8x128xf32, #tpu.memory_space<vmem>>
          %dma_wait3A_176 = arith.constant 0 : i32
          %dma_wait3A_177 = arith.constant 0 : i32
          %dma_wait3A_178 = tpu.memref_slice %arg6[%add3A_11, %mul3A_169, %dma_wait3A_176, %dma_wait3A_177] : memref<125x640x8x128xf32, #tpu.memory_space<hbm>> -> memref<1x16x8x128xf32, #tpu.memory_space<hbm>>
          %dma_wait3A_179 = tpu.memref_squeeze %dma_wait3A_178 : memref<1x16x8x128xf32, #tpu.memory_space<hbm>> -> memref<16x8x128xf32, #tpu.memory_space<hbm>>
          %dma_wait3A_180 = arith.constant 0 : i32
          %dma_wait3A_181 = arith.constant 0 : i32
          %dma_wait3A_182 = tpu.memref_slice %arg6[%add3A_11, %mul3A_169, %dma_wait3A_180, %dma_wait3A_181] : memref<125x640x8x128xf32, #tpu.memory_space<hbm>> -> memref<1x16x8x128xf32, #tpu.memory_space<hbm>>
          %dma_wait3A_183 = tpu.memref_squeeze %dma_wait3A_182 : memref<1x16x8x128xf32, #tpu.memory_space<hbm>> -> memref<16x8x128xf32, #tpu.memory_space<hbm>>
          %dma_wait3A_184 = arith.constant 0 : i32
          %dma_wait3A_185 = arith.constant 0 : i32
          %dma_wait3A_186 = arith.constant 0 : i32
          %dma_wait3A_187 = tpu.memref_slice %arg11[%dma_wait3A_170, %dma_wait3A_184, %dma_wait3A_185, %dma_wait3A_186] : memref<4x16x8x128xf32, #tpu.memory_space<vmem>> -> memref<1x16x8x128xf32, #tpu.memory_space<vmem>>
          %dma_wait3A_188 = tpu.memref_squeeze %dma_wait3A_187 : memref<1x16x8x128xf32, #tpu.memory_space<vmem>> -> memref<16x8x128xf32, #tpu.memory_space<vmem>>
          tpu.wait_dma2 semaphore(%arg20 : memref<!tpu.dma_semaphore, #tpu.memory_space<semaphore_mem>>) src(%dma_wait3A_188 : memref<16x8x128xf32, #tpu.memory_space<vmem>>) dst(%dma_wait3A_183 : memref<16x8x128xf32, #tpu.memory_space<hbm>>)
        } else {
        }
        %parallel_loop3A_141 = arith.constant 0 : i32
        %parallel_loop3A_142 = arith.constant 128 : i32
        %parallel_loop3A_143 = arith.constant 1 : i32
        %parallel_loop3A_144 = arith.constant 2 : i32
        %parallel_loop3A_145 = arith.constant 2 : i32
        scf.for %parallel_loop3A_167 = %parallel_loop3A_141 to %parallel_loop3A_142 step %parallel_loop3A_143  : i32 {
          %parallel_loop3A_168 = arith.constant 8 : i32
          %parallel_loop3A_169 = arith.divsi %parallel_loop3A_167, %parallel_loop3A_168 : i32
          %parallel_loop3A_170 = arith.constant 0 : i32
          %parallel_loop3A_171 = arith.cmpi sgt, %parallel_loop3A_167, %parallel_loop3A_170 : i32
          %parallel_loop3A_172 = arith.extui %parallel_loop3A_171 : i1 to i32
          %parallel_loop3A_173 = arith.constant 0 : i32
          %parallel_loop3A_174 = arith.cmpi slt, %parallel_loop3A_167, %parallel_loop3A_173 : i32
          %parallel_loop3A_175 = arith.extui %parallel_loop3A_174 : i1 to i32
          %parallel_loop3A_176 = arith.subi %parallel_loop3A_172, %parallel_loop3A_175 : i32
          %parallel_loop3A_177 = arith.constant 0 : i32
          %parallel_loop3A_178 = arith.cmpi sgt, %parallel_loop3A_168, %parallel_loop3A_177 : i32
          %parallel_loop3A_179 = arith.extui %parallel_loop3A_178 : i1 to i32
          %parallel_loop3A_180 = arith.constant 0 : i32
          %parallel_loop3A_181 = arith.cmpi slt, %parallel_loop3A_168, %parallel_loop3A_180 : i32
          %parallel_loop3A_182 = arith.extui %parallel_loop3A_181 : i1 to i32
          %parallel_loop3A_183 = arith.subi %parallel_loop3A_179, %parallel_loop3A_182 : i32
          %parallel_loop3A_184 = arith.cmpi ne, %parallel_loop3A_176, %parallel_loop3A_183 : i32
          %parallel_loop3A_185 = arith.remsi %parallel_loop3A_167, %parallel_loop3A_168 : i32
          %parallel_loop3A_186 = arith.constant 0 : i32
          %parallel_loop3A_187 = arith.cmpi ne, %parallel_loop3A_185, %parallel_loop3A_186 : i32
          %parallel_loop3A_188 = arith.andi %parallel_loop3A_184, %parallel_loop3A_187 : i1
          %parallel_loop3A_189 = arith.constant 1 : i32
          %parallel_loop3A_190 = arith.subi %parallel_loop3A_169, %parallel_loop3A_189 : i32
          %parallel_loop3A_191 = arith.select %parallel_loop3A_188, %parallel_loop3A_190, %parallel_loop3A_169 : i32
          %parallel_loop3A_192 = arith.constant 8 : i32
          %parallel_loop3A_193 = arith.constant 0 : i32
          %parallel_loop3A_194 = arith.cmpi eq, %parallel_loop3A_192, %parallel_loop3A_193 : i32
          %parallel_loop3A_195 = arith.constant 1 : i32
          %parallel_loop3A_196 = arith.select %parallel_loop3A_194, %parallel_loop3A_195, %parallel_loop3A_192 : i32
          %parallel_loop3A_197 = arith.remsi %parallel_loop3A_167, %parallel_loop3A_196 : i32
          %parallel_loop3A_198 = arith.constant 0 : i32
          %parallel_loop3A_199 = arith.cmpi ne, %parallel_loop3A_197, %parallel_loop3A_198 : i32
          %parallel_loop3A_200 = arith.constant 0 : i32
          %parallel_loop3A_201 = arith.cmpi slt, %parallel_loop3A_197, %parallel_loop3A_200 : i32
          %parallel_loop3A_202 = arith.constant 0 : i32
          %parallel_loop3A_203 = arith.cmpi slt, %parallel_loop3A_196, %parallel_loop3A_202 : i32
          %parallel_loop3A_204 = arith.xori %parallel_loop3A_201, %parallel_loop3A_203 : i1
          %parallel_loop3A_205 = arith.andi %parallel_loop3A_204, %parallel_loop3A_199 : i1
          %parallel_loop3A_206 = arith.addi %parallel_loop3A_197, %parallel_loop3A_196 : i32
          %parallel_loop3A_207 = arith.select %parallel_loop3A_205, %parallel_loop3A_206, %parallel_loop3A_197 : i32
          %parallel_loop3A_208 = arith.constant 16 : i32
          %parallel_loop3A_209 = arith.muli %parallel_loop3A_167, %parallel_loop3A_208 : i32
          %parallel_loop3A_210 = arith.index_cast %parallel_loop3A_209 : i32 to index
          %parallel_loop3A_211 = tpu.vector_load %arg9[%parallel_loop3A_210] {strides = array<i32>} : memref<2048xi32, #tpu.memory_space<vmem>>, vector<16xi32>,
          %parallel_loop3A_212 = arith.constant 0 : i32
          %parallel_loop3A_213 = vector.broadcast %parallel_loop3A_212 : i32 to vector<16xi32>
          %parallel_loop3A_214 = arith.addi %parallel_loop3A_211, %parallel_loop3A_213 : vector<16xi32>
          %parallel_loop3A_215 = arith.constant 0 : i32
          %parallel_loop3A_216 = tpu.memref_slice %arg8[%parallel_loop3A_144, %parallel_loop3A_215] : memref<4x8000xf32, #tpu.memory_space<vmem>> -> memref<1x8000xf32, #tpu.memory_space<vmem>>
          %parallel_loop3A_217 = tpu.memref_squeeze %parallel_loop3A_216 : memref<1x8000xf32, #tpu.memory_space<vmem>> -> memref<8000xf32, #tpu.memory_space<vmem>>
          %parallel_loop3A_218 = tpu.vector_load_idx %parallel_loop3A_217[%parallel_loop3A_214] : memref<8000xf32, #tpu.memory_space<vmem>>[vector<16xi32>], vector<16xf32>,
          %parallel_loop3A_219 = arith.constant 16 : i32
          %parallel_loop3A_220 = arith.muli %parallel_loop3A_207, %parallel_loop3A_219 : i32
          %parallel_loop3A_221 = arith.constant 0 : i32
          %parallel_loop3A_222 = arith.constant 0 : i32
          %parallel_loop3A_223 = arith.constant 0 : i32
          %parallel_loop3A_224 = arith.constant 0 : i32
          %parallel_loop3A_225 = tpu.memref_slice %arg11[%parallel_loop3A_145, %parallel_loop3A_222, %parallel_loop3A_223, %parallel_loop3A_224] : memref<4x16x8x128xf32, #tpu.memory_space<vmem>> -> memref<1x16x8x128xf32, #tpu.memory_space<vmem>>
          %parallel_loop3A_226 = tpu.memref_squeeze %parallel_loop3A_225 : memref<1x16x8x128xf32, #tpu.memory_space<vmem>> -> memref<16x8x128xf32, #tpu.memory_space<vmem>>
          %parallel_loop3A_227 = arith.index_cast %parallel_loop3A_191 : i32 to index
          %parallel_loop3A_228 = arith.index_cast %parallel_loop3A_221 : i32 to index
          %parallel_loop3A_229 = arith.index_cast %parallel_loop3A_220 : i32 to index
          %parallel_loop3A_230 = tpu.vector_load %parallel_loop3A_226[%parallel_loop3A_227, %parallel_loop3A_228, %parallel_loop3A_229] {strides = array<i32>} : memref<16x8x128xf32, #tpu.memory_space<vmem>>, vector<16xf32>,
          tpu.vector_store %parallel_loop3A_226[%parallel_loop3A_227, %parallel_loop3A_228, %parallel_loop3A_229], %parallel_loop3A_218 {strides = array<i32>} : memref<16x8x128xf32, #tpu.memory_space<vmem>>, vector<16xf32>,
          %parallel_loop3A_231 = arith.constant 1000 : i32
          %parallel_loop3A_232 = vector.broadcast %parallel_loop3A_231 : i32 to vector<16xi32>
          %parallel_loop3A_233 = arith.addi %parallel_loop3A_211, %parallel_loop3A_232 : vector<16xi32>
          %parallel_loop3A_234 = arith.constant 0 : i32
          %parallel_loop3A_235 = tpu.memref_slice %arg8[%parallel_loop3A_144, %parallel_loop3A_234] : memref<4x8000xf32, #tpu.memory_space<vmem>> -> memref<1x8000xf32, #tpu.memory_space<vmem>>
          %parallel_loop3A_236 = tpu.memref_squeeze %parallel_loop3A_235 : memref<1x8000xf32, #tpu.memory_space<vmem>> -> memref<8000xf32, #tpu.memory_space<vmem>>
          %parallel_loop3A_237 = tpu.vector_load_idx %parallel_loop3A_236[%parallel_loop3A_233] : memref<8000xf32, #tpu.memory_space<vmem>>[vector<16xi32>], vector<16xf32>,
          %parallel_loop3A_238 = arith.constant 16 : i32
          %parallel_loop3A_239 = arith.muli %parallel_loop3A_207, %parallel_loop3A_238 : i32
          %parallel_loop3A_240 = arith.constant 1 : i32
          %parallel_loop3A_241 = arith.constant 0 : i32
          %parallel_loop3A_242 = arith.constant 0 : i32
          %parallel_loop3A_243 = arith.constant 0 : i32
          %parallel_loop3A_244 = tpu.memref_slice %arg11[%parallel_loop3A_145, %parallel_loop3A_241, %parallel_loop3A_242, %parallel_loop3A_243] : memref<4x16x8x128xf32, #tpu.memory_space<vmem>> -> memref<1x16x8x128xf32, #tpu.memory_space<vmem>>
          %parallel_loop3A_245 = tpu.memref_squeeze %parallel_loop3A_244 : memref<1x16x8x128xf32, #tpu.memory_space<vmem>> -> memref<16x8x128xf32, #tpu.memory_space<vmem>>
          %parallel_loop3A_246 = arith.index_cast %parallel_loop3A_191 : i32 to index
          %parallel_loop3A_247 = arith.index_cast %parallel_loop3A_240 : i32 to index
          %parallel_loop3A_248 = arith.index_cast %parallel_loop3A_239 : i32 to index
          %parallel_loop3A_249 = tpu.vector_load %parallel_loop3A_245[%parallel_loop3A_246, %parallel_loop3A_247, %parallel_loop3A_248] {strides = array<i32>} : memref<16x8x128xf32, #tpu.memory_space<vmem>>, vector<16xf32>,
          tpu.vector_store %parallel_loop3A_245[%parallel_loop3A_246, %parallel_loop3A_247, %parallel_loop3A_248], %parallel_loop3A_237 {strides = array<i32>} : memref<16x8x128xf32, #tpu.memory_space<vmem>>, vector<16xf32>,
          %parallel_loop3A_250 = arith.constant 2000 : i32
          %parallel_loop3A_251 = vector.broadcast %parallel_loop3A_250 : i32 to vector<16xi32>
          %parallel_loop3A_252 = arith.addi %parallel_loop3A_211, %parallel_loop3A_251 : vector<16xi32>
          %parallel_loop3A_253 = arith.constant 0 : i32
          %parallel_loop3A_254 = tpu.memref_slice %arg8[%parallel_loop3A_144, %parallel_loop3A_253] : memref<4x8000xf32, #tpu.memory_space<vmem>> -> memref<1x8000xf32, #tpu.memory_space<vmem>>
          %parallel_loop3A_255 = tpu.memref_squeeze %parallel_loop3A_254 : memref<1x8000xf32, #tpu.memory_space<vmem>> -> memref<8000xf32, #tpu.memory_space<vmem>>
          %parallel_loop3A_256 = tpu.vector_load_idx %parallel_loop3A_255[%parallel_loop3A_252] : memref<8000xf32, #tpu.memory_space<vmem>>[vector<16xi32>], vector<16xf32>,
          %parallel_loop3A_257 = arith.constant 16 : i32
          %parallel_loop3A_258 = arith.muli %parallel_loop3A_207, %parallel_loop3A_257 : i32
          %parallel_loop3A_259 = arith.constant 2 : i32
          %parallel_loop3A_260 = arith.constant 0 : i32
          %parallel_loop3A_261 = arith.constant 0 : i32
          %parallel_loop3A_262 = arith.constant 0 : i32
          %parallel_loop3A_263 = tpu.memref_slice %arg11[%parallel_loop3A_145, %parallel_loop3A_260, %parallel_loop3A_261, %parallel_loop3A_262] : memref<4x16x8x128xf32, #tpu.memory_space<vmem>> -> memref<1x16x8x128xf32, #tpu.memory_space<vmem>>
          %parallel_loop3A_264 = tpu.memref_squeeze %parallel_loop3A_263 : memref<1x16x8x128xf32, #tpu.memory_space<vmem>> -> memref<16x8x128xf32, #tpu.memory_space<vmem>>
          %parallel_loop3A_265 = arith.index_cast %parallel_loop3A_191 : i32 to index
          %parallel_loop3A_266 = arith.index_cast %parallel_loop3A_259 : i32 to index
          %parallel_loop3A_267 = arith.index_cast %parallel_loop3A_258 : i32 to index
          %parallel_loop3A_268 = tpu.vector_load %parallel_loop3A_264[%parallel_loop3A_265, %parallel_loop3A_266, %parallel_loop3A_267] {strides = array<i32>} : memref<16x8x128xf32, #tpu.memory_space<vmem>>, vector<16xf32>,
          tpu.vector_store %parallel_loop3A_264[%parallel_loop3A_265, %parallel_loop3A_266, %parallel_loop3A_267], %parallel_loop3A_256 {strides = array<i32>} : memref<16x8x128xf32, #tpu.memory_space<vmem>>, vector<16xf32>,
          %parallel_loop3A_269 = arith.constant 3000 : i32
          %parallel_loop3A_270 = vector.broadcast %parallel_loop3A_269 : i32 to vector<16xi32>
          %parallel_loop3A_271 = arith.addi %parallel_loop3A_211, %parallel_loop3A_270 : vector<16xi32>
          %parallel_loop3A_272 = arith.constant 0 : i32
          %parallel_loop3A_273 = tpu.memref_slice %arg8[%parallel_loop3A_144, %parallel_loop3A_272] : memref<4x8000xf32, #tpu.memory_space<vmem>> -> memref<1x8000xf32, #tpu.memory_space<vmem>>
          %parallel_loop3A_274 = tpu.memref_squeeze %parallel_loop3A_273 : memref<1x8000xf32, #tpu.memory_space<vmem>> -> memref<8000xf32, #tpu.memory_space<vmem>>
          %parallel_loop3A_275 = tpu.vector_load_idx %parallel_loop3A_274[%parallel_loop3A_271] : memref<8000xf32, #tpu.memory_space<vmem>>[vector<16xi32>], vector<16xf32>,
          %parallel_loop3A_276 = arith.constant 16 : i32
          %parallel_loop3A_277 = arith.muli %parallel_loop3A_207, %parallel_loop3A_276 : i32
          %parallel_loop3A_278 = arith.constant 3 : i32
          %parallel_loop3A_279 = arith.constant 0 : i32
          %parallel_loop3A_280 = arith.constant 0 : i32
          %parallel_loop3A_281 = arith.constant 0 : i32
          %parallel_loop3A_282 = tpu.memref_slice %arg11[%parallel_loop3A_145, %parallel_loop3A_279, %parallel_loop3A_280, %parallel_loop3A_281] : memref<4x16x8x128xf32, #tpu.memory_space<vmem>> -> memref<1x16x8x128xf32, #tpu.memory_space<vmem>>
          %parallel_loop3A_283 = tpu.memref_squeeze %parallel_loop3A_282 : memref<1x16x8x128xf32, #tpu.memory_space<vmem>> -> memref<16x8x128xf32, #tpu.memory_space<vmem>>
          %parallel_loop3A_284 = arith.index_cast %parallel_loop3A_191 : i32 to index
          %parallel_loop3A_285 = arith.index_cast %parallel_loop3A_278 : i32 to index
          %parallel_loop3A_286 = arith.index_cast %parallel_loop3A_277 : i32 to index
          %parallel_loop3A_287 = tpu.vector_load %parallel_loop3A_283[%parallel_loop3A_284, %parallel_loop3A_285, %parallel_loop3A_286] {strides = array<i32>} : memref<16x8x128xf32, #tpu.memory_space<vmem>>, vector<16xf32>,
          tpu.vector_store %parallel_loop3A_283[%parallel_loop3A_284, %parallel_loop3A_285, %parallel_loop3A_286], %parallel_loop3A_275 {strides = array<i32>} : memref<16x8x128xf32, #tpu.memory_space<vmem>>, vector<16xf32>,
          %parallel_loop3A_288 = arith.constant 4000 : i32
          %parallel_loop3A_289 = vector.broadcast %parallel_loop3A_288 : i32 to vector<16xi32>
          %parallel_loop3A_290 = arith.addi %parallel_loop3A_211, %parallel_loop3A_289 : vector<16xi32>
          %parallel_loop3A_291 = arith.constant 0 : i32
          %parallel_loop3A_292 = tpu.memref_slice %arg8[%parallel_loop3A_144, %parallel_loop3A_291] : memref<4x8000xf32, #tpu.memory_space<vmem>> -> memref<1x8000xf32, #tpu.memory_space<vmem>>
          %parallel_loop3A_293 = tpu.memref_squeeze %parallel_loop3A_292 : memref<1x8000xf32, #tpu.memory_space<vmem>> -> memref<8000xf32, #tpu.memory_space<vmem>>
          %parallel_loop3A_294 = tpu.vector_load_idx %parallel_loop3A_293[%parallel_loop3A_290] : memref<8000xf32, #tpu.memory_space<vmem>>[vector<16xi32>], vector<16xf32>,
          %parallel_loop3A_295 = arith.constant 16 : i32
          %parallel_loop3A_296 = arith.muli %parallel_loop3A_207, %parallel_loop3A_295 : i32
          %parallel_loop3A_297 = arith.constant 4 : i32
          %parallel_loop3A_298 = arith.constant 0 : i32
          %parallel_loop3A_299 = arith.constant 0 : i32
          %parallel_loop3A_300 = arith.constant 0 : i32
          %parallel_loop3A_301 = tpu.memref_slice %arg11[%parallel_loop3A_145, %parallel_loop3A_298, %parallel_loop3A_299, %parallel_loop3A_300] : memref<4x16x8x128xf32, #tpu.memory_space<vmem>> -> memref<1x16x8x128xf32, #tpu.memory_space<vmem>>
          %parallel_loop3A_302 = tpu.memref_squeeze %parallel_loop3A_301 : memref<1x16x8x128xf32, #tpu.memory_space<vmem>> -> memref<16x8x128xf32, #tpu.memory_space<vmem>>
          %parallel_loop3A_303 = arith.index_cast %parallel_loop3A_191 : i32 to index
          %parallel_loop3A_304 = arith.index_cast %parallel_loop3A_297 : i32 to index
          %parallel_loop3A_305 = arith.index_cast %parallel_loop3A_296 : i32 to index
          %parallel_loop3A_306 = tpu.vector_load %parallel_loop3A_302[%parallel_loop3A_303, %parallel_loop3A_304, %parallel_loop3A_305] {strides = array<i32>} : memref<16x8x128xf32, #tpu.memory_space<vmem>>, vector<16xf32>,
          tpu.vector_store %parallel_loop3A_302[%parallel_loop3A_303, %parallel_loop3A_304, %parallel_loop3A_305], %parallel_loop3A_294 {strides = array<i32>} : memref<16x8x128xf32, #tpu.memory_space<vmem>>, vector<16xf32>,
          %parallel_loop3A_307 = arith.constant 5000 : i32
          %parallel_loop3A_308 = vector.broadcast %parallel_loop3A_307 : i32 to vector<16xi32>
          %parallel_loop3A_309 = arith.addi %parallel_loop3A_211, %parallel_loop3A_308 : vector<16xi32>
          %parallel_loop3A_310 = arith.constant 0 : i32
          %parallel_loop3A_311 = tpu.memref_slice %arg8[%parallel_loop3A_144, %parallel_loop3A_310] : memref<4x8000xf32, #tpu.memory_space<vmem>> -> memref<1x8000xf32, #tpu.memory_space<vmem>>
          %parallel_loop3A_312 = tpu.memref_squeeze %parallel_loop3A_311 : memref<1x8000xf32, #tpu.memory_space<vmem>> -> memref<8000xf32, #tpu.memory_space<vmem>>
          %parallel_loop3A_313 = tpu.vector_load_idx %parallel_loop3A_312[%parallel_loop3A_309] : memref<8000xf32, #tpu.memory_space<vmem>>[vector<16xi32>], vector<16xf32>,
          %parallel_loop3A_314 = arith.constant 16 : i32
          %parallel_loop3A_315 = arith.muli %parallel_loop3A_207, %parallel_loop3A_314 : i32
          %parallel_loop3A_316 = arith.constant 5 : i32
          %parallel_loop3A_317 = arith.constant 0 : i32
          %parallel_loop3A_318 = arith.constant 0 : i32
          %parallel_loop3A_319 = arith.constant 0 : i32
          %parallel_loop3A_320 = tpu.memref_slice %arg11[%parallel_loop3A_145, %parallel_loop3A_317, %parallel_loop3A_318, %parallel_loop3A_319] : memref<4x16x8x128xf32, #tpu.memory_space<vmem>> -> memref<1x16x8x128xf32, #tpu.memory_space<vmem>>
          %parallel_loop3A_321 = tpu.memref_squeeze %parallel_loop3A_320 : memref<1x16x8x128xf32, #tpu.memory_space<vmem>> -> memref<16x8x128xf32, #tpu.memory_space<vmem>>
          %parallel_loop3A_322 = arith.index_cast %parallel_loop3A_191 : i32 to index
          %parallel_loop3A_323 = arith.index_cast %parallel_loop3A_316 : i32 to index
          %parallel_loop3A_324 = arith.index_cast %parallel_loop3A_315 : i32 to index
          %parallel_loop3A_325 = tpu.vector_load %parallel_loop3A_321[%parallel_loop3A_322, %parallel_loop3A_323, %parallel_loop3A_324] {strides = array<i32>} : memref<16x8x128xf32, #tpu.memory_space<vmem>>, vector<16xf32>,
          tpu.vector_store %parallel_loop3A_321[%parallel_loop3A_322, %parallel_loop3A_323, %parallel_loop3A_324], %parallel_loop3A_313 {strides = array<i32>} : memref<16x8x128xf32, #tpu.memory_space<vmem>>, vector<16xf32>,
          %parallel_loop3A_326 = arith.constant 6000 : i32
          %parallel_loop3A_327 = vector.broadcast %parallel_loop3A_326 : i32 to vector<16xi32>
          %parallel_loop3A_328 = arith.addi %parallel_loop3A_211, %parallel_loop3A_327 : vector<16xi32>
          %parallel_loop3A_329 = arith.constant 0 : i32
          %parallel_loop3A_330 = tpu.memref_slice %arg8[%parallel_loop3A_144, %parallel_loop3A_329] : memref<4x8000xf32, #tpu.memory_space<vmem>> -> memref<1x8000xf32, #tpu.memory_space<vmem>>
          %parallel_loop3A_331 = tpu.memref_squeeze %parallel_loop3A_330 : memref<1x8000xf32, #tpu.memory_space<vmem>> -> memref<8000xf32, #tpu.memory_space<vmem>>
          %parallel_loop3A_332 = tpu.vector_load_idx %parallel_loop3A_331[%parallel_loop3A_328] : memref<8000xf32, #tpu.memory_space<vmem>>[vector<16xi32>], vector<16xf32>,
          %parallel_loop3A_333 = arith.constant 16 : i32
          %parallel_loop3A_334 = arith.muli %parallel_loop3A_207, %parallel_loop3A_333 : i32
          %parallel_loop3A_335 = arith.constant 6 : i32
          %parallel_loop3A_336 = arith.constant 0 : i32
          %parallel_loop3A_337 = arith.constant 0 : i32
          %parallel_loop3A_338 = arith.constant 0 : i32
          %parallel_loop3A_339 = tpu.memref_slice %arg11[%parallel_loop3A_145, %parallel_loop3A_336, %parallel_loop3A_337, %parallel_loop3A_338] : memref<4x16x8x128xf32, #tpu.memory_space<vmem>> -> memref<1x16x8x128xf32, #tpu.memory_space<vmem>>
          %parallel_loop3A_340 = tpu.memref_squeeze %parallel_loop3A_339 : memref<1x16x8x128xf32, #tpu.memory_space<vmem>> -> memref<16x8x128xf32, #tpu.memory_space<vmem>>
          %parallel_loop3A_341 = arith.index_cast %parallel_loop3A_191 : i32 to index
          %parallel_loop3A_342 = arith.index_cast %parallel_loop3A_335 : i32 to index
          %parallel_loop3A_343 = arith.index_cast %parallel_loop3A_334 : i32 to index
          %parallel_loop3A_344 = tpu.vector_load %parallel_loop3A_340[%parallel_loop3A_341, %parallel_loop3A_342, %parallel_loop3A_343] {strides = array<i32>} : memref<16x8x128xf32, #tpu.memory_space<vmem>>, vector<16xf32>,
          tpu.vector_store %parallel_loop3A_340[%parallel_loop3A_341, %parallel_loop3A_342, %parallel_loop3A_343], %parallel_loop3A_332 {strides = array<i32>} : memref<16x8x128xf32, #tpu.memory_space<vmem>>, vector<16xf32>,
          %parallel_loop3A_345 = arith.constant 7000 : i32
          %parallel_loop3A_346 = vector.broadcast %parallel_loop3A_345 : i32 to vector<16xi32>
          %parallel_loop3A_347 = arith.addi %parallel_loop3A_211, %parallel_loop3A_346 : vector<16xi32>
          %parallel_loop3A_348 = arith.constant 0 : i32
          %parallel_loop3A_349 = tpu.memref_slice %arg8[%parallel_loop3A_144, %parallel_loop3A_348] : memref<4x8000xf32, #tpu.memory_space<vmem>> -> memref<1x8000xf32, #tpu.memory_space<vmem>>
          %parallel_loop3A_350 = tpu.memref_squeeze %parallel_loop3A_349 : memref<1x8000xf32, #tpu.memory_space<vmem>> -> memref<8000xf32, #tpu.memory_space<vmem>>
          %parallel_loop3A_351 = tpu.vector_load_idx %parallel_loop3A_350[%parallel_loop3A_347] : memref<8000xf32, #tpu.memory_space<vmem>>[vector<16xi32>], vector<16xf32>,
          %parallel_loop3A_352 = arith.constant 16 : i32
          %parallel_loop3A_353 = arith.muli %parallel_loop3A_207, %parallel_loop3A_352 : i32
          %parallel_loop3A_354 = arith.constant 7 : i32
          %parallel_loop3A_355 = arith.constant 0 : i32
          %parallel_loop3A_356 = arith.constant 0 : i32
          %parallel_loop3A_357 = arith.constant 0 : i32
          %parallel_loop3A_358 = tpu.memref_slice %arg11[%parallel_loop3A_145, %parallel_loop3A_355, %parallel_loop3A_356, %parallel_loop3A_357] : memref<4x16x8x128xf32, #tpu.memory_space<vmem>> -> memref<1x16x8x128xf32, #tpu.memory_space<vmem>>
          %parallel_loop3A_359 = tpu.memref_squeeze %parallel_loop3A_358 : memref<1x16x8x128xf32, #tpu.memory_space<vmem>> -> memref<16x8x128xf32, #tpu.memory_space<vmem>>
          %parallel_loop3A_360 = arith.index_cast %parallel_loop3A_191 : i32 to index
          %parallel_loop3A_361 = arith.index_cast %parallel_loop3A_354 : i32 to index
          %parallel_loop3A_362 = arith.index_cast %parallel_loop3A_353 : i32 to index
          %parallel_loop3A_363 = tpu.vector_load %parallel_loop3A_359[%parallel_loop3A_360, %parallel_loop3A_361, %parallel_loop3A_362] {strides = array<i32>} : memref<16x8x128xf32, #tpu.memory_space<vmem>>, vector<16xf32>,
          tpu.vector_store %parallel_loop3A_359[%parallel_loop3A_360, %parallel_loop3A_361, %parallel_loop3A_362], %parallel_loop3A_351 {strides = array<i32>} : memref<16x8x128xf32, #tpu.memory_space<vmem>>, vector<16xf32>,
        } {sc.loop_unroll_factor = 4 : i64, sc.parallel_access}
        %mul3A_146 = arith.constant 16 : i32
        %mul3A_147 = arith.muli %add3A_71, %mul3A_146 : i32
        %dma_start3A_148 = arith.constant 2 : i32
        %dma_start3A_149 = arith.constant 0 : i32
        %dma_start3A_150 = arith.constant 0 : i32
        %dma_start3A_151 = arith.constant 0 : i32
        %dma_start3A_152 = tpu.memref_slice %arg11[%dma_start3A_148, %dma_start3A_149, %dma_start3A_150, %dma_start3A_151] : memref<4x16x8x128xf32, #tpu.memory_space<vmem>> -> memref<1x16x8x128xf32, #tpu.memory_space<vmem>>
        %dma_start3A_153 = tpu.memref_squeeze %dma_start3A_152 : memref<1x16x8x128xf32, #tpu.memory_space<vmem>> -> memref<16x8x128xf32, #tpu.memory_space<vmem>>
        %dma_start3A_154 = arith.constant 0 : i32
        %dma_start3A_155 = arith.constant 0 : i32
        %dma_start3A_156 = tpu.memref_slice %arg6[%add3A_11, %mul3A_147, %dma_start3A_154, %dma_start3A_155] : memref<125x640x8x128xf32, #tpu.memory_space<hbm>> -> memref<1x16x8x128xf32, #tpu.memory_space<hbm>>
        %dma_start3A_157 = tpu.memref_squeeze %dma_start3A_156 : memref<1x16x8x128xf32, #tpu.memory_space<hbm>> -> memref<16x8x128xf32, #tpu.memory_space<hbm>>
        %dma_start3A_158 = arith.constant 0 : i32
        %dma_start3A_159 = arith.constant 0 : i32
        %dma_start3A_160 = tpu.memref_slice %arg6[%add3A_11, %mul3A_147, %dma_start3A_158, %dma_start3A_159] : memref<125x640x8x128xf32, #tpu.memory_space<hbm>> -> memref<1x16x8x128xf32, #tpu.memory_space<hbm>>
        %dma_start3A_161 = tpu.memref_squeeze %dma_start3A_160 : memref<1x16x8x128xf32, #tpu.memory_space<hbm>> -> memref<16x8x128xf32, #tpu.memory_space<hbm>>
        %dma_start3A_162 = arith.constant 0 : i32
        %dma_start3A_163 = arith.constant 0 : i32
        %dma_start3A_164 = arith.constant 0 : i32
        %dma_start3A_165 = tpu.memref_slice %arg11[%dma_start3A_148, %dma_start3A_162, %dma_start3A_163, %dma_start3A_164] : memref<4x16x8x128xf32, #tpu.memory_space<vmem>> -> memref<1x16x8x128xf32, #tpu.memory_space<vmem>>
        %dma_start3A_166 = tpu.memref_squeeze %dma_start3A_165 : memref<1x16x8x128xf32, #tpu.memory_space<vmem>> -> memref<16x8x128xf32, #tpu.memory_space<vmem>>
        tpu.enqueue_dma source(%dma_start3A_166 : memref<16x8x128xf32, #tpu.memory_space<vmem>>) target(%dma_start3A_161 : memref<16x8x128xf32, #tpu.memory_space<hbm>>) target_semaphore(%arg20 : memref<!tpu.dma_semaphore, #tpu.memory_space<semaphore_mem>>)
      } else {
      }
      %lt3A_91 = arith.constant 125 : i32
      %lt3A_92 = arith.cmpi slt, %add3A_13, %lt3A_91 : i32
      %convert_element_type3A_93 = arith.extui %lt3A_92 : i1 to i32
      %cond3A_94 = arith.constant 0 : i32
      %cond3A_95 = arith.cmpi ne, %convert_element_type3A_93, %cond3A_94 : i32
      scf.if %cond3A_95 {
        %gt3A_136 = arith.constant 0 : i32
        %gt3A_137 = arith.cmpi sgt, %add3A_71, %gt3A_136 : i32
        %convert_element_type3A_138 = arith.extui %gt3A_137 : i1 to i32
        %cond3A_139 = arith.constant 0 : i32
        %cond3A_140 = arith.cmpi ne, %convert_element_type3A_138, %cond3A_139 : i32
        scf.if %cond3A_140 {
          %sub3A = arith.constant 1 : i32
          %sub3A_167 = arith.subi %add3A_71, %sub3A : i32
          %mul3A_168 = arith.constant 16 : i32
          %mul3A_169 = arith.muli %sub3A_167, %mul3A_168 : i32
          %dma_wait3A_170 = arith.constant 3 : i32
          %dma_wait3A_171 = arith.constant 0 : i32
          %dma_wait3A_172 = arith.constant 0 : i32
          %dma_wait3A_173 = arith.constant 0 : i32
          %dma_wait3A_174 = tpu.memref_slice %arg11[%dma_wait3A_170, %dma_wait3A_171, %dma_wait3A_172, %dma_wait3A_173] : memref<4x16x8x128xf32, #tpu.memory_space<vmem>> -> memref<1x16x8x128xf32, #tpu.memory_space<vmem>>
          %dma_wait3A_175 = tpu.memref_squeeze %dma_wait3A_174 : memref<1x16x8x128xf32, #tpu.memory_space<vmem>> -> memref<16x8x128xf32, #tpu.memory_space<vmem>>
          %dma_wait3A_176 = arith.constant 0 : i32
          %dma_wait3A_177 = arith.constant 0 : i32
          %dma_wait3A_178 = tpu.memref_slice %arg6[%add3A_13, %mul3A_169, %dma_wait3A_176, %dma_wait3A_177] : memref<125x640x8x128xf32, #tpu.memory_space<hbm>> -> memref<1x16x8x128xf32, #tpu.memory_space<hbm>>
          %dma_wait3A_179 = tpu.memref_squeeze %dma_wait3A_178 : memref<1x16x8x128xf32, #tpu.memory_space<hbm>> -> memref<16x8x128xf32, #tpu.memory_space<hbm>>
          %dma_wait3A_180 = arith.constant 0 : i32
          %dma_wait3A_181 = arith.constant 0 : i32
          %dma_wait3A_182 = tpu.memref_slice %arg6[%add3A_13, %mul3A_169, %dma_wait3A_180, %dma_wait3A_181] : memref<125x640x8x128xf32, #tpu.memory_space<hbm>> -> memref<1x16x8x128xf32, #tpu.memory_space<hbm>>
          %dma_wait3A_183 = tpu.memref_squeeze %dma_wait3A_182 : memref<1x16x8x128xf32, #tpu.memory_space<hbm>> -> memref<16x8x128xf32, #tpu.memory_space<hbm>>
          %dma_wait3A_184 = arith.constant 0 : i32
          %dma_wait3A_185 = arith.constant 0 : i32
          %dma_wait3A_186 = arith.constant 0 : i32
          %dma_wait3A_187 = tpu.memref_slice %arg11[%dma_wait3A_170, %dma_wait3A_184, %dma_wait3A_185, %dma_wait3A_186] : memref<4x16x8x128xf32, #tpu.memory_space<vmem>> -> memref<1x16x8x128xf32, #tpu.memory_space<vmem>>
          %dma_wait3A_188 = tpu.memref_squeeze %dma_wait3A_187 : memref<1x16x8x128xf32, #tpu.memory_space<vmem>> -> memref<16x8x128xf32, #tpu.memory_space<vmem>>
          tpu.wait_dma2 semaphore(%arg21 : memref<!tpu.dma_semaphore, #tpu.memory_space<semaphore_mem>>) src(%dma_wait3A_188 : memref<16x8x128xf32, #tpu.memory_space<vmem>>) dst(%dma_wait3A_183 : memref<16x8x128xf32, #tpu.memory_space<hbm>>)
        } else {
        }
        %parallel_loop3A_141 = arith.constant 0 : i32
        %parallel_loop3A_142 = arith.constant 128 : i32
        %parallel_loop3A_143 = arith.constant 1 : i32
        %parallel_loop3A_144 = arith.constant 3 : i32
        %parallel_loop3A_145 = arith.constant 3 : i32
        scf.for %parallel_loop3A_167 = %parallel_loop3A_141 to %parallel_loop3A_142 step %parallel_loop3A_143  : i32 {
          %parallel_loop3A_168 = arith.constant 8 : i32
          %parallel_loop3A_169 = arith.divsi %parallel_loop3A_167, %parallel_loop3A_168 : i32
          %parallel_loop3A_170 = arith.constant 0 : i32
          %parallel_loop3A_171 = arith.cmpi sgt, %parallel_loop3A_167, %parallel_loop3A_170 : i32
          %parallel_loop3A_172 = arith.extui %parallel_loop3A_171 : i1 to i32
          %parallel_loop3A_173 = arith.constant 0 : i32
          %parallel_loop3A_174 = arith.cmpi slt, %parallel_loop3A_167, %parallel_loop3A_173 : i32
          %parallel_loop3A_175 = arith.extui %parallel_loop3A_174 : i1 to i32
          %parallel_loop3A_176 = arith.subi %parallel_loop3A_172, %parallel_loop3A_175 : i32
          %parallel_loop3A_177 = arith.constant 0 : i32
          %parallel_loop3A_178 = arith.cmpi sgt, %parallel_loop3A_168, %parallel_loop3A_177 : i32
          %parallel_loop3A_179 = arith.extui %parallel_loop3A_178 : i1 to i32
          %parallel_loop3A_180 = arith.constant 0 : i32
          %parallel_loop3A_181 = arith.cmpi slt, %parallel_loop3A_168, %parallel_loop3A_180 : i32
          %parallel_loop3A_182 = arith.extui %parallel_loop3A_181 : i1 to i32
          %parallel_loop3A_183 = arith.subi %parallel_loop3A_179, %parallel_loop3A_182 : i32
          %parallel_loop3A_184 = arith.cmpi ne, %parallel_loop3A_176, %parallel_loop3A_183 : i32
          %parallel_loop3A_185 = arith.remsi %parallel_loop3A_167, %parallel_loop3A_168 : i32
          %parallel_loop3A_186 = arith.constant 0 : i32
          %parallel_loop3A_187 = arith.cmpi ne, %parallel_loop3A_185, %parallel_loop3A_186 : i32
          %parallel_loop3A_188 = arith.andi %parallel_loop3A_184, %parallel_loop3A_187 : i1
          %parallel_loop3A_189 = arith.constant 1 : i32
          %parallel_loop3A_190 = arith.subi %parallel_loop3A_169, %parallel_loop3A_189 : i32
          %parallel_loop3A_191 = arith.select %parallel_loop3A_188, %parallel_loop3A_190, %parallel_loop3A_169 : i32
          %parallel_loop3A_192 = arith.constant 8 : i32
          %parallel_loop3A_193 = arith.constant 0 : i32
          %parallel_loop3A_194 = arith.cmpi eq, %parallel_loop3A_192, %parallel_loop3A_193 : i32
          %parallel_loop3A_195 = arith.constant 1 : i32
          %parallel_loop3A_196 = arith.select %parallel_loop3A_194, %parallel_loop3A_195, %parallel_loop3A_192 : i32
          %parallel_loop3A_197 = arith.remsi %parallel_loop3A_167, %parallel_loop3A_196 : i32
          %parallel_loop3A_198 = arith.constant 0 : i32
          %parallel_loop3A_199 = arith.cmpi ne, %parallel_loop3A_197, %parallel_loop3A_198 : i32
          %parallel_loop3A_200 = arith.constant 0 : i32
          %parallel_loop3A_201 = arith.cmpi slt, %parallel_loop3A_197, %parallel_loop3A_200 : i32
          %parallel_loop3A_202 = arith.constant 0 : i32
          %parallel_loop3A_203 = arith.cmpi slt, %parallel_loop3A_196, %parallel_loop3A_202 : i32
          %parallel_loop3A_204 = arith.xori %parallel_loop3A_201, %parallel_loop3A_203 : i1
          %parallel_loop3A_205 = arith.andi %parallel_loop3A_204, %parallel_loop3A_199 : i1
          %parallel_loop3A_206 = arith.addi %parallel_loop3A_197, %parallel_loop3A_196 : i32
          %parallel_loop3A_207 = arith.select %parallel_loop3A_205, %parallel_loop3A_206, %parallel_loop3A_197 : i32
          %parallel_loop3A_208 = arith.constant 16 : i32
          %parallel_loop3A_209 = arith.muli %parallel_loop3A_167, %parallel_loop3A_208 : i32
          %parallel_loop3A_210 = arith.index_cast %parallel_loop3A_209 : i32 to index
          %parallel_loop3A_211 = tpu.vector_load %arg9[%parallel_loop3A_210] {strides = array<i32>} : memref<2048xi32, #tpu.memory_space<vmem>>, vector<16xi32>,
          %parallel_loop3A_212 = arith.constant 0 : i32
          %parallel_loop3A_213 = vector.broadcast %parallel_loop3A_212 : i32 to vector<16xi32>
          %parallel_loop3A_214 = arith.addi %parallel_loop3A_211, %parallel_loop3A_213 : vector<16xi32>
          %parallel_loop3A_215 = arith.constant 0 : i32
          %parallel_loop3A_216 = tpu.memref_slice %arg8[%parallel_loop3A_144, %parallel_loop3A_215] : memref<4x8000xf32, #tpu.memory_space<vmem>> -> memref<1x8000xf32, #tpu.memory_space<vmem>>
          %parallel_loop3A_217 = tpu.memref_squeeze %parallel_loop3A_216 : memref<1x8000xf32, #tpu.memory_space<vmem>> -> memref<8000xf32, #tpu.memory_space<vmem>>
          %parallel_loop3A_218 = tpu.vector_load_idx %parallel_loop3A_217[%parallel_loop3A_214] : memref<8000xf32, #tpu.memory_space<vmem>>[vector<16xi32>], vector<16xf32>,
          %parallel_loop3A_219 = arith.constant 16 : i32
          %parallel_loop3A_220 = arith.muli %parallel_loop3A_207, %parallel_loop3A_219 : i32
          %parallel_loop3A_221 = arith.constant 0 : i32
          %parallel_loop3A_222 = arith.constant 0 : i32
          %parallel_loop3A_223 = arith.constant 0 : i32
          %parallel_loop3A_224 = arith.constant 0 : i32
          %parallel_loop3A_225 = tpu.memref_slice %arg11[%parallel_loop3A_145, %parallel_loop3A_222, %parallel_loop3A_223, %parallel_loop3A_224] : memref<4x16x8x128xf32, #tpu.memory_space<vmem>> -> memref<1x16x8x128xf32, #tpu.memory_space<vmem>>
          %parallel_loop3A_226 = tpu.memref_squeeze %parallel_loop3A_225 : memref<1x16x8x128xf32, #tpu.memory_space<vmem>> -> memref<16x8x128xf32, #tpu.memory_space<vmem>>
          %parallel_loop3A_227 = arith.index_cast %parallel_loop3A_191 : i32 to index
          %parallel_loop3A_228 = arith.index_cast %parallel_loop3A_221 : i32 to index
          %parallel_loop3A_229 = arith.index_cast %parallel_loop3A_220 : i32 to index
          %parallel_loop3A_230 = tpu.vector_load %parallel_loop3A_226[%parallel_loop3A_227, %parallel_loop3A_228, %parallel_loop3A_229] {strides = array<i32>} : memref<16x8x128xf32, #tpu.memory_space<vmem>>, vector<16xf32>,
          tpu.vector_store %parallel_loop3A_226[%parallel_loop3A_227, %parallel_loop3A_228, %parallel_loop3A_229], %parallel_loop3A_218 {strides = array<i32>} : memref<16x8x128xf32, #tpu.memory_space<vmem>>, vector<16xf32>,
          %parallel_loop3A_231 = arith.constant 1000 : i32
          %parallel_loop3A_232 = vector.broadcast %parallel_loop3A_231 : i32 to vector<16xi32>
          %parallel_loop3A_233 = arith.addi %parallel_loop3A_211, %parallel_loop3A_232 : vector<16xi32>
          %parallel_loop3A_234 = arith.constant 0 : i32
          %parallel_loop3A_235 = tpu.memref_slice %arg8[%parallel_loop3A_144, %parallel_loop3A_234] : memref<4x8000xf32, #tpu.memory_space<vmem>> -> memref<1x8000xf32, #tpu.memory_space<vmem>>
          %parallel_loop3A_236 = tpu.memref_squeeze %parallel_loop3A_235 : memref<1x8000xf32, #tpu.memory_space<vmem>> -> memref<8000xf32, #tpu.memory_space<vmem>>
          %parallel_loop3A_237 = tpu.vector_load_idx %parallel_loop3A_236[%parallel_loop3A_233] : memref<8000xf32, #tpu.memory_space<vmem>>[vector<16xi32>], vector<16xf32>,
          %parallel_loop3A_238 = arith.constant 16 : i32
          %parallel_loop3A_239 = arith.muli %parallel_loop3A_207, %parallel_loop3A_238 : i32
          %parallel_loop3A_240 = arith.constant 1 : i32
          %parallel_loop3A_241 = arith.constant 0 : i32
          %parallel_loop3A_242 = arith.constant 0 : i32
          %parallel_loop3A_243 = arith.constant 0 : i32
          %parallel_loop3A_244 = tpu.memref_slice %arg11[%parallel_loop3A_145, %parallel_loop3A_241, %parallel_loop3A_242, %parallel_loop3A_243] : memref<4x16x8x128xf32, #tpu.memory_space<vmem>> -> memref<1x16x8x128xf32, #tpu.memory_space<vmem>>
          %parallel_loop3A_245 = tpu.memref_squeeze %parallel_loop3A_244 : memref<1x16x8x128xf32, #tpu.memory_space<vmem>> -> memref<16x8x128xf32, #tpu.memory_space<vmem>>
          %parallel_loop3A_246 = arith.index_cast %parallel_loop3A_191 : i32 to index
          %parallel_loop3A_247 = arith.index_cast %parallel_loop3A_240 : i32 to index
          %parallel_loop3A_248 = arith.index_cast %parallel_loop3A_239 : i32 to index
          %parallel_loop3A_249 = tpu.vector_load %parallel_loop3A_245[%parallel_loop3A_246, %parallel_loop3A_247, %parallel_loop3A_248] {strides = array<i32>} : memref<16x8x128xf32, #tpu.memory_space<vmem>>, vector<16xf32>,
          tpu.vector_store %parallel_loop3A_245[%parallel_loop3A_246, %parallel_loop3A_247, %parallel_loop3A_248], %parallel_loop3A_237 {strides = array<i32>} : memref<16x8x128xf32, #tpu.memory_space<vmem>>, vector<16xf32>,
          %parallel_loop3A_250 = arith.constant 2000 : i32
          %parallel_loop3A_251 = vector.broadcast %parallel_loop3A_250 : i32 to vector<16xi32>
          %parallel_loop3A_252 = arith.addi %parallel_loop3A_211, %parallel_loop3A_251 : vector<16xi32>
          %parallel_loop3A_253 = arith.constant 0 : i32
          %parallel_loop3A_254 = tpu.memref_slice %arg8[%parallel_loop3A_144, %parallel_loop3A_253] : memref<4x8000xf32, #tpu.memory_space<vmem>> -> memref<1x8000xf32, #tpu.memory_space<vmem>>
          %parallel_loop3A_255 = tpu.memref_squeeze %parallel_loop3A_254 : memref<1x8000xf32, #tpu.memory_space<vmem>> -> memref<8000xf32, #tpu.memory_space<vmem>>
          %parallel_loop3A_256 = tpu.vector_load_idx %parallel_loop3A_255[%parallel_loop3A_252] : memref<8000xf32, #tpu.memory_space<vmem>>[vector<16xi32>], vector<16xf32>,
          %parallel_loop3A_257 = arith.constant 16 : i32
          %parallel_loop3A_258 = arith.muli %parallel_loop3A_207, %parallel_loop3A_257 : i32
          %parallel_loop3A_259 = arith.constant 2 : i32
          %parallel_loop3A_260 = arith.constant 0 : i32
          %parallel_loop3A_261 = arith.constant 0 : i32
          %parallel_loop3A_262 = arith.constant 0 : i32
          %parallel_loop3A_263 = tpu.memref_slice %arg11[%parallel_loop3A_145, %parallel_loop3A_260, %parallel_loop3A_261, %parallel_loop3A_262] : memref<4x16x8x128xf32, #tpu.memory_space<vmem>> -> memref<1x16x8x128xf32, #tpu.memory_space<vmem>>
          %parallel_loop3A_264 = tpu.memref_squeeze %parallel_loop3A_263 : memref<1x16x8x128xf32, #tpu.memory_space<vmem>> -> memref<16x8x128xf32, #tpu.memory_space<vmem>>
          %parallel_loop3A_265 = arith.index_cast %parallel_loop3A_191 : i32 to index
          %parallel_loop3A_266 = arith.index_cast %parallel_loop3A_259 : i32 to index
          %parallel_loop3A_267 = arith.index_cast %parallel_loop3A_258 : i32 to index
          %parallel_loop3A_268 = tpu.vector_load %parallel_loop3A_264[%parallel_loop3A_265, %parallel_loop3A_266, %parallel_loop3A_267] {strides = array<i32>} : memref<16x8x128xf32, #tpu.memory_space<vmem>>, vector<16xf32>,
          tpu.vector_store %parallel_loop3A_264[%parallel_loop3A_265, %parallel_loop3A_266, %parallel_loop3A_267], %parallel_loop3A_256 {strides = array<i32>} : memref<16x8x128xf32, #tpu.memory_space<vmem>>, vector<16xf32>,
          %parallel_loop3A_269 = arith.constant 3000 : i32
          %parallel_loop3A_270 = vector.broadcast %parallel_loop3A_269 : i32 to vector<16xi32>
          %parallel_loop3A_271 = arith.addi %parallel_loop3A_211, %parallel_loop3A_270 : vector<16xi32>
          %parallel_loop3A_272 = arith.constant 0 : i32
          %parallel_loop3A_273 = tpu.memref_slice %arg8[%parallel_loop3A_144, %parallel_loop3A_272] : memref<4x8000xf32, #tpu.memory_space<vmem>> -> memref<1x8000xf32, #tpu.memory_space<vmem>>
          %parallel_loop3A_274 = tpu.memref_squeeze %parallel_loop3A_273 : memref<1x8000xf32, #tpu.memory_space<vmem>> -> memref<8000xf32, #tpu.memory_space<vmem>>
          %parallel_loop3A_275 = tpu.vector_load_idx %parallel_loop3A_274[%parallel_loop3A_271] : memref<8000xf32, #tpu.memory_space<vmem>>[vector<16xi32>], vector<16xf32>,
          %parallel_loop3A_276 = arith.constant 16 : i32
          %parallel_loop3A_277 = arith.muli %parallel_loop3A_207, %parallel_loop3A_276 : i32
          %parallel_loop3A_278 = arith.constant 3 : i32
          %parallel_loop3A_279 = arith.constant 0 : i32
          %parallel_loop3A_280 = arith.constant 0 : i32
          %parallel_loop3A_281 = arith.constant 0 : i32
          %parallel_loop3A_282 = tpu.memref_slice %arg11[%parallel_loop3A_145, %parallel_loop3A_279, %parallel_loop3A_280, %parallel_loop3A_281] : memref<4x16x8x128xf32, #tpu.memory_space<vmem>> -> memref<1x16x8x128xf32, #tpu.memory_space<vmem>>
          %parallel_loop3A_283 = tpu.memref_squeeze %parallel_loop3A_282 : memref<1x16x8x128xf32, #tpu.memory_space<vmem>> -> memref<16x8x128xf32, #tpu.memory_space<vmem>>
          %parallel_loop3A_284 = arith.index_cast %parallel_loop3A_191 : i32 to index
          %parallel_loop3A_285 = arith.index_cast %parallel_loop3A_278 : i32 to index
          %parallel_loop3A_286 = arith.index_cast %parallel_loop3A_277 : i32 to index
          %parallel_loop3A_287 = tpu.vector_load %parallel_loop3A_283[%parallel_loop3A_284, %parallel_loop3A_285, %parallel_loop3A_286] {strides = array<i32>} : memref<16x8x128xf32, #tpu.memory_space<vmem>>, vector<16xf32>,
          tpu.vector_store %parallel_loop3A_283[%parallel_loop3A_284, %parallel_loop3A_285, %parallel_loop3A_286], %parallel_loop3A_275 {strides = array<i32>} : memref<16x8x128xf32, #tpu.memory_space<vmem>>, vector<16xf32>,
          %parallel_loop3A_288 = arith.constant 4000 : i32
          %parallel_loop3A_289 = vector.broadcast %parallel_loop3A_288 : i32 to vector<16xi32>
          %parallel_loop3A_290 = arith.addi %parallel_loop3A_211, %parallel_loop3A_289 : vector<16xi32>
          %parallel_loop3A_291 = arith.constant 0 : i32
          %parallel_loop3A_292 = tpu.memref_slice %arg8[%parallel_loop3A_144, %parallel_loop3A_291] : memref<4x8000xf32, #tpu.memory_space<vmem>> -> memref<1x8000xf32, #tpu.memory_space<vmem>>
          %parallel_loop3A_293 = tpu.memref_squeeze %parallel_loop3A_292 : memref<1x8000xf32, #tpu.memory_space<vmem>> -> memref<8000xf32, #tpu.memory_space<vmem>>
          %parallel_loop3A_294 = tpu.vector_load_idx %parallel_loop3A_293[%parallel_loop3A_290] : memref<8000xf32, #tpu.memory_space<vmem>>[vector<16xi32>], vector<16xf32>,
          %parallel_loop3A_295 = arith.constant 16 : i32
          %parallel_loop3A_296 = arith.muli %parallel_loop3A_207, %parallel_loop3A_295 : i32
          %parallel_loop3A_297 = arith.constant 4 : i32
          %parallel_loop3A_298 = arith.constant 0 : i32
          %parallel_loop3A_299 = arith.constant 0 : i32
          %parallel_loop3A_300 = arith.constant 0 : i32
          %parallel_loop3A_301 = tpu.memref_slice %arg11[%parallel_loop3A_145, %parallel_loop3A_298, %parallel_loop3A_299, %parallel_loop3A_300] : memref<4x16x8x128xf32, #tpu.memory_space<vmem>> -> memref<1x16x8x128xf32, #tpu.memory_space<vmem>>
          %parallel_loop3A_302 = tpu.memref_squeeze %parallel_loop3A_301 : memref<1x16x8x128xf32, #tpu.memory_space<vmem>> -> memref<16x8x128xf32, #tpu.memory_space<vmem>>
          %parallel_loop3A_303 = arith.index_cast %parallel_loop3A_191 : i32 to index
          %parallel_loop3A_304 = arith.index_cast %parallel_loop3A_297 : i32 to index
          %parallel_loop3A_305 = arith.index_cast %parallel_loop3A_296 : i32 to index
          %parallel_loop3A_306 = tpu.vector_load %parallel_loop3A_302[%parallel_loop3A_303, %parallel_loop3A_304, %parallel_loop3A_305] {strides = array<i32>} : memref<16x8x128xf32, #tpu.memory_space<vmem>>, vector<16xf32>,
          tpu.vector_store %parallel_loop3A_302[%parallel_loop3A_303, %parallel_loop3A_304, %parallel_loop3A_305], %parallel_loop3A_294 {strides = array<i32>} : memref<16x8x128xf32, #tpu.memory_space<vmem>>, vector<16xf32>,
          %parallel_loop3A_307 = arith.constant 5000 : i32
          %parallel_loop3A_308 = vector.broadcast %parallel_loop3A_307 : i32 to vector<16xi32>
          %parallel_loop3A_309 = arith.addi %parallel_loop3A_211, %parallel_loop3A_308 : vector<16xi32>
          %parallel_loop3A_310 = arith.constant 0 : i32
          %parallel_loop3A_311 = tpu.memref_slice %arg8[%parallel_loop3A_144, %parallel_loop3A_310] : memref<4x8000xf32, #tpu.memory_space<vmem>> -> memref<1x8000xf32, #tpu.memory_space<vmem>>
          %parallel_loop3A_312 = tpu.memref_squeeze %parallel_loop3A_311 : memref<1x8000xf32, #tpu.memory_space<vmem>> -> memref<8000xf32, #tpu.memory_space<vmem>>
          %parallel_loop3A_313 = tpu.vector_load_idx %parallel_loop3A_312[%parallel_loop3A_309] : memref<8000xf32, #tpu.memory_space<vmem>>[vector<16xi32>], vector<16xf32>,
          %parallel_loop3A_314 = arith.constant 16 : i32
          %parallel_loop3A_315 = arith.muli %parallel_loop3A_207, %parallel_loop3A_314 : i32
          %parallel_loop3A_316 = arith.constant 5 : i32
          %parallel_loop3A_317 = arith.constant 0 : i32
          %parallel_loop3A_318 = arith.constant 0 : i32
          %parallel_loop3A_319 = arith.constant 0 : i32
          %parallel_loop3A_320 = tpu.memref_slice %arg11[%parallel_loop3A_145, %parallel_loop3A_317, %parallel_loop3A_318, %parallel_loop3A_319] : memref<4x16x8x128xf32, #tpu.memory_space<vmem>> -> memref<1x16x8x128xf32, #tpu.memory_space<vmem>>
          %parallel_loop3A_321 = tpu.memref_squeeze %parallel_loop3A_320 : memref<1x16x8x128xf32, #tpu.memory_space<vmem>> -> memref<16x8x128xf32, #tpu.memory_space<vmem>>
          %parallel_loop3A_322 = arith.index_cast %parallel_loop3A_191 : i32 to index
          %parallel_loop3A_323 = arith.index_cast %parallel_loop3A_316 : i32 to index
          %parallel_loop3A_324 = arith.index_cast %parallel_loop3A_315 : i32 to index
          %parallel_loop3A_325 = tpu.vector_load %parallel_loop3A_321[%parallel_loop3A_322, %parallel_loop3A_323, %parallel_loop3A_324] {strides = array<i32>} : memref<16x8x128xf32, #tpu.memory_space<vmem>>, vector<16xf32>,
          tpu.vector_store %parallel_loop3A_321[%parallel_loop3A_322, %parallel_loop3A_323, %parallel_loop3A_324], %parallel_loop3A_313 {strides = array<i32>} : memref<16x8x128xf32, #tpu.memory_space<vmem>>, vector<16xf32>,
          %parallel_loop3A_326 = arith.constant 6000 : i32
          %parallel_loop3A_327 = vector.broadcast %parallel_loop3A_326 : i32 to vector<16xi32>
          %parallel_loop3A_328 = arith.addi %parallel_loop3A_211, %parallel_loop3A_327 : vector<16xi32>
          %parallel_loop3A_329 = arith.constant 0 : i32
          %parallel_loop3A_330 = tpu.memref_slice %arg8[%parallel_loop3A_144, %parallel_loop3A_329] : memref<4x8000xf32, #tpu.memory_space<vmem>> -> memref<1x8000xf32, #tpu.memory_space<vmem>>
          %parallel_loop3A_331 = tpu.memref_squeeze %parallel_loop3A_330 : memref<1x8000xf32, #tpu.memory_space<vmem>> -> memref<8000xf32, #tpu.memory_space<vmem>>
          %parallel_loop3A_332 = tpu.vector_load_idx %parallel_loop3A_331[%parallel_loop3A_328] : memref<8000xf32, #tpu.memory_space<vmem>>[vector<16xi32>], vector<16xf32>,
          %parallel_loop3A_333 = arith.constant 16 : i32
          %parallel_loop3A_334 = arith.muli %parallel_loop3A_207, %parallel_loop3A_333 : i32
          %parallel_loop3A_335 = arith.constant 6 : i32
          %parallel_loop3A_336 = arith.constant 0 : i32
          %parallel_loop3A_337 = arith.constant 0 : i32
          %parallel_loop3A_338 = arith.constant 0 : i32
          %parallel_loop3A_339 = tpu.memref_slice %arg11[%parallel_loop3A_145, %parallel_loop3A_336, %parallel_loop3A_337, %parallel_loop3A_338] : memref<4x16x8x128xf32, #tpu.memory_space<vmem>> -> memref<1x16x8x128xf32, #tpu.memory_space<vmem>>
          %parallel_loop3A_340 = tpu.memref_squeeze %parallel_loop3A_339 : memref<1x16x8x128xf32, #tpu.memory_space<vmem>> -> memref<16x8x128xf32, #tpu.memory_space<vmem>>
          %parallel_loop3A_341 = arith.index_cast %parallel_loop3A_191 : i32 to index
          %parallel_loop3A_342 = arith.index_cast %parallel_loop3A_335 : i32 to index
          %parallel_loop3A_343 = arith.index_cast %parallel_loop3A_334 : i32 to index
          %parallel_loop3A_344 = tpu.vector_load %parallel_loop3A_340[%parallel_loop3A_341, %parallel_loop3A_342, %parallel_loop3A_343] {strides = array<i32>} : memref<16x8x128xf32, #tpu.memory_space<vmem>>, vector<16xf32>,
          tpu.vector_store %parallel_loop3A_340[%parallel_loop3A_341, %parallel_loop3A_342, %parallel_loop3A_343], %parallel_loop3A_332 {strides = array<i32>} : memref<16x8x128xf32, #tpu.memory_space<vmem>>, vector<16xf32>,
          %parallel_loop3A_345 = arith.constant 7000 : i32
          %parallel_loop3A_346 = vector.broadcast %parallel_loop3A_345 : i32 to vector<16xi32>
          %parallel_loop3A_347 = arith.addi %parallel_loop3A_211, %parallel_loop3A_346 : vector<16xi32>
          %parallel_loop3A_348 = arith.constant 0 : i32
          %parallel_loop3A_349 = tpu.memref_slice %arg8[%parallel_loop3A_144, %parallel_loop3A_348] : memref<4x8000xf32, #tpu.memory_space<vmem>> -> memref<1x8000xf32, #tpu.memory_space<vmem>>
          %parallel_loop3A_350 = tpu.memref_squeeze %parallel_loop3A_349 : memref<1x8000xf32, #tpu.memory_space<vmem>> -> memref<8000xf32, #tpu.memory_space<vmem>>
          %parallel_loop3A_351 = tpu.vector_load_idx %parallel_loop3A_350[%parallel_loop3A_347] : memref<8000xf32, #tpu.memory_space<vmem>>[vector<16xi32>], vector<16xf32>,
          %parallel_loop3A_352 = arith.constant 16 : i32
          %parallel_loop3A_353 = arith.muli %parallel_loop3A_207, %parallel_loop3A_352 : i32
          %parallel_loop3A_354 = arith.constant 7 : i32
          %parallel_loop3A_355 = arith.constant 0 : i32
          %parallel_loop3A_356 = arith.constant 0 : i32
          %parallel_loop3A_357 = arith.constant 0 : i32
          %parallel_loop3A_358 = tpu.memref_slice %arg11[%parallel_loop3A_145, %parallel_loop3A_355, %parallel_loop3A_356, %parallel_loop3A_357] : memref<4x16x8x128xf32, #tpu.memory_space<vmem>> -> memref<1x16x8x128xf32, #tpu.memory_space<vmem>>
          %parallel_loop3A_359 = tpu.memref_squeeze %parallel_loop3A_358 : memref<1x16x8x128xf32, #tpu.memory_space<vmem>> -> memref<16x8x128xf32, #tpu.memory_space<vmem>>
          %parallel_loop3A_360 = arith.index_cast %parallel_loop3A_191 : i32 to index
          %parallel_loop3A_361 = arith.index_cast %parallel_loop3A_354 : i32 to index
          %parallel_loop3A_362 = arith.index_cast %parallel_loop3A_353 : i32 to index
          %parallel_loop3A_363 = tpu.vector_load %parallel_loop3A_359[%parallel_loop3A_360, %parallel_loop3A_361, %parallel_loop3A_362] {strides = array<i32>} : memref<16x8x128xf32, #tpu.memory_space<vmem>>, vector<16xf32>,
          tpu.vector_store %parallel_loop3A_359[%parallel_loop3A_360, %parallel_loop3A_361, %parallel_loop3A_362], %parallel_loop3A_351 {strides = array<i32>} : memref<16x8x128xf32, #tpu.memory_space<vmem>>, vector<16xf32>,
        } {sc.loop_unroll_factor = 4 : i64, sc.parallel_access}
        %mul3A_146 = arith.constant 16 : i32
        %mul3A_147 = arith.muli %add3A_71, %mul3A_146 : i32
        %dma_start3A_148 = arith.constant 3 : i32
        %dma_start3A_149 = arith.constant 0 : i32
        %dma_start3A_150 = arith.constant 0 : i32
        %dma_start3A_151 = arith.constant 0 : i32
        %dma_start3A_152 = tpu.memref_slice %arg11[%dma_start3A_148, %dma_start3A_149, %dma_start3A_150, %dma_start3A_151] : memref<4x16x8x128xf32, #tpu.memory_space<vmem>> -> memref<1x16x8x128xf32, #tpu.memory_space<vmem>>
        %dma_start3A_153 = tpu.memref_squeeze %dma_start3A_152 : memref<1x16x8x128xf32, #tpu.memory_space<vmem>> -> memref<16x8x128xf32, #tpu.memory_space<vmem>>
        %dma_start3A_154 = arith.constant 0 : i32
        %dma_start3A_155 = arith.constant 0 : i32
        %dma_start3A_156 = tpu.memref_slice %arg6[%add3A_13, %mul3A_147, %dma_start3A_154, %dma_start3A_155] : memref<125x640x8x128xf32, #tpu.memory_space<hbm>> -> memref<1x16x8x128xf32, #tpu.memory_space<hbm>>
        %dma_start3A_157 = tpu.memref_squeeze %dma_start3A_156 : memref<1x16x8x128xf32, #tpu.memory_space<hbm>> -> memref<16x8x128xf32, #tpu.memory_space<hbm>>
        %dma_start3A_158 = arith.constant 0 : i32
        %dma_start3A_159 = arith.constant 0 : i32
        %dma_start3A_160 = tpu.memref_slice %arg6[%add3A_13, %mul3A_147, %dma_start3A_158, %dma_start3A_159] : memref<125x640x8x128xf32, #tpu.memory_space<hbm>> -> memref<1x16x8x128xf32, #tpu.memory_space<hbm>>
        %dma_start3A_161 = tpu.memref_squeeze %dma_start3A_160 : memref<1x16x8x128xf32, #tpu.memory_space<hbm>> -> memref<16x8x128xf32, #tpu.memory_space<hbm>>
        %dma_start3A_162 = arith.constant 0 : i32
        %dma_start3A_163 = arith.constant 0 : i32
        %dma_start3A_164 = arith.constant 0 : i32
        %dma_start3A_165 = tpu.memref_slice %arg11[%dma_start3A_148, %dma_start3A_162, %dma_start3A_163, %dma_start3A_164] : memref<4x16x8x128xf32, #tpu.memory_space<vmem>> -> memref<1x16x8x128xf32, #tpu.memory_space<vmem>>
        %dma_start3A_166 = tpu.memref_squeeze %dma_start3A_165 : memref<1x16x8x128xf32, #tpu.memory_space<vmem>> -> memref<16x8x128xf32, #tpu.memory_space<vmem>>
        tpu.enqueue_dma source(%dma_start3A_166 : memref<16x8x128xf32, #tpu.memory_space<vmem>>) target(%dma_start3A_161 : memref<16x8x128xf32, #tpu.memory_space<hbm>>) target_semaphore(%arg21 : memref<!tpu.dma_semaphore, #tpu.memory_space<semaphore_mem>>)
      } else {
      }
      %add3A_96 = arith.constant 2 : i32
      %add3A_97 = arith.addi %add3A_71, %add3A_96 : i32
      %lt3A_98 = arith.constant 40 : i32
      %lt3A_99 = arith.cmpi slt, %add3A_97, %lt3A_98 : i32
      %convert_element_type3A_100 = arith.extui %lt3A_99 : i1 to i32
      %cond3A_101 = arith.constant 0 : i32
      %cond3A_102 = arith.cmpi ne, %convert_element_type3A_100, %cond3A_101 : i32
      scf.if %cond3A_102 {
        %add3A_136 = arith.constant 2 : i32
        %add3A_137 = arith.addi %add3A_71, %add3A_136 : i32
        %mul3A_138 = arith.constant 2048 : i32
        %mul3A_139 = arith.muli %add3A_137, %mul3A_138 : i32
        %dma_start3A_140 = tpu.memref_slice %arg2[%mul3A_139] : memref<81920xi32, #tpu.memory_space<hbm>> -> memref<2048xi32, #tpu.memory_space<hbm>>
        %dma_start3A_141 = tpu.memref_slice %arg2[%mul3A_139] : memref<81920xi32, #tpu.memory_space<hbm>> -> memref<2048xi32, #tpu.memory_space<hbm>>
        tpu.enqueue_dma source(%dma_start3A_141 : memref<2048xi32, #tpu.memory_space<hbm>>) target(%arg9 : memref<2048xi32, #tpu.memory_space<vmem>>) target_semaphore(%arg22 : memref<!tpu.dma_semaphore, #tpu.memory_space<semaphore_mem>>)
      } else {
      }
      %add3A_103 = arith.constant 1 : i32
      %add3A_104 = arith.addi %mul3A_69, %add3A_103 : i32
      %mul3A_105 = arith.constant 2048 : i32
      %mul3A_106 = arith.muli %add3A_104, %mul3A_105 : i32
      %dma_wait3A_107 = tpu.memref_slice %arg2[%mul3A_106] : memref<81920xi32, #tpu.memory_space<hbm>> -> memref<2048xi32, #tpu.memory_space<hbm>>
      %dma_wait3A_108 = tpu.memref_slice %arg2[%mul3A_106] : memref<81920xi32, #tpu.memory_space<hbm>> -> memref<2048xi32, #tpu.memory_space<hbm>>
      tpu.wait_dma2 semaphore(%arg23 : memref<!tpu.dma_semaphore, #tpu.memory_space<semaphore_mem>>) src(%dma_wait3A_108 : memref<2048xi32, #tpu.memory_space<hbm>>) dst(%arg10 : memref<2048xi32, #tpu.memory_space<vmem>>)
      %lt3A_109 = arith.constant 125 : i32
      %lt3A_110 = arith.cmpi slt, %add3A_7, %lt3A_109 : i32
      %convert_element_type3A_111 = arith.extui %lt3A_110 : i1 to i32
      %cond3A_112 = arith.constant 0 : i32
      %cond3A_113 = arith.cmpi ne, %convert_element_type3A_111, %cond3A_112 : i32
      scf.if %cond3A_113 {
        %gt3A_136 = arith.constant 0 : i32
        %gt3A_137 = arith.cmpi sgt, %add3A_104, %gt3A_136 : i32
        %convert_element_type3A_138 = arith.extui %gt3A_137 : i1 to i32
        %cond3A_139 = arith.constant 0 : i32
        %cond3A_140 = arith.cmpi ne, %convert_element_type3A_138, %cond3A_139 : i32
        scf.if %cond3A_140 {
          %sub3A = arith.constant 1 : i32
          %sub3A_167 = arith.subi %add3A_104, %sub3A : i32
          %mul3A_168 = arith.constant 16 : i32
          %mul3A_169 = arith.muli %sub3A_167, %mul3A_168 : i32
          %dma_wait3A_170 = arith.constant 0 : i32
          %dma_wait3A_171 = arith.constant 0 : i32
          %dma_wait3A_172 = arith.constant 0 : i32
          %dma_wait3A_173 = arith.constant 0 : i32
          %dma_wait3A_174 = tpu.memref_slice %arg11[%dma_wait3A_170, %dma_wait3A_171, %dma_wait3A_172, %dma_wait3A_173] : memref<4x16x8x128xf32, #tpu.memory_space<vmem>> -> memref<1x16x8x128xf32, #tpu.memory_space<vmem>>
          %dma_wait3A_175 = tpu.memref_squeeze %dma_wait3A_174 : memref<1x16x8x128xf32, #tpu.memory_space<vmem>> -> memref<16x8x128xf32, #tpu.memory_space<vmem>>
          %dma_wait3A_176 = arith.constant 0 : i32
          %dma_wait3A_177 = arith.constant 0 : i32
          %dma_wait3A_178 = tpu.memref_slice %arg6[%add3A_7, %mul3A_169, %dma_wait3A_176, %dma_wait3A_177] : memref<125x640x8x128xf32, #tpu.memory_space<hbm>> -> memref<1x16x8x128xf32, #tpu.memory_space<hbm>>
          %dma_wait3A_179 = tpu.memref_squeeze %dma_wait3A_178 : memref<1x16x8x128xf32, #tpu.memory_space<hbm>> -> memref<16x8x128xf32, #tpu.memory_space<hbm>>
          %dma_wait3A_180 = arith.constant 0 : i32
          %dma_wait3A_181 = arith.constant 0 : i32
          %dma_wait3A_182 = tpu.memref_slice %arg6[%add3A_7, %mul3A_169, %dma_wait3A_180, %dma_wait3A_181] : memref<125x640x8x128xf32, #tpu.memory_space<hbm>> -> memref<1x16x8x128xf32, #tpu.memory_space<hbm>>
          %dma_wait3A_183 = tpu.memref_squeeze %dma_wait3A_182 : memref<1x16x8x128xf32, #tpu.memory_space<hbm>> -> memref<16x8x128xf32, #tpu.memory_space<hbm>>
          %dma_wait3A_184 = arith.constant 0 : i32
          %dma_wait3A_185 = arith.constant 0 : i32
          %dma_wait3A_186 = arith.constant 0 : i32
          %dma_wait3A_187 = tpu.memref_slice %arg11[%dma_wait3A_170, %dma_wait3A_184, %dma_wait3A_185, %dma_wait3A_186] : memref<4x16x8x128xf32, #tpu.memory_space<vmem>> -> memref<1x16x8x128xf32, #tpu.memory_space<vmem>>
          %dma_wait3A_188 = tpu.memref_squeeze %dma_wait3A_187 : memref<1x16x8x128xf32, #tpu.memory_space<vmem>> -> memref<16x8x128xf32, #tpu.memory_space<vmem>>
          tpu.wait_dma2 semaphore(%arg18 : memref<!tpu.dma_semaphore, #tpu.memory_space<semaphore_mem>>) src(%dma_wait3A_188 : memref<16x8x128xf32, #tpu.memory_space<vmem>>) dst(%dma_wait3A_183 : memref<16x8x128xf32, #tpu.memory_space<hbm>>)
        } else {
        }
        %parallel_loop3A_141 = arith.constant 0 : i32
        %parallel_loop3A_142 = arith.constant 128 : i32
        %parallel_loop3A_143 = arith.constant 1 : i32
        %parallel_loop3A_144 = arith.constant 0 : i32
        %parallel_loop3A_145 = arith.constant 0 : i32
        scf.for %parallel_loop3A_167 = %parallel_loop3A_141 to %parallel_loop3A_142 step %parallel_loop3A_143  : i32 {
          %parallel_loop3A_168 = arith.constant 8 : i32
          %parallel_loop3A_169 = arith.divsi %parallel_loop3A_167, %parallel_loop3A_168 : i32
          %parallel_loop3A_170 = arith.constant 0 : i32
          %parallel_loop3A_171 = arith.cmpi sgt, %parallel_loop3A_167, %parallel_loop3A_170 : i32
          %parallel_loop3A_172 = arith.extui %parallel_loop3A_171 : i1 to i32
          %parallel_loop3A_173 = arith.constant 0 : i32
          %parallel_loop3A_174 = arith.cmpi slt, %parallel_loop3A_167, %parallel_loop3A_173 : i32
          %parallel_loop3A_175 = arith.extui %parallel_loop3A_174 : i1 to i32
          %parallel_loop3A_176 = arith.subi %parallel_loop3A_172, %parallel_loop3A_175 : i32
          %parallel_loop3A_177 = arith.constant 0 : i32
          %parallel_loop3A_178 = arith.cmpi sgt, %parallel_loop3A_168, %parallel_loop3A_177 : i32
          %parallel_loop3A_179 = arith.extui %parallel_loop3A_178 : i1 to i32
          %parallel_loop3A_180 = arith.constant 0 : i32
          %parallel_loop3A_181 = arith.cmpi slt, %parallel_loop3A_168, %parallel_loop3A_180 : i32
          %parallel_loop3A_182 = arith.extui %parallel_loop3A_181 : i1 to i32
          %parallel_loop3A_183 = arith.subi %parallel_loop3A_179, %parallel_loop3A_182 : i32
          %parallel_loop3A_184 = arith.cmpi ne, %parallel_loop3A_176, %parallel_loop3A_183 : i32
          %parallel_loop3A_185 = arith.remsi %parallel_loop3A_167, %parallel_loop3A_168 : i32
          %parallel_loop3A_186 = arith.constant 0 : i32
          %parallel_loop3A_187 = arith.cmpi ne, %parallel_loop3A_185, %parallel_loop3A_186 : i32
          %parallel_loop3A_188 = arith.andi %parallel_loop3A_184, %parallel_loop3A_187 : i1
          %parallel_loop3A_189 = arith.constant 1 : i32
          %parallel_loop3A_190 = arith.subi %parallel_loop3A_169, %parallel_loop3A_189 : i32
          %parallel_loop3A_191 = arith.select %parallel_loop3A_188, %parallel_loop3A_190, %parallel_loop3A_169 : i32
          %parallel_loop3A_192 = arith.constant 8 : i32
          %parallel_loop3A_193 = arith.constant 0 : i32
          %parallel_loop3A_194 = arith.cmpi eq, %parallel_loop3A_192, %parallel_loop3A_193 : i32
          %parallel_loop3A_195 = arith.constant 1 : i32
          %parallel_loop3A_196 = arith.select %parallel_loop3A_194, %parallel_loop3A_195, %parallel_loop3A_192 : i32
          %parallel_loop3A_197 = arith.remsi %parallel_loop3A_167, %parallel_loop3A_196 : i32
          %parallel_loop3A_198 = arith.constant 0 : i32
          %parallel_loop3A_199 = arith.cmpi ne, %parallel_loop3A_197, %parallel_loop3A_198 : i32
          %parallel_loop3A_200 = arith.constant 0 : i32
          %parallel_loop3A_201 = arith.cmpi slt, %parallel_loop3A_197, %parallel_loop3A_200 : i32
          %parallel_loop3A_202 = arith.constant 0 : i32
          %parallel_loop3A_203 = arith.cmpi slt, %parallel_loop3A_196, %parallel_loop3A_202 : i32
          %parallel_loop3A_204 = arith.xori %parallel_loop3A_201, %parallel_loop3A_203 : i1
          %parallel_loop3A_205 = arith.andi %parallel_loop3A_204, %parallel_loop3A_199 : i1
          %parallel_loop3A_206 = arith.addi %parallel_loop3A_197, %parallel_loop3A_196 : i32
          %parallel_loop3A_207 = arith.select %parallel_loop3A_205, %parallel_loop3A_206, %parallel_loop3A_197 : i32
          %parallel_loop3A_208 = arith.constant 16 : i32
          %parallel_loop3A_209 = arith.muli %parallel_loop3A_167, %parallel_loop3A_208 : i32
          %parallel_loop3A_210 = arith.index_cast %parallel_loop3A_209 : i32 to index
          %parallel_loop3A_211 = tpu.vector_load %arg10[%parallel_loop3A_210] {strides = array<i32>} : memref<2048xi32, #tpu.memory_space<vmem>>, vector<16xi32>,
          %parallel_loop3A_212 = arith.constant 0 : i32
          %parallel_loop3A_213 = vector.broadcast %parallel_loop3A_212 : i32 to vector<16xi32>
          %parallel_loop3A_214 = arith.addi %parallel_loop3A_211, %parallel_loop3A_213 : vector<16xi32>
          %parallel_loop3A_215 = arith.constant 0 : i32
          %parallel_loop3A_216 = tpu.memref_slice %arg8[%parallel_loop3A_144, %parallel_loop3A_215] : memref<4x8000xf32, #tpu.memory_space<vmem>> -> memref<1x8000xf32, #tpu.memory_space<vmem>>
          %parallel_loop3A_217 = tpu.memref_squeeze %parallel_loop3A_216 : memref<1x8000xf32, #tpu.memory_space<vmem>> -> memref<8000xf32, #tpu.memory_space<vmem>>
          %parallel_loop3A_218 = tpu.vector_load_idx %parallel_loop3A_217[%parallel_loop3A_214] : memref<8000xf32, #tpu.memory_space<vmem>>[vector<16xi32>], vector<16xf32>,
          %parallel_loop3A_219 = arith.constant 16 : i32
          %parallel_loop3A_220 = arith.muli %parallel_loop3A_207, %parallel_loop3A_219 : i32
          %parallel_loop3A_221 = arith.constant 0 : i32
          %parallel_loop3A_222 = arith.constant 0 : i32
          %parallel_loop3A_223 = arith.constant 0 : i32
          %parallel_loop3A_224 = arith.constant 0 : i32
          %parallel_loop3A_225 = tpu.memref_slice %arg11[%parallel_loop3A_145, %parallel_loop3A_222, %parallel_loop3A_223, %parallel_loop3A_224] : memref<4x16x8x128xf32, #tpu.memory_space<vmem>> -> memref<1x16x8x128xf32, #tpu.memory_space<vmem>>
          %parallel_loop3A_226 = tpu.memref_squeeze %parallel_loop3A_225 : memref<1x16x8x128xf32, #tpu.memory_space<vmem>> -> memref<16x8x128xf32, #tpu.memory_space<vmem>>
          %parallel_loop3A_227 = arith.index_cast %parallel_loop3A_191 : i32 to index
          %parallel_loop3A_228 = arith.index_cast %parallel_loop3A_221 : i32 to index
          %parallel_loop3A_229 = arith.index_cast %parallel_loop3A_220 : i32 to index
          %parallel_loop3A_230 = tpu.vector_load %parallel_loop3A_226[%parallel_loop3A_227, %parallel_loop3A_228, %parallel_loop3A_229] {strides = array<i32>} : memref<16x8x128xf32, #tpu.memory_space<vmem>>, vector<16xf32>,
          tpu.vector_store %parallel_loop3A_226[%parallel_loop3A_227, %parallel_loop3A_228, %parallel_loop3A_229], %parallel_loop3A_218 {strides = array<i32>} : memref<16x8x128xf32, #tpu.memory_space<vmem>>, vector<16xf32>,
          %parallel_loop3A_231 = arith.constant 1000 : i32
          %parallel_loop3A_232 = vector.broadcast %parallel_loop3A_231 : i32 to vector<16xi32>
          %parallel_loop3A_233 = arith.addi %parallel_loop3A_211, %parallel_loop3A_232 : vector<16xi32>
          %parallel_loop3A_234 = arith.constant 0 : i32
          %parallel_loop3A_235 = tpu.memref_slice %arg8[%parallel_loop3A_144, %parallel_loop3A_234] : memref<4x8000xf32, #tpu.memory_space<vmem>> -> memref<1x8000xf32, #tpu.memory_space<vmem>>
          %parallel_loop3A_236 = tpu.memref_squeeze %parallel_loop3A_235 : memref<1x8000xf32, #tpu.memory_space<vmem>> -> memref<8000xf32, #tpu.memory_space<vmem>>
          %parallel_loop3A_237 = tpu.vector_load_idx %parallel_loop3A_236[%parallel_loop3A_233] : memref<8000xf32, #tpu.memory_space<vmem>>[vector<16xi32>], vector<16xf32>,
          %parallel_loop3A_238 = arith.constant 16 : i32
          %parallel_loop3A_239 = arith.muli %parallel_loop3A_207, %parallel_loop3A_238 : i32
          %parallel_loop3A_240 = arith.constant 1 : i32
          %parallel_loop3A_241 = arith.constant 0 : i32
          %parallel_loop3A_242 = arith.constant 0 : i32
          %parallel_loop3A_243 = arith.constant 0 : i32
          %parallel_loop3A_244 = tpu.memref_slice %arg11[%parallel_loop3A_145, %parallel_loop3A_241, %parallel_loop3A_242, %parallel_loop3A_243] : memref<4x16x8x128xf32, #tpu.memory_space<vmem>> -> memref<1x16x8x128xf32, #tpu.memory_space<vmem>>
          %parallel_loop3A_245 = tpu.memref_squeeze %parallel_loop3A_244 : memref<1x16x8x128xf32, #tpu.memory_space<vmem>> -> memref<16x8x128xf32, #tpu.memory_space<vmem>>
          %parallel_loop3A_246 = arith.index_cast %parallel_loop3A_191 : i32 to index
          %parallel_loop3A_247 = arith.index_cast %parallel_loop3A_240 : i32 to index
          %parallel_loop3A_248 = arith.index_cast %parallel_loop3A_239 : i32 to index
          %parallel_loop3A_249 = tpu.vector_load %parallel_loop3A_245[%parallel_loop3A_246, %parallel_loop3A_247, %parallel_loop3A_248] {strides = array<i32>} : memref<16x8x128xf32, #tpu.memory_space<vmem>>, vector<16xf32>,
          tpu.vector_store %parallel_loop3A_245[%parallel_loop3A_246, %parallel_loop3A_247, %parallel_loop3A_248], %parallel_loop3A_237 {strides = array<i32>} : memref<16x8x128xf32, #tpu.memory_space<vmem>>, vector<16xf32>,
          %parallel_loop3A_250 = arith.constant 2000 : i32
          %parallel_loop3A_251 = vector.broadcast %parallel_loop3A_250 : i32 to vector<16xi32>
          %parallel_loop3A_252 = arith.addi %parallel_loop3A_211, %parallel_loop3A_251 : vector<16xi32>
          %parallel_loop3A_253 = arith.constant 0 : i32
          %parallel_loop3A_254 = tpu.memref_slice %arg8[%parallel_loop3A_144, %parallel_loop3A_253] : memref<4x8000xf32, #tpu.memory_space<vmem>> -> memref<1x8000xf32, #tpu.memory_space<vmem>>
          %parallel_loop3A_255 = tpu.memref_squeeze %parallel_loop3A_254 : memref<1x8000xf32, #tpu.memory_space<vmem>> -> memref<8000xf32, #tpu.memory_space<vmem>>
          %parallel_loop3A_256 = tpu.vector_load_idx %parallel_loop3A_255[%parallel_loop3A_252] : memref<8000xf32, #tpu.memory_space<vmem>>[vector<16xi32>], vector<16xf32>,
          %parallel_loop3A_257 = arith.constant 16 : i32
          %parallel_loop3A_258 = arith.muli %parallel_loop3A_207, %parallel_loop3A_257 : i32
          %parallel_loop3A_259 = arith.constant 2 : i32
          %parallel_loop3A_260 = arith.constant 0 : i32
          %parallel_loop3A_261 = arith.constant 0 : i32
          %parallel_loop3A_262 = arith.constant 0 : i32
          %parallel_loop3A_263 = tpu.memref_slice %arg11[%parallel_loop3A_145, %parallel_loop3A_260, %parallel_loop3A_261, %parallel_loop3A_262] : memref<4x16x8x128xf32, #tpu.memory_space<vmem>> -> memref<1x16x8x128xf32, #tpu.memory_space<vmem>>
          %parallel_loop3A_264 = tpu.memref_squeeze %parallel_loop3A_263 : memref<1x16x8x128xf32, #tpu.memory_space<vmem>> -> memref<16x8x128xf32, #tpu.memory_space<vmem>>
          %parallel_loop3A_265 = arith.index_cast %parallel_loop3A_191 : i32 to index
          %parallel_loop3A_266 = arith.index_cast %parallel_loop3A_259 : i32 to index
          %parallel_loop3A_267 = arith.index_cast %parallel_loop3A_258 : i32 to index
          %parallel_loop3A_268 = tpu.vector_load %parallel_loop3A_264[%parallel_loop3A_265, %parallel_loop3A_266, %parallel_loop3A_267] {strides = array<i32>} : memref<16x8x128xf32, #tpu.memory_space<vmem>>, vector<16xf32>,
          tpu.vector_store %parallel_loop3A_264[%parallel_loop3A_265, %parallel_loop3A_266, %parallel_loop3A_267], %parallel_loop3A_256 {strides = array<i32>} : memref<16x8x128xf32, #tpu.memory_space<vmem>>, vector<16xf32>,
          %parallel_loop3A_269 = arith.constant 3000 : i32
          %parallel_loop3A_270 = vector.broadcast %parallel_loop3A_269 : i32 to vector<16xi32>
          %parallel_loop3A_271 = arith.addi %parallel_loop3A_211, %parallel_loop3A_270 : vector<16xi32>
          %parallel_loop3A_272 = arith.constant 0 : i32
          %parallel_loop3A_273 = tpu.memref_slice %arg8[%parallel_loop3A_144, %parallel_loop3A_272] : memref<4x8000xf32, #tpu.memory_space<vmem>> -> memref<1x8000xf32, #tpu.memory_space<vmem>>
          %parallel_loop3A_274 = tpu.memref_squeeze %parallel_loop3A_273 : memref<1x8000xf32, #tpu.memory_space<vmem>> -> memref<8000xf32, #tpu.memory_space<vmem>>
          %parallel_loop3A_275 = tpu.vector_load_idx %parallel_loop3A_274[%parallel_loop3A_271] : memref<8000xf32, #tpu.memory_space<vmem>>[vector<16xi32>], vector<16xf32>,
          %parallel_loop3A_276 = arith.constant 16 : i32
          %parallel_loop3A_277 = arith.muli %parallel_loop3A_207, %parallel_loop3A_276 : i32
          %parallel_loop3A_278 = arith.constant 3 : i32
          %parallel_loop3A_279 = arith.constant 0 : i32
          %parallel_loop3A_280 = arith.constant 0 : i32
          %parallel_loop3A_281 = arith.constant 0 : i32
          %parallel_loop3A_282 = tpu.memref_slice %arg11[%parallel_loop3A_145, %parallel_loop3A_279, %parallel_loop3A_280, %parallel_loop3A_281] : memref<4x16x8x128xf32, #tpu.memory_space<vmem>> -> memref<1x16x8x128xf32, #tpu.memory_space<vmem>>
          %parallel_loop3A_283 = tpu.memref_squeeze %parallel_loop3A_282 : memref<1x16x8x128xf32, #tpu.memory_space<vmem>> -> memref<16x8x128xf32, #tpu.memory_space<vmem>>
          %parallel_loop3A_284 = arith.index_cast %parallel_loop3A_191 : i32 to index
          %parallel_loop3A_285 = arith.index_cast %parallel_loop3A_278 : i32 to index
          %parallel_loop3A_286 = arith.index_cast %parallel_loop3A_277 : i32 to index
          %parallel_loop3A_287 = tpu.vector_load %parallel_loop3A_283[%parallel_loop3A_284, %parallel_loop3A_285, %parallel_loop3A_286] {strides = array<i32>} : memref<16x8x128xf32, #tpu.memory_space<vmem>>, vector<16xf32>,
          tpu.vector_store %parallel_loop3A_283[%parallel_loop3A_284, %parallel_loop3A_285, %parallel_loop3A_286], %parallel_loop3A_275 {strides = array<i32>} : memref<16x8x128xf32, #tpu.memory_space<vmem>>, vector<16xf32>,
          %parallel_loop3A_288 = arith.constant 4000 : i32
          %parallel_loop3A_289 = vector.broadcast %parallel_loop3A_288 : i32 to vector<16xi32>
          %parallel_loop3A_290 = arith.addi %parallel_loop3A_211, %parallel_loop3A_289 : vector<16xi32>
          %parallel_loop3A_291 = arith.constant 0 : i32
          %parallel_loop3A_292 = tpu.memref_slice %arg8[%parallel_loop3A_144, %parallel_loop3A_291] : memref<4x8000xf32, #tpu.memory_space<vmem>> -> memref<1x8000xf32, #tpu.memory_space<vmem>>
          %parallel_loop3A_293 = tpu.memref_squeeze %parallel_loop3A_292 : memref<1x8000xf32, #tpu.memory_space<vmem>> -> memref<8000xf32, #tpu.memory_space<vmem>>
          %parallel_loop3A_294 = tpu.vector_load_idx %parallel_loop3A_293[%parallel_loop3A_290] : memref<8000xf32, #tpu.memory_space<vmem>>[vector<16xi32>], vector<16xf32>,
          %parallel_loop3A_295 = arith.constant 16 : i32
          %parallel_loop3A_296 = arith.muli %parallel_loop3A_207, %parallel_loop3A_295 : i32
          %parallel_loop3A_297 = arith.constant 4 : i32
          %parallel_loop3A_298 = arith.constant 0 : i32
          %parallel_loop3A_299 = arith.constant 0 : i32
          %parallel_loop3A_300 = arith.constant 0 : i32
          %parallel_loop3A_301 = tpu.memref_slice %arg11[%parallel_loop3A_145, %parallel_loop3A_298, %parallel_loop3A_299, %parallel_loop3A_300] : memref<4x16x8x128xf32, #tpu.memory_space<vmem>> -> memref<1x16x8x128xf32, #tpu.memory_space<vmem>>
          %parallel_loop3A_302 = tpu.memref_squeeze %parallel_loop3A_301 : memref<1x16x8x128xf32, #tpu.memory_space<vmem>> -> memref<16x8x128xf32, #tpu.memory_space<vmem>>
          %parallel_loop3A_303 = arith.index_cast %parallel_loop3A_191 : i32 to index
          %parallel_loop3A_304 = arith.index_cast %parallel_loop3A_297 : i32 to index
          %parallel_loop3A_305 = arith.index_cast %parallel_loop3A_296 : i32 to index
          %parallel_loop3A_306 = tpu.vector_load %parallel_loop3A_302[%parallel_loop3A_303, %parallel_loop3A_304, %parallel_loop3A_305] {strides = array<i32>} : memref<16x8x128xf32, #tpu.memory_space<vmem>>, vector<16xf32>,
          tpu.vector_store %parallel_loop3A_302[%parallel_loop3A_303, %parallel_loop3A_304, %parallel_loop3A_305], %parallel_loop3A_294 {strides = array<i32>} : memref<16x8x128xf32, #tpu.memory_space<vmem>>, vector<16xf32>,
          %parallel_loop3A_307 = arith.constant 5000 : i32
          %parallel_loop3A_308 = vector.broadcast %parallel_loop3A_307 : i32 to vector<16xi32>
          %parallel_loop3A_309 = arith.addi %parallel_loop3A_211, %parallel_loop3A_308 : vector<16xi32>
          %parallel_loop3A_310 = arith.constant 0 : i32
          %parallel_loop3A_311 = tpu.memref_slice %arg8[%parallel_loop3A_144, %parallel_loop3A_310] : memref<4x8000xf32, #tpu.memory_space<vmem>> -> memref<1x8000xf32, #tpu.memory_space<vmem>>
          %parallel_loop3A_312 = tpu.memref_squeeze %parallel_loop3A_311 : memref<1x8000xf32, #tpu.memory_space<vmem>> -> memref<8000xf32, #tpu.memory_space<vmem>>
          %parallel_loop3A_313 = tpu.vector_load_idx %parallel_loop3A_312[%parallel_loop3A_309] : memref<8000xf32, #tpu.memory_space<vmem>>[vector<16xi32>], vector<16xf32>,
          %parallel_loop3A_314 = arith.constant 16 : i32
          %parallel_loop3A_315 = arith.muli %parallel_loop3A_207, %parallel_loop3A_314 : i32
          %parallel_loop3A_316 = arith.constant 5 : i32
          %parallel_loop3A_317 = arith.constant 0 : i32
          %parallel_loop3A_318 = arith.constant 0 : i32
          %parallel_loop3A_319 = arith.constant 0 : i32
          %parallel_loop3A_320 = tpu.memref_slice %arg11[%parallel_loop3A_145, %parallel_loop3A_317, %parallel_loop3A_318, %parallel_loop3A_319] : memref<4x16x8x128xf32, #tpu.memory_space<vmem>> -> memref<1x16x8x128xf32, #tpu.memory_space<vmem>>
          %parallel_loop3A_321 = tpu.memref_squeeze %parallel_loop3A_320 : memref<1x16x8x128xf32, #tpu.memory_space<vmem>> -> memref<16x8x128xf32, #tpu.memory_space<vmem>>
          %parallel_loop3A_322 = arith.index_cast %parallel_loop3A_191 : i32 to index
          %parallel_loop3A_323 = arith.index_cast %parallel_loop3A_316 : i32 to index
          %parallel_loop3A_324 = arith.index_cast %parallel_loop3A_315 : i32 to index
          %parallel_loop3A_325 = tpu.vector_load %parallel_loop3A_321[%parallel_loop3A_322, %parallel_loop3A_323, %parallel_loop3A_324] {strides = array<i32>} : memref<16x8x128xf32, #tpu.memory_space<vmem>>, vector<16xf32>,
          tpu.vector_store %parallel_loop3A_321[%parallel_loop3A_322, %parallel_loop3A_323, %parallel_loop3A_324], %parallel_loop3A_313 {strides = array<i32>} : memref<16x8x128xf32, #tpu.memory_space<vmem>>, vector<16xf32>,
          %parallel_loop3A_326 = arith.constant 6000 : i32
          %parallel_loop3A_327 = vector.broadcast %parallel_loop3A_326 : i32 to vector<16xi32>
          %parallel_loop3A_328 = arith.addi %parallel_loop3A_211, %parallel_loop3A_327 : vector<16xi32>
          %parallel_loop3A_329 = arith.constant 0 : i32
          %parallel_loop3A_330 = tpu.memref_slice %arg8[%parallel_loop3A_144, %parallel_loop3A_329] : memref<4x8000xf32, #tpu.memory_space<vmem>> -> memref<1x8000xf32, #tpu.memory_space<vmem>>
          %parallel_loop3A_331 = tpu.memref_squeeze %parallel_loop3A_330 : memref<1x8000xf32, #tpu.memory_space<vmem>> -> memref<8000xf32, #tpu.memory_space<vmem>>
          %parallel_loop3A_332 = tpu.vector_load_idx %parallel_loop3A_331[%parallel_loop3A_328] : memref<8000xf32, #tpu.memory_space<vmem>>[vector<16xi32>], vector<16xf32>,
          %parallel_loop3A_333 = arith.constant 16 : i32
          %parallel_loop3A_334 = arith.muli %parallel_loop3A_207, %parallel_loop3A_333 : i32
          %parallel_loop3A_335 = arith.constant 6 : i32
          %parallel_loop3A_336 = arith.constant 0 : i32
          %parallel_loop3A_337 = arith.constant 0 : i32
          %parallel_loop3A_338 = arith.constant 0 : i32
          %parallel_loop3A_339 = tpu.memref_slice %arg11[%parallel_loop3A_145, %parallel_loop3A_336, %parallel_loop3A_337, %parallel_loop3A_338] : memref<4x16x8x128xf32, #tpu.memory_space<vmem>> -> memref<1x16x8x128xf32, #tpu.memory_space<vmem>>
          %parallel_loop3A_340 = tpu.memref_squeeze %parallel_loop3A_339 : memref<1x16x8x128xf32, #tpu.memory_space<vmem>> -> memref<16x8x128xf32, #tpu.memory_space<vmem>>
          %parallel_loop3A_341 = arith.index_cast %parallel_loop3A_191 : i32 to index
          %parallel_loop3A_342 = arith.index_cast %parallel_loop3A_335 : i32 to index
          %parallel_loop3A_343 = arith.index_cast %parallel_loop3A_334 : i32 to index
          %parallel_loop3A_344 = tpu.vector_load %parallel_loop3A_340[%parallel_loop3A_341, %parallel_loop3A_342, %parallel_loop3A_343] {strides = array<i32>} : memref<16x8x128xf32, #tpu.memory_space<vmem>>, vector<16xf32>,
          tpu.vector_store %parallel_loop3A_340[%parallel_loop3A_341, %parallel_loop3A_342, %parallel_loop3A_343], %parallel_loop3A_332 {strides = array<i32>} : memref<16x8x128xf32, #tpu.memory_space<vmem>>, vector<16xf32>,
          %parallel_loop3A_345 = arith.constant 7000 : i32
          %parallel_loop3A_346 = vector.broadcast %parallel_loop3A_345 : i32 to vector<16xi32>
          %parallel_loop3A_347 = arith.addi %parallel_loop3A_211, %parallel_loop3A_346 : vector<16xi32>
          %parallel_loop3A_348 = arith.constant 0 : i32
          %parallel_loop3A_349 = tpu.memref_slice %arg8[%parallel_loop3A_144, %parallel_loop3A_348] : memref<4x8000xf32, #tpu.memory_space<vmem>> -> memref<1x8000xf32, #tpu.memory_space<vmem>>
          %parallel_loop3A_350 = tpu.memref_squeeze %parallel_loop3A_349 : memref<1x8000xf32, #tpu.memory_space<vmem>> -> memref<8000xf32, #tpu.memory_space<vmem>>
          %parallel_loop3A_351 = tpu.vector_load_idx %parallel_loop3A_350[%parallel_loop3A_347] : memref<8000xf32, #tpu.memory_space<vmem>>[vector<16xi32>], vector<16xf32>,
          %parallel_loop3A_352 = arith.constant 16 : i32
          %parallel_loop3A_353 = arith.muli %parallel_loop3A_207, %parallel_loop3A_352 : i32
          %parallel_loop3A_354 = arith.constant 7 : i32
          %parallel_loop3A_355 = arith.constant 0 : i32
          %parallel_loop3A_356 = arith.constant 0 : i32
          %parallel_loop3A_357 = arith.constant 0 : i32
          %parallel_loop3A_358 = tpu.memref_slice %arg11[%parallel_loop3A_145, %parallel_loop3A_355, %parallel_loop3A_356, %parallel_loop3A_357] : memref<4x16x8x128xf32, #tpu.memory_space<vmem>> -> memref<1x16x8x128xf32, #tpu.memory_space<vmem>>
          %parallel_loop3A_359 = tpu.memref_squeeze %parallel_loop3A_358 : memref<1x16x8x128xf32, #tpu.memory_space<vmem>> -> memref<16x8x128xf32, #tpu.memory_space<vmem>>
          %parallel_loop3A_360 = arith.index_cast %parallel_loop3A_191 : i32 to index
          %parallel_loop3A_361 = arith.index_cast %parallel_loop3A_354 : i32 to index
          %parallel_loop3A_362 = arith.index_cast %parallel_loop3A_353 : i32 to index
          %parallel_loop3A_363 = tpu.vector_load %parallel_loop3A_359[%parallel_loop3A_360, %parallel_loop3A_361, %parallel_loop3A_362] {strides = array<i32>} : memref<16x8x128xf32, #tpu.memory_space<vmem>>, vector<16xf32>,
          tpu.vector_store %parallel_loop3A_359[%parallel_loop3A_360, %parallel_loop3A_361, %parallel_loop3A_362], %parallel_loop3A_351 {strides = array<i32>} : memref<16x8x128xf32, #tpu.memory_space<vmem>>, vector<16xf32>,
        } {sc.loop_unroll_factor = 4 : i64, sc.parallel_access}
        %mul3A_146 = arith.constant 16 : i32
        %mul3A_147 = arith.muli %add3A_104, %mul3A_146 : i32
        %dma_start3A_148 = arith.constant 0 : i32
        %dma_start3A_149 = arith.constant 0 : i32
        %dma_start3A_150 = arith.constant 0 : i32
        %dma_start3A_151 = arith.constant 0 : i32
        %dma_start3A_152 = tpu.memref_slice %arg11[%dma_start3A_148, %dma_start3A_149, %dma_start3A_150, %dma_start3A_151] : memref<4x16x8x128xf32, #tpu.memory_space<vmem>> -> memref<1x16x8x128xf32, #tpu.memory_space<vmem>>
        %dma_start3A_153 = tpu.memref_squeeze %dma_start3A_152 : memref<1x16x8x128xf32, #tpu.memory_space<vmem>> -> memref<16x8x128xf32, #tpu.memory_space<vmem>>
        %dma_start3A_154 = arith.constant 0 : i32
        %dma_start3A_155 = arith.constant 0 : i32
        %dma_start3A_156 = tpu.memref_slice %arg6[%add3A_7, %mul3A_147, %dma_start3A_154, %dma_start3A_155] : memref<125x640x8x128xf32, #tpu.memory_space<hbm>> -> memref<1x16x8x128xf32, #tpu.memory_space<hbm>>
        %dma_start3A_157 = tpu.memref_squeeze %dma_start3A_156 : memref<1x16x8x128xf32, #tpu.memory_space<hbm>> -> memref<16x8x128xf32, #tpu.memory_space<hbm>>
        %dma_start3A_158 = arith.constant 0 : i32
        %dma_start3A_159 = arith.constant 0 : i32
        %dma_start3A_160 = tpu.memref_slice %arg6[%add3A_7, %mul3A_147, %dma_start3A_158, %dma_start3A_159] : memref<125x640x8x128xf32, #tpu.memory_space<hbm>> -> memref<1x16x8x128xf32, #tpu.memory_space<hbm>>
        %dma_start3A_161 = tpu.memref_squeeze %dma_start3A_160 : memref<1x16x8x128xf32, #tpu.memory_space<hbm>> -> memref<16x8x128xf32, #tpu.memory_space<hbm>>
        %dma_start3A_162 = arith.constant 0 : i32
        %dma_start3A_163 = arith.constant 0 : i32
        %dma_start3A_164 = arith.constant 0 : i32
        %dma_start3A_165 = tpu.memref_slice %arg11[%dma_start3A_148, %dma_start3A_162, %dma_start3A_163, %dma_start3A_164] : memref<4x16x8x128xf32, #tpu.memory_space<vmem>> -> memref<1x16x8x128xf32, #tpu.memory_space<vmem>>
        %dma_start3A_166 = tpu.memref_squeeze %dma_start3A_165 : memref<1x16x8x128xf32, #tpu.memory_space<vmem>> -> memref<16x8x128xf32, #tpu.memory_space<vmem>>
        tpu.enqueue_dma source(%dma_start3A_166 : memref<16x8x128xf32, #tpu.memory_space<vmem>>) target(%dma_start3A_161 : memref<16x8x128xf32, #tpu.memory_space<hbm>>) target_semaphore(%arg18 : memref<!tpu.dma_semaphore, #tpu.memory_space<semaphore_mem>>)
      } else {
      }
      %lt3A_114 = arith.constant 125 : i32
      %lt3A_115 = arith.cmpi slt, %add3A_9, %lt3A_114 : i32
      %convert_element_type3A_116 = arith.extui %lt3A_115 : i1 to i32
      %cond3A_117 = arith.constant 0 : i32
      %cond3A_118 = arith.cmpi ne, %convert_element_type3A_116, %cond3A_117 : i32
      scf.if %cond3A_118 {
        %gt3A_136 = arith.constant 0 : i32
        %gt3A_137 = arith.cmpi sgt, %add3A_104, %gt3A_136 : i32
        %convert_element_type3A_138 = arith.extui %gt3A_137 : i1 to i32
        %cond3A_139 = arith.constant 0 : i32
        %cond3A_140 = arith.cmpi ne, %convert_element_type3A_138, %cond3A_139 : i32
        scf.if %cond3A_140 {
          %sub3A = arith.constant 1 : i32
          %sub3A_167 = arith.subi %add3A_104, %sub3A : i32
          %mul3A_168 = arith.constant 16 : i32
          %mul3A_169 = arith.muli %sub3A_167, %mul3A_168 : i32
          %dma_wait3A_170 = arith.constant 1 : i32
          %dma_wait3A_171 = arith.constant 0 : i32
          %dma_wait3A_172 = arith.constant 0 : i32
          %dma_wait3A_173 = arith.constant 0 : i32
          %dma_wait3A_174 = tpu.memref_slice %arg11[%dma_wait3A_170, %dma_wait3A_171, %dma_wait3A_172, %dma_wait3A_173] : memref<4x16x8x128xf32, #tpu.memory_space<vmem>> -> memref<1x16x8x128xf32, #tpu.memory_space<vmem>>
          %dma_wait3A_175 = tpu.memref_squeeze %dma_wait3A_174 : memref<1x16x8x128xf32, #tpu.memory_space<vmem>> -> memref<16x8x128xf32, #tpu.memory_space<vmem>>
          %dma_wait3A_176 = arith.constant 0 : i32
          %dma_wait3A_177 = arith.constant 0 : i32
          %dma_wait3A_178 = tpu.memref_slice %arg6[%add3A_9, %mul3A_169, %dma_wait3A_176, %dma_wait3A_177] : memref<125x640x8x128xf32, #tpu.memory_space<hbm>> -> memref<1x16x8x128xf32, #tpu.memory_space<hbm>>
          %dma_wait3A_179 = tpu.memref_squeeze %dma_wait3A_178 : memref<1x16x8x128xf32, #tpu.memory_space<hbm>> -> memref<16x8x128xf32, #tpu.memory_space<hbm>>
          %dma_wait3A_180 = arith.constant 0 : i32
          %dma_wait3A_181 = arith.constant 0 : i32
          %dma_wait3A_182 = tpu.memref_slice %arg6[%add3A_9, %mul3A_169, %dma_wait3A_180, %dma_wait3A_181] : memref<125x640x8x128xf32, #tpu.memory_space<hbm>> -> memref<1x16x8x128xf32, #tpu.memory_space<hbm>>
          %dma_wait3A_183 = tpu.memref_squeeze %dma_wait3A_182 : memref<1x16x8x128xf32, #tpu.memory_space<hbm>> -> memref<16x8x128xf32, #tpu.memory_space<hbm>>
          %dma_wait3A_184 = arith.constant 0 : i32
          %dma_wait3A_185 = arith.constant 0 : i32
          %dma_wait3A_186 = arith.constant 0 : i32
          %dma_wait3A_187 = tpu.memref_slice %arg11[%dma_wait3A_170, %dma_wait3A_184, %dma_wait3A_185, %dma_wait3A_186] : memref<4x16x8x128xf32, #tpu.memory_space<vmem>> -> memref<1x16x8x128xf32, #tpu.memory_space<vmem>>
          %dma_wait3A_188 = tpu.memref_squeeze %dma_wait3A_187 : memref<1x16x8x128xf32, #tpu.memory_space<vmem>> -> memref<16x8x128xf32, #tpu.memory_space<vmem>>
          tpu.wait_dma2 semaphore(%arg19 : memref<!tpu.dma_semaphore, #tpu.memory_space<semaphore_mem>>) src(%dma_wait3A_188 : memref<16x8x128xf32, #tpu.memory_space<vmem>>) dst(%dma_wait3A_183 : memref<16x8x128xf32, #tpu.memory_space<hbm>>)
        } else {
        }
        %parallel_loop3A_141 = arith.constant 0 : i32
        %parallel_loop3A_142 = arith.constant 128 : i32
        %parallel_loop3A_143 = arith.constant 1 : i32
        %parallel_loop3A_144 = arith.constant 1 : i32
        %parallel_loop3A_145 = arith.constant 1 : i32
        scf.for %parallel_loop3A_167 = %parallel_loop3A_141 to %parallel_loop3A_142 step %parallel_loop3A_143  : i32 {
          %parallel_loop3A_168 = arith.constant 8 : i32
          %parallel_loop3A_169 = arith.divsi %parallel_loop3A_167, %parallel_loop3A_168 : i32
          %parallel_loop3A_170 = arith.constant 0 : i32
          %parallel_loop3A_171 = arith.cmpi sgt, %parallel_loop3A_167, %parallel_loop3A_170 : i32
          %parallel_loop3A_172 = arith.extui %parallel_loop3A_171 : i1 to i32
          %parallel_loop3A_173 = arith.constant 0 : i32
          %parallel_loop3A_174 = arith.cmpi slt, %parallel_loop3A_167, %parallel_loop3A_173 : i32
          %parallel_loop3A_175 = arith.extui %parallel_loop3A_174 : i1 to i32
          %parallel_loop3A_176 = arith.subi %parallel_loop3A_172, %parallel_loop3A_175 : i32
          %parallel_loop3A_177 = arith.constant 0 : i32
          %parallel_loop3A_178 = arith.cmpi sgt, %parallel_loop3A_168, %parallel_loop3A_177 : i32
          %parallel_loop3A_179 = arith.extui %parallel_loop3A_178 : i1 to i32
          %parallel_loop3A_180 = arith.constant 0 : i32
          %parallel_loop3A_181 = arith.cmpi slt, %parallel_loop3A_168, %parallel_loop3A_180 : i32
          %parallel_loop3A_182 = arith.extui %parallel_loop3A_181 : i1 to i32
          %parallel_loop3A_183 = arith.subi %parallel_loop3A_179, %parallel_loop3A_182 : i32
          %parallel_loop3A_184 = arith.cmpi ne, %parallel_loop3A_176, %parallel_loop3A_183 : i32
          %parallel_loop3A_185 = arith.remsi %parallel_loop3A_167, %parallel_loop3A_168 : i32
          %parallel_loop3A_186 = arith.constant 0 : i32
          %parallel_loop3A_187 = arith.cmpi ne, %parallel_loop3A_185, %parallel_loop3A_186 : i32
          %parallel_loop3A_188 = arith.andi %parallel_loop3A_184, %parallel_loop3A_187 : i1
          %parallel_loop3A_189 = arith.constant 1 : i32
          %parallel_loop3A_190 = arith.subi %parallel_loop3A_169, %parallel_loop3A_189 : i32
          %parallel_loop3A_191 = arith.select %parallel_loop3A_188, %parallel_loop3A_190, %parallel_loop3A_169 : i32
          %parallel_loop3A_192 = arith.constant 8 : i32
          %parallel_loop3A_193 = arith.constant 0 : i32
          %parallel_loop3A_194 = arith.cmpi eq, %parallel_loop3A_192, %parallel_loop3A_193 : i32
          %parallel_loop3A_195 = arith.constant 1 : i32
          %parallel_loop3A_196 = arith.select %parallel_loop3A_194, %parallel_loop3A_195, %parallel_loop3A_192 : i32
          %parallel_loop3A_197 = arith.remsi %parallel_loop3A_167, %parallel_loop3A_196 : i32
          %parallel_loop3A_198 = arith.constant 0 : i32
          %parallel_loop3A_199 = arith.cmpi ne, %parallel_loop3A_197, %parallel_loop3A_198 : i32
          %parallel_loop3A_200 = arith.constant 0 : i32
          %parallel_loop3A_201 = arith.cmpi slt, %parallel_loop3A_197, %parallel_loop3A_200 : i32
          %parallel_loop3A_202 = arith.constant 0 : i32
          %parallel_loop3A_203 = arith.cmpi slt, %parallel_loop3A_196, %parallel_loop3A_202 : i32
          %parallel_loop3A_204 = arith.xori %parallel_loop3A_201, %parallel_loop3A_203 : i1
          %parallel_loop3A_205 = arith.andi %parallel_loop3A_204, %parallel_loop3A_199 : i1
          %parallel_loop3A_206 = arith.addi %parallel_loop3A_197, %parallel_loop3A_196 : i32
          %parallel_loop3A_207 = arith.select %parallel_loop3A_205, %parallel_loop3A_206, %parallel_loop3A_197 : i32
          %parallel_loop3A_208 = arith.constant 16 : i32
          %parallel_loop3A_209 = arith.muli %parallel_loop3A_167, %parallel_loop3A_208 : i32
          %parallel_loop3A_210 = arith.index_cast %parallel_loop3A_209 : i32 to index
          %parallel_loop3A_211 = tpu.vector_load %arg10[%parallel_loop3A_210] {strides = array<i32>} : memref<2048xi32, #tpu.memory_space<vmem>>, vector<16xi32>,
          %parallel_loop3A_212 = arith.constant 0 : i32
          %parallel_loop3A_213 = vector.broadcast %parallel_loop3A_212 : i32 to vector<16xi32>
          %parallel_loop3A_214 = arith.addi %parallel_loop3A_211, %parallel_loop3A_213 : vector<16xi32>
          %parallel_loop3A_215 = arith.constant 0 : i32
          %parallel_loop3A_216 = tpu.memref_slice %arg8[%parallel_loop3A_144, %parallel_loop3A_215] : memref<4x8000xf32, #tpu.memory_space<vmem>> -> memref<1x8000xf32, #tpu.memory_space<vmem>>
          %parallel_loop3A_217 = tpu.memref_squeeze %parallel_loop3A_216 : memref<1x8000xf32, #tpu.memory_space<vmem>> -> memref<8000xf32, #tpu.memory_space<vmem>>
          %parallel_loop3A_218 = tpu.vector_load_idx %parallel_loop3A_217[%parallel_loop3A_214] : memref<8000xf32, #tpu.memory_space<vmem>>[vector<16xi32>], vector<16xf32>,
          %parallel_loop3A_219 = arith.constant 16 : i32
          %parallel_loop3A_220 = arith.muli %parallel_loop3A_207, %parallel_loop3A_219 : i32
          %parallel_loop3A_221 = arith.constant 0 : i32
          %parallel_loop3A_222 = arith.constant 0 : i32
          %parallel_loop3A_223 = arith.constant 0 : i32
          %parallel_loop3A_224 = arith.constant 0 : i32
          %parallel_loop3A_225 = tpu.memref_slice %arg11[%parallel_loop3A_145, %parallel_loop3A_222, %parallel_loop3A_223, %parallel_loop3A_224] : memref<4x16x8x128xf32, #tpu.memory_space<vmem>> -> memref<1x16x8x128xf32, #tpu.memory_space<vmem>>
          %parallel_loop3A_226 = tpu.memref_squeeze %parallel_loop3A_225 : memref<1x16x8x128xf32, #tpu.memory_space<vmem>> -> memref<16x8x128xf32, #tpu.memory_space<vmem>>
          %parallel_loop3A_227 = arith.index_cast %parallel_loop3A_191 : i32 to index
          %parallel_loop3A_228 = arith.index_cast %parallel_loop3A_221 : i32 to index
          %parallel_loop3A_229 = arith.index_cast %parallel_loop3A_220 : i32 to index
          %parallel_loop3A_230 = tpu.vector_load %parallel_loop3A_226[%parallel_loop3A_227, %parallel_loop3A_228, %parallel_loop3A_229] {strides = array<i32>} : memref<16x8x128xf32, #tpu.memory_space<vmem>>, vector<16xf32>,
          tpu.vector_store %parallel_loop3A_226[%parallel_loop3A_227, %parallel_loop3A_228, %parallel_loop3A_229], %parallel_loop3A_218 {strides = array<i32>} : memref<16x8x128xf32, #tpu.memory_space<vmem>>, vector<16xf32>,
          %parallel_loop3A_231 = arith.constant 1000 : i32
          %parallel_loop3A_232 = vector.broadcast %parallel_loop3A_231 : i32 to vector<16xi32>
          %parallel_loop3A_233 = arith.addi %parallel_loop3A_211, %parallel_loop3A_232 : vector<16xi32>
          %parallel_loop3A_234 = arith.constant 0 : i32
          %parallel_loop3A_235 = tpu.memref_slice %arg8[%parallel_loop3A_144, %parallel_loop3A_234] : memref<4x8000xf32, #tpu.memory_space<vmem>> -> memref<1x8000xf32, #tpu.memory_space<vmem>>
          %parallel_loop3A_236 = tpu.memref_squeeze %parallel_loop3A_235 : memref<1x8000xf32, #tpu.memory_space<vmem>> -> memref<8000xf32, #tpu.memory_space<vmem>>
          %parallel_loop3A_237 = tpu.vector_load_idx %parallel_loop3A_236[%parallel_loop3A_233] : memref<8000xf32, #tpu.memory_space<vmem>>[vector<16xi32>], vector<16xf32>,
          %parallel_loop3A_238 = arith.constant 16 : i32
          %parallel_loop3A_239 = arith.muli %parallel_loop3A_207, %parallel_loop3A_238 : i32
          %parallel_loop3A_240 = arith.constant 1 : i32
          %parallel_loop3A_241 = arith.constant 0 : i32
          %parallel_loop3A_242 = arith.constant 0 : i32
          %parallel_loop3A_243 = arith.constant 0 : i32
          %parallel_loop3A_244 = tpu.memref_slice %arg11[%parallel_loop3A_145, %parallel_loop3A_241, %parallel_loop3A_242, %parallel_loop3A_243] : memref<4x16x8x128xf32, #tpu.memory_space<vmem>> -> memref<1x16x8x128xf32, #tpu.memory_space<vmem>>
          %parallel_loop3A_245 = tpu.memref_squeeze %parallel_loop3A_244 : memref<1x16x8x128xf32, #tpu.memory_space<vmem>> -> memref<16x8x128xf32, #tpu.memory_space<vmem>>
          %parallel_loop3A_246 = arith.index_cast %parallel_loop3A_191 : i32 to index
          %parallel_loop3A_247 = arith.index_cast %parallel_loop3A_240 : i32 to index
          %parallel_loop3A_248 = arith.index_cast %parallel_loop3A_239 : i32 to index
          %parallel_loop3A_249 = tpu.vector_load %parallel_loop3A_245[%parallel_loop3A_246, %parallel_loop3A_247, %parallel_loop3A_248] {strides = array<i32>} : memref<16x8x128xf32, #tpu.memory_space<vmem>>, vector<16xf32>,
          tpu.vector_store %parallel_loop3A_245[%parallel_loop3A_246, %parallel_loop3A_247, %parallel_loop3A_248], %parallel_loop3A_237 {strides = array<i32>} : memref<16x8x128xf32, #tpu.memory_space<vmem>>, vector<16xf32>,
          %parallel_loop3A_250 = arith.constant 2000 : i32
          %parallel_loop3A_251 = vector.broadcast %parallel_loop3A_250 : i32 to vector<16xi32>
          %parallel_loop3A_252 = arith.addi %parallel_loop3A_211, %parallel_loop3A_251 : vector<16xi32>
          %parallel_loop3A_253 = arith.constant 0 : i32
          %parallel_loop3A_254 = tpu.memref_slice %arg8[%parallel_loop3A_144, %parallel_loop3A_253] : memref<4x8000xf32, #tpu.memory_space<vmem>> -> memref<1x8000xf32, #tpu.memory_space<vmem>>
          %parallel_loop3A_255 = tpu.memref_squeeze %parallel_loop3A_254 : memref<1x8000xf32, #tpu.memory_space<vmem>> -> memref<8000xf32, #tpu.memory_space<vmem>>
          %parallel_loop3A_256 = tpu.vector_load_idx %parallel_loop3A_255[%parallel_loop3A_252] : memref<8000xf32, #tpu.memory_space<vmem>>[vector<16xi32>], vector<16xf32>,
          %parallel_loop3A_257 = arith.constant 16 : i32
          %parallel_loop3A_258 = arith.muli %parallel_loop3A_207, %parallel_loop3A_257 : i32
          %parallel_loop3A_259 = arith.constant 2 : i32
          %parallel_loop3A_260 = arith.constant 0 : i32
          %parallel_loop3A_261 = arith.constant 0 : i32
          %parallel_loop3A_262 = arith.constant 0 : i32
          %parallel_loop3A_263 = tpu.memref_slice %arg11[%parallel_loop3A_145, %parallel_loop3A_260, %parallel_loop3A_261, %parallel_loop3A_262] : memref<4x16x8x128xf32, #tpu.memory_space<vmem>> -> memref<1x16x8x128xf32, #tpu.memory_space<vmem>>
          %parallel_loop3A_264 = tpu.memref_squeeze %parallel_loop3A_263 : memref<1x16x8x128xf32, #tpu.memory_space<vmem>> -> memref<16x8x128xf32, #tpu.memory_space<vmem>>
          %parallel_loop3A_265 = arith.index_cast %parallel_loop3A_191 : i32 to index
          %parallel_loop3A_266 = arith.index_cast %parallel_loop3A_259 : i32 to index
          %parallel_loop3A_267 = arith.index_cast %parallel_loop3A_258 : i32 to index
          %parallel_loop3A_268 = tpu.vector_load %parallel_loop3A_264[%parallel_loop3A_265, %parallel_loop3A_266, %parallel_loop3A_267] {strides = array<i32>} : memref<16x8x128xf32, #tpu.memory_space<vmem>>, vector<16xf32>,
          tpu.vector_store %parallel_loop3A_264[%parallel_loop3A_265, %parallel_loop3A_266, %parallel_loop3A_267], %parallel_loop3A_256 {strides = array<i32>} : memref<16x8x128xf32, #tpu.memory_space<vmem>>, vector<16xf32>,
          %parallel_loop3A_269 = arith.constant 3000 : i32
          %parallel_loop3A_270 = vector.broadcast %parallel_loop3A_269 : i32 to vector<16xi32>
          %parallel_loop3A_271 = arith.addi %parallel_loop3A_211, %parallel_loop3A_270 : vector<16xi32>
          %parallel_loop3A_272 = arith.constant 0 : i32
          %parallel_loop3A_273 = tpu.memref_slice %arg8[%parallel_loop3A_144, %parallel_loop3A_272] : memref<4x8000xf32, #tpu.memory_space<vmem>> -> memref<1x8000xf32, #tpu.memory_space<vmem>>
          %parallel_loop3A_274 = tpu.memref_squeeze %parallel_loop3A_273 : memref<1x8000xf32, #tpu.memory_space<vmem>> -> memref<8000xf32, #tpu.memory_space<vmem>>
          %parallel_loop3A_275 = tpu.vector_load_idx %parallel_loop3A_274[%parallel_loop3A_271] : memref<8000xf32, #tpu.memory_space<vmem>>[vector<16xi32>], vector<16xf32>,
          %parallel_loop3A_276 = arith.constant 16 : i32
          %parallel_loop3A_277 = arith.muli %parallel_loop3A_207, %parallel_loop3A_276 : i32
          %parallel_loop3A_278 = arith.constant 3 : i32
          %parallel_loop3A_279 = arith.constant 0 : i32
          %parallel_loop3A_280 = arith.constant 0 : i32
          %parallel_loop3A_281 = arith.constant 0 : i32
          %parallel_loop3A_282 = tpu.memref_slice %arg11[%parallel_loop3A_145, %parallel_loop3A_279, %parallel_loop3A_280, %parallel_loop3A_281] : memref<4x16x8x128xf32, #tpu.memory_space<vmem>> -> memref<1x16x8x128xf32, #tpu.memory_space<vmem>>
          %parallel_loop3A_283 = tpu.memref_squeeze %parallel_loop3A_282 : memref<1x16x8x128xf32, #tpu.memory_space<vmem>> -> memref<16x8x128xf32, #tpu.memory_space<vmem>>
          %parallel_loop3A_284 = arith.index_cast %parallel_loop3A_191 : i32 to index
          %parallel_loop3A_285 = arith.index_cast %parallel_loop3A_278 : i32 to index
          %parallel_loop3A_286 = arith.index_cast %parallel_loop3A_277 : i32 to index
          %parallel_loop3A_287 = tpu.vector_load %parallel_loop3A_283[%parallel_loop3A_284, %parallel_loop3A_285, %parallel_loop3A_286] {strides = array<i32>} : memref<16x8x128xf32, #tpu.memory_space<vmem>>, vector<16xf32>,
          tpu.vector_store %parallel_loop3A_283[%parallel_loop3A_284, %parallel_loop3A_285, %parallel_loop3A_286], %parallel_loop3A_275 {strides = array<i32>} : memref<16x8x128xf32, #tpu.memory_space<vmem>>, vector<16xf32>,
          %parallel_loop3A_288 = arith.constant 4000 : i32
          %parallel_loop3A_289 = vector.broadcast %parallel_loop3A_288 : i32 to vector<16xi32>
          %parallel_loop3A_290 = arith.addi %parallel_loop3A_211, %parallel_loop3A_289 : vector<16xi32>
          %parallel_loop3A_291 = arith.constant 0 : i32
          %parallel_loop3A_292 = tpu.memref_slice %arg8[%parallel_loop3A_144, %parallel_loop3A_291] : memref<4x8000xf32, #tpu.memory_space<vmem>> -> memref<1x8000xf32, #tpu.memory_space<vmem>>
          %parallel_loop3A_293 = tpu.memref_squeeze %parallel_loop3A_292 : memref<1x8000xf32, #tpu.memory_space<vmem>> -> memref<8000xf32, #tpu.memory_space<vmem>>
          %parallel_loop3A_294 = tpu.vector_load_idx %parallel_loop3A_293[%parallel_loop3A_290] : memref<8000xf32, #tpu.memory_space<vmem>>[vector<16xi32>], vector<16xf32>,
          %parallel_loop3A_295 = arith.constant 16 : i32
          %parallel_loop3A_296 = arith.muli %parallel_loop3A_207, %parallel_loop3A_295 : i32
          %parallel_loop3A_297 = arith.constant 4 : i32
          %parallel_loop3A_298 = arith.constant 0 : i32
          %parallel_loop3A_299 = arith.constant 0 : i32
          %parallel_loop3A_300 = arith.constant 0 : i32
          %parallel_loop3A_301 = tpu.memref_slice %arg11[%parallel_loop3A_145, %parallel_loop3A_298, %parallel_loop3A_299, %parallel_loop3A_300] : memref<4x16x8x128xf32, #tpu.memory_space<vmem>> -> memref<1x16x8x128xf32, #tpu.memory_space<vmem>>
          %parallel_loop3A_302 = tpu.memref_squeeze %parallel_loop3A_301 : memref<1x16x8x128xf32, #tpu.memory_space<vmem>> -> memref<16x8x128xf32, #tpu.memory_space<vmem>>
          %parallel_loop3A_303 = arith.index_cast %parallel_loop3A_191 : i32 to index
          %parallel_loop3A_304 = arith.index_cast %parallel_loop3A_297 : i32 to index
          %parallel_loop3A_305 = arith.index_cast %parallel_loop3A_296 : i32 to index
          %parallel_loop3A_306 = tpu.vector_load %parallel_loop3A_302[%parallel_loop3A_303, %parallel_loop3A_304, %parallel_loop3A_305] {strides = array<i32>} : memref<16x8x128xf32, #tpu.memory_space<vmem>>, vector<16xf32>,
          tpu.vector_store %parallel_loop3A_302[%parallel_loop3A_303, %parallel_loop3A_304, %parallel_loop3A_305], %parallel_loop3A_294 {strides = array<i32>} : memref<16x8x128xf32, #tpu.memory_space<vmem>>, vector<16xf32>,
          %parallel_loop3A_307 = arith.constant 5000 : i32
          %parallel_loop3A_308 = vector.broadcast %parallel_loop3A_307 : i32 to vector<16xi32>
          %parallel_loop3A_309 = arith.addi %parallel_loop3A_211, %parallel_loop3A_308 : vector<16xi32>
          %parallel_loop3A_310 = arith.constant 0 : i32
          %parallel_loop3A_311 = tpu.memref_slice %arg8[%parallel_loop3A_144, %parallel_loop3A_310] : memref<4x8000xf32, #tpu.memory_space<vmem>> -> memref<1x8000xf32, #tpu.memory_space<vmem>>
          %parallel_loop3A_312 = tpu.memref_squeeze %parallel_loop3A_311 : memref<1x8000xf32, #tpu.memory_space<vmem>> -> memref<8000xf32, #tpu.memory_space<vmem>>
          %parallel_loop3A_313 = tpu.vector_load_idx %parallel_loop3A_312[%parallel_loop3A_309] : memref<8000xf32, #tpu.memory_space<vmem>>[vector<16xi32>], vector<16xf32>,
          %parallel_loop3A_314 = arith.constant 16 : i32
          %parallel_loop3A_315 = arith.muli %parallel_loop3A_207, %parallel_loop3A_314 : i32
          %parallel_loop3A_316 = arith.constant 5 : i32
          %parallel_loop3A_317 = arith.constant 0 : i32
          %parallel_loop3A_318 = arith.constant 0 : i32
          %parallel_loop3A_319 = arith.constant 0 : i32
          %parallel_loop3A_320 = tpu.memref_slice %arg11[%parallel_loop3A_145, %parallel_loop3A_317, %parallel_loop3A_318, %parallel_loop3A_319] : memref<4x16x8x128xf32, #tpu.memory_space<vmem>> -> memref<1x16x8x128xf32, #tpu.memory_space<vmem>>
          %parallel_loop3A_321 = tpu.memref_squeeze %parallel_loop3A_320 : memref<1x16x8x128xf32, #tpu.memory_space<vmem>> -> memref<16x8x128xf32, #tpu.memory_space<vmem>>
          %parallel_loop3A_322 = arith.index_cast %parallel_loop3A_191 : i32 to index
          %parallel_loop3A_323 = arith.index_cast %parallel_loop3A_316 : i32 to index
          %parallel_loop3A_324 = arith.index_cast %parallel_loop3A_315 : i32 to index
          %parallel_loop3A_325 = tpu.vector_load %parallel_loop3A_321[%parallel_loop3A_322, %parallel_loop3A_323, %parallel_loop3A_324] {strides = array<i32>} : memref<16x8x128xf32, #tpu.memory_space<vmem>>, vector<16xf32>,
          tpu.vector_store %parallel_loop3A_321[%parallel_loop3A_322, %parallel_loop3A_323, %parallel_loop3A_324], %parallel_loop3A_313 {strides = array<i32>} : memref<16x8x128xf32, #tpu.memory_space<vmem>>, vector<16xf32>,
          %parallel_loop3A_326 = arith.constant 6000 : i32
          %parallel_loop3A_327 = vector.broadcast %parallel_loop3A_326 : i32 to vector<16xi32>
          %parallel_loop3A_328 = arith.addi %parallel_loop3A_211, %parallel_loop3A_327 : vector<16xi32>
          %parallel_loop3A_329 = arith.constant 0 : i32
          %parallel_loop3A_330 = tpu.memref_slice %arg8[%parallel_loop3A_144, %parallel_loop3A_329] : memref<4x8000xf32, #tpu.memory_space<vmem>> -> memref<1x8000xf32, #tpu.memory_space<vmem>>
          %parallel_loop3A_331 = tpu.memref_squeeze %parallel_loop3A_330 : memref<1x8000xf32, #tpu.memory_space<vmem>> -> memref<8000xf32, #tpu.memory_space<vmem>>
          %parallel_loop3A_332 = tpu.vector_load_idx %parallel_loop3A_331[%parallel_loop3A_328] : memref<8000xf32, #tpu.memory_space<vmem>>[vector<16xi32>], vector<16xf32>,
          %parallel_loop3A_333 = arith.constant 16 : i32
          %parallel_loop3A_334 = arith.muli %parallel_loop3A_207, %parallel_loop3A_333 : i32
          %parallel_loop3A_335 = arith.constant 6 : i32
          %parallel_loop3A_336 = arith.constant 0 : i32
          %parallel_loop3A_337 = arith.constant 0 : i32
          %parallel_loop3A_338 = arith.constant 0 : i32
          %parallel_loop3A_339 = tpu.memref_slice %arg11[%parallel_loop3A_145, %parallel_loop3A_336, %parallel_loop3A_337, %parallel_loop3A_338] : memref<4x16x8x128xf32, #tpu.memory_space<vmem>> -> memref<1x16x8x128xf32, #tpu.memory_space<vmem>>
          %parallel_loop3A_340 = tpu.memref_squeeze %parallel_loop3A_339 : memref<1x16x8x128xf32, #tpu.memory_space<vmem>> -> memref<16x8x128xf32, #tpu.memory_space<vmem>>
          %parallel_loop3A_341 = arith.index_cast %parallel_loop3A_191 : i32 to index
          %parallel_loop3A_342 = arith.index_cast %parallel_loop3A_335 : i32 to index
          %parallel_loop3A_343 = arith.index_cast %parallel_loop3A_334 : i32 to index
          %parallel_loop3A_344 = tpu.vector_load %parallel_loop3A_340[%parallel_loop3A_341, %parallel_loop3A_342, %parallel_loop3A_343] {strides = array<i32>} : memref<16x8x128xf32, #tpu.memory_space<vmem>>, vector<16xf32>,
          tpu.vector_store %parallel_loop3A_340[%parallel_loop3A_341, %parallel_loop3A_342, %parallel_loop3A_343], %parallel_loop3A_332 {strides = array<i32>} : memref<16x8x128xf32, #tpu.memory_space<vmem>>, vector<16xf32>,
          %parallel_loop3A_345 = arith.constant 7000 : i32
          %parallel_loop3A_346 = vector.broadcast %parallel_loop3A_345 : i32 to vector<16xi32>
          %parallel_loop3A_347 = arith.addi %parallel_loop3A_211, %parallel_loop3A_346 : vector<16xi32>
          %parallel_loop3A_348 = arith.constant 0 : i32
          %parallel_loop3A_349 = tpu.memref_slice %arg8[%parallel_loop3A_144, %parallel_loop3A_348] : memref<4x8000xf32, #tpu.memory_space<vmem>> -> memref<1x8000xf32, #tpu.memory_space<vmem>>
          %parallel_loop3A_350 = tpu.memref_squeeze %parallel_loop3A_349 : memref<1x8000xf32, #tpu.memory_space<vmem>> -> memref<8000xf32, #tpu.memory_space<vmem>>
          %parallel_loop3A_351 = tpu.vector_load_idx %parallel_loop3A_350[%parallel_loop3A_347] : memref<8000xf32, #tpu.memory_space<vmem>>[vector<16xi32>], vector<16xf32>,
          %parallel_loop3A_352 = arith.constant 16 : i32
          %parallel_loop3A_353 = arith.muli %parallel_loop3A_207, %parallel_loop3A_352 : i32
          %parallel_loop3A_354 = arith.constant 7 : i32
          %parallel_loop3A_355 = arith.constant 0 : i32
          %parallel_loop3A_356 = arith.constant 0 : i32
          %parallel_loop3A_357 = arith.constant 0 : i32
          %parallel_loop3A_358 = tpu.memref_slice %arg11[%parallel_loop3A_145, %parallel_loop3A_355, %parallel_loop3A_356, %parallel_loop3A_357] : memref<4x16x8x128xf32, #tpu.memory_space<vmem>> -> memref<1x16x8x128xf32, #tpu.memory_space<vmem>>
          %parallel_loop3A_359 = tpu.memref_squeeze %parallel_loop3A_358 : memref<1x16x8x128xf32, #tpu.memory_space<vmem>> -> memref<16x8x128xf32, #tpu.memory_space<vmem>>
          %parallel_loop3A_360 = arith.index_cast %parallel_loop3A_191 : i32 to index
          %parallel_loop3A_361 = arith.index_cast %parallel_loop3A_354 : i32 to index
          %parallel_loop3A_362 = arith.index_cast %parallel_loop3A_353 : i32 to index
          %parallel_loop3A_363 = tpu.vector_load %parallel_loop3A_359[%parallel_loop3A_360, %parallel_loop3A_361, %parallel_loop3A_362] {strides = array<i32>} : memref<16x8x128xf32, #tpu.memory_space<vmem>>, vector<16xf32>,
          tpu.vector_store %parallel_loop3A_359[%parallel_loop3A_360, %parallel_loop3A_361, %parallel_loop3A_362], %parallel_loop3A_351 {strides = array<i32>} : memref<16x8x128xf32, #tpu.memory_space<vmem>>, vector<16xf32>,
        } {sc.loop_unroll_factor = 4 : i64, sc.parallel_access}
        %mul3A_146 = arith.constant 16 : i32
        %mul3A_147 = arith.muli %add3A_104, %mul3A_146 : i32
        %dma_start3A_148 = arith.constant 1 : i32
        %dma_start3A_149 = arith.constant 0 : i32
        %dma_start3A_150 = arith.constant 0 : i32
        %dma_start3A_151 = arith.constant 0 : i32
        %dma_start3A_152 = tpu.memref_slice %arg11[%dma_start3A_148, %dma_start3A_149, %dma_start3A_150, %dma_start3A_151] : memref<4x16x8x128xf32, #tpu.memory_space<vmem>> -> memref<1x16x8x128xf32, #tpu.memory_space<vmem>>
        %dma_start3A_153 = tpu.memref_squeeze %dma_start3A_152 : memref<1x16x8x128xf32, #tpu.memory_space<vmem>> -> memref<16x8x128xf32, #tpu.memory_space<vmem>>
        %dma_start3A_154 = arith.constant 0 : i32
        %dma_start3A_155 = arith.constant 0 : i32
        %dma_start3A_156 = tpu.memref_slice %arg6[%add3A_9, %mul3A_147, %dma_start3A_154, %dma_start3A_155] : memref<125x640x8x128xf32, #tpu.memory_space<hbm>> -> memref<1x16x8x128xf32, #tpu.memory_space<hbm>>
        %dma_start3A_157 = tpu.memref_squeeze %dma_start3A_156 : memref<1x16x8x128xf32, #tpu.memory_space<hbm>> -> memref<16x8x128xf32, #tpu.memory_space<hbm>>
        %dma_start3A_158 = arith.constant 0 : i32
        %dma_start3A_159 = arith.constant 0 : i32
        %dma_start3A_160 = tpu.memref_slice %arg6[%add3A_9, %mul3A_147, %dma_start3A_158, %dma_start3A_159] : memref<125x640x8x128xf32, #tpu.memory_space<hbm>> -> memref<1x16x8x128xf32, #tpu.memory_space<hbm>>
        %dma_start3A_161 = tpu.memref_squeeze %dma_start3A_160 : memref<1x16x8x128xf32, #tpu.memory_space<hbm>> -> memref<16x8x128xf32, #tpu.memory_space<hbm>>
        %dma_start3A_162 = arith.constant 0 : i32
        %dma_start3A_163 = arith.constant 0 : i32
        %dma_start3A_164 = arith.constant 0 : i32
        %dma_start3A_165 = tpu.memref_slice %arg11[%dma_start3A_148, %dma_start3A_162, %dma_start3A_163, %dma_start3A_164] : memref<4x16x8x128xf32, #tpu.memory_space<vmem>> -> memref<1x16x8x128xf32, #tpu.memory_space<vmem>>
        %dma_start3A_166 = tpu.memref_squeeze %dma_start3A_165 : memref<1x16x8x128xf32, #tpu.memory_space<vmem>> -> memref<16x8x128xf32, #tpu.memory_space<vmem>>
        tpu.enqueue_dma source(%dma_start3A_166 : memref<16x8x128xf32, #tpu.memory_space<vmem>>) target(%dma_start3A_161 : memref<16x8x128xf32, #tpu.memory_space<hbm>>) target_semaphore(%arg19 : memref<!tpu.dma_semaphore, #tpu.memory_space<semaphore_mem>>)
      } else {
      }
      %lt3A_119 = arith.constant 125 : i32
      %lt3A_120 = arith.cmpi slt, %add3A_11, %lt3A_119 : i32
      %convert_element_type3A_121 = arith.extui %lt3A_120 : i1 to i32
      %cond3A_122 = arith.constant 0 : i32
      %cond3A_123 = arith.cmpi ne, %convert_element_type3A_121, %cond3A_122 : i32
      scf.if %cond3A_123 {
        %gt3A_136 = arith.constant 0 : i32
        %gt3A_137 = arith.cmpi sgt, %add3A_104, %gt3A_136 : i32
        %convert_element_type3A_138 = arith.extui %gt3A_137 : i1 to i32
        %cond3A_139 = arith.constant 0 : i32
        %cond3A_140 = arith.cmpi ne, %convert_element_type3A_138, %cond3A_139 : i32
        scf.if %cond3A_140 {
          %sub3A = arith.constant 1 : i32
          %sub3A_167 = arith.subi %add3A_104, %sub3A : i32
          %mul3A_168 = arith.constant 16 : i32
          %mul3A_169 = arith.muli %sub3A_167, %mul3A_168 : i32
          %dma_wait3A_170 = arith.constant 2 : i32
          %dma_wait3A_171 = arith.constant 0 : i32
          %dma_wait3A_172 = arith.constant 0 : i32
          %dma_wait3A_173 = arith.constant 0 : i32
          %dma_wait3A_174 = tpu.memref_slice %arg11[%dma_wait3A_170, %dma_wait3A_171, %dma_wait3A_172, %dma_wait3A_173] : memref<4x16x8x128xf32, #tpu.memory_space<vmem>> -> memref<1x16x8x128xf32, #tpu.memory_space<vmem>>
          %dma_wait3A_175 = tpu.memref_squeeze %dma_wait3A_174 : memref<1x16x8x128xf32, #tpu.memory_space<vmem>> -> memref<16x8x128xf32, #tpu.memory_space<vmem>>
          %dma_wait3A_176 = arith.constant 0 : i32
          %dma_wait3A_177 = arith.constant 0 : i32
          %dma_wait3A_178 = tpu.memref_slice %arg6[%add3A_11, %mul3A_169, %dma_wait3A_176, %dma_wait3A_177] : memref<125x640x8x128xf32, #tpu.memory_space<hbm>> -> memref<1x16x8x128xf32, #tpu.memory_space<hbm>>
          %dma_wait3A_179 = tpu.memref_squeeze %dma_wait3A_178 : memref<1x16x8x128xf32, #tpu.memory_space<hbm>> -> memref<16x8x128xf32, #tpu.memory_space<hbm>>
          %dma_wait3A_180 = arith.constant 0 : i32
          %dma_wait3A_181 = arith.constant 0 : i32
          %dma_wait3A_182 = tpu.memref_slice %arg6[%add3A_11, %mul3A_169, %dma_wait3A_180, %dma_wait3A_181] : memref<125x640x8x128xf32, #tpu.memory_space<hbm>> -> memref<1x16x8x128xf32, #tpu.memory_space<hbm>>
          %dma_wait3A_183 = tpu.memref_squeeze %dma_wait3A_182 : memref<1x16x8x128xf32, #tpu.memory_space<hbm>> -> memref<16x8x128xf32, #tpu.memory_space<hbm>>
          %dma_wait3A_184 = arith.constant 0 : i32
          %dma_wait3A_185 = arith.constant 0 : i32
          %dma_wait3A_186 = arith.constant 0 : i32
          %dma_wait3A_187 = tpu.memref_slice %arg11[%dma_wait3A_170, %dma_wait3A_184, %dma_wait3A_185, %dma_wait3A_186] : memref<4x16x8x128xf32, #tpu.memory_space<vmem>> -> memref<1x16x8x128xf32, #tpu.memory_space<vmem>>
          %dma_wait3A_188 = tpu.memref_squeeze %dma_wait3A_187 : memref<1x16x8x128xf32, #tpu.memory_space<vmem>> -> memref<16x8x128xf32, #tpu.memory_space<vmem>>
          tpu.wait_dma2 semaphore(%arg20 : memref<!tpu.dma_semaphore, #tpu.memory_space<semaphore_mem>>) src(%dma_wait3A_188 : memref<16x8x128xf32, #tpu.memory_space<vmem>>) dst(%dma_wait3A_183 : memref<16x8x128xf32, #tpu.memory_space<hbm>>)
        } else {
        }
        %parallel_loop3A_141 = arith.constant 0 : i32
        %parallel_loop3A_142 = arith.constant 128 : i32
        %parallel_loop3A_143 = arith.constant 1 : i32
        %parallel_loop3A_144 = arith.constant 2 : i32
        %parallel_loop3A_145 = arith.constant 2 : i32
        scf.for %parallel_loop3A_167 = %parallel_loop3A_141 to %parallel_loop3A_142 step %parallel_loop3A_143  : i32 {
          %parallel_loop3A_168 = arith.constant 8 : i32
          %parallel_loop3A_169 = arith.divsi %parallel_loop3A_167, %parallel_loop3A_168 : i32
          %parallel_loop3A_170 = arith.constant 0 : i32
          %parallel_loop3A_171 = arith.cmpi sgt, %parallel_loop3A_167, %parallel_loop3A_170 : i32
          %parallel_loop3A_172 = arith.extui %parallel_loop3A_171 : i1 to i32
          %parallel_loop3A_173 = arith.constant 0 : i32
          %parallel_loop3A_174 = arith.cmpi slt, %parallel_loop3A_167, %parallel_loop3A_173 : i32
          %parallel_loop3A_175 = arith.extui %parallel_loop3A_174 : i1 to i32
          %parallel_loop3A_176 = arith.subi %parallel_loop3A_172, %parallel_loop3A_175 : i32
          %parallel_loop3A_177 = arith.constant 0 : i32
          %parallel_loop3A_178 = arith.cmpi sgt, %parallel_loop3A_168, %parallel_loop3A_177 : i32
          %parallel_loop3A_179 = arith.extui %parallel_loop3A_178 : i1 to i32
          %parallel_loop3A_180 = arith.constant 0 : i32
          %parallel_loop3A_181 = arith.cmpi slt, %parallel_loop3A_168, %parallel_loop3A_180 : i32
          %parallel_loop3A_182 = arith.extui %parallel_loop3A_181 : i1 to i32
          %parallel_loop3A_183 = arith.subi %parallel_loop3A_179, %parallel_loop3A_182 : i32
          %parallel_loop3A_184 = arith.cmpi ne, %parallel_loop3A_176, %parallel_loop3A_183 : i32
          %parallel_loop3A_185 = arith.remsi %parallel_loop3A_167, %parallel_loop3A_168 : i32
          %parallel_loop3A_186 = arith.constant 0 : i32
          %parallel_loop3A_187 = arith.cmpi ne, %parallel_loop3A_185, %parallel_loop3A_186 : i32
          %parallel_loop3A_188 = arith.andi %parallel_loop3A_184, %parallel_loop3A_187 : i1
          %parallel_loop3A_189 = arith.constant 1 : i32
          %parallel_loop3A_190 = arith.subi %parallel_loop3A_169, %parallel_loop3A_189 : i32
          %parallel_loop3A_191 = arith.select %parallel_loop3A_188, %parallel_loop3A_190, %parallel_loop3A_169 : i32
          %parallel_loop3A_192 = arith.constant 8 : i32
          %parallel_loop3A_193 = arith.constant 0 : i32
          %parallel_loop3A_194 = arith.cmpi eq, %parallel_loop3A_192, %parallel_loop3A_193 : i32
          %parallel_loop3A_195 = arith.constant 1 : i32
          %parallel_loop3A_196 = arith.select %parallel_loop3A_194, %parallel_loop3A_195, %parallel_loop3A_192 : i32
          %parallel_loop3A_197 = arith.remsi %parallel_loop3A_167, %parallel_loop3A_196 : i32
          %parallel_loop3A_198 = arith.constant 0 : i32
          %parallel_loop3A_199 = arith.cmpi ne, %parallel_loop3A_197, %parallel_loop3A_198 : i32
          %parallel_loop3A_200 = arith.constant 0 : i32
          %parallel_loop3A_201 = arith.cmpi slt, %parallel_loop3A_197, %parallel_loop3A_200 : i32
          %parallel_loop3A_202 = arith.constant 0 : i32
          %parallel_loop3A_203 = arith.cmpi slt, %parallel_loop3A_196, %parallel_loop3A_202 : i32
          %parallel_loop3A_204 = arith.xori %parallel_loop3A_201, %parallel_loop3A_203 : i1
          %parallel_loop3A_205 = arith.andi %parallel_loop3A_204, %parallel_loop3A_199 : i1
          %parallel_loop3A_206 = arith.addi %parallel_loop3A_197, %parallel_loop3A_196 : i32
          %parallel_loop3A_207 = arith.select %parallel_loop3A_205, %parallel_loop3A_206, %parallel_loop3A_197 : i32
          %parallel_loop3A_208 = arith.constant 16 : i32
          %parallel_loop3A_209 = arith.muli %parallel_loop3A_167, %parallel_loop3A_208 : i32
          %parallel_loop3A_210 = arith.index_cast %parallel_loop3A_209 : i32 to index
          %parallel_loop3A_211 = tpu.vector_load %arg10[%parallel_loop3A_210] {strides = array<i32>} : memref<2048xi32, #tpu.memory_space<vmem>>, vector<16xi32>,
          %parallel_loop3A_212 = arith.constant 0 : i32
          %parallel_loop3A_213 = vector.broadcast %parallel_loop3A_212 : i32 to vector<16xi32>
          %parallel_loop3A_214 = arith.addi %parallel_loop3A_211, %parallel_loop3A_213 : vector<16xi32>
          %parallel_loop3A_215 = arith.constant 0 : i32
          %parallel_loop3A_216 = tpu.memref_slice %arg8[%parallel_loop3A_144, %parallel_loop3A_215] : memref<4x8000xf32, #tpu.memory_space<vmem>> -> memref<1x8000xf32, #tpu.memory_space<vmem>>
          %parallel_loop3A_217 = tpu.memref_squeeze %parallel_loop3A_216 : memref<1x8000xf32, #tpu.memory_space<vmem>> -> memref<8000xf32, #tpu.memory_space<vmem>>
          %parallel_loop3A_218 = tpu.vector_load_idx %parallel_loop3A_217[%parallel_loop3A_214] : memref<8000xf32, #tpu.memory_space<vmem>>[vector<16xi32>], vector<16xf32>,
          %parallel_loop3A_219 = arith.constant 16 : i32
          %parallel_loop3A_220 = arith.muli %parallel_loop3A_207, %parallel_loop3A_219 : i32
          %parallel_loop3A_221 = arith.constant 0 : i32
          %parallel_loop3A_222 = arith.constant 0 : i32
          %parallel_loop3A_223 = arith.constant 0 : i32
          %parallel_loop3A_224 = arith.constant 0 : i32
          %parallel_loop3A_225 = tpu.memref_slice %arg11[%parallel_loop3A_145, %parallel_loop3A_222, %parallel_loop3A_223, %parallel_loop3A_224] : memref<4x16x8x128xf32, #tpu.memory_space<vmem>> -> memref<1x16x8x128xf32, #tpu.memory_space<vmem>>
          %parallel_loop3A_226 = tpu.memref_squeeze %parallel_loop3A_225 : memref<1x16x8x128xf32, #tpu.memory_space<vmem>> -> memref<16x8x128xf32, #tpu.memory_space<vmem>>
          %parallel_loop3A_227 = arith.index_cast %parallel_loop3A_191 : i32 to index
          %parallel_loop3A_228 = arith.index_cast %parallel_loop3A_221 : i32 to index
          %parallel_loop3A_229 = arith.index_cast %parallel_loop3A_220 : i32 to index
          %parallel_loop3A_230 = tpu.vector_load %parallel_loop3A_226[%parallel_loop3A_227, %parallel_loop3A_228, %parallel_loop3A_229] {strides = array<i32>} : memref<16x8x128xf32, #tpu.memory_space<vmem>>, vector<16xf32>,
          tpu.vector_store %parallel_loop3A_226[%parallel_loop3A_227, %parallel_loop3A_228, %parallel_loop3A_229], %parallel_loop3A_218 {strides = array<i32>} : memref<16x8x128xf32, #tpu.memory_space<vmem>>, vector<16xf32>,
          %parallel_loop3A_231 = arith.constant 1000 : i32
          %parallel_loop3A_232 = vector.broadcast %parallel_loop3A_231 : i32 to vector<16xi32>
          %parallel_loop3A_233 = arith.addi %parallel_loop3A_211, %parallel_loop3A_232 : vector<16xi32>
          %parallel_loop3A_234 = arith.constant 0 : i32
          %parallel_loop3A_235 = tpu.memref_slice %arg8[%parallel_loop3A_144, %parallel_loop3A_234] : memref<4x8000xf32, #tpu.memory_space<vmem>> -> memref<1x8000xf32, #tpu.memory_space<vmem>>
          %parallel_loop3A_236 = tpu.memref_squeeze %parallel_loop3A_235 : memref<1x8000xf32, #tpu.memory_space<vmem>> -> memref<8000xf32, #tpu.memory_space<vmem>>
          %parallel_loop3A_237 = tpu.vector_load_idx %parallel_loop3A_236[%parallel_loop3A_233] : memref<8000xf32, #tpu.memory_space<vmem>>[vector<16xi32>], vector<16xf32>,
          %parallel_loop3A_238 = arith.constant 16 : i32
          %parallel_loop3A_239 = arith.muli %parallel_loop3A_207, %parallel_loop3A_238 : i32
          %parallel_loop3A_240 = arith.constant 1 : i32
          %parallel_loop3A_241 = arith.constant 0 : i32
          %parallel_loop3A_242 = arith.constant 0 : i32
          %parallel_loop3A_243 = arith.constant 0 : i32
          %parallel_loop3A_244 = tpu.memref_slice %arg11[%parallel_loop3A_145, %parallel_loop3A_241, %parallel_loop3A_242, %parallel_loop3A_243] : memref<4x16x8x128xf32, #tpu.memory_space<vmem>> -> memref<1x16x8x128xf32, #tpu.memory_space<vmem>>
          %parallel_loop3A_245 = tpu.memref_squeeze %parallel_loop3A_244 : memref<1x16x8x128xf32, #tpu.memory_space<vmem>> -> memref<16x8x128xf32, #tpu.memory_space<vmem>>
          %parallel_loop3A_246 = arith.index_cast %parallel_loop3A_191 : i32 to index
          %parallel_loop3A_247 = arith.index_cast %parallel_loop3A_240 : i32 to index
          %parallel_loop3A_248 = arith.index_cast %parallel_loop3A_239 : i32 to index
          %parallel_loop3A_249 = tpu.vector_load %parallel_loop3A_245[%parallel_loop3A_246, %parallel_loop3A_247, %parallel_loop3A_248] {strides = array<i32>} : memref<16x8x128xf32, #tpu.memory_space<vmem>>, vector<16xf32>,
          tpu.vector_store %parallel_loop3A_245[%parallel_loop3A_246, %parallel_loop3A_247, %parallel_loop3A_248], %parallel_loop3A_237 {strides = array<i32>} : memref<16x8x128xf32, #tpu.memory_space<vmem>>, vector<16xf32>,
          %parallel_loop3A_250 = arith.constant 2000 : i32
          %parallel_loop3A_251 = vector.broadcast %parallel_loop3A_250 : i32 to vector<16xi32>
          %parallel_loop3A_252 = arith.addi %parallel_loop3A_211, %parallel_loop3A_251 : vector<16xi32>
          %parallel_loop3A_253 = arith.constant 0 : i32
          %parallel_loop3A_254 = tpu.memref_slice %arg8[%parallel_loop3A_144, %parallel_loop3A_253] : memref<4x8000xf32, #tpu.memory_space<vmem>> -> memref<1x8000xf32, #tpu.memory_space<vmem>>
          %parallel_loop3A_255 = tpu.memref_squeeze %parallel_loop3A_254 : memref<1x8000xf32, #tpu.memory_space<vmem>> -> memref<8000xf32, #tpu.memory_space<vmem>>
          %parallel_loop3A_256 = tpu.vector_load_idx %parallel_loop3A_255[%parallel_loop3A_252] : memref<8000xf32, #tpu.memory_space<vmem>>[vector<16xi32>], vector<16xf32>,
          %parallel_loop3A_257 = arith.constant 16 : i32
          %parallel_loop3A_258 = arith.muli %parallel_loop3A_207, %parallel_loop3A_257 : i32
          %parallel_loop3A_259 = arith.constant 2 : i32
          %parallel_loop3A_260 = arith.constant 0 : i32
          %parallel_loop3A_261 = arith.constant 0 : i32
          %parallel_loop3A_262 = arith.constant 0 : i32
          %parallel_loop3A_263 = tpu.memref_slice %arg11[%parallel_loop3A_145, %parallel_loop3A_260, %parallel_loop3A_261, %parallel_loop3A_262] : memref<4x16x8x128xf32, #tpu.memory_space<vmem>> -> memref<1x16x8x128xf32, #tpu.memory_space<vmem>>
          %parallel_loop3A_264 = tpu.memref_squeeze %parallel_loop3A_263 : memref<1x16x8x128xf32, #tpu.memory_space<vmem>> -> memref<16x8x128xf32, #tpu.memory_space<vmem>>
          %parallel_loop3A_265 = arith.index_cast %parallel_loop3A_191 : i32 to index
          %parallel_loop3A_266 = arith.index_cast %parallel_loop3A_259 : i32 to index
          %parallel_loop3A_267 = arith.index_cast %parallel_loop3A_258 : i32 to index
          %parallel_loop3A_268 = tpu.vector_load %parallel_loop3A_264[%parallel_loop3A_265, %parallel_loop3A_266, %parallel_loop3A_267] {strides = array<i32>} : memref<16x8x128xf32, #tpu.memory_space<vmem>>, vector<16xf32>,
          tpu.vector_store %parallel_loop3A_264[%parallel_loop3A_265, %parallel_loop3A_266, %parallel_loop3A_267], %parallel_loop3A_256 {strides = array<i32>} : memref<16x8x128xf32, #tpu.memory_space<vmem>>, vector<16xf32>,
          %parallel_loop3A_269 = arith.constant 3000 : i32
          %parallel_loop3A_270 = vector.broadcast %parallel_loop3A_269 : i32 to vector<16xi32>
          %parallel_loop3A_271 = arith.addi %parallel_loop3A_211, %parallel_loop3A_270 : vector<16xi32>
          %parallel_loop3A_272 = arith.constant 0 : i32
          %parallel_loop3A_273 = tpu.memref_slice %arg8[%parallel_loop3A_144, %parallel_loop3A_272] : memref<4x8000xf32, #tpu.memory_space<vmem>> -> memref<1x8000xf32, #tpu.memory_space<vmem>>
          %parallel_loop3A_274 = tpu.memref_squeeze %parallel_loop3A_273 : memref<1x8000xf32, #tpu.memory_space<vmem>> -> memref<8000xf32, #tpu.memory_space<vmem>>
          %parallel_loop3A_275 = tpu.vector_load_idx %parallel_loop3A_274[%parallel_loop3A_271] : memref<8000xf32, #tpu.memory_space<vmem>>[vector<16xi32>], vector<16xf32>,
          %parallel_loop3A_276 = arith.constant 16 : i32
          %parallel_loop3A_277 = arith.muli %parallel_loop3A_207, %parallel_loop3A_276 : i32
          %parallel_loop3A_278 = arith.constant 3 : i32
          %parallel_loop3A_279 = arith.constant 0 : i32
          %parallel_loop3A_280 = arith.constant 0 : i32
          %parallel_loop3A_281 = arith.constant 0 : i32
          %parallel_loop3A_282 = tpu.memref_slice %arg11[%parallel_loop3A_145, %parallel_loop3A_279, %parallel_loop3A_280, %parallel_loop3A_281] : memref<4x16x8x128xf32, #tpu.memory_space<vmem>> -> memref<1x16x8x128xf32, #tpu.memory_space<vmem>>
          %parallel_loop3A_283 = tpu.memref_squeeze %parallel_loop3A_282 : memref<1x16x8x128xf32, #tpu.memory_space<vmem>> -> memref<16x8x128xf32, #tpu.memory_space<vmem>>
          %parallel_loop3A_284 = arith.index_cast %parallel_loop3A_191 : i32 to index
          %parallel_loop3A_285 = arith.index_cast %parallel_loop3A_278 : i32 to index
          %parallel_loop3A_286 = arith.index_cast %parallel_loop3A_277 : i32 to index
          %parallel_loop3A_287 = tpu.vector_load %parallel_loop3A_283[%parallel_loop3A_284, %parallel_loop3A_285, %parallel_loop3A_286] {strides = array<i32>} : memref<16x8x128xf32, #tpu.memory_space<vmem>>, vector<16xf32>,
          tpu.vector_store %parallel_loop3A_283[%parallel_loop3A_284, %parallel_loop3A_285, %parallel_loop3A_286], %parallel_loop3A_275 {strides = array<i32>} : memref<16x8x128xf32, #tpu.memory_space<vmem>>, vector<16xf32>,
          %parallel_loop3A_288 = arith.constant 4000 : i32
          %parallel_loop3A_289 = vector.broadcast %parallel_loop3A_288 : i32 to vector<16xi32>
          %parallel_loop3A_290 = arith.addi %parallel_loop3A_211, %parallel_loop3A_289 : vector<16xi32>
          %parallel_loop3A_291 = arith.constant 0 : i32
          %parallel_loop3A_292 = tpu.memref_slice %arg8[%parallel_loop3A_144, %parallel_loop3A_291] : memref<4x8000xf32, #tpu.memory_space<vmem>> -> memref<1x8000xf32, #tpu.memory_space<vmem>>
          %parallel_loop3A_293 = tpu.memref_squeeze %parallel_loop3A_292 : memref<1x8000xf32, #tpu.memory_space<vmem>> -> memref<8000xf32, #tpu.memory_space<vmem>>
          %parallel_loop3A_294 = tpu.vector_load_idx %parallel_loop3A_293[%parallel_loop3A_290] : memref<8000xf32, #tpu.memory_space<vmem>>[vector<16xi32>], vector<16xf32>,
          %parallel_loop3A_295 = arith.constant 16 : i32
          %parallel_loop3A_296 = arith.muli %parallel_loop3A_207, %parallel_loop3A_295 : i32
          %parallel_loop3A_297 = arith.constant 4 : i32
          %parallel_loop3A_298 = arith.constant 0 : i32
          %parallel_loop3A_299 = arith.constant 0 : i32
          %parallel_loop3A_300 = arith.constant 0 : i32
          %parallel_loop3A_301 = tpu.memref_slice %arg11[%parallel_loop3A_145, %parallel_loop3A_298, %parallel_loop3A_299, %parallel_loop3A_300] : memref<4x16x8x128xf32, #tpu.memory_space<vmem>> -> memref<1x16x8x128xf32, #tpu.memory_space<vmem>>
          %parallel_loop3A_302 = tpu.memref_squeeze %parallel_loop3A_301 : memref<1x16x8x128xf32, #tpu.memory_space<vmem>> -> memref<16x8x128xf32, #tpu.memory_space<vmem>>
          %parallel_loop3A_303 = arith.index_cast %parallel_loop3A_191 : i32 to index
          %parallel_loop3A_304 = arith.index_cast %parallel_loop3A_297 : i32 to index
          %parallel_loop3A_305 = arith.index_cast %parallel_loop3A_296 : i32 to index
          %parallel_loop3A_306 = tpu.vector_load %parallel_loop3A_302[%parallel_loop3A_303, %parallel_loop3A_304, %parallel_loop3A_305] {strides = array<i32>} : memref<16x8x128xf32, #tpu.memory_space<vmem>>, vector<16xf32>,
          tpu.vector_store %parallel_loop3A_302[%parallel_loop3A_303, %parallel_loop3A_304, %parallel_loop3A_305], %parallel_loop3A_294 {strides = array<i32>} : memref<16x8x128xf32, #tpu.memory_space<vmem>>, vector<16xf32>,
          %parallel_loop3A_307 = arith.constant 5000 : i32
          %parallel_loop3A_308 = vector.broadcast %parallel_loop3A_307 : i32 to vector<16xi32>
          %parallel_loop3A_309 = arith.addi %parallel_loop3A_211, %parallel_loop3A_308 : vector<16xi32>
          %parallel_loop3A_310 = arith.constant 0 : i32
          %parallel_loop3A_311 = tpu.memref_slice %arg8[%parallel_loop3A_144, %parallel_loop3A_310] : memref<4x8000xf32, #tpu.memory_space<vmem>> -> memref<1x8000xf32, #tpu.memory_space<vmem>>
          %parallel_loop3A_312 = tpu.memref_squeeze %parallel_loop3A_311 : memref<1x8000xf32, #tpu.memory_space<vmem>> -> memref<8000xf32, #tpu.memory_space<vmem>>
          %parallel_loop3A_313 = tpu.vector_load_idx %parallel_loop3A_312[%parallel_loop3A_309] : memref<8000xf32, #tpu.memory_space<vmem>>[vector<16xi32>], vector<16xf32>,
          %parallel_loop3A_314 = arith.constant 16 : i32
          %parallel_loop3A_315 = arith.muli %parallel_loop3A_207, %parallel_loop3A_314 : i32
          %parallel_loop3A_316 = arith.constant 5 : i32
          %parallel_loop3A_317 = arith.constant 0 : i32
          %parallel_loop3A_318 = arith.constant 0 : i32
          %parallel_loop3A_319 = arith.constant 0 : i32
          %parallel_loop3A_320 = tpu.memref_slice %arg11[%parallel_loop3A_145, %parallel_loop3A_317, %parallel_loop3A_318, %parallel_loop3A_319] : memref<4x16x8x128xf32, #tpu.memory_space<vmem>> -> memref<1x16x8x128xf32, #tpu.memory_space<vmem>>
          %parallel_loop3A_321 = tpu.memref_squeeze %parallel_loop3A_320 : memref<1x16x8x128xf32, #tpu.memory_space<vmem>> -> memref<16x8x128xf32, #tpu.memory_space<vmem>>
          %parallel_loop3A_322 = arith.index_cast %parallel_loop3A_191 : i32 to index
          %parallel_loop3A_323 = arith.index_cast %parallel_loop3A_316 : i32 to index
          %parallel_loop3A_324 = arith.index_cast %parallel_loop3A_315 : i32 to index
          %parallel_loop3A_325 = tpu.vector_load %parallel_loop3A_321[%parallel_loop3A_322, %parallel_loop3A_323, %parallel_loop3A_324] {strides = array<i32>} : memref<16x8x128xf32, #tpu.memory_space<vmem>>, vector<16xf32>,
          tpu.vector_store %parallel_loop3A_321[%parallel_loop3A_322, %parallel_loop3A_323, %parallel_loop3A_324], %parallel_loop3A_313 {strides = array<i32>} : memref<16x8x128xf32, #tpu.memory_space<vmem>>, vector<16xf32>,
          %parallel_loop3A_326 = arith.constant 6000 : i32
          %parallel_loop3A_327 = vector.broadcast %parallel_loop3A_326 : i32 to vector<16xi32>
          %parallel_loop3A_328 = arith.addi %parallel_loop3A_211, %parallel_loop3A_327 : vector<16xi32>
          %parallel_loop3A_329 = arith.constant 0 : i32
          %parallel_loop3A_330 = tpu.memref_slice %arg8[%parallel_loop3A_144, %parallel_loop3A_329] : memref<4x8000xf32, #tpu.memory_space<vmem>> -> memref<1x8000xf32, #tpu.memory_space<vmem>>
          %parallel_loop3A_331 = tpu.memref_squeeze %parallel_loop3A_330 : memref<1x8000xf32, #tpu.memory_space<vmem>> -> memref<8000xf32, #tpu.memory_space<vmem>>
          %parallel_loop3A_332 = tpu.vector_load_idx %parallel_loop3A_331[%parallel_loop3A_328] : memref<8000xf32, #tpu.memory_space<vmem>>[vector<16xi32>], vector<16xf32>,
          %parallel_loop3A_333 = arith.constant 16 : i32
          %parallel_loop3A_334 = arith.muli %parallel_loop3A_207, %parallel_loop3A_333 : i32
          %parallel_loop3A_335 = arith.constant 6 : i32
          %parallel_loop3A_336 = arith.constant 0 : i32
          %parallel_loop3A_337 = arith.constant 0 : i32
          %parallel_loop3A_338 = arith.constant 0 : i32
          %parallel_loop3A_339 = tpu.memref_slice %arg11[%parallel_loop3A_145, %parallel_loop3A_336, %parallel_loop3A_337, %parallel_loop3A_338] : memref<4x16x8x128xf32, #tpu.memory_space<vmem>> -> memref<1x16x8x128xf32, #tpu.memory_space<vmem>>
          %parallel_loop3A_340 = tpu.memref_squeeze %parallel_loop3A_339 : memref<1x16x8x128xf32, #tpu.memory_space<vmem>> -> memref<16x8x128xf32, #tpu.memory_space<vmem>>
          %parallel_loop3A_341 = arith.index_cast %parallel_loop3A_191 : i32 to index
          %parallel_loop3A_342 = arith.index_cast %parallel_loop3A_335 : i32 to index
          %parallel_loop3A_343 = arith.index_cast %parallel_loop3A_334 : i32 to index
          %parallel_loop3A_344 = tpu.vector_load %parallel_loop3A_340[%parallel_loop3A_341, %parallel_loop3A_342, %parallel_loop3A_343] {strides = array<i32>} : memref<16x8x128xf32, #tpu.memory_space<vmem>>, vector<16xf32>,
          tpu.vector_store %parallel_loop3A_340[%parallel_loop3A_341, %parallel_loop3A_342, %parallel_loop3A_343], %parallel_loop3A_332 {strides = array<i32>} : memref<16x8x128xf32, #tpu.memory_space<vmem>>, vector<16xf32>,
          %parallel_loop3A_345 = arith.constant 7000 : i32
          %parallel_loop3A_346 = vector.broadcast %parallel_loop3A_345 : i32 to vector<16xi32>
          %parallel_loop3A_347 = arith.addi %parallel_loop3A_211, %parallel_loop3A_346 : vector<16xi32>
          %parallel_loop3A_348 = arith.constant 0 : i32
          %parallel_loop3A_349 = tpu.memref_slice %arg8[%parallel_loop3A_144, %parallel_loop3A_348] : memref<4x8000xf32, #tpu.memory_space<vmem>> -> memref<1x8000xf32, #tpu.memory_space<vmem>>
          %parallel_loop3A_350 = tpu.memref_squeeze %parallel_loop3A_349 : memref<1x8000xf32, #tpu.memory_space<vmem>> -> memref<8000xf32, #tpu.memory_space<vmem>>
          %parallel_loop3A_351 = tpu.vector_load_idx %parallel_loop3A_350[%parallel_loop3A_347] : memref<8000xf32, #tpu.memory_space<vmem>>[vector<16xi32>], vector<16xf32>,
          %parallel_loop3A_352 = arith.constant 16 : i32
          %parallel_loop3A_353 = arith.muli %parallel_loop3A_207, %parallel_loop3A_352 : i32
          %parallel_loop3A_354 = arith.constant 7 : i32
          %parallel_loop3A_355 = arith.constant 0 : i32
          %parallel_loop3A_356 = arith.constant 0 : i32
          %parallel_loop3A_357 = arith.constant 0 : i32
          %parallel_loop3A_358 = tpu.memref_slice %arg11[%parallel_loop3A_145, %parallel_loop3A_355, %parallel_loop3A_356, %parallel_loop3A_357] : memref<4x16x8x128xf32, #tpu.memory_space<vmem>> -> memref<1x16x8x128xf32, #tpu.memory_space<vmem>>
          %parallel_loop3A_359 = tpu.memref_squeeze %parallel_loop3A_358 : memref<1x16x8x128xf32, #tpu.memory_space<vmem>> -> memref<16x8x128xf32, #tpu.memory_space<vmem>>
          %parallel_loop3A_360 = arith.index_cast %parallel_loop3A_191 : i32 to index
          %parallel_loop3A_361 = arith.index_cast %parallel_loop3A_354 : i32 to index
          %parallel_loop3A_362 = arith.index_cast %parallel_loop3A_353 : i32 to index
          %parallel_loop3A_363 = tpu.vector_load %parallel_loop3A_359[%parallel_loop3A_360, %parallel_loop3A_361, %parallel_loop3A_362] {strides = array<i32>} : memref<16x8x128xf32, #tpu.memory_space<vmem>>, vector<16xf32>,
          tpu.vector_store %parallel_loop3A_359[%parallel_loop3A_360, %parallel_loop3A_361, %parallel_loop3A_362], %parallel_loop3A_351 {strides = array<i32>} : memref<16x8x128xf32, #tpu.memory_space<vmem>>, vector<16xf32>,
        } {sc.loop_unroll_factor = 4 : i64, sc.parallel_access}
        %mul3A_146 = arith.constant 16 : i32
        %mul3A_147 = arith.muli %add3A_104, %mul3A_146 : i32
        %dma_start3A_148 = arith.constant 2 : i32
        %dma_start3A_149 = arith.constant 0 : i32
        %dma_start3A_150 = arith.constant 0 : i32
        %dma_start3A_151 = arith.constant 0 : i32
        %dma_start3A_152 = tpu.memref_slice %arg11[%dma_start3A_148, %dma_start3A_149, %dma_start3A_150, %dma_start3A_151] : memref<4x16x8x128xf32, #tpu.memory_space<vmem>> -> memref<1x16x8x128xf32, #tpu.memory_space<vmem>>
        %dma_start3A_153 = tpu.memref_squeeze %dma_start3A_152 : memref<1x16x8x128xf32, #tpu.memory_space<vmem>> -> memref<16x8x128xf32, #tpu.memory_space<vmem>>
        %dma_start3A_154 = arith.constant 0 : i32
        %dma_start3A_155 = arith.constant 0 : i32
        %dma_start3A_156 = tpu.memref_slice %arg6[%add3A_11, %mul3A_147, %dma_start3A_154, %dma_start3A_155] : memref<125x640x8x128xf32, #tpu.memory_space<hbm>> -> memref<1x16x8x128xf32, #tpu.memory_space<hbm>>
        %dma_start3A_157 = tpu.memref_squeeze %dma_start3A_156 : memref<1x16x8x128xf32, #tpu.memory_space<hbm>> -> memref<16x8x128xf32, #tpu.memory_space<hbm>>
        %dma_start3A_158 = arith.constant 0 : i32
        %dma_start3A_159 = arith.constant 0 : i32
        %dma_start3A_160 = tpu.memref_slice %arg6[%add3A_11, %mul3A_147, %dma_start3A_158, %dma_start3A_159] : memref<125x640x8x128xf32, #tpu.memory_space<hbm>> -> memref<1x16x8x128xf32, #tpu.memory_space<hbm>>
        %dma_start3A_161 = tpu.memref_squeeze %dma_start3A_160 : memref<1x16x8x128xf32, #tpu.memory_space<hbm>> -> memref<16x8x128xf32, #tpu.memory_space<hbm>>
        %dma_start3A_162 = arith.constant 0 : i32
        %dma_start3A_163 = arith.constant 0 : i32
        %dma_start3A_164 = arith.constant 0 : i32
        %dma_start3A_165 = tpu.memref_slice %arg11[%dma_start3A_148, %dma_start3A_162, %dma_start3A_163, %dma_start3A_164] : memref<4x16x8x128xf32, #tpu.memory_space<vmem>> -> memref<1x16x8x128xf32, #tpu.memory_space<vmem>>
        %dma_start3A_166 = tpu.memref_squeeze %dma_start3A_165 : memref<1x16x8x128xf32, #tpu.memory_space<vmem>> -> memref<16x8x128xf32, #tpu.memory_space<vmem>>
        tpu.enqueue_dma source(%dma_start3A_166 : memref<16x8x128xf32, #tpu.memory_space<vmem>>) target(%dma_start3A_161 : memref<16x8x128xf32, #tpu.memory_space<hbm>>) target_semaphore(%arg20 : memref<!tpu.dma_semaphore, #tpu.memory_space<semaphore_mem>>)
      } else {
      }
      %lt3A_124 = arith.constant 125 : i32
      %lt3A_125 = arith.cmpi slt, %add3A_13, %lt3A_124 : i32
      %convert_element_type3A_126 = arith.extui %lt3A_125 : i1 to i32
      %cond3A_127 = arith.constant 0 : i32
      %cond3A_128 = arith.cmpi ne, %convert_element_type3A_126, %cond3A_127 : i32
      scf.if %cond3A_128 {
        %gt3A_136 = arith.constant 0 : i32
        %gt3A_137 = arith.cmpi sgt, %add3A_104, %gt3A_136 : i32
        %convert_element_type3A_138 = arith.extui %gt3A_137 : i1 to i32
        %cond3A_139 = arith.constant 0 : i32
        %cond3A_140 = arith.cmpi ne, %convert_element_type3A_138, %cond3A_139 : i32
        scf.if %cond3A_140 {
          %sub3A = arith.constant 1 : i32
          %sub3A_167 = arith.subi %add3A_104, %sub3A : i32
          %mul3A_168 = arith.constant 16 : i32
          %mul3A_169 = arith.muli %sub3A_167, %mul3A_168 : i32
          %dma_wait3A_170 = arith.constant 3 : i32
          %dma_wait3A_171 = arith.constant 0 : i32
          %dma_wait3A_172 = arith.constant 0 : i32
          %dma_wait3A_173 = arith.constant 0 : i32
          %dma_wait3A_174 = tpu.memref_slice %arg11[%dma_wait3A_170, %dma_wait3A_171, %dma_wait3A_172, %dma_wait3A_173] : memref<4x16x8x128xf32, #tpu.memory_space<vmem>> -> memref<1x16x8x128xf32, #tpu.memory_space<vmem>>
          %dma_wait3A_175 = tpu.memref_squeeze %dma_wait3A_174 : memref<1x16x8x128xf32, #tpu.memory_space<vmem>> -> memref<16x8x128xf32, #tpu.memory_space<vmem>>
          %dma_wait3A_176 = arith.constant 0 : i32
          %dma_wait3A_177 = arith.constant 0 : i32
          %dma_wait3A_178 = tpu.memref_slice %arg6[%add3A_13, %mul3A_169, %dma_wait3A_176, %dma_wait3A_177] : memref<125x640x8x128xf32, #tpu.memory_space<hbm>> -> memref<1x16x8x128xf32, #tpu.memory_space<hbm>>
          %dma_wait3A_179 = tpu.memref_squeeze %dma_wait3A_178 : memref<1x16x8x128xf32, #tpu.memory_space<hbm>> -> memref<16x8x128xf32, #tpu.memory_space<hbm>>
          %dma_wait3A_180 = arith.constant 0 : i32
          %dma_wait3A_181 = arith.constant 0 : i32
          %dma_wait3A_182 = tpu.memref_slice %arg6[%add3A_13, %mul3A_169, %dma_wait3A_180, %dma_wait3A_181] : memref<125x640x8x128xf32, #tpu.memory_space<hbm>> -> memref<1x16x8x128xf32, #tpu.memory_space<hbm>>
          %dma_wait3A_183 = tpu.memref_squeeze %dma_wait3A_182 : memref<1x16x8x128xf32, #tpu.memory_space<hbm>> -> memref<16x8x128xf32, #tpu.memory_space<hbm>>
          %dma_wait3A_184 = arith.constant 0 : i32
          %dma_wait3A_185 = arith.constant 0 : i32
          %dma_wait3A_186 = arith.constant 0 : i32
          %dma_wait3A_187 = tpu.memref_slice %arg11[%dma_wait3A_170, %dma_wait3A_184, %dma_wait3A_185, %dma_wait3A_186] : memref<4x16x8x128xf32, #tpu.memory_space<vmem>> -> memref<1x16x8x128xf32, #tpu.memory_space<vmem>>
          %dma_wait3A_188 = tpu.memref_squeeze %dma_wait3A_187 : memref<1x16x8x128xf32, #tpu.memory_space<vmem>> -> memref<16x8x128xf32, #tpu.memory_space<vmem>>
          tpu.wait_dma2 semaphore(%arg21 : memref<!tpu.dma_semaphore, #tpu.memory_space<semaphore_mem>>) src(%dma_wait3A_188 : memref<16x8x128xf32, #tpu.memory_space<vmem>>) dst(%dma_wait3A_183 : memref<16x8x128xf32, #tpu.memory_space<hbm>>)
        } else {
        }
        %parallel_loop3A_141 = arith.constant 0 : i32
        %parallel_loop3A_142 = arith.constant 128 : i32
        %parallel_loop3A_143 = arith.constant 1 : i32
        %parallel_loop3A_144 = arith.constant 3 : i32
        %parallel_loop3A_145 = arith.constant 3 : i32
        scf.for %parallel_loop3A_167 = %parallel_loop3A_141 to %parallel_loop3A_142 step %parallel_loop3A_143  : i32 {
          %parallel_loop3A_168 = arith.constant 8 : i32
          %parallel_loop3A_169 = arith.divsi %parallel_loop3A_167, %parallel_loop3A_168 : i32
          %parallel_loop3A_170 = arith.constant 0 : i32
          %parallel_loop3A_171 = arith.cmpi sgt, %parallel_loop3A_167, %parallel_loop3A_170 : i32
          %parallel_loop3A_172 = arith.extui %parallel_loop3A_171 : i1 to i32
          %parallel_loop3A_173 = arith.constant 0 : i32
          %parallel_loop3A_174 = arith.cmpi slt, %parallel_loop3A_167, %parallel_loop3A_173 : i32
          %parallel_loop3A_175 = arith.extui %parallel_loop3A_174 : i1 to i32
          %parallel_loop3A_176 = arith.subi %parallel_loop3A_172, %parallel_loop3A_175 : i32
          %parallel_loop3A_177 = arith.constant 0 : i32
          %parallel_loop3A_178 = arith.cmpi sgt, %parallel_loop3A_168, %parallel_loop3A_177 : i32
          %parallel_loop3A_179 = arith.extui %parallel_loop3A_178 : i1 to i32
          %parallel_loop3A_180 = arith.constant 0 : i32
          %parallel_loop3A_181 = arith.cmpi slt, %parallel_loop3A_168, %parallel_loop3A_180 : i32
          %parallel_loop3A_182 = arith.extui %parallel_loop3A_181 : i1 to i32
          %parallel_loop3A_183 = arith.subi %parallel_loop3A_179, %parallel_loop3A_182 : i32
          %parallel_loop3A_184 = arith.cmpi ne, %parallel_loop3A_176, %parallel_loop3A_183 : i32
          %parallel_loop3A_185 = arith.remsi %parallel_loop3A_167, %parallel_loop3A_168 : i32
          %parallel_loop3A_186 = arith.constant 0 : i32
          %parallel_loop3A_187 = arith.cmpi ne, %parallel_loop3A_185, %parallel_loop3A_186 : i32
          %parallel_loop3A_188 = arith.andi %parallel_loop3A_184, %parallel_loop3A_187 : i1
          %parallel_loop3A_189 = arith.constant 1 : i32
          %parallel_loop3A_190 = arith.subi %parallel_loop3A_169, %parallel_loop3A_189 : i32
          %parallel_loop3A_191 = arith.select %parallel_loop3A_188, %parallel_loop3A_190, %parallel_loop3A_169 : i32
          %parallel_loop3A_192 = arith.constant 8 : i32
          %parallel_loop3A_193 = arith.constant 0 : i32
          %parallel_loop3A_194 = arith.cmpi eq, %parallel_loop3A_192, %parallel_loop3A_193 : i32
          %parallel_loop3A_195 = arith.constant 1 : i32
          %parallel_loop3A_196 = arith.select %parallel_loop3A_194, %parallel_loop3A_195, %parallel_loop3A_192 : i32
          %parallel_loop3A_197 = arith.remsi %parallel_loop3A_167, %parallel_loop3A_196 : i32
          %parallel_loop3A_198 = arith.constant 0 : i32
          %parallel_loop3A_199 = arith.cmpi ne, %parallel_loop3A_197, %parallel_loop3A_198 : i32
          %parallel_loop3A_200 = arith.constant 0 : i32
          %parallel_loop3A_201 = arith.cmpi slt, %parallel_loop3A_197, %parallel_loop3A_200 : i32
          %parallel_loop3A_202 = arith.constant 0 : i32
          %parallel_loop3A_203 = arith.cmpi slt, %parallel_loop3A_196, %parallel_loop3A_202 : i32
          %parallel_loop3A_204 = arith.xori %parallel_loop3A_201, %parallel_loop3A_203 : i1
          %parallel_loop3A_205 = arith.andi %parallel_loop3A_204, %parallel_loop3A_199 : i1
          %parallel_loop3A_206 = arith.addi %parallel_loop3A_197, %parallel_loop3A_196 : i32
          %parallel_loop3A_207 = arith.select %parallel_loop3A_205, %parallel_loop3A_206, %parallel_loop3A_197 : i32
          %parallel_loop3A_208 = arith.constant 16 : i32
          %parallel_loop3A_209 = arith.muli %parallel_loop3A_167, %parallel_loop3A_208 : i32
          %parallel_loop3A_210 = arith.index_cast %parallel_loop3A_209 : i32 to index
          %parallel_loop3A_211 = tpu.vector_load %arg10[%parallel_loop3A_210] {strides = array<i32>} : memref<2048xi32, #tpu.memory_space<vmem>>, vector<16xi32>,
          %parallel_loop3A_212 = arith.constant 0 : i32
          %parallel_loop3A_213 = vector.broadcast %parallel_loop3A_212 : i32 to vector<16xi32>
          %parallel_loop3A_214 = arith.addi %parallel_loop3A_211, %parallel_loop3A_213 : vector<16xi32>
          %parallel_loop3A_215 = arith.constant 0 : i32
          %parallel_loop3A_216 = tpu.memref_slice %arg8[%parallel_loop3A_144, %parallel_loop3A_215] : memref<4x8000xf32, #tpu.memory_space<vmem>> -> memref<1x8000xf32, #tpu.memory_space<vmem>>
          %parallel_loop3A_217 = tpu.memref_squeeze %parallel_loop3A_216 : memref<1x8000xf32, #tpu.memory_space<vmem>> -> memref<8000xf32, #tpu.memory_space<vmem>>
          %parallel_loop3A_218 = tpu.vector_load_idx %parallel_loop3A_217[%parallel_loop3A_214] : memref<8000xf32, #tpu.memory_space<vmem>>[vector<16xi32>], vector<16xf32>,
          %parallel_loop3A_219 = arith.constant 16 : i32
          %parallel_loop3A_220 = arith.muli %parallel_loop3A_207, %parallel_loop3A_219 : i32
          %parallel_loop3A_221 = arith.constant 0 : i32
          %parallel_loop3A_222 = arith.constant 0 : i32
          %parallel_loop3A_223 = arith.constant 0 : i32
          %parallel_loop3A_224 = arith.constant 0 : i32
          %parallel_loop3A_225 = tpu.memref_slice %arg11[%parallel_loop3A_145, %parallel_loop3A_222, %parallel_loop3A_223, %parallel_loop3A_224] : memref<4x16x8x128xf32, #tpu.memory_space<vmem>> -> memref<1x16x8x128xf32, #tpu.memory_space<vmem>>
          %parallel_loop3A_226 = tpu.memref_squeeze %parallel_loop3A_225 : memref<1x16x8x128xf32, #tpu.memory_space<vmem>> -> memref<16x8x128xf32, #tpu.memory_space<vmem>>
          %parallel_loop3A_227 = arith.index_cast %parallel_loop3A_191 : i32 to index
          %parallel_loop3A_228 = arith.index_cast %parallel_loop3A_221 : i32 to index
          %parallel_loop3A_229 = arith.index_cast %parallel_loop3A_220 : i32 to index
          %parallel_loop3A_230 = tpu.vector_load %parallel_loop3A_226[%parallel_loop3A_227, %parallel_loop3A_228, %parallel_loop3A_229] {strides = array<i32>} : memref<16x8x128xf32, #tpu.memory_space<vmem>>, vector<16xf32>,
          tpu.vector_store %parallel_loop3A_226[%parallel_loop3A_227, %parallel_loop3A_228, %parallel_loop3A_229], %parallel_loop3A_218 {strides = array<i32>} : memref<16x8x128xf32, #tpu.memory_space<vmem>>, vector<16xf32>,
          %parallel_loop3A_231 = arith.constant 1000 : i32
          %parallel_loop3A_232 = vector.broadcast %parallel_loop3A_231 : i32 to vector<16xi32>
          %parallel_loop3A_233 = arith.addi %parallel_loop3A_211, %parallel_loop3A_232 : vector<16xi32>
          %parallel_loop3A_234 = arith.constant 0 : i32
          %parallel_loop3A_235 = tpu.memref_slice %arg8[%parallel_loop3A_144, %parallel_loop3A_234] : memref<4x8000xf32, #tpu.memory_space<vmem>> -> memref<1x8000xf32, #tpu.memory_space<vmem>>
          %parallel_loop3A_236 = tpu.memref_squeeze %parallel_loop3A_235 : memref<1x8000xf32, #tpu.memory_space<vmem>> -> memref<8000xf32, #tpu.memory_space<vmem>>
          %parallel_loop3A_237 = tpu.vector_load_idx %parallel_loop3A_236[%parallel_loop3A_233] : memref<8000xf32, #tpu.memory_space<vmem>>[vector<16xi32>], vector<16xf32>,
          %parallel_loop3A_238 = arith.constant 16 : i32
          %parallel_loop3A_239 = arith.muli %parallel_loop3A_207, %parallel_loop3A_238 : i32
          %parallel_loop3A_240 = arith.constant 1 : i32
          %parallel_loop3A_241 = arith.constant 0 : i32
          %parallel_loop3A_242 = arith.constant 0 : i32
          %parallel_loop3A_243 = arith.constant 0 : i32
          %parallel_loop3A_244 = tpu.memref_slice %arg11[%parallel_loop3A_145, %parallel_loop3A_241, %parallel_loop3A_242, %parallel_loop3A_243] : memref<4x16x8x128xf32, #tpu.memory_space<vmem>> -> memref<1x16x8x128xf32, #tpu.memory_space<vmem>>
          %parallel_loop3A_245 = tpu.memref_squeeze %parallel_loop3A_244 : memref<1x16x8x128xf32, #tpu.memory_space<vmem>> -> memref<16x8x128xf32, #tpu.memory_space<vmem>>
          %parallel_loop3A_246 = arith.index_cast %parallel_loop3A_191 : i32 to index
          %parallel_loop3A_247 = arith.index_cast %parallel_loop3A_240 : i32 to index
          %parallel_loop3A_248 = arith.index_cast %parallel_loop3A_239 : i32 to index
          %parallel_loop3A_249 = tpu.vector_load %parallel_loop3A_245[%parallel_loop3A_246, %parallel_loop3A_247, %parallel_loop3A_248] {strides = array<i32>} : memref<16x8x128xf32, #tpu.memory_space<vmem>>, vector<16xf32>,
          tpu.vector_store %parallel_loop3A_245[%parallel_loop3A_246, %parallel_loop3A_247, %parallel_loop3A_248], %parallel_loop3A_237 {strides = array<i32>} : memref<16x8x128xf32, #tpu.memory_space<vmem>>, vector<16xf32>,
          %parallel_loop3A_250 = arith.constant 2000 : i32
          %parallel_loop3A_251 = vector.broadcast %parallel_loop3A_250 : i32 to vector<16xi32>
          %parallel_loop3A_252 = arith.addi %parallel_loop3A_211, %parallel_loop3A_251 : vector<16xi32>
          %parallel_loop3A_253 = arith.constant 0 : i32
          %parallel_loop3A_254 = tpu.memref_slice %arg8[%parallel_loop3A_144, %parallel_loop3A_253] : memref<4x8000xf32, #tpu.memory_space<vmem>> -> memref<1x8000xf32, #tpu.memory_space<vmem>>
          %parallel_loop3A_255 = tpu.memref_squeeze %parallel_loop3A_254 : memref<1x8000xf32, #tpu.memory_space<vmem>> -> memref<8000xf32, #tpu.memory_space<vmem>>
          %parallel_loop3A_256 = tpu.vector_load_idx %parallel_loop3A_255[%parallel_loop3A_252] : memref<8000xf32, #tpu.memory_space<vmem>>[vector<16xi32>], vector<16xf32>,
          %parallel_loop3A_257 = arith.constant 16 : i32
          %parallel_loop3A_258 = arith.muli %parallel_loop3A_207, %parallel_loop3A_257 : i32
          %parallel_loop3A_259 = arith.constant 2 : i32
          %parallel_loop3A_260 = arith.constant 0 : i32
          %parallel_loop3A_261 = arith.constant 0 : i32
          %parallel_loop3A_262 = arith.constant 0 : i32
          %parallel_loop3A_263 = tpu.memref_slice %arg11[%parallel_loop3A_145, %parallel_loop3A_260, %parallel_loop3A_261, %parallel_loop3A_262] : memref<4x16x8x128xf32, #tpu.memory_space<vmem>> -> memref<1x16x8x128xf32, #tpu.memory_space<vmem>>
          %parallel_loop3A_264 = tpu.memref_squeeze %parallel_loop3A_263 : memref<1x16x8x128xf32, #tpu.memory_space<vmem>> -> memref<16x8x128xf32, #tpu.memory_space<vmem>>
          %parallel_loop3A_265 = arith.index_cast %parallel_loop3A_191 : i32 to index
          %parallel_loop3A_266 = arith.index_cast %parallel_loop3A_259 : i32 to index
          %parallel_loop3A_267 = arith.index_cast %parallel_loop3A_258 : i32 to index
          %parallel_loop3A_268 = tpu.vector_load %parallel_loop3A_264[%parallel_loop3A_265, %parallel_loop3A_266, %parallel_loop3A_267] {strides = array<i32>} : memref<16x8x128xf32, #tpu.memory_space<vmem>>, vector<16xf32>,
          tpu.vector_store %parallel_loop3A_264[%parallel_loop3A_265, %parallel_loop3A_266, %parallel_loop3A_267], %parallel_loop3A_256 {strides = array<i32>} : memref<16x8x128xf32, #tpu.memory_space<vmem>>, vector<16xf32>,
          %parallel_loop3A_269 = arith.constant 3000 : i32
          %parallel_loop3A_270 = vector.broadcast %parallel_loop3A_269 : i32 to vector<16xi32>
          %parallel_loop3A_271 = arith.addi %parallel_loop3A_211, %parallel_loop3A_270 : vector<16xi32>
          %parallel_loop3A_272 = arith.constant 0 : i32
          %parallel_loop3A_273 = tpu.memref_slice %arg8[%parallel_loop3A_144, %parallel_loop3A_272] : memref<4x8000xf32, #tpu.memory_space<vmem>> -> memref<1x8000xf32, #tpu.memory_space<vmem>>
          %parallel_loop3A_274 = tpu.memref_squeeze %parallel_loop3A_273 : memref<1x8000xf32, #tpu.memory_space<vmem>> -> memref<8000xf32, #tpu.memory_space<vmem>>
          %parallel_loop3A_275 = tpu.vector_load_idx %parallel_loop3A_274[%parallel_loop3A_271] : memref<8000xf32, #tpu.memory_space<vmem>>[vector<16xi32>], vector<16xf32>,
          %parallel_loop3A_276 = arith.constant 16 : i32
          %parallel_loop3A_277 = arith.muli %parallel_loop3A_207, %parallel_loop3A_276 : i32
          %parallel_loop3A_278 = arith.constant 3 : i32
          %parallel_loop3A_279 = arith.constant 0 : i32
          %parallel_loop3A_280 = arith.constant 0 : i32
          %parallel_loop3A_281 = arith.constant 0 : i32
          %parallel_loop3A_282 = tpu.memref_slice %arg11[%parallel_loop3A_145, %parallel_loop3A_279, %parallel_loop3A_280, %parallel_loop3A_281] : memref<4x16x8x128xf32, #tpu.memory_space<vmem>> -> memref<1x16x8x128xf32, #tpu.memory_space<vmem>>
          %parallel_loop3A_283 = tpu.memref_squeeze %parallel_loop3A_282 : memref<1x16x8x128xf32, #tpu.memory_space<vmem>> -> memref<16x8x128xf32, #tpu.memory_space<vmem>>
          %parallel_loop3A_284 = arith.index_cast %parallel_loop3A_191 : i32 to index
          %parallel_loop3A_285 = arith.index_cast %parallel_loop3A_278 : i32 to index
          %parallel_loop3A_286 = arith.index_cast %parallel_loop3A_277 : i32 to index
          %parallel_loop3A_287 = tpu.vector_load %parallel_loop3A_283[%parallel_loop3A_284, %parallel_loop3A_285, %parallel_loop3A_286] {strides = array<i32>} : memref<16x8x128xf32, #tpu.memory_space<vmem>>, vector<16xf32>,
          tpu.vector_store %parallel_loop3A_283[%parallel_loop3A_284, %parallel_loop3A_285, %parallel_loop3A_286], %parallel_loop3A_275 {strides = array<i32>} : memref<16x8x128xf32, #tpu.memory_space<vmem>>, vector<16xf32>,
          %parallel_loop3A_288 = arith.constant 4000 : i32
          %parallel_loop3A_289 = vector.broadcast %parallel_loop3A_288 : i32 to vector<16xi32>
          %parallel_loop3A_290 = arith.addi %parallel_loop3A_211, %parallel_loop3A_289 : vector<16xi32>
          %parallel_loop3A_291 = arith.constant 0 : i32
          %parallel_loop3A_292 = tpu.memref_slice %arg8[%parallel_loop3A_144, %parallel_loop3A_291] : memref<4x8000xf32, #tpu.memory_space<vmem>> -> memref<1x8000xf32, #tpu.memory_space<vmem>>
          %parallel_loop3A_293 = tpu.memref_squeeze %parallel_loop3A_292 : memref<1x8000xf32, #tpu.memory_space<vmem>> -> memref<8000xf32, #tpu.memory_space<vmem>>
          %parallel_loop3A_294 = tpu.vector_load_idx %parallel_loop3A_293[%parallel_loop3A_290] : memref<8000xf32, #tpu.memory_space<vmem>>[vector<16xi32>], vector<16xf32>,
          %parallel_loop3A_295 = arith.constant 16 : i32
          %parallel_loop3A_296 = arith.muli %parallel_loop3A_207, %parallel_loop3A_295 : i32
          %parallel_loop3A_297 = arith.constant 4 : i32
          %parallel_loop3A_298 = arith.constant 0 : i32
          %parallel_loop3A_299 = arith.constant 0 : i32
          %parallel_loop3A_300 = arith.constant 0 : i32
          %parallel_loop3A_301 = tpu.memref_slice %arg11[%parallel_loop3A_145, %parallel_loop3A_298, %parallel_loop3A_299, %parallel_loop3A_300] : memref<4x16x8x128xf32, #tpu.memory_space<vmem>> -> memref<1x16x8x128xf32, #tpu.memory_space<vmem>>
          %parallel_loop3A_302 = tpu.memref_squeeze %parallel_loop3A_301 : memref<1x16x8x128xf32, #tpu.memory_space<vmem>> -> memref<16x8x128xf32, #tpu.memory_space<vmem>>
          %parallel_loop3A_303 = arith.index_cast %parallel_loop3A_191 : i32 to index
          %parallel_loop3A_304 = arith.index_cast %parallel_loop3A_297 : i32 to index
          %parallel_loop3A_305 = arith.index_cast %parallel_loop3A_296 : i32 to index
          %parallel_loop3A_306 = tpu.vector_load %parallel_loop3A_302[%parallel_loop3A_303, %parallel_loop3A_304, %parallel_loop3A_305] {strides = array<i32>} : memref<16x8x128xf32, #tpu.memory_space<vmem>>, vector<16xf32>,
          tpu.vector_store %parallel_loop3A_302[%parallel_loop3A_303, %parallel_loop3A_304, %parallel_loop3A_305], %parallel_loop3A_294 {strides = array<i32>} : memref<16x8x128xf32, #tpu.memory_space<vmem>>, vector<16xf32>,
          %parallel_loop3A_307 = arith.constant 5000 : i32
          %parallel_loop3A_308 = vector.broadcast %parallel_loop3A_307 : i32 to vector<16xi32>
          %parallel_loop3A_309 = arith.addi %parallel_loop3A_211, %parallel_loop3A_308 : vector<16xi32>
          %parallel_loop3A_310 = arith.constant 0 : i32
          %parallel_loop3A_311 = tpu.memref_slice %arg8[%parallel_loop3A_144, %parallel_loop3A_310] : memref<4x8000xf32, #tpu.memory_space<vmem>> -> memref<1x8000xf32, #tpu.memory_space<vmem>>
          %parallel_loop3A_312 = tpu.memref_squeeze %parallel_loop3A_311 : memref<1x8000xf32, #tpu.memory_space<vmem>> -> memref<8000xf32, #tpu.memory_space<vmem>>
          %parallel_loop3A_313 = tpu.vector_load_idx %parallel_loop3A_312[%parallel_loop3A_309] : memref<8000xf32, #tpu.memory_space<vmem>>[vector<16xi32>], vector<16xf32>,
          %parallel_loop3A_314 = arith.constant 16 : i32
          %parallel_loop3A_315 = arith.muli %parallel_loop3A_207, %parallel_loop3A_314 : i32
          %parallel_loop3A_316 = arith.constant 5 : i32
          %parallel_loop3A_317 = arith.constant 0 : i32
          %parallel_loop3A_318 = arith.constant 0 : i32
          %parallel_loop3A_319 = arith.constant 0 : i32
          %parallel_loop3A_320 = tpu.memref_slice %arg11[%parallel_loop3A_145, %parallel_loop3A_317, %parallel_loop3A_318, %parallel_loop3A_319] : memref<4x16x8x128xf32, #tpu.memory_space<vmem>> -> memref<1x16x8x128xf32, #tpu.memory_space<vmem>>
          %parallel_loop3A_321 = tpu.memref_squeeze %parallel_loop3A_320 : memref<1x16x8x128xf32, #tpu.memory_space<vmem>> -> memref<16x8x128xf32, #tpu.memory_space<vmem>>
          %parallel_loop3A_322 = arith.index_cast %parallel_loop3A_191 : i32 to index
          %parallel_loop3A_323 = arith.index_cast %parallel_loop3A_316 : i32 to index
          %parallel_loop3A_324 = arith.index_cast %parallel_loop3A_315 : i32 to index
          %parallel_loop3A_325 = tpu.vector_load %parallel_loop3A_321[%parallel_loop3A_322, %parallel_loop3A_323, %parallel_loop3A_324] {strides = array<i32>} : memref<16x8x128xf32, #tpu.memory_space<vmem>>, vector<16xf32>,
          tpu.vector_store %parallel_loop3A_321[%parallel_loop3A_322, %parallel_loop3A_323, %parallel_loop3A_324], %parallel_loop3A_313 {strides = array<i32>} : memref<16x8x128xf32, #tpu.memory_space<vmem>>, vector<16xf32>,
          %parallel_loop3A_326 = arith.constant 6000 : i32
          %parallel_loop3A_327 = vector.broadcast %parallel_loop3A_326 : i32 to vector<16xi32>
          %parallel_loop3A_328 = arith.addi %parallel_loop3A_211, %parallel_loop3A_327 : vector<16xi32>
          %parallel_loop3A_329 = arith.constant 0 : i32
          %parallel_loop3A_330 = tpu.memref_slice %arg8[%parallel_loop3A_144, %parallel_loop3A_329] : memref<4x8000xf32, #tpu.memory_space<vmem>> -> memref<1x8000xf32, #tpu.memory_space<vmem>>
          %parallel_loop3A_331 = tpu.memref_squeeze %parallel_loop3A_330 : memref<1x8000xf32, #tpu.memory_space<vmem>> -> memref<8000xf32, #tpu.memory_space<vmem>>
          %parallel_loop3A_332 = tpu.vector_load_idx %parallel_loop3A_331[%parallel_loop3A_328] : memref<8000xf32, #tpu.memory_space<vmem>>[vector<16xi32>], vector<16xf32>,
          %parallel_loop3A_333 = arith.constant 16 : i32
          %parallel_loop3A_334 = arith.muli %parallel_loop3A_207, %parallel_loop3A_333 : i32
          %parallel_loop3A_335 = arith.constant 6 : i32
          %parallel_loop3A_336 = arith.constant 0 : i32
          %parallel_loop3A_337 = arith.constant 0 : i32
          %parallel_loop3A_338 = arith.constant 0 : i32
          %parallel_loop3A_339 = tpu.memref_slice %arg11[%parallel_loop3A_145, %parallel_loop3A_336, %parallel_loop3A_337, %parallel_loop3A_338] : memref<4x16x8x128xf32, #tpu.memory_space<vmem>> -> memref<1x16x8x128xf32, #tpu.memory_space<vmem>>
          %parallel_loop3A_340 = tpu.memref_squeeze %parallel_loop3A_339 : memref<1x16x8x128xf32, #tpu.memory_space<vmem>> -> memref<16x8x128xf32, #tpu.memory_space<vmem>>
          %parallel_loop3A_341 = arith.index_cast %parallel_loop3A_191 : i32 to index
          %parallel_loop3A_342 = arith.index_cast %parallel_loop3A_335 : i32 to index
          %parallel_loop3A_343 = arith.index_cast %parallel_loop3A_334 : i32 to index
          %parallel_loop3A_344 = tpu.vector_load %parallel_loop3A_340[%parallel_loop3A_341, %parallel_loop3A_342, %parallel_loop3A_343] {strides = array<i32>} : memref<16x8x128xf32, #tpu.memory_space<vmem>>, vector<16xf32>,
          tpu.vector_store %parallel_loop3A_340[%parallel_loop3A_341, %parallel_loop3A_342, %parallel_loop3A_343], %parallel_loop3A_332 {strides = array<i32>} : memref<16x8x128xf32, #tpu.memory_space<vmem>>, vector<16xf32>,
          %parallel_loop3A_345 = arith.constant 7000 : i32
          %parallel_loop3A_346 = vector.broadcast %parallel_loop3A_345 : i32 to vector<16xi32>
          %parallel_loop3A_347 = arith.addi %parallel_loop3A_211, %parallel_loop3A_346 : vector<16xi32>
          %parallel_loop3A_348 = arith.constant 0 : i32
          %parallel_loop3A_349 = tpu.memref_slice %arg8[%parallel_loop3A_144, %parallel_loop3A_348] : memref<4x8000xf32, #tpu.memory_space<vmem>> -> memref<1x8000xf32, #tpu.memory_space<vmem>>
          %parallel_loop3A_350 = tpu.memref_squeeze %parallel_loop3A_349 : memref<1x8000xf32, #tpu.memory_space<vmem>> -> memref<8000xf32, #tpu.memory_space<vmem>>
          %parallel_loop3A_351 = tpu.vector_load_idx %parallel_loop3A_350[%parallel_loop3A_347] : memref<8000xf32, #tpu.memory_space<vmem>>[vector<16xi32>], vector<16xf32>,
          %parallel_loop3A_352 = arith.constant 16 : i32
          %parallel_loop3A_353 = arith.muli %parallel_loop3A_207, %parallel_loop3A_352 : i32
          %parallel_loop3A_354 = arith.constant 7 : i32
          %parallel_loop3A_355 = arith.constant 0 : i32
          %parallel_loop3A_356 = arith.constant 0 : i32
          %parallel_loop3A_357 = arith.constant 0 : i32
          %parallel_loop3A_358 = tpu.memref_slice %arg11[%parallel_loop3A_145, %parallel_loop3A_355, %parallel_loop3A_356, %parallel_loop3A_357] : memref<4x16x8x128xf32, #tpu.memory_space<vmem>> -> memref<1x16x8x128xf32, #tpu.memory_space<vmem>>
          %parallel_loop3A_359 = tpu.memref_squeeze %parallel_loop3A_358 : memref<1x16x8x128xf32, #tpu.memory_space<vmem>> -> memref<16x8x128xf32, #tpu.memory_space<vmem>>
          %parallel_loop3A_360 = arith.index_cast %parallel_loop3A_191 : i32 to index
          %parallel_loop3A_361 = arith.index_cast %parallel_loop3A_354 : i32 to index
          %parallel_loop3A_362 = arith.index_cast %parallel_loop3A_353 : i32 to index
          %parallel_loop3A_363 = tpu.vector_load %parallel_loop3A_359[%parallel_loop3A_360, %parallel_loop3A_361, %parallel_loop3A_362] {strides = array<i32>} : memref<16x8x128xf32, #tpu.memory_space<vmem>>, vector<16xf32>,
          tpu.vector_store %parallel_loop3A_359[%parallel_loop3A_360, %parallel_loop3A_361, %parallel_loop3A_362], %parallel_loop3A_351 {strides = array<i32>} : memref<16x8x128xf32, #tpu.memory_space<vmem>>, vector<16xf32>,
        } {sc.loop_unroll_factor = 4 : i64, sc.parallel_access}
        %mul3A_146 = arith.constant 16 : i32
        %mul3A_147 = arith.muli %add3A_104, %mul3A_146 : i32
        %dma_start3A_148 = arith.constant 3 : i32
        %dma_start3A_149 = arith.constant 0 : i32
        %dma_start3A_150 = arith.constant 0 : i32
        %dma_start3A_151 = arith.constant 0 : i32
        %dma_start3A_152 = tpu.memref_slice %arg11[%dma_start3A_148, %dma_start3A_149, %dma_start3A_150, %dma_start3A_151] : memref<4x16x8x128xf32, #tpu.memory_space<vmem>> -> memref<1x16x8x128xf32, #tpu.memory_space<vmem>>
        %dma_start3A_153 = tpu.memref_squeeze %dma_start3A_152 : memref<1x16x8x128xf32, #tpu.memory_space<vmem>> -> memref<16x8x128xf32, #tpu.memory_space<vmem>>
        %dma_start3A_154 = arith.constant 0 : i32
        %dma_start3A_155 = arith.constant 0 : i32
        %dma_start3A_156 = tpu.memref_slice %arg6[%add3A_13, %mul3A_147, %dma_start3A_154, %dma_start3A_155] : memref<125x640x8x128xf32, #tpu.memory_space<hbm>> -> memref<1x16x8x128xf32, #tpu.memory_space<hbm>>
        %dma_start3A_157 = tpu.memref_squeeze %dma_start3A_156 : memref<1x16x8x128xf32, #tpu.memory_space<hbm>> -> memref<16x8x128xf32, #tpu.memory_space<hbm>>
        %dma_start3A_158 = arith.constant 0 : i32
        %dma_start3A_159 = arith.constant 0 : i32
        %dma_start3A_160 = tpu.memref_slice %arg6[%add3A_13, %mul3A_147, %dma_start3A_158, %dma_start3A_159] : memref<125x640x8x128xf32, #tpu.memory_space<hbm>> -> memref<1x16x8x128xf32, #tpu.memory_space<hbm>>
        %dma_start3A_161 = tpu.memref_squeeze %dma_start3A_160 : memref<1x16x8x128xf32, #tpu.memory_space<hbm>> -> memref<16x8x128xf32, #tpu.memory_space<hbm>>
        %dma_start3A_162 = arith.constant 0 : i32
        %dma_start3A_163 = arith.constant 0 : i32
        %dma_start3A_164 = arith.constant 0 : i32
        %dma_start3A_165 = tpu.memref_slice %arg11[%dma_start3A_148, %dma_start3A_162, %dma_start3A_163, %dma_start3A_164] : memref<4x16x8x128xf32, #tpu.memory_space<vmem>> -> memref<1x16x8x128xf32, #tpu.memory_space<vmem>>
        %dma_start3A_166 = tpu.memref_squeeze %dma_start3A_165 : memref<1x16x8x128xf32, #tpu.memory_space<vmem>> -> memref<16x8x128xf32, #tpu.memory_space<vmem>>
        tpu.enqueue_dma source(%dma_start3A_166 : memref<16x8x128xf32, #tpu.memory_space<vmem>>) target(%dma_start3A_161 : memref<16x8x128xf32, #tpu.memory_space<hbm>>) target_semaphore(%arg21 : memref<!tpu.dma_semaphore, #tpu.memory_space<semaphore_mem>>)
      } else {
      }
      %add3A_129 = arith.constant 2 : i32
      %add3A_130 = arith.addi %add3A_104, %add3A_129 : i32
      %lt3A_131 = arith.constant 40 : i32
      %lt3A_132 = arith.cmpi slt, %add3A_130, %lt3A_131 : i32
      %convert_element_type3A_133 = arith.extui %lt3A_132 : i1 to i32
      %cond3A_134 = arith.constant 0 : i32
      %cond3A_135 = arith.cmpi ne, %convert_element_type3A_133, %cond3A_134 : i32
      scf.if %cond3A_135 {
        %add3A_136 = arith.constant 2 : i32
        %add3A_137 = arith.addi %add3A_104, %add3A_136 : i32
        %mul3A_138 = arith.constant 2048 : i32
        %mul3A_139 = arith.muli %add3A_137, %mul3A_138 : i32
        %dma_start3A_140 = tpu.memref_slice %arg2[%mul3A_139] : memref<81920xi32, #tpu.memory_space<hbm>> -> memref<2048xi32, #tpu.memory_space<hbm>>
        %dma_start3A_141 = tpu.memref_slice %arg2[%mul3A_139] : memref<81920xi32, #tpu.memory_space<hbm>> -> memref<2048xi32, #tpu.memory_space<hbm>>
        tpu.enqueue_dma source(%dma_start3A_141 : memref<2048xi32, #tpu.memory_space<hbm>>) target(%arg10 : memref<2048xi32, #tpu.memory_space<vmem>>) target_semaphore(%arg23 : memref<!tpu.dma_semaphore, #tpu.memory_space<semaphore_mem>>)
      } else {
      }
    }
    %scan3A_39 = arith.constant 20 : i32
    %lt3A_40 = arith.constant 125 : i32
    %lt3A_41 = arith.cmpi slt, %add3A_7, %lt3A_40 : i32
    %convert_element_type3A_42 = arith.extui %lt3A_41 : i1 to i32
    %cond3A_43 = arith.constant 0 : i32
    %cond3A_44 = arith.cmpi ne, %convert_element_type3A_42, %cond3A_43 : i32
    scf.if %cond3A_44 {
      %dma_wait3A_67 = arith.constant 0 : i32
      %dma_wait3A_68 = arith.constant 0 : i32
      %dma_wait3A_69 = arith.constant 0 : i32
      %dma_wait3A_70 = arith.constant 0 : i32
      %dma_wait3A_71 = tpu.memref_slice %arg11[%dma_wait3A_67, %dma_wait3A_68, %dma_wait3A_69, %dma_wait3A_70] : memref<4x16x8x128xf32, #tpu.memory_space<vmem>> -> memref<1x16x8x128xf32, #tpu.memory_space<vmem>>
      %dma_wait3A_72 = tpu.memref_squeeze %dma_wait3A_71 : memref<1x16x8x128xf32, #tpu.memory_space<vmem>> -> memref<16x8x128xf32, #tpu.memory_space<vmem>>
      %dma_wait3A_73 = arith.constant 624 : i32
      %dma_wait3A_74 = arith.constant 0 : i32
      %dma_wait3A_75 = arith.constant 0 : i32
      %dma_wait3A_76 = tpu.memref_slice %arg6[%add3A_7, %dma_wait3A_73, %dma_wait3A_74, %dma_wait3A_75] : memref<125x640x8x128xf32, #tpu.memory_space<hbm>> -> memref<1x16x8x128xf32, #tpu.memory_space<hbm>>
      %dma_wait3A_77 = tpu.memref_squeeze %dma_wait3A_76 : memref<1x16x8x128xf32, #tpu.memory_space<hbm>> -> memref<16x8x128xf32, #tpu.memory_space<hbm>>
      %dma_wait3A_78 = arith.constant 624 : i32
      %dma_wait3A_79 = arith.constant 0 : i32
      %dma_wait3A_80 = arith.constant 0 : i32
      %dma_wait3A_81 = tpu.memref_slice %arg6[%add3A_7, %dma_wait3A_78, %dma_wait3A_79, %dma_wait3A_80] : memref<125x640x8x128xf32, #tpu.memory_space<hbm>> -> memref<1x16x8x128xf32, #tpu.memory_space<hbm>>
      %dma_wait3A_82 = tpu.memref_squeeze %dma_wait3A_81 : memref<1x16x8x128xf32, #tpu.memory_space<hbm>> -> memref<16x8x128xf32, #tpu.memory_space<hbm>>
      %dma_wait3A_83 = arith.constant 0 : i32
      %dma_wait3A_84 = arith.constant 0 : i32
      %dma_wait3A_85 = arith.constant 0 : i32
      %dma_wait3A_86 = tpu.memref_slice %arg11[%dma_wait3A_67, %dma_wait3A_83, %dma_wait3A_84, %dma_wait3A_85] : memref<4x16x8x128xf32, #tpu.memory_space<vmem>> -> memref<1x16x8x128xf32, #tpu.memory_space<vmem>>
      %dma_wait3A_87 = tpu.memref_squeeze %dma_wait3A_86 : memref<1x16x8x128xf32, #tpu.memory_space<vmem>> -> memref<16x8x128xf32, #tpu.memory_space<vmem>>
      tpu.wait_dma2 semaphore(%arg18 : memref<!tpu.dma_semaphore, #tpu.memory_space<semaphore_mem>>) src(%dma_wait3A_87 : memref<16x8x128xf32, #tpu.memory_space<vmem>>) dst(%dma_wait3A_82 : memref<16x8x128xf32, #tpu.memory_space<hbm>>)
    } else {
    }
    %lt3A_45 = arith.constant 125 : i32
    %lt3A_46 = arith.cmpi slt, %add3A_9, %lt3A_45 : i32
    %convert_element_type3A_47 = arith.extui %lt3A_46 : i1 to i32
    %cond3A_48 = arith.constant 0 : i32
    %cond3A_49 = arith.cmpi ne, %convert_element_type3A_47, %cond3A_48 : i32
    scf.if %cond3A_49 {
      %dma_wait3A_67 = arith.constant 1 : i32
      %dma_wait3A_68 = arith.constant 0 : i32
      %dma_wait3A_69 = arith.constant 0 : i32
      %dma_wait3A_70 = arith.constant 0 : i32
      %dma_wait3A_71 = tpu.memref_slice %arg11[%dma_wait3A_67, %dma_wait3A_68, %dma_wait3A_69, %dma_wait3A_70] : memref<4x16x8x128xf32, #tpu.memory_space<vmem>> -> memref<1x16x8x128xf32, #tpu.memory_space<vmem>>
      %dma_wait3A_72 = tpu.memref_squeeze %dma_wait3A_71 : memref<1x16x8x128xf32, #tpu.memory_space<vmem>> -> memref<16x8x128xf32, #tpu.memory_space<vmem>>
      %dma_wait3A_73 = arith.constant 624 : i32
      %dma_wait3A_74 = arith.constant 0 : i32
      %dma_wait3A_75 = arith.constant 0 : i32
      %dma_wait3A_76 = tpu.memref_slice %arg6[%add3A_9, %dma_wait3A_73, %dma_wait3A_74, %dma_wait3A_75] : memref<125x640x8x128xf32, #tpu.memory_space<hbm>> -> memref<1x16x8x128xf32, #tpu.memory_space<hbm>>
      %dma_wait3A_77 = tpu.memref_squeeze %dma_wait3A_76 : memref<1x16x8x128xf32, #tpu.memory_space<hbm>> -> memref<16x8x128xf32, #tpu.memory_space<hbm>>
      %dma_wait3A_78 = arith.constant 624 : i32
      %dma_wait3A_79 = arith.constant 0 : i32
      %dma_wait3A_80 = arith.constant 0 : i32
      %dma_wait3A_81 = tpu.memref_slice %arg6[%add3A_9, %dma_wait3A_78, %dma_wait3A_79, %dma_wait3A_80] : memref<125x640x8x128xf32, #tpu.memory_space<hbm>> -> memref<1x16x8x128xf32, #tpu.memory_space<hbm>>
      %dma_wait3A_82 = tpu.memref_squeeze %dma_wait3A_81 : memref<1x16x8x128xf32, #tpu.memory_space<hbm>> -> memref<16x8x128xf32, #tpu.memory_space<hbm>>
      %dma_wait3A_83 = arith.constant 0 : i32
      %dma_wait3A_84 = arith.constant 0 : i32
      %dma_wait3A_85 = arith.constant 0 : i32
      %dma_wait3A_86 = tpu.memref_slice %arg11[%dma_wait3A_67, %dma_wait3A_83, %dma_wait3A_84, %dma_wait3A_85] : memref<4x16x8x128xf32, #tpu.memory_space<vmem>> -> memref<1x16x8x128xf32, #tpu.memory_space<vmem>>
      %dma_wait3A_87 = tpu.memref_squeeze %dma_wait3A_86 : memref<1x16x8x128xf32, #tpu.memory_space<vmem>> -> memref<16x8x128xf32, #tpu.memory_space<vmem>>
      tpu.wait_dma2 semaphore(%arg19 : memref<!tpu.dma_semaphore, #tpu.memory_space<semaphore_mem>>) src(%dma_wait3A_87 : memref<16x8x128xf32, #tpu.memory_space<vmem>>) dst(%dma_wait3A_82 : memref<16x8x128xf32, #tpu.memory_space<hbm>>)
    } else {
    }
    %lt3A_50 = arith.constant 125 : i32
    %lt3A_51 = arith.cmpi slt, %add3A_11, %lt3A_50 : i32
    %convert_element_type3A_52 = arith.extui %lt3A_51 : i1 to i32
    %cond3A_53 = arith.constant 0 : i32
    %cond3A_54 = arith.cmpi ne, %convert_element_type3A_52, %cond3A_53 : i32
    scf.if %cond3A_54 {
      %dma_wait3A_67 = arith.constant 2 : i32
      %dma_wait3A_68 = arith.constant 0 : i32
      %dma_wait3A_69 = arith.constant 0 : i32
      %dma_wait3A_70 = arith.constant 0 : i32
      %dma_wait3A_71 = tpu.memref_slice %arg11[%dma_wait3A_67, %dma_wait3A_68, %dma_wait3A_69, %dma_wait3A_70] : memref<4x16x8x128xf32, #tpu.memory_space<vmem>> -> memref<1x16x8x128xf32, #tpu.memory_space<vmem>>
      %dma_wait3A_72 = tpu.memref_squeeze %dma_wait3A_71 : memref<1x16x8x128xf32, #tpu.memory_space<vmem>> -> memref<16x8x128xf32, #tpu.memory_space<vmem>>
      %dma_wait3A_73 = arith.constant 624 : i32
      %dma_wait3A_74 = arith.constant 0 : i32
      %dma_wait3A_75 = arith.constant 0 : i32
      %dma_wait3A_76 = tpu.memref_slice %arg6[%add3A_11, %dma_wait3A_73, %dma_wait3A_74, %dma_wait3A_75] : memref<125x640x8x128xf32, #tpu.memory_space<hbm>> -> memref<1x16x8x128xf32, #tpu.memory_space<hbm>>
      %dma_wait3A_77 = tpu.memref_squeeze %dma_wait3A_76 : memref<1x16x8x128xf32, #tpu.memory_space<hbm>> -> memref<16x8x128xf32, #tpu.memory_space<hbm>>
      %dma_wait3A_78 = arith.constant 624 : i32
      %dma_wait3A_79 = arith.constant 0 : i32
      %dma_wait3A_80 = arith.constant 0 : i32
      %dma_wait3A_81 = tpu.memref_slice %arg6[%add3A_11, %dma_wait3A_78, %dma_wait3A_79, %dma_wait3A_80] : memref<125x640x8x128xf32, #tpu.memory_space<hbm>> -> memref<1x16x8x128xf32, #tpu.memory_space<hbm>>
      %dma_wait3A_82 = tpu.memref_squeeze %dma_wait3A_81 : memref<1x16x8x128xf32, #tpu.memory_space<hbm>> -> memref<16x8x128xf32, #tpu.memory_space<hbm>>
      %dma_wait3A_83 = arith.constant 0 : i32
      %dma_wait3A_84 = arith.constant 0 : i32
      %dma_wait3A_85 = arith.constant 0 : i32
      %dma_wait3A_86 = tpu.memref_slice %arg11[%dma_wait3A_67, %dma_wait3A_83, %dma_wait3A_84, %dma_wait3A_85] : memref<4x16x8x128xf32, #tpu.memory_space<vmem>> -> memref<1x16x8x128xf32, #tpu.memory_space<vmem>>
      %dma_wait3A_87 = tpu.memref_squeeze %dma_wait3A_86 : memref<1x16x8x128xf32, #tpu.memory_space<vmem>> -> memref<16x8x128xf32, #tpu.memory_space<vmem>>
      tpu.wait_dma2 semaphore(%arg20 : memref<!tpu.dma_semaphore, #tpu.memory_space<semaphore_mem>>) src(%dma_wait3A_87 : memref<16x8x128xf32, #tpu.memory_space<vmem>>) dst(%dma_wait3A_82 : memref<16x8x128xf32, #tpu.memory_space<hbm>>)
    } else {
    }
    %lt3A_55 = arith.constant 125 : i32
    %lt3A_56 = arith.cmpi slt, %add3A_13, %lt3A_55 : i32
    %convert_element_type3A_57 = arith.extui %lt3A_56 : i1 to i32
    %cond3A_58 = arith.constant 0 : i32
    %cond3A_59 = arith.cmpi ne, %convert_element_type3A_57, %cond3A_58 : i32
    scf.if %cond3A_59 {
      %dma_wait3A_67 = arith.constant 3 : i32
      %dma_wait3A_68 = arith.constant 0 : i32
      %dma_wait3A_69 = arith.constant 0 : i32
      %dma_wait3A_70 = arith.constant 0 : i32
      %dma_wait3A_71 = tpu.memref_slice %arg11[%dma_wait3A_67, %dma_wait3A_68, %dma_wait3A_69, %dma_wait3A_70] : memref<4x16x8x128xf32, #tpu.memory_space<vmem>> -> memref<1x16x8x128xf32, #tpu.memory_space<vmem>>
      %dma_wait3A_72 = tpu.memref_squeeze %dma_wait3A_71 : memref<1x16x8x128xf32, #tpu.memory_space<vmem>> -> memref<16x8x128xf32, #tpu.memory_space<vmem>>
      %dma_wait3A_73 = arith.constant 624 : i32
      %dma_wait3A_74 = arith.constant 0 : i32
      %dma_wait3A_75 = arith.constant 0 : i32
      %dma_wait3A_76 = tpu.memref_slice %arg6[%add3A_13, %dma_wait3A_73, %dma_wait3A_74, %dma_wait3A_75] : memref<125x640x8x128xf32, #tpu.memory_space<hbm>> -> memref<1x16x8x128xf32, #tpu.memory_space<hbm>>
      %dma_wait3A_77 = tpu.memref_squeeze %dma_wait3A_76 : memref<1x16x8x128xf32, #tpu.memory_space<hbm>> -> memref<16x8x128xf32, #tpu.memory_space<hbm>>
      %dma_wait3A_78 = arith.constant 624 : i32
      %dma_wait3A_79 = arith.constant 0 : i32
      %dma_wait3A_80 = arith.constant 0 : i32
      %dma_wait3A_81 = tpu.memref_slice %arg6[%add3A_13, %dma_wait3A_78, %dma_wait3A_79, %dma_wait3A_80] : memref<125x640x8x128xf32, #tpu.memory_space<hbm>> -> memref<1x16x8x128xf32, #tpu.memory_space<hbm>>
      %dma_wait3A_82 = tpu.memref_squeeze %dma_wait3A_81 : memref<1x16x8x128xf32, #tpu.memory_space<hbm>> -> memref<16x8x128xf32, #tpu.memory_space<hbm>>
      %dma_wait3A_83 = arith.constant 0 : i32
      %dma_wait3A_84 = arith.constant 0 : i32
      %dma_wait3A_85 = arith.constant 0 : i32
      %dma_wait3A_86 = tpu.memref_slice %arg11[%dma_wait3A_67, %dma_wait3A_83, %dma_wait3A_84, %dma_wait3A_85] : memref<4x16x8x128xf32, #tpu.memory_space<vmem>> -> memref<1x16x8x128xf32, #tpu.memory_space<vmem>>
      %dma_wait3A_87 = tpu.memref_squeeze %dma_wait3A_86 : memref<1x16x8x128xf32, #tpu.memory_space<vmem>> -> memref<16x8x128xf32, #tpu.memory_space<vmem>>
      tpu.wait_dma2 semaphore(%arg21 : memref<!tpu.dma_semaphore, #tpu.memory_space<semaphore_mem>>) src(%dma_wait3A_87 : memref<16x8x128xf32, #tpu.memory_space<vmem>>) dst(%dma_wait3A_82 : memref<16x8x128xf32, #tpu.memory_space<hbm>>)
    } else {
    }
    %dma_wait3A = arith.constant 0 : i32
    %dma_wait3A_60 = tpu.memref_slice %arg5[%dma_wait3A] : memref<1000000xf32, #tpu.memory_space<hbm>> -> memref<1000000xf32, #tpu.memory_space<hbm>>
    tpu.wait_indirect_dma semaphore(%arg24 : memref<!tpu.dma_semaphore, #tpu.memory_space<semaphore_mem>>) src(%dma_wait3A_60 : memref<1000000xf32, #tpu.memory_space<hbm>>) dst(%arg15 : memref<2560xf32, #tpu.memory_space<vmem>>)
    %broadcast_in_dim3A = arith.constant 0.000000e+00 : f32
    %broadcast_in_dim3A_61 = vector.broadcast %broadcast_in_dim3A : f32 to vector<16xf32>
    %parallel_loop3A_62 = arith.constant 0 : i32
    %parallel_loop3A_63 = arith.constant 160 : i32
    %parallel_loop3A_64 = arith.constant 1 : i32
    %parallel_loop3A_65 = scf.for %parallel_loop3A_67 = %parallel_loop3A_62 to %parallel_loop3A_63 step %parallel_loop3A_64 iter_args(%parallel_loop3A_68 = %broadcast_in_dim3A_61) -> (vector<16xf32>)  : i32 {
      %parallel_loop3A_69 = arith.constant 16 : i32
      %parallel_loop3A_70 = arith.muli %parallel_loop3A_67, %parallel_loop3A_69 : i32
      %parallel_loop3A_71 = arith.index_cast %parallel_loop3A_70 : i32 to index
      %parallel_loop3A_72 = tpu.vector_load %arg12[%parallel_loop3A_71] {strides = array<i32>} : memref<2560xi32, #tpu.memory_space<vmem>>, vector<16xi32>,
      %parallel_loop3A_73 = tpu.vector_load_idx %arg16[%parallel_loop3A_72] : memref<1000xf32, #tpu.memory_space<vmem>>[vector<16xi32>], vector<16xf32>,
      %parallel_loop3A_74 = arith.constant 16 : i32
      %parallel_loop3A_75 = arith.muli %parallel_loop3A_67, %parallel_loop3A_74 : i32
      %parallel_loop3A_76 = arith.index_cast %parallel_loop3A_75 : i32 to index
      %parallel_loop3A_77 = tpu.vector_load %arg15[%parallel_loop3A_76] {strides = array<i32>} : memref<2560xf32, #tpu.memory_space<vmem>>, vector<16xf32>,
      %parallel_loop3A_78 = arith.subf %parallel_loop3A_73, %parallel_loop3A_77 : vector<16xf32>
      %parallel_loop3A_79 = arith.addf %parallel_loop3A_68, %parallel_loop3A_78 : vector<16xf32>
      scf.yield %parallel_loop3A_79 : vector<16xf32>
    } {sc.loop_unroll_factor = 4 : i64, sc.parallel_access}
    %swap3A = arith.constant 0 : index
    %swap3A_66 = tpu.vector_load %arg17[%swap3A] {strides = array<i32>} : memref<16xf32, #tpu.memory_space<vmem>>, vector<16xf32>,
    tpu.vector_store %arg17[%swap3A], %parallel_loop3A_65 {strides = array<i32>} : memref<16xf32, #tpu.memory_space<vmem>>, vector<16xf32>,
    "tpu.region"() ({
      %run_scoped3A = tpu.sem_alloc : memref<!tpu.dma_semaphore, #tpu.memory_space<semaphore_mem>>
      %dma_start3A_67 = arith.constant 0 : i32
      %dma_start3A_68 = tpu.memref_slice %arg7[%add3A, %dma_start3A_67] : memref<32x16xf32, #tpu.memory_space<hbm>> -> memref<1x16xf32, #tpu.memory_space<hbm>>
      %dma_start3A_69 = tpu.memref_squeeze %dma_start3A_68 : memref<1x16xf32, #tpu.memory_space<hbm>> -> memref<16xf32, #tpu.memory_space<hbm>>
      %dma_start3A_70 = arith.constant 0 : i32
      %dma_start3A_71 = tpu.memref_slice %arg7[%add3A, %dma_start3A_70] : memref<32x16xf32, #tpu.memory_space<hbm>> -> memref<1x16xf32, #tpu.memory_space<hbm>>
      %dma_start3A_72 = tpu.memref_squeeze %dma_start3A_71 : memref<1x16xf32, #tpu.memory_space<hbm>> -> memref<16xf32, #tpu.memory_space<hbm>>
      tpu.enqueue_dma source(%arg17 : memref<16xf32, #tpu.memory_space<vmem>>) target(%dma_start3A_72 : memref<16xf32, #tpu.memory_space<hbm>>) target_semaphore(%run_scoped3A : memref<!tpu.dma_semaphore, #tpu.memory_space<semaphore_mem>>)
      %dma_wait3A_73 = arith.constant 0 : i32
      %dma_wait3A_74 = tpu.memref_slice %arg7[%add3A, %dma_wait3A_73] : memref<32x16xf32, #tpu.memory_space<hbm>> -> memref<1x16xf32, #tpu.memory_space<hbm>>
      %dma_wait3A_75 = tpu.memref_squeeze %dma_wait3A_74 : memref<1x16xf32, #tpu.memory_space<hbm>> -> memref<16xf32, #tpu.memory_space<hbm>>
      %dma_wait3A_76 = arith.constant 0 : i32
      %dma_wait3A_77 = tpu.memref_slice %arg7[%add3A, %dma_wait3A_76] : memref<32x16xf32, #tpu.memory_space<hbm>> -> memref<1x16xf32, #tpu.memory_space<hbm>>
      %dma_wait3A_78 = tpu.memref_squeeze %dma_wait3A_77 : memref<1x16xf32, #tpu.memory_space<hbm>> -> memref<16xf32, #tpu.memory_space<hbm>>
      tpu.wait_dma2 semaphore(%run_scoped3A : memref<!tpu.dma_semaphore, #tpu.memory_space<semaphore_mem>>) src(%arg17 : memref<16xf32, #tpu.memory_space<vmem>>) dst(%dma_wait3A_78 : memref<16xf32, #tpu.memory_space<hbm>>)
      tpu.yield
    }) : () -> ()
    return
  }
}

module attributes {stable_mosaic.version = 14 : i64} {
  func.func @_pre_body(%arg0: memref<1000x1000xf32, #tpu.memory_space<vmem>>, %arg1: memref<1000x1xf32, #tpu.memory_space<vmem>>, %arg2: memref<1000x1000xf32, #tpu.memory_space<vmem>>) attributes {dimension_semantics = [], scalar_prefetch = 0 : i64, scratch_operands = 0 : i64, tpu.core_type = #tpu.core_type<tc>} {
    %get3A = arith.constant 0 : index
    %get3A_0 = arith.constant 0 : index
    %get3A_1 = vector.load %arg0[%get3A, %get3A_0] : memref<1000x1000xf32, #tpu.memory_space<vmem>>, vector<1000x1000xf32>
    %reduce_max3A = arith.constant dense<0xFF800000> : vector<1000xf32>
    %reduce_max3A_2 = vector.multi_reduction <maximumf>, %get3A_1, %reduce_max3A [1] : vector<1000x1000xf32> to vector<1000xf32>
    %broadcast_in_dim3A = vector.shape_cast %reduce_max3A_2 : vector<1000xf32> to vector<1000x1xf32>
    %sub3A = vector.broadcast %broadcast_in_dim3A : vector<1000x1xf32> to vector<1000x1000xf32>
    %sub3A_3 = arith.subf %get3A_1, %sub3A : vector<1000x1000xf32>
    %exp3A = math.exp %sub3A_3 : vector<1000x1000xf32>
    %reduce_sum3A = arith.constant dense<0.000000e+00> : vector<1000xf32>
    %reduce_sum3A_4 = vector.multi_reduction <add>, %exp3A, %reduce_sum3A [1] : vector<1000x1000xf32> to vector<1000xf32>
    %broadcast_in_dim3A_5 = vector.shape_cast %reduce_sum3A_4 : vector<1000xf32> to vector<1000x1xf32>
    %log3A = math.log %broadcast_in_dim3A_5 : vector<1000x1xf32>
    %add3A = arith.addf %broadcast_in_dim3A, %log3A : vector<1000x1xf32>
    %swap3A = arith.constant 0 : index
    %swap3A_6 = arith.constant 0 : index
    %swap3A_7 = vector.load %arg1[%swap3A, %swap3A_6] : memref<1000x1xf32, #tpu.memory_space<vmem>>, vector<1000x1xf32>
    tpu.vector_store %arg1[%swap3A, %swap3A_6], %add3A {strides = array<i32>} : memref<1000x1xf32, #tpu.memory_space<vmem>>, vector<1000x1xf32>,
    %transpose3A = tpu.transpose %get3A_1, [1, 0] : vector<1000x1000xf32> -> vector<1000x1000xf32>
    %swap3A_8 = arith.constant 0 : index
    %swap3A_9 = arith.constant 0 : index
    %swap3A_10 = vector.load %arg2[%swap3A_8, %swap3A_9] : memref<1000x1000xf32, #tpu.memory_space<vmem>>, vector<1000x1000xf32>
    tpu.vector_store %arg2[%swap3A_8, %swap3A_9], %transpose3A {strides = array<i32>} : memref<1000x1000xf32, #tpu.memory_space<vmem>>, vector<1000x1000xf32>,
    return
  }
}

module attributes {stable_mosaic.version = 14 : i64} {
  func.func @_fin_body(%arg0: memref<32x16xf32, #tpu.memory_space<vmem>>, %arg1: memref<1x1xf32, #tpu.memory_space<vmem>>) attributes {dimension_semantics = [], scalar_prefetch = 0 : i64, scratch_operands = 0 : i64, tpu.core_type = #tpu.core_type<tc>} {
    %get3A = arith.constant 0 : index
    %get3A_0 = arith.constant 0 : index
    %get3A_1 = vector.load %arg0[%get3A, %get3A_0] : memref<32x16xf32, #tpu.memory_space<vmem>>, vector<32x16xf32>
    %reduce_sum3A = vector.shape_cast %get3A_1 : vector<32x16xf32> to vector<1x32x16xf32>
    %reduce_sum3A_2 = arith.constant dense<0.000000e+00> : vector<1xf32>
    %reduce_sum3A_3 = vector.multi_reduction <add>, %reduce_sum3A, %reduce_sum3A_2 [1, 2] : vector<1x32x16xf32> to vector<1xf32>
    %reduce_sum3A_4 = vector.shape_cast %reduce_sum3A_3 : vector<1xf32> to vector<1x1x1xf32>
    %reduce_sum3A_5 = vector.extract %reduce_sum3A_4[0, 0, 0] : f32 from vector<1x1x1xf32>
    %mul3A = arith.constant 1.22070314E-5 : f32
    %mul3A_6 = arith.mulf %reduce_sum3A_5, %mul3A : f32
    %reshape3A = vector.broadcast %mul3A_6 : f32 to vector<1x1xf32>
    %swap3A = arith.constant 0 : index
    %swap3A_7 = arith.constant 0 : index
    %swap3A_8 = vector.load %arg1[%swap3A, %swap3A_7] : memref<1x1xf32, #tpu.memory_space<vmem>>, vector<1x1xf32>
    tpu.vector_store %arg1[%swap3A, %swap3A_7], %reshape3A {strides = array<i32>} : memref<1x1xf32, #tpu.memory_space<vmem>>, vector<1x1xf32>,
    return
  }
}

</mosaic_0001>

<sc_bundles>
// kernel: kernel.5.cloned.1.call-start
scs
__scs_entry_jumppad:
0x0: {  	(pc) =	sbr.rel $0x88, $3  }
0x1: {  	(tag) =	ssettag $0x0;
	lr =	simm.s32 $0x1  }
0x2: {  	[smem:$0x3F9E] =	sst lr;
	_ =	strace $0xD0000000  }
0x3: {  	_ = 	snop  }
0x4: {  	_ = 	snop  }
0x5: {  	_ = 	snop  }
0x6: {  	_ = 	snop  }
0x7: {  	_ = 	snop  }
__scs_overlays_trampoline_lowered:
0x8: {  	[smem:$0x3FAD] =	sst s0  }
0x9: {  	[smem:$0x3FAE] =	sst s1  }
0xa: {  	[smem:$0x3FAF] =	sst s2  }
0xb: {  	[smem:$0x3FB0] =	sst s3  }
0xc: {  	[smem:$0x3FB1] =	sst s4  }
0xd: {  	[smem:$0x3FB2] =	sst s5  }
0xe: {  	[smem:$0x3FB3] =	sst s6  }
0xf: {  	[smem:$0x3FB4] =	sst s7  }
0x10: {  	[smem:$0x3FB5] =	sst s8  }
0x11: {  	[smem:$0x3FB6] =	sst s9;
	s0 =	simm.s32 @!p0 $0x0  }
0x12: {  	s1 =	sld [smem:$0x3F9C];
	s0 =	simm.s32 @p0 $0x1  }
0x13: {  	[smem:$0x3FB7] =	sst s0;
	s0 =	simm.s32 @!p1 $0x0  }
0x14: {  	s2 =	sld [smem:$0x3F9B];
	s0 =	simm.s32 @p1 $0x1  }
0x15: {  	[smem:$0x3FB8] =	sst s0;
	s0 =	simm.s32 @!p2 $0x0  }
0x16: {  	s3 =	sld [smem:$0x3FDB];
	s0 =	simm.s32 @p2 $0x1  }
0x17: {  	s4 =	simm.s32 $0x1BF5;
	[smem:$0x3FBA] =	sst s0  }
0x18: {  	s0 =	sld [smem:$0x3F9D];
	_ =	swait.ge [sflag:s4], $0x0  }
0x19: {  	s7 =	sld [smem:$0x3F9E]  }
0x1a: {  	s8 =	sadd.s32 $0xFFFFE003, lr  }
0x1b: {  	s9 =	sadd.s32 $0xFFFFFEF7, lr;
	s5 =	simm.s32 $0xFFFFFFFF;
	p2 =	slt.u32 s8, $0xFFFFF086  }
0x1c: {  	p1 =	slt.u32 s9, $0xF7A;
	s5 =	simm.s32 @!p2 $0x0  }
0x1d: {  	s5 =	simm.s32 @p1 $0x1;
	p0 =	seq.s32 s7, s2  }
0x1e: {  	s7 =	smul.u32 @!p0 $0xF7A, s2;
	p2 =	seq.s32 @!p0 s5, $0x0  }
0x1f: {  	s9 =	smul.u32 $0xF7A, s1;
	s8 =	simm.s32 @!p0 $0x1BF5;
	p2 =	por !p2, p0  }
0x20: {  	[sflag:s8] =	ssyncset.s32 @!p0 $0xFFFFF086;
	s6 =	sadd.s32 @!p0 s3, s7;
	s7 =	simm.s32 @!p0 $0x108  }
0x21: {  	s3 =	sadd.s32 s3, s9;
	s6 =	sadd.s32 @!p0 $0x88, s6;
	s7 =	simm.s32 @p2 $0x1082  }
0x22: {  	[simem:s7], [sflag:s8] =	dma.local @!p0 [hbm:s6], $0xF7A  }
0x23: {  	s9 =	sor.u32 $0xD0000000, s2;
	s6 =	simm.s32 $0x108;
	_ =	swait.ge @!p0 [sflag:s8], $0x0  }
0x24: {  	s3 =	sadd.s32 $0x88, s3;
	s6 =	simm.s32 @!p1 $0x1082;
	[sflag:s4] =	ssyncset.s32 $0xFFFFF086  }
0x25: {  	[simem:s6], [sflag:s4] =	dma.local [hbm:s3], $0xF7A  }
0x26: {  	[smem:$0x3F9E] =	sst s1;
	(tag) =	ssettag s2;
	_ =	strace s9  }
0x27: {  	s1 =	sld [smem:$0x3FAE]  }
0x28: {  	s2 =	sld [smem:$0x3FAF]  }
0x29: {  	s4 =	sld [smem:$0x3FB1]  }
0x2a: {  	p0 =	seq.s32 s5, $0x0;
	s5 =	sld [smem:$0x3FB2]  }
0x2b: {  	s6 =	sld [smem:$0x3FB3]  }
0x2c: {  	s7 =	sld [smem:$0x3FB4]  }
0x2d: {  	s3 =	simm.s32 $0x108;
	s8 =	sld [smem:$0x3FB5]  }
0x2e: {  	s3 =	simm.s32 @!p0 $0x1082;
	s9 =	sld [smem:$0x3FB6]  }
0x2f: {  	lr =	sadd.s32 s0, s3;
	s0 =	sld [smem:$0x3FAD]  }
0x30: {  	s3 =	sld [smem:$0x3FB0]  }
0x31: {  	[smem:$0x3FB9] =	sst s10  }
0x32: {  	s10 =	sld [smem:$0x3FB7];
	_ =	sdelay $0x3  }
0x33: {  	p0 =	seq.s32 s10, $0x1;
	s10 =	sld [smem:$0x3FB9];
	_ =	sdelay $0x3  }
0x34: {  	[smem:$0x3FB9] =	sst s10  }
0x35: {  	s10 =	sld [smem:$0x3FB8];
	_ =	sdelay $0x3  }
0x36: {  	p1 =	seq.s32 s10, $0x1;
	s10 =	sld [smem:$0x3FB9];
	_ =	sdelay $0x3  }
0x37: {  	[smem:$0x3FB9] =	sst s10  }
0x38: {  	s10 =	sld [smem:$0x3FBA]  }
0x39: {  	_ = 	snop;
	(pc) =	sbr.ind lr, $3  }
0x3a: {  	_ = 	snop  }
0x3b: {  	_ = 	snop  }
0x3c: {  	p2 =	seq.s32 s10, $0x1;
	s10 =	sld [smem:$0x3FB9]  }
0x3d: {  	_ =	shalt  }
0x3e: {  	_ =	shalt  }
0x3f: {  	_ =	shalt  }
0x40: {  	_ =	shalt  }
0x41: {  	_ =	shalt  }
0x42: {  	_ =	shalt  }
0x43: {  	_ =	shalt  }
0x44: {  	_ =	shalt  }
0x45: {  	_ =	shalt  }
0x46: {  	_ =	shalt  }
0x47: {  	_ =	shalt  }
0x48: {  	_ =	shalt  }
0x49: {  	_ =	shalt  }
0x4a: {  	_ =	shalt  }
0x4b: {  	_ =	shalt  }
0x4c: {  	_ =	shalt  }
0x4d: {  	_ =	shalt  }
0x4e: {  	_ =	shalt  }
0x4f: {  	_ =	shalt  }
0x50: {  	_ =	shalt  }
0x51: {  	_ =	shalt  }
0x52: {  	_ =	shalt  }
0x53: {  	_ =	shalt  }
0x54: {  	_ =	shalt  }
0x55: {  	_ =	shalt  }
0x56: {  	_ =	shalt  }
0x57: {  	_ =	shalt  }
0x58: {  	_ =	shalt  }
0x59: {  	_ =	shalt  }
0x5a: {  	_ =	shalt  }
0x5b: {  	_ =	shalt  }
0x5c: {  	_ =	shalt  }
0x5d: {  	_ =	shalt  }
0x5e: {  	_ =	shalt  }
0x5f: {  	_ =	shalt  }
0x60: {  	_ =	shalt  }
0x61: {  	_ =	shalt  }
0x62: {  	_ =	shalt  }
0x63: {  	_ =	shalt  }
0x64: {  	_ =	shalt  }
0x65: {  	_ =	shalt  }
0x66: {  	_ =	shalt  }
0x67: {  	_ =	shalt  }
0x68: {  	_ =	shalt  }
0x69: {  	_ =	shalt  }
0x6a: {  	_ =	shalt  }
0x6b: {  	_ =	shalt  }
0x6c: {  	_ =	shalt  }
0x6d: {  	_ =	shalt  }
0x6e: {  	_ =	shalt  }
0x6f: {  	_ =	shalt  }
0x70: {  	_ =	shalt  }
0x71: {  	_ =	shalt  }
0x72: {  	_ =	shalt  }
0x73: {  	_ =	shalt  }
0x74: {  	_ =	shalt  }
0x75: {  	_ =	shalt  }
0x76: {  	_ =	shalt  }
0x77: {  	_ =	shalt  }
0x78: {  	_ =	shalt  }
0x79: {  	_ =	shalt  }
0x7a: {  	_ =	shalt  }
0x7b: {  	_ =	shalt  }
0x7c: {  	_ =	shalt  }
0x7d: {  	_ =	shalt  }
0x7e: {  	_ =	shalt  }
0x7f: {  	_ =	shalt  }
0x80: {  	_ =	shalt  }
0x81: {  	_ =	shalt  }
0x82: {  	_ =	shalt  }
0x83: {  	_ =	shalt  }
0x84: {  	_ =	shalt  }
0x85: {  	_ =	shalt  }
0x86: {  	_ =	shalt  }
0x87: {  	_ =	shalt  }
.Lfunc_end0:
.L_simem_size_0:
called_computation_lowered:
.L_overlay_start_0:
0x88: {  	s2 =	sld [smem:$0x3FD9]  }
0x89: {  	s3 =	sld [smem:$0x3FFE];
	_ =	sdelay $0x1  }
0x8a: {  	s1 =	srdreg.scid  }
0x8b: {  	s0 =	sand.u32 $0x1, s1  }
0x8c: {  	s14 =	sshll.u32 s0, $0xA;
	s2 =	sadd.s32 s3, s2  }
0x8d: {  	s2 =	sadd.s32 s2, s14  }
0x8e: {  	[smem:$0x3FC5] =	sst s2  }
0x8f: {  	_ = 	snop  }
0x90: {  	s2 =	sld [smem:$0x3FD0];
	_ =	sdelay $0x2  }
0x91: {  	s15 =	simm.s32 $0xA;
	s4 =	simm.s32 $0x10  }
0x92: {  	[smem:s4], [sflag:s15] =	dma.local [hbm:s2], $0x1  }
0x93: {  	_ =	swait.eq [sflag:s15], $0x1  }
0x94: {  	[sflag:s15] =	ssyncset.done $0x0  }
0x95: {  	[sflag:s15] =	ssyncadd.s32 $0xFFFFFFFF  }
0x96: {  	s16 =	sld [smem:$0x10];
	(tm) =	ssettm $0x1  }
0x97: {  	s17 =	sld [smem:$0x3FFB];
	_ =	sdelay $0x3  }
0x98: {  	_ =	strace s17  }
0x99: {  	s3 =	sld [smem:$0x3FFC];
	_ =	sdelay $0x3  }
0x9a: {  	_ =	strace s3  }
0x9b: {  	s3 =	sld [smem:$0x3FFD];
	_ =	sdelay $0x3  }
0x9c: {  	_ =	strace s3  }
0x9d: {  	_ =	strace $0x8FFFFFFF  }
0x9e: {  	s18 =	sld [smem:$0x3FDB];
	_ =	sdelay $0x1  }
0x9f: {  	s19 =	simm.s32 $_scs_section_size  }
0xa0: {  	s5 =	simm.s32 $_size__tile_overlayer_lowered;
	s6 =	simm.s32 $_tile_overlayer_lowered  }
0xa1: {  	s22 =	simm.s32 $0x1BFF;
	s21 =	sshll.u32 s6, $0x1;
	s3 =	sadd.s32 s19, s18  }
0xa2: {  	s7 =	simm.s32 $0x0;
	s20 =	sshll.u32 s5, $0x1;
	s5 =	sadd.s32 s21, s3  }
0xa3: {  	[timem:s7], [sflag:s22] =	dma.local [hbm:s5], s20  }
0xa4: {  	_ =	swait.ge [sflag:s22], s20  }
0xa5: {  	s4 =	ssub.s32 $0x0, s20;
	[sflag:s22] =	ssyncset.done $0x0  }
0xa6: {  	[sflag:s22] =	ssyncadd.s32 s4;
	_ =	sdelay $0x1  }
0xa7: {  	s23 =	simm.s32 $0x1B8B  }
0xa8: {  	_ =	swait.ge [sflag:s23], $0x1  }
0xa9: {  	[sflag:s23] =	ssyncset.done $0x0  }
0xaa: {  	s25 =	simm.s32 $0x1B8E;
	s24 =	sld [smem:$0x3FFE];
	[sflag:s23] =	ssyncadd.s32 $0xFFFFFFFF  }
0xab: {  	s26 =	simm.s32 $execute0_lowered;
	[smem:$0x3FD2] =	sst s25  }
0xac: {  	s5 =	sshll.u32 s26, $0x1;
	_ =	strace $0x80000046;
	[dreg:$0x1] =	wrdreg $0xFFFFFFFF  }
0xad: {  	s28 =	simm.s32 $_size_execute0_lowered;
	s3 =	sadd.s32 s3, s5;
	[dreg:$0x0] =	wrdreg $0x0  }
0xae: {  	s5 =	sshll.u32 s28, $0x1;
	[dreg:$0x2] =	wrdreg s3  }
0xaf: {  	[dreg:$0x3] =	wrdreg s5  }
0xb0: {  	[dreg:$0x4] =	wrdreg $0xC0  }
0xb1: {  	_ =	task [dreg:s7], $0x5FFFF  }
0xb2: {  	[dreg:$0x1] =	wrdreg $0xFFFFFFFF  }
0xb3: {  	[dreg:$0x0] =	wrdreg $0x60  }
0xb4: {  	[dreg:$0x2] =	wrdreg s24  }
0xb5: {  	[dreg:$0x3] =	wrdreg s16  }
0xb6: {  	[dreg:$0x4] =	wrdreg $0x9  }
0xb7: {  	_ =	task.clear_ibuf [dreg:s7], $0x5FFFF;
	_ =	strace $0x90000046  }
0xb8: {  	s29 =	simm.s32 $0x9;
	_ =	strace $0x80000048  }
0xb9: {  	_ =	swait.ge [sflag:s29], $0x1  }
0xba: {  	[sflag:s29] =	ssyncadd.s32 $0xFFFFFFFF  }
0xbb: {  	_ =	strace $0x90000048  }
0xbc: {  	_ =	sfence  }
0xbd: {  	s30 =	sld [smem:$0x0];
	_ =	sdelay $0x2  }
0xbe: {  	s31 =	sshll.u32 s1, $0xD;
	s1 =	sshrl.u32 s1, $0x2  }
0xbf: {  	s3 =	sand.u32 $0x4000, s31;
	s1 =	sadd.s32 s1, s30  }
0xc0: {  	s0 =	sor.u32 s3, s0;
	s1 =	sshll.u32 s1, $0x11  }
0xc1: {  	s0 =	sor.u32 s1, s0  }
0xc2: {  	s0 =	sadd.s32 $0x8F2B, s0  }
0xc3: {  	[sflag:s0] =	ssyncadd.remote.s32 $0x1  }
0xc4: {  	_ =	sfence.sel $0xFFFF  }
0xc5: {  	[dreg:$0x0] =	wrdreg $0xFFFFFFFF;
	(pc) =	sbr.abs _section_cstart, $3  }
0xc6: {  	[dreg:$0x1] =	wrdreg $0xFFFFFFFF  }
0xc7: {  	_ =	task.clear_ibuf [dreg:s7], $0x2FFFF;
	_ =	strace $0x9FFFFFFF  }
0xc8: {  	(tm) =	ssettm $0x7FFFFFFF  }
0xc9: {  	_ =	shalt  }
tec
execute0_lowered:
.L_overlay_start_1:
0x0: {  	(tag) =	ssettag $0x1  }
0x1: {  	s0 =	srdreg.scid;
	s2 =	stileid.u32  }
0x2: {  	s1 =	rddreg [dreg:$0x0];
	s30 =	simm.s32 $0x1F40;
	s31 =	simm.s32 $0x3E80  }
0x3: {  	s28 =	simm.s32 $0x5DC0;
	s0 =	sand.u32 $0x1, s0;
	s3 =	sshll.u32 s2, $0x1  }
0x4: {  	s2 =	rddreg [dreg:$0x1];
	s15 =	sadd.s32 $0xA00, s1;
	s7 =	sadd.s32 $0x24400, s1  }
0x5: {  	s16 =	sadd.s32 $0x5A00, s1;
	s24 =	sadd.s32 $0xB00, s1;
	s26 =	sadd.s32 $0xC00, s1  }
0x6: {  	s4 =	sor.u32 s0, s3;
	s3 =	simm.s32 $0x0;
	s0 =	ssub.s32 $0x2, s0  }
0x7: {  	s5 =	smul.u32 $0x140, s4;
	[smem:$0x7FF] =	sst s3;
	s19 =	sshll.u32 s4, $0x1  }
0x8: {  	s8 =	sor.u32 $0x20, s4;
	s9 =	smul.u32 $0x3E8, s4;
	s11 =	sor.u32 $0x40, s4  }
0x9: {  	s10 =	sshrl.u32 s0, $0x1;
	_ =	strace $0x80000047;
	[dreg:$0x4] =	wrdreg s7  }
0xa: {  	s14 =	sor.u32 $0x60, s4;
	s12 =	smul.u32 $0x3E8, s8;
	[dreg:$0x3] =	wrdreg s15  }
0xb: {  	p0 =	sgt.u32 s4, $0x1C;
	s13 =	smul.u32 $0x3E8, s11;
	[dreg:$0x5] =	wrdreg s16  }
0xc: {  	s7 =	sadd.s32 s19, s1;
	s20 =	smul.u32 $0x3E8, s14;
	[dreg:$0xc] =	wrdreg s24  }
0xd: {  	[dreg:$0xe] =	wrdreg s26;
	s6 =	sadd.s32 s5, s1;
	s5 =	sadd.s32 s15, s5  }
0xe: {  	s25 =	smul.u32 $0xA0000, s14;
	s21 =	sadd.s32 s16, s9;
	[dreg:$0x6] =	wrdreg s5  }
0xf: {  	s0 =	ssub.s32 s0, s10;
	s10 =	smul.u32 $0xA0000, s4;
	[dreg:$0x8] =	wrdreg s21  }
0x10: {  	s4 =	simm.s32 $0x0;
	s1 =	sadd.s32 $0xD00, s1;
	[dreg:$0xd] =	wrdreg s25  }
0x11: {  	s29 =	sadd.s32 $0x24600, s7;
	s0 =	smax.u32 s0, $0x1;
	[dreg:$0xf] =	wrdreg s1  }
0x12: {  	s7 =	simm.s32 $0x2;
	s6 =	sadd.s32 $0x3200, s6;
	[dreg:$0x10] =	wrdreg s29  }
0x13: {  	s22 =	sadd.s32 s16, s12;
	s23 =	sadd.s32 s16, s13;
	[dreg:$0x11] =	wrdreg s0  }
0x14: {  	s13 =	smul.u32 $0xA0000, s8;
	s5 =	sadd.s32 s16, s20;
	[dreg:$0x7] =	wrdreg s6  }
0x15: {  	s16 =	smul.u32 $0xA0000, s11;
	s11 =	simm.s32 $0x8;
	[dreg:$0x9] =	wrdreg s22  }
0x16: {  	s25 =	simm.s32 $0x1B500;
	s1 =	simm.s32 $0x6;
	[dreg:$0xa] =	wrdreg s23  }
0x17: {  	s8 =	simm.s32 $0x3;
	[dreg:$0xb] =	wrdreg s5;
	s5 =	simm.s32 $0x1  }
.LBB2_1:
0x18: {  	[dreg:$0x12] =	wrdreg s4  }
0x19: {  	s0 =	rddreg [dreg:$0x6];
	s22 =	simm.s32 $0x18D00  }
0x1a: {  	[tilespmem:s22], [sflag:$0x8] =	stream.linear.gather [hbm4b:s0+s3], $0xA00, $0x38;
	[tilespmem:$0x1B8F8] =	vst v63  }
0x1b: {  	_ =	swait.ge [sflag:s11], $0xA00  }
0x1c: {  	[sflag:s11] =	ssyncset.done $0x0  }
0x1d: {  	s24 =	simm.s32 $0x19700;
	s23 =	rddreg [dreg:$0x7];
	[sflag:s11] =	ssyncadd.s32 $0xFFFFF600  }
0x1e: {  	[tilespmem:s24], [sflag:$0x8] =	stream.linear.gather [hbm4b:s23+s3], $0xA00, $0x38;
	[tilespmem:$0x1B8F8] =	vst v63  }
0x1f: {  	_ =	swait.ge [sflag:s11], $0xA00  }
0x20: {  	[sflag:s11] =	ssyncset.done $0x0  }
0x21: {  	s26 =	rddreg [dreg:$0x4];
	[sflag:s11] =	ssyncadd.s32 $0xFFFFF600  }
0x22: {  	[tilespmem:s25], [sflag:$0x8] =	stream.linear.gather [hbm4b:s26+s3], $0x3E8, $0x38;
	[tilespmem:$0x1B8F8] =	vst v63  }
0x23: {  	_ =	swait.ge [sflag:s11], $0x3E8  }
0x24: {  	[sflag:s11] =	ssyncset.done $0x0  }
0x25: {  	s29 =	simm.s32 $0x19720;
	[sflag:s11] =	ssyncadd.s32 $0xFFFFFC18  }
0x26: {  	v0 =	vld [tilespmem:s29+$0x10]  }
0x27: {  	s4 =	simm.s32 $0x18D20;
	v5 =	vld [tilespmem:s29+$0xFFFFFFE0]  }
0x28: {  	v6 =	vld [tilespmem:s4+$0x10]  }
0x29: {  	v4 =	vld [tilespmem:s29+$0xFFFFFFF0]  }
0x2a: {  	v2 =	vld [tilespmem:s29+$0x0]  }
0x2b: {  	v1 =	vld [tilespmem:s4+$0xFFFFFFF0];
	v7 =	vmul.u32 $0x3E8, v0  }
0x2c: {  	v3 =	vld [tilespmem:s4+$0x0]  }
0x2d: {  	s6 =	simm.s32 $0x0;
	s9 =	simm.s32 $0x19760;
	s0 =	simm.s32 $0x1A120;
	v0 =	vmul.u32 $0x3E8, v5;
	v5 =	vld [tilespmem:s4+$0xFFFFFFE0];
	v6 =	vadd.s32 v6, v7  }
.LBB2_2:
0x2e: {  	v7 =	vld [tilespmem:s9+$0x10];
	s6 =	sadd.s32 $0x4, s6;
	v4 =	vmul.u32 $0x3E8, v4;
	[tilespmem:s0+$0x10] =	vst v6  }
0x2f: {  	s4 =	sadd.s32 $0x40, s4;
	v6 =	vld [tilespmem:s9+$0xFFFFFFE0];
	p1 =	slt.u32 s6, $0x9C;
	v2 =	vmul.u32 $0x3E8, v2  }
0x30: {  	v8 =	vld [tilespmem:s4+$0x10];
	v1 =	vadd.s32 v1, v4  }
.Ltmp0:
0x31: {  	v4 =	vld [tilespmem:s9+$0xFFFFFFF0];
	[tilespmem:s0+$0xFFFFFFF0] =	vst v1;
	v1 =	vadd.s32 v3, v2;
	(pc) =	sbr.rel @p1 .LBB2_2-.Ltmp0, $4  }
0x32: {  	v2 =	vld [tilespmem:s9+$0x0];
	v0 =	vadd.s32 v5, v0;
	[tilespmem:s0+$0x0] =	vst v1  }
0x33: {  	v1 =	vld [tilespmem:s4+$0xFFFFFFF0];
	v7 =	vmul.u32 $0x3E8, v7;
	[tilespmem:s0+$0xFFFFFFE0] =	vst v0  }
0x34: {  	v0 =	vmul.u32 $0x3E8, v6;
	v3 =	vld [tilespmem:s4+$0x0]  }
0x35: {  	s9 =	sadd.s32 $0x40, s9;
	s0 =	sadd.s32 $0x40, s0;
	v5 =	vld [tilespmem:s4+$0xFFFFFFE0];
	v6 =	vadd.s32 v8, v7  }
0x36: {  	v4 =	vmul.u32 $0x3E8, v4  }
0x37: {  	v2 =	vmul.u32 $0x3E8, v2  }
0x38: {  	[tilespmem:s0+$0x10] =	vst v6;
	v1 =	vadd.s32 v1, v4  }
0x39: {  	[tilespmem:s0+$0xFFFFFFF0] =	vst v1;
	v63 =	vadd.s32 v3, v2  }
0x3a: {  	v0 =	vadd.s32 v5, v0;
	[tilespmem:s0+$0x0] =	vst v63  }
0x3b: {  	s4 =	simm.s32 $0xA00;
	[tilespmem:s0+$0xFFFFFFE0] =	vst v0  }
0x3c: {  	s6 =	simm.s32 $0x1A100;
	s9 =	simm.s32 $0x1AB00;
	s0 =	rddreg [dreg:$0x5]  }
0x3d: {  	[tilespmem:s9], [sflag:$0x7] =	stream.indirect.gather [hbm4b:s0+s4], $0x1, s6, s4, $0xb8;
	[tilespmem:$0x1B8F8] =	vst v63  }
0x3e: {  	s19 =	rddreg [dreg:$0x8]  }
0x3f: {  	[tilespmem:s3], [sflag:$0x8] =	stream.linear.gather [hbm4b:s19+s3], $0x1F40, $0x38;
	[tilespmem:$0x1B8F8] =	vst v63  }
0x40: {  	_ =	swait.ge [sflag:s11], $0x1F40  }
0x41: {  	[sflag:s11] =	ssyncset.done $0x0  }
0x42: {  	s20 =	rddreg [dreg:$0x9];
	[sflag:s11] =	ssyncadd.s32 $0xFFFFE0C0  }
0x43: {  	[tilespmem:s30], [sflag:$0x8] =	stream.linear.gather [hbm4b:s20+s3], $0x1F40, $0x38;
	[tilespmem:$0x1B8F8] =	vst v63  }
0x44: {  	_ =	swait.ge [sflag:s11], $0x1F40  }
0x45: {  	[sflag:s11] =	ssyncset.done $0x0  }
0x46: {  	s21 =	rddreg [dreg:$0xa];
	[sflag:s11] =	ssyncadd.s32 $0xFFFFE0C0  }
0x47: {  	[tilespmem:s31], [sflag:$0x8] =	stream.linear.gather [hbm4b:s21+s3], $0x1F40, $0x38;
	[tilespmem:$0x1B8F8] =	vst v63  }
0x48: {  	_ =	swait.ge [sflag:s11], $0x1F40  }
0x49: {  	s0 =	simm.s32 @!p0 $0x0;
	[sflag:s11] =	ssyncset.done $0x0  }
0x4a: {  	s4 =	simm.s32 @!p0 $0x5DC0;
	s6 =	rddreg [dreg:$0xb];
	[sflag:s11] =	ssyncadd.s32 $0xFFFFE0C0  }
0x4b: {  	[tilespmem:s4], [sflag:$0x8] =	stream.linear.gather @!p0 [hbm4b:s6+s0], $0x1F40, $0x38;
	[tilespmem:$0x1B8F8] =	vst v63  }
0x4c: {  	s0 =	simm.s32 @!p0 $0x8  }
0x4d: {  	_ =	swait.ge @!p0 [sflag:s0], $0x1F40  }
0x4e: {  	s22 =	simm.s32 $0x0;
	[sflag:s0] =	ssyncset.done @!p0 $0x0  }
0x4f: {  	s24 =	simm.s32 $0x7D00;
	s23 =	rddreg [dreg:$0x3];
	[sflag:s0] =	ssyncadd.s32 @!p0 $0xFFFFE0C0  }
0x50: {  	[tilespmem:s24], [sflag:$0x8] =	stream.linear.gather [hbm4b:s23+s22], $0x800, $0x38;
	[tilespmem:$0x1B8F8] =	vst v63  }
0x51: {  	_ =	swait.ge [sflag:s11], $0x800  }
0x52: {  	s29 =	simm.s32 $0x8500;
	[sflag:s11] =	ssyncset.done $0x0  }
0x53: {  	s15 =	simm.s32 $0x0;
	s26 =	rddreg [dreg:$0xc];
	[sflag:s11] =	ssyncadd.s32 $0xFFFFF800  }
0x54: {  	[tilespmem:s29], [sflag:$0x6] =	stream.linear.gather [hbm4b:s26+s22], $0x800, $0x38;
	[tilespmem:$0x1B8F8] =	vst v63  }
.LBB2_4:
0x55: {  	p1 =	seq.s32 s15, $0x0  }
0x56: {  	s0 =	simm.s32 @!p1 $0x5  }
0x57: {  	_ =	swait.ge @!p1 [sflag:s0], $0x800  }
0x58: {  	[sflag:s0] =	ssyncset.done @!p1 $0x0  }
0x59: {  	[sflag:s0] =	ssyncadd.s32 @!p1 $0xFFFFF800;
	s0 =	simm.s32 @!p1 $0x1  }
0x5a: {  	_ =	swait.ge @!p1 [sflag:s0], $0x4000  }
0x5b: {  	[sflag:s0] =	ssyncset.done @!p1 $0x0  }
0x5c: {  	s12 =	simm.s32 $0x7D20;
	[sflag:s0] =	ssyncadd.s32 @!p1 $0xFFFFC000  }
0x5d: {  	v7 =	vld [tilespmem:s12+$0x10]  }
0x5e: {  	v6 =	vld [tilespmem:s12+$0xFFFFFFE0]  }
0x5f: {  	v0 =	vld [tilespmem:s12+$0xFFFFFFF0];
	_ =	sdelay $0x1  }
0x60: {  	v1 =	vld [tilespmem:s12+$0x0];
	_ =	sdelay $0x3  }
0x61: {  	v2 =	vld.idx.msk [tilespmem:v7+s3+$0x0], $0xffff  }
0x62: {  	s4 =	simm.s32 $0x0;
	v3 =	vadd.s32 $0x3E8, v7;
	v8 =	vld.idx.msk [tilespmem:v6+s3+$0x0], $0xffff  }
0x63: {  	s14 =	simm.s32 $0x30;
	s4 =	sand.u32 $0x3C00, s4;
	v9 =	vadd.s32 $0x3E8, v6;
	v4 =	vld.idx.msk [tilespmem:v0+s3+$0x0], $0xffff  }
0x64: {  	s17 =	simm.s32 $0x0;
	s4 =	sadd.s32 $0x8D00, s4;
	s0 =	sand.u32 $0x70, s14;
	v5 =	vadd.s32 $0x3E8, v0  }
0x65: {  	s6 =	simm.s32 $0x10;
	s9 =	sor.u32 s0, s4;
	s12 =	sand.u32 $0x40, s17;
	v10 =	vld.idx.msk [tilespmem:v1+s3+$0x0], $0xffff  }
0x66: {  	s6 =	sand.u32 $0x50, s6;
	s12 =	sor.u32 s12, s4;
	v11 =	vadd.s32 $0x3E8, v1;
	[tilespmem:s9+$0x0] =	vst v2  }
0x67: {  	s11 =	simm.s32 $0x20;
	s0 =	sor.u32 s6, s4;
	[tilespmem:s12+$0x0] =	vst v8;
	v2 =	vld.idx.msk [tilespmem:v3+s3+$0x0], $0xffff  }
0x68: {  	s18 =	sand.u32 $0x60, s11;
	[tilespmem:s0+$0x0] =	vst v4;
	v3 =	vadd.s32 $0x7D0, v7;
	v8 =	vld.idx.msk [tilespmem:v9+s3+$0x0], $0xffff  }
0x69: {  	s21 =	sor.u32 s18, s4;
	v4 =	vld.idx.msk [tilespmem:v5+s3+$0x0], $0xffff;
	v9 =	vadd.s32 $0x7D0, v6  }
0x6a: {  	[tilespmem:s21+$0x0] =	vst v10;
	v5 =	vadd.s32 $0x7D0, v0  }
0x6b: {  	v10 =	vld.idx.msk [tilespmem:v11+s3+$0x0], $0xffff  }
0x6c: {  	v11 =	vadd.s32 $0x7D0, v1;
	[tilespmem:s9+$0x80] =	vst v2  }
0x6d: {  	[tilespmem:s12+$0x80] =	vst v8;
	v2 =	vld.idx.msk [tilespmem:v3+s3+$0x0], $0xffff  }
0x6e: {  	[tilespmem:s0+$0x80] =	vst v4;
	v3 =	vadd.s32 $0xBB8, v7;
	v8 =	vld.idx.msk [tilespmem:v9+s3+$0x0], $0xffff  }
0x6f: {  	v4 =	vld.idx.msk [tilespmem:v5+s3+$0x0], $0xffff;
	v9 =	vadd.s32 $0xBB8, v6  }
0x70: {  	[tilespmem:s21+$0x80] =	vst v10  }
0x71: {  	v5 =	vadd.s32 $0xBB8, v0;
	v10 =	vld.idx.msk [tilespmem:v11+s3+$0x0], $0xffff  }
0x72: {  	v11 =	vadd.s32 $0xBB8, v1;
	[tilespmem:s9+$0x100] =	vst v2  }
0x73: {  	[tilespmem:s12+$0x100] =	vst v8;
	v2 =	vld.idx.msk [tilespmem:v3+s3+$0x0], $0xffff  }
0x74: {  	s26 =	simm.s32 $0x7DA0;
	[tilespmem:s0+$0x100] =	vst v4;
	v4 =	vld.idx.msk [tilespmem:v9+s3+$0x0], $0xffff  }
0x75: {  	v21 =	vld [tilespmem:s26+$0xFFFFFFF0];
	v3 =	vadd.s32 $0xFA0, v7  }
0x76: {  	[tilespmem:s21+$0x100] =	vst v10;
	v8 =	vld.idx.msk [tilespmem:v5+s3+$0x0], $0xffff  }
0x77: {  	s19 =	simm.s32 $0x7D60;
	v10 =	vadd.s32 $0xFA0, v6;
	v9 =	vld.idx.msk [tilespmem:v11+s3+$0x0], $0xffff  }
0x78: {  	v5 =	vld [tilespmem:s19+$0x10];
	v11 =	vadd.s32 $0xFA0, v0;
	[tilespmem:s9+$0x180] =	vst v2  }
0x79: {  	[tilespmem:s12+$0x180] =	vst v4;
	v4 =	vld [tilespmem:s19+$0xFFFFFFE0]  }
0x7a: {  	v13 =	vadd.s32 $0xFA0, v1;
	v12 =	vld.idx.msk [tilespmem:v3+s3+$0x0], $0xffff  }
0x7b: {  	v14 =	vadd.s32 $0x1388, v7;
	v3 =	vld [tilespmem:s19+$0xFFFFFFF0]  }
0x7c: {  	[tilespmem:s0+$0x180] =	vst v8;
	v8 =	vld.idx.msk [tilespmem:v10+s3+$0x0], $0xffff  }
0x7d: {  	[tilespmem:s21+$0x180] =	vst v9;
	v9 =	vld.idx.msk [tilespmem:v11+s3+$0x0], $0xffff;
	v11 =	vadd.s32 $0x1388, v6  }
0x7e: {  	v2 =	vld [tilespmem:s19+$0x0]  }
0x7f: {  	v10 =	vld.idx.msk [tilespmem:v13+s3+$0x0], $0xffff;
	[tilespmem:s9+$0x200] =	vst v12  }
0x80: {  	v13 =	vadd.s32 $0x1388, v0;
	v12 =	vld.idx.msk [tilespmem:v14+s3+$0x0], $0xffff  }
0x81: {  	[tilespmem:s12+$0x200] =	vst v8;
	v14 =	vld.idx.msk [tilespmem:v5+s3+$0x0], $0xffff  }
0x82: {  	v16 =	vadd.s32 $0x1770, v7;
	[tilespmem:s0+$0x200] =	vst v9;
	v9 =	vld.idx.msk [tilespmem:v11+s3+$0x0], $0xffff  }
0x83: {  	s20 =	simm.s32 $0x200;
	v18 =	vadd.s32 $0x3E8, v5;
	v8 =	vld.idx.msk [tilespmem:v4+s3+$0x0], $0xffff  }
0x84: {  	s22 =	simm.s32 $0x70;
	s23 =	simm.s32 $0x50;
	s4 =	sand.u32 $0x3C00, s20;
	v19 =	vadd.s32 $0x1388, v1;
	v15 =	vld.idx.msk [tilespmem:v3+s3+$0x0], $0xffff  }
0x85: {  	s24 =	simm.s32 $0x40;
	s6 =	sand.u32 $0x70, s22;
	s4 =	sadd.s32 $0x8D00, s4;
	[tilespmem:s21+$0x200] =	vst v10;
	v11 =	vadd.s32 $0x3E8, v4;
	v13 =	vld.idx.msk [tilespmem:v13+s3+$0x0], $0xffff  }
0x86: {  	s11 =	sand.u32 $0x50, s23;
	s17 =	sor.u32 s6, s4;
	s19 =	sand.u32 $0x40, s24;
	v20 =	vadd.s32 $0x3E8, v3;
	v17 =	vld.idx.msk [tilespmem:v2+s3+$0x0], $0xffff;
	[tilespmem:s9+$0x280] =	vst v12  }
0x87: {  	s6 =	sor.u32 s11, s4;
	s11 =	sor.u32 s19, s4;
	[tilespmem:s17+$0x0] =	vst v14;
	v14 =	vld.idx.msk [tilespmem:v16+s3+$0x0], $0xffff  }
0x88: {  	v12 =	vadd.s32 $0x3E8, v2;
	v10 =	vld.idx.msk [tilespmem:v18+s3+$0x0], $0xffff;
	[tilespmem:s11+$0x0] =	vst v8  }
0x89: {  	s14 =	simm.s32 $0x60;
	v16 =	vadd.s32 $0x1770, v6;
	[tilespmem:s6+$0x0] =	vst v15;
	v15 =	vld.idx.msk [tilespmem:v19+s3+$0x0], $0xffff  }
0x8a: {  	s14 =	sand.u32 $0x60, s14;
	[tilespmem:s12+$0x280] =	vst v9;
	v18 =	vadd.s32 $0x7D0, v5;
	v11 =	vld.idx.msk [tilespmem:v11+s3+$0x0], $0xffff  }
0x8b: {  	s4 =	sor.u32 s14, s4;
	[tilespmem:s0+$0x280] =	vst v13;
	v19 =	vadd.s32 $0x1770, v0;
	v8 =	vld.idx.msk [tilespmem:v20+s3+$0x0], $0xffff  }
0x8c: {  	v22 =	vld [tilespmem:s26+$0x0];
	v9 =	vadd.s32 $0x7D0, v4;
	[tilespmem:s4+$0x0] =	vst v17  }
0x8d: {  	v17 =	vadd.s32 $0x7D0, v3;
	v12 =	vld.idx.msk [tilespmem:v12+s3+$0x0], $0xffff;
	[tilespmem:s9+$0x300] =	vst v14  }
0x8e: {  	v16 =	vld.idx.msk [tilespmem:v16+s3+$0x0], $0xffff;
	v14 =	vadd.s32 $0x7D0, v2;
	[tilespmem:s17+$0x80] =	vst v10  }
0x8f: {  	v10 =	vadd.s32 $0x1770, v1;
	v18 =	vld.idx.msk [tilespmem:v18+s3+$0x0], $0xffff;
	[tilespmem:s11+$0x80] =	vst v11  }
0x90: {  	v13 =	vadd.s32 $0xBB8, v5;
	[tilespmem:s6+$0x80] =	vst v8;
	v8 =	vld.idx.msk [tilespmem:v19+s3+$0x0], $0xffff  }
0x91: {  	v0 =	vadd.s32 $0x1B58, v0;
	v9 =	vld.idx.msk [tilespmem:v9+s3+$0x0], $0xffff  }
0x92: {  	v11 =	vld.idx.msk [tilespmem:v17+s3+$0x0], $0xffff;
	[tilespmem:s4+$0x80] =	vst v12  }
0x93: {  	[tilespmem:s21+$0x280] =	vst v15;
	v17 =	vadd.s32 $0xBB8, v3;
	v14 =	vld.idx.msk [tilespmem:v14+s3+$0x0], $0xffff  }
0x94: {  	v12 =	vadd.s32 $0xBB8, v4;
	v10 =	vld.idx.msk [tilespmem:v10+s3+$0x0], $0xffff;
	[tilespmem:s17+$0x100] =	vst v18  }
0x95: {  	v15 =	vadd.s32 $0xBB8, v2;
	v13 =	vld.idx.msk [tilespmem:v13+s3+$0x0], $0xffff;
	[tilespmem:s0+$0x300] =	vst v8  }
0x96: {  	v6 =	vadd.s32 $0x1B58, v6;
	v8 =	vld.idx.msk [tilespmem:v0+s3+$0x0], $0xffff  }
0x97: {  	v7 =	vadd.s32 $0x1B58, v7;
	[tilespmem:s6+$0x100] =	vst v11;
	v0 =	vld [tilespmem:s26+$0x10]  }
0x98: {  	[tilespmem:s11+$0x100] =	vst v9;
	v9 =	vld.idx.msk [tilespmem:v17+s3+$0x0], $0xffff  }
0x99: {  	v11 =	vadd.s32 $0xFA0, v5;
	v12 =	vld.idx.msk [tilespmem:v12+s3+$0x0], $0xffff;
	[tilespmem:s4+$0x100] =	vst v14  }
0x9a: {  	[tilespmem:s12+$0x300] =	vst v16;
	v14 =	vld.idx.msk [tilespmem:v15+s3+$0x0], $0xffff;
	v15 =	vadd.s32 $0xFA0, v4  }
0x9b: {  	v6 =	vld.idx.msk [tilespmem:v6+s3+$0x0], $0xffff  }
0x9c: {  	v7 =	vld.idx.msk [tilespmem:v7+s3+$0x0], $0xffff;
	[tilespmem:s17+$0x180] =	vst v13;
	v13 =	vadd.s32 $0xFA0, v3  }
0x9d: {  	v19 =	vld [tilespmem:s26+$0xFFFFFFE0];
	v16 =	vadd.s32 $0xFA0, v2;
	[tilespmem:s21+$0x300] =	vst v10  }
0x9e: {  	v11 =	vld.idx.msk [tilespmem:v11+s3+$0x0], $0xffff;
	[tilespmem:s11+$0x180] =	vst v12  }
0x9f: {  	[tilespmem:s6+$0x180] =	vst v9;
	v9 =	vld.idx.msk [tilespmem:v15+s3+$0x0], $0xffff  }
0xa0: {  	v17 =	vadd.s32 $0x1388, v5;
	[tilespmem:s12+$0x380] =	vst v6;
	v10 =	vld.idx.msk [tilespmem:v0+s3+$0x0], $0xffff  }
0xa1: {  	[tilespmem:s4+$0x180] =	vst v14;
	v12 =	vld.idx.msk [tilespmem:v13+s3+$0x0], $0xffff  }
0xa2: {  	s23 =	simm.s32 $0x400;
	[tilespmem:s0+$0x380] =	vst v8;
	v13 =	vld.idx.msk [tilespmem:v16+s3+$0x0], $0xffff;
	v16 =	vadd.s32 $0x3E8, v0  }
0xa3: {  	s14 =	sand.u32 $0x3C00, s23;
	v6 =	vld.idx.msk [tilespmem:v21+s3+$0x0], $0xffff;
	s0 =	simm.s32 $0xB0;
	[tilespmem:s17+$0x200] =	vst v11;
	v11 =	vadd.s32 $0x1388, v4  }
0xa4: {  	s18 =	sadd.s32 $0x8D00, s14;
	[tilespmem:s9+$0x380] =	vst v7;
	v8 =	vld.idx.msk [tilespmem:v22+s3+$0x0], $0xffff;
	s22 =	sand.u32 $0x70, s0;
	v14 =	vadd.s32 $0x1388, v3  }
0xa5: {  	s12 =	sor.u32 s22, s18;
	v7 =	vld.idx.msk [tilespmem:v17+s3+$0x0], $0xffff;
	v17 =	vadd.s32 $0x1388, v2;
	[tilespmem:s11+$0x200] =	vst v9  }
0xa6: {  	s24 =	simm.s32 $0x90;
	v15 =	vadd.s32 $0x1770, v5;
	v9 =	vld.idx.msk [tilespmem:v19+s3+$0x0], $0xffff;
	[tilespmem:s12+$0x0] =	vst v10  }
0xa7: {  	s14 =	sand.u32 $0x50, s24;
	v18 =	vadd.s32 $0x3E8, v21;
	[tilespmem:s4+$0x200] =	vst v13;
	v13 =	vld.idx.msk [tilespmem:v16+s3+$0x0], $0xffff  }
0xa8: {  	s20 =	simm.s32 $0xA0;
	s14 =	sor.u32 s14, s18;
	[tilespmem:s6+$0x200] =	vst v12;
	v12 =	vadd.s32 $0x3E8, v19;
	v11 =	vld.idx.msk [tilespmem:v11+s3+$0x0], $0xffff  }
0xa9: {  	s20 =	sand.u32 $0x60, s20;
	s26 =	simm.s32 $0x80;
	[tilespmem:s14+$0x0] =	vst v6;
	v16 =	vadd.s32 $0x7D0, v0;
	v14 =	vld.idx.msk [tilespmem:v14+s3+$0x0], $0xffff  }
0xaa: {  	s29 =	sor.u32 s20, s18;
	s9 =	sand.u32 $0x40, s26;
	[tilespmem:s17+$0x280] =	vst v7;
	v7 =	vadd.s32 $0x3E8, v22;
	v6 =	vld.idx.msk [tilespmem:v17+s3+$0x0], $0xffff  }
0xab: {  	v1 =	vadd.s32 $0x1B58, v1;
	s9 =	sor.u32 s9, s18;
	[tilespmem:s29+$0x0] =	vst v8;
	v10 =	vld.idx.msk [tilespmem:v15+s3+$0x0], $0xffff  }
0xac: {  	v5 =	vadd.s32 $0x1B58, v5;
	[tilespmem:s9+$0x0] =	vst v9;
	v9 =	vld.idx.msk [tilespmem:v18+s3+$0x0], $0xffff  }
0xad: {  	v15 =	vadd.s32 $0x1770, v4;
	v12 =	vld.idx.msk [tilespmem:v12+s3+$0x0], $0xffff;
	[tilespmem:s12+$0x80] =	vst v13  }
0xae: {  	v8 =	vadd.s32 $0x7D0, v21;
	[tilespmem:s11+$0x280] =	vst v11;
	v16 =	vld.idx.msk [tilespmem:v16+s3+$0x0], $0xffff  }
0xaf: {  	v11 =	vadd.s32 $0x7D0, v19;
	[tilespmem:s6+$0x280] =	vst v14;
	v7 =	vld.idx.msk [tilespmem:v7+s3+$0x0], $0xffff  }
0xb0: {  	v14 =	vld.idx.msk [tilespmem:v1+s3+$0x0], $0xffff;
	[tilespmem:s17+$0x300] =	vst v10;
	v10 =	vadd.s32 $0x7D0, v22  }
0xb1: {  	v17 =	vadd.s32 $0x1770, v3;
	[tilespmem:s4+$0x280] =	vst v6;
	v5 =	vld.idx.msk [tilespmem:v5+s3+$0x0], $0xffff  }
0xb2: {  	v13 =	vadd.s32 $0x1770, v2;
	v15 =	vld.idx.msk [tilespmem:v15+s3+$0x0], $0xffff;
	[tilespmem:s14+$0x80] =	vst v9  }
0xb3: {  	v9 =	vadd.s32 $0xBB8, v0;
	[tilespmem:s9+$0x80] =	vst v12;
	v8 =	vld.idx.msk [tilespmem:v8+s3+$0x0], $0xffff  }
0xb4: {  	v4 =	vadd.s32 $0x1B58, v4;
	v18 =	vld.idx.msk [tilespmem:v11+s3+$0x0], $0xffff;
	[tilespmem:s29+$0x80] =	vst v7  }
0xb5: {  	[tilespmem:s12+$0x100] =	vst v16;
	v7 =	vadd.s32 $0xBB8, v21;
	v24 =	vld.idx.msk [tilespmem:v10+s3+$0x0], $0xffff  }
0xb6: {  	v23 =	vld.idx.msk [tilespmem:v17+s3+$0x0], $0xffff;
	[tilespmem:s17+$0x380] =	vst v5;
	v5 =	vadd.s32 $0xBB8, v22  }
0xb7: {  	v25 =	vld.idx.msk [tilespmem:v13+s3+$0x0], $0xffff;
	[tilespmem:s11+$0x300] =	vst v15  }
0xb8: {  	v1 =	vadd.s32 $0x1B58, v2;
	v2 =	vadd.s32 $0x1B58, v19;
	v6 =	vadd.s32 $0xBB8, v19;
	v17 =	vld.idx.msk [tilespmem:v9+s3+$0x0], $0xffff;
	[tilespmem:s14+$0x100] =	vst v8  }
0xb9: {  	v12 =	vadd.s32 $0xFA0, v19;
	v13 =	vadd.s32 $0xFA0, v21;
	v16 =	vadd.s32 $0x1B58, v3;
	v15 =	vld.idx.msk [tilespmem:v4+s3+$0x0], $0xffff;
	[tilespmem:s9+$0x100] =	vst v18  }
0xba: {  	v4 =	vadd.s32 $0x1770, v19;
	v9 =	vadd.s32 $0x1388, v21;
	v8 =	vadd.s32 $0x1388, v19;
	v18 =	vld.idx.msk [tilespmem:v7+s3+$0x0], $0xffff;
	[tilespmem:s29+$0x100] =	vst v24  }
0xbb: {  	v7 =	vadd.s32 $0x1770, v21;
	v19 =	vld.idx.msk [tilespmem:v5+s3+$0x0], $0xffff;
	v5 =	vadd.s32 $0x1B58, v21;
	v21 =	vadd.s32 $0xFA0, v0;
	_ =	sdelay $0x1  }
0xbc: {  	v11 =	vadd.s32 $0xFA0, v22;
	[tilespmem:s6+$0x300] =	vst v23;
	v20 =	vld.idx.msk [tilespmem:v6+s3+$0x0], $0xffff  }
0xbd: {  	s19 =	simm.s32 $0x8;
	s20 =	sshll.u32 s15, $0xF;
	v3 =	vadd.s32 $0x1B58, v22;
	v10 =	vadd.s32 $0x1388, v22;
	s17 =	simm.s32 $0x7DE0;
	[tilespmem:s4+$0x300] =	vst v25;
	v16 =	vld.idx.msk [tilespmem:v16+s3+$0x0], $0xffff;
	v6 =	vadd.s32 $0x1770, v22  }
.LBB2_5:
0xbe: {  	v22 =	vld [tilespmem:s17+$0x10];
	[tilespmem:s12+$0x180] =	vst v17  }
0xbf: {  	s19 =	sadd.s32 $0x4, s19;
	v17 =	vld.idx.msk [tilespmem:v21+s3+$0x0], $0xffff;
	[tilespmem:s11+$0x380] =	vst v15;
	s11 =	smov.u32 s9  }
0xc0: {  	p2 =	slt.u32 s19, $0x7C;
	v15 =	vld [tilespmem:s17+$0xFFFFFFF0];
	[tilespmem:s14+$0x180] =	vst v18  }
0xc1: {  	v18 =	vld [tilespmem:s17+$0x0];
	[tilespmem:s11+$0x180] =	vst v20;
	v20 =	vadd.s32 $0x1388, v0  }
0xc2: {  	v21 =	vld [tilespmem:s17+$0xFFFFFFE0];
	[tilespmem:s29+$0x180] =	vst v19  }
0xc3: {  	v19 =	vld.idx.msk [tilespmem:v12+s3+$0x0], $0xffff;
	[tilespmem:s6+$0x380] =	vst v16;
	s6 =	smov.u32 s14  }
0xc4: {  	v16 =	vld.idx.msk [tilespmem:v13+s3+$0x0], $0xffff;
	[tilespmem:s21+$0x380] =	vst v14;
	s21 =	smov.u32 s4;
	s4 =	smov.u32 s29  }
0xc5: {  	v14 =	vadd.s32 $0x3E8, v15;
	v23 =	vadd.s32 $0x7D0, v15;
	v24 =	vadd.s32 $0xBB8, v15;
	v25 =	vld.idx.msk [tilespmem:v11+s3+$0x0], $0xffff;
	[tilespmem:s12+$0x200] =	vst v17  }
0xc6: {  	v17 =	vadd.s32 $0x3E8, v18;
	v26 =	vadd.s32 $0x7D0, v18;
	v27 =	vadd.s32 $0xBB8, v18;
	v20 =	vld.idx.msk [tilespmem:v20+s3+$0x0], $0xffff  }
0xc7: {  	v28 =	vadd.s32 $0x3E8, v21;
	v29 =	vadd.s32 $0x7D0, v21;
	v30 =	vadd.s32 $0xBB8, v21;
	v31 =	vld.idx.msk [tilespmem:v22+s3+$0x0], $0xffff  }
0xc8: {  	v33 =	vadd.s32 $0x1770, v0;
	v13 =	vadd.s32 $0xFA0, v15;
	v12 =	vadd.s32 $0xFA0, v21;
	v32 =	vld.idx.msk [tilespmem:v15+s3+$0x0], $0xffff  }
0xc9: {  	s23 =	sadd.s32 $0x200, s23;
	v36 =	vadd.s32 $0x3E8, v22;
	v11 =	vadd.s32 $0xFA0, v18;
	v34 =	vadd.s32 $0x1388, v21;
	v35 =	vld.idx.msk [tilespmem:v18+s3+$0x0], $0xffff;
	[tilespmem:s11+$0x200] =	vst v19  }
0xca: {  	s0 =	sadd.s32 $0x40, s0;
	s9 =	sand.u32 $0x3C00, s23;
	v38 =	vadd.s32 $0x1388, v15;
	v39 =	vadd.s32 $0x1388, v18;
	v37 =	vadd.s32 $0x1770, v21;
	v19 =	vld.idx.msk [tilespmem:v21+s3+$0x0], $0xffff;
	[tilespmem:s6+$0x200] =	vst v16  }
0xcb: {  	s14 =	sadd.s32 $0xFFFFFFD0, s0;
	s29 =	sadd.s32 $0x8D00, s9;
	s9 =	sand.u32 $0x70, s0;
	v40 =	vadd.s32 $0x1770, v18;
	v16 =	vadd.s32 $0x1B58, v21;
	v21 =	vadd.s32 $0x1770, v15;
	v41 =	vld.idx.msk [tilespmem:v8+s3+$0x0], $0xffff;
	[tilespmem:s4+$0x200] =	vst v25;
	v8 =	vmovc v34  }
0xcc: {  	s18 =	sadd.s32 $0xFFFFFFE0, s0;
	s22 =	sadd.s32 $0xFFFFFFF0, s0;
	s24 =	sor.u32 s9, s29;
	v25 =	vadd.s32 $0x1B58, v15;
	v15 =	vadd.s32 $0x1B58, v18;
	v18 =	vld.idx.msk [tilespmem:v9+s3+$0x0], $0xffff;
	[tilespmem:s12+$0x280] =	vst v20;
	v9 =	vmov v38  }
0xcd: {  	s9 =	sand.u32 $0x40, s14;
	s14 =	sand.u32 $0x50, s18;
	s18 =	sand.u32 $0x60, s22;
	[tilespmem:s24+$0x0] =	vst v31;
	v20 =	vld.idx.msk [tilespmem:v33+s3+$0x0], $0xffff  }
0xce: {  	s9 =	sor.u32 s9, s29;
	s14 =	sor.u32 s14, s29;
	s29 =	sor.u32 s18, s29;
	v31 =	vld.idx.msk [tilespmem:v36+s3+$0x0], $0xffff  }
0xcf: {  	v33 =	vadd.s32 $0x1B58, v0;
	v0 =	vmov v22;
	[tilespmem:s14+$0x0] =	vst v32;
	v32 =	vld.idx.msk [tilespmem:v10+s3+$0x0], $0xffff;
	v10 =	vmov v39  }
0xd0: {  	[tilespmem:s9+$0x0] =	vst v19;
	v14 =	vld.idx.msk [tilespmem:v14+s3+$0x0], $0xffff;
	v19 =	vadd.s32 $0x7D0, v0  }
0xd1: {  	v22 =	vld.idx.msk [tilespmem:v28+s3+$0x0], $0xffff;
	[tilespmem:s29+$0x0] =	vst v35  }
0xd2: {  	v17 =	vld.idx.msk [tilespmem:v17+s3+$0x0], $0xffff;
	[tilespmem:s11+$0x280] =	vst v41  }
0xd3: {  	v28 =	vld.idx.msk [tilespmem:v4+s3+$0x0], $0xffff;
	[tilespmem:s12+$0x300] =	vst v20;
	v4 =	vmov v37  }
0xd4: {  	[tilespmem:s24+$0x80] =	vst v31;
	v20 =	vld.idx.msk [tilespmem:v33+s3+$0x0], $0xffff  }
0xd5: {  	v19 =	vld.idx.msk [tilespmem:v19+s3+$0x0], $0xffff;
	[tilespmem:s6+$0x280] =	vst v18  }
0xd6: {  	[tilespmem:s14+$0x80] =	vst v14;
	v31 =	vld.idx.msk [tilespmem:v7+s3+$0x0], $0xffff;
	v7 =	vmov v21  }
0xd7: {  	v21 =	vadd.s32 $0xBB8, v0;
	[tilespmem:s9+$0x80] =	vst v22;
	v18 =	vld.idx.msk [tilespmem:v23+s3+$0x0], $0xffff  }
0xd8: {  	v22 =	vld.idx.msk [tilespmem:v29+s3+$0x0], $0xffff;
	[tilespmem:s29+$0x80] =	vst v17  }
0xd9: {  	v23 =	vld.idx.msk [tilespmem:v26+s3+$0x0], $0xffff;
	[tilespmem:s4+$0x280] =	vst v32  }
0xda: {  	v26 =	vld.idx.msk [tilespmem:v6+s3+$0x0], $0xffff;
	[tilespmem:s12+$0x380] =	vst v20;
	v6 =	vmov v40;
	s12 =	smov.u32 s24  }
0xdb: {  	[tilespmem:s12+$0x100] =	vst v19;
	v14 =	vld.idx.msk [tilespmem:v1+s3+$0x0], $0xffff;
	v1 =	vmov v3;
	v3 =	vmov v15  }
0xdc: {  	v17 =	vld.idx.msk [tilespmem:v21+s3+$0x0], $0xffff;
	[tilespmem:s11+$0x300] =	vst v28  }
.Ltmp1:
0xdd: {  	[tilespmem:s14+$0x100] =	vst v18;
	v15 =	vld.idx.msk [tilespmem:v2+s3+$0x0], $0xffff;
	v2 =	vmov v16;
	(pc) =	sbr.rel @p2 .LBB2_5-.Ltmp1, $4  }
0xde: {  	v21 =	vadd.s32 $0xFA0, v0;
	[tilespmem:s9+$0x100] =	vst v22;
	v18 =	vld.idx.msk [tilespmem:v24+s3+$0x0], $0xffff  }
0xdf: {  	v20 =	vld.idx.msk [tilespmem:v30+s3+$0x0], $0xffff;
	[tilespmem:s29+$0x100] =	vst v23  }
0xe0: {  	v19 =	vld.idx.msk [tilespmem:v27+s3+$0x0], $0xffff;
	[tilespmem:s6+$0x300] =	vst v31  }
0xe1: {  	s17 =	sadd.s32 $0x40, s17;
	v16 =	vld.idx.msk [tilespmem:v5+s3+$0x0], $0xffff;
	[tilespmem:s4+$0x300] =	vst v26;
	v5 =	vmov v25  }
0xe2: {  	_ =	sdelay $0x2  }
0xe3: {  	[tilespmem:s12+$0x180] =	vst v17  }
0xe4: {  	v17 =	vld.idx.msk [tilespmem:v21+s3+$0x0], $0xffff;
	[tilespmem:s14+$0x180] =	vst v18  }
0xe5: {  	v18 =	vadd.s32 $0x1388, v0;
	[tilespmem:s9+$0x180] =	vst v20;
	v13 =	vld.idx.msk [tilespmem:v13+s3+$0x0], $0xffff  }
0xe6: {  	v12 =	vld.idx.msk [tilespmem:v12+s3+$0x0], $0xffff;
	[tilespmem:s29+$0x180] =	vst v19  }
0xe7: {  	v11 =	vld.idx.msk [tilespmem:v11+s3+$0x0], $0xffff;
	_ =	sdelay $0x1  }
0xe8: {  	[tilespmem:s12+$0x200] =	vst v17  }
0xe9: {  	v17 =	vld.idx.msk [tilespmem:v18+s3+$0x0], $0xffff;
	[tilespmem:s14+$0x200] =	vst v13  }
0xea: {  	[tilespmem:s9+$0x200] =	vst v12;
	v12 =	vadd.s32 $0x1770, v0;
	v9 =	vld.idx.msk [tilespmem:v9+s3+$0x0], $0xffff  }
0xeb: {  	v8 =	vld.idx.msk [tilespmem:v8+s3+$0x0], $0xffff;
	[tilespmem:s29+$0x200] =	vst v11  }
0xec: {  	v10 =	vld.idx.msk [tilespmem:v10+s3+$0x0], $0xffff;
	_ =	sdelay $0x1  }
0xed: {  	[tilespmem:s12+$0x280] =	vst v17  }
0xee: {  	v11 =	vld.idx.msk [tilespmem:v12+s3+$0x0], $0xffff;
	[tilespmem:s14+$0x280] =	vst v9  }
0xef: {  	v0 =	vadd.s32 $0x1B58, v0;
	[tilespmem:s9+$0x280] =	vst v8;
	v7 =	vld.idx.msk [tilespmem:v7+s3+$0x0], $0xffff  }
0xf0: {  	v4 =	vld.idx.msk [tilespmem:v4+s3+$0x0], $0xffff;
	[tilespmem:s29+$0x280] =	vst v10  }
0xf1: {  	[tilespmem:s11+$0x380] =	vst v15;
	v6 =	vld.idx.msk [tilespmem:v6+s3+$0x0], $0xffff  }
0xf2: {  	[tilespmem:s21+$0x380] =	vst v14  }
0xf3: {  	v1 =	vld.idx.msk [tilespmem:v1+s3+$0x0], $0xffff;
	[tilespmem:s12+$0x300] =	vst v11  }
0xf4: {  	v0 =	vld.idx.msk [tilespmem:v0+s3+$0x0], $0xffff;
	[tilespmem:s14+$0x300] =	vst v7  }
0xf5: {  	[tilespmem:s9+$0x300] =	vst v4;
	v4 =	vld.idx.msk [tilespmem:v5+s3+$0x0], $0xffff  }
0xf6: {  	v2 =	vld.idx.msk [tilespmem:v2+s3+$0x0], $0xffff;
	[tilespmem:s29+$0x300] =	vst v6  }
0xf7: {  	[tilespmem:s6+$0x380] =	vst v16;
	v3 =	vld.idx.msk [tilespmem:v3+s3+$0x0], $0xffff  }
0xf8: {  	[tilespmem:s4+$0x380] =	vst v1  }
0xf9: {  	[tilespmem:s12+$0x380] =	vst v0  }
0xfa: {  	s0 =	sadd.s32 s10, s20;
	[tilespmem:s14+$0x380] =	vst v4  }
0xfb: {  	s0 =	sshrl.u32 s0, $0x3;
	[tilespmem:s9+$0x380] =	vst v2  }
0xfc: {  	s0 =	sadd.s32 s2, s0;
	s12 =	simm.s32 $0x8D00;
	[tilespmem:s29+$0x380] =	vst v3  }
0xfd: {  	[hbm4b:s0+s3] =	stream.linear.scatter [tilespmem:s12], [sflag:$0x1], $0x4000, $0x38;
	[tilespmem:$0x1B8F8] =	vst v63  }
0xfe: {  	s0 =	simm.s32 @!p1 $0x2  }
0xff: {  	_ =	swait.ge @!p1 [sflag:s0], $0x4000  }
0x100: {  	[sflag:s0] =	ssyncset.done @!p1 $0x0  }
0x101: {  	s14 =	simm.s32 $0x7D20;
	[sflag:s0] =	ssyncadd.s32 @!p1 $0xFFFFC000  }
0x102: {  	v7 =	vld [tilespmem:s14+$0x10]  }
0x103: {  	v6 =	vld [tilespmem:s14+$0xFFFFFFE0]  }
0x104: {  	v0 =	vld [tilespmem:s14+$0xFFFFFFF0];
	_ =	sdelay $0x1  }
0x105: {  	v1 =	vld [tilespmem:s14+$0x0];
	_ =	sdelay $0x3  }
0x106: {  	v2 =	vld.idx.msk [tilespmem:v7+s30+$0x0], $0xffff  }
0x107: {  	s17 =	simm.s32 $0x0;
	v3 =	vadd.s32 $0x3E8, v7;
	v8 =	vld.idx.msk [tilespmem:v6+s30+$0x0], $0xffff  }
0x108: {  	s18 =	simm.s32 $0x30;
	s0 =	sand.u32 $0x3C00, s17;
	v9 =	vadd.s32 $0x3E8, v6;
	v4 =	vld.idx.msk [tilespmem:v0+s30+$0x0], $0xffff  }
0x109: {  	s23 =	simm.s32 $0x0;
	s21 =	sand.u32 $0x70, s18;
	s19 =	sadd.s32 $0xCD00, s0;
	v5 =	vadd.s32 $0x3E8, v0  }
0x10a: {  	s22 =	simm.s32 $0x10;
	s26 =	sand.u32 $0x40, s23;
	s9 =	sor.u32 s21, s19;
	v10 =	vld.idx.msk [tilespmem:v1+s30+$0x0], $0xffff  }
0x10b: {  	s4 =	sand.u32 $0x50, s22;
	s12 =	sor.u32 s26, s19;
	v11 =	vadd.s32 $0x3E8, v1;
	[tilespmem:s9+$0x0] =	vst v2  }
0x10c: {  	s24 =	simm.s32 $0x20;
	s0 =	sor.u32 s4, s19;
	[tilespmem:s12+$0x0] =	vst v8;
	v2 =	vld.idx.msk [tilespmem:v3+s30+$0x0], $0xffff  }
0x10d: {  	s14 =	sand.u32 $0x60, s24;
	[tilespmem:s0+$0x0] =	vst v4;
	v3 =	vadd.s32 $0x7D0, v7;
	v8 =	vld.idx.msk [tilespmem:v9+s30+$0x0], $0xffff  }
0x10e: {  	s21 =	sor.u32 s14, s19;
	v4 =	vld.idx.msk [tilespmem:v5+s30+$0x0], $0xffff;
	v9 =	vadd.s32 $0x7D0, v6  }
0x10f: {  	[tilespmem:s21+$0x0] =	vst v10;
	v5 =	vadd.s32 $0x7D0, v0  }
0x110: {  	v10 =	vld.idx.msk [tilespmem:v11+s30+$0x0], $0xffff  }
0x111: {  	v11 =	vadd.s32 $0x7D0, v1;
	[tilespmem:s9+$0x80] =	vst v2  }
0x112: {  	[tilespmem:s12+$0x80] =	vst v8;
	v2 =	vld.idx.msk [tilespmem:v3+s30+$0x0], $0xffff  }
0x113: {  	[tilespmem:s0+$0x80] =	vst v4;
	v3 =	vadd.s32 $0xBB8, v7;
	v8 =	vld.idx.msk [tilespmem:v9+s30+$0x0], $0xffff  }
0x114: {  	v4 =	vld.idx.msk [tilespmem:v5+s30+$0x0], $0xffff;
	v9 =	vadd.s32 $0xBB8, v6  }
0x115: {  	[tilespmem:s21+$0x80] =	vst v10  }
0x116: {  	v5 =	vadd.s32 $0xBB8, v0;
	v10 =	vld.idx.msk [tilespmem:v11+s30+$0x0], $0xffff  }
0x117: {  	v11 =	vadd.s32 $0xBB8, v1;
	[tilespmem:s9+$0x100] =	vst v2  }
0x118: {  	[tilespmem:s12+$0x100] =	vst v8;
	v2 =	vld.idx.msk [tilespmem:v3+s30+$0x0], $0xffff  }
0x119: {  	s26 =	simm.s32 $0x7DA0;
	[tilespmem:s0+$0x100] =	vst v4;
	v4 =	vld.idx.msk [tilespmem:v9+s30+$0x0], $0xffff  }
0x11a: {  	v21 =	vld [tilespmem:s26+$0xFFFFFFF0];
	v3 =	vadd.s32 $0xFA0, v7  }
0x11b: {  	[tilespmem:s21+$0x100] =	vst v10;
	v8 =	vld.idx.msk [tilespmem:v5+s30+$0x0], $0xffff  }
0x11c: {  	s17 =	simm.s32 $0x7D60;
	v10 =	vadd.s32 $0xFA0, v6;
	v9 =	vld.idx.msk [tilespmem:v11+s30+$0x0], $0xffff  }
0x11d: {  	v5 =	vld [tilespmem:s17+$0x10];
	v11 =	vadd.s32 $0xFA0, v0;
	[tilespmem:s9+$0x180] =	vst v2  }
0x11e: {  	[tilespmem:s12+$0x180] =	vst v4;
	v4 =	vld [tilespmem:s17+$0xFFFFFFE0]  }
0x11f: {  	v13 =	vadd.s32 $0xFA0, v1;
	v12 =	vld.idx.msk [tilespmem:v3+s30+$0x0], $0xffff  }
0x120: {  	v14 =	vadd.s32 $0x1388, v7;
	v3 =	vld [tilespmem:s17+$0xFFFFFFF0]  }
0x121: {  	[tilespmem:s0+$0x180] =	vst v8;
	v8 =	vld.idx.msk [tilespmem:v10+s30+$0x0], $0xffff  }
0x122: {  	[tilespmem:s21+$0x180] =	vst v9;
	v9 =	vld.idx.msk [tilespmem:v11+s30+$0x0], $0xffff;
	v11 =	vadd.s32 $0x1388, v6  }
0x123: {  	v2 =	vld [tilespmem:s17+$0x0]  }
0x124: {  	v10 =	vld.idx.msk [tilespmem:v13+s30+$0x0], $0xffff;
	[tilespmem:s9+$0x200] =	vst v12  }
0x125: {  	v13 =	vadd.s32 $0x1388, v0;
	v12 =	vld.idx.msk [tilespmem:v14+s30+$0x0], $0xffff  }
0x126: {  	[tilespmem:s12+$0x200] =	vst v8;
	v14 =	vld.idx.msk [tilespmem:v5+s30+$0x0], $0xffff  }
0x127: {  	v16 =	vadd.s32 $0x1770, v7;
	[tilespmem:s0+$0x200] =	vst v9;
	v9 =	vld.idx.msk [tilespmem:v11+s30+$0x0], $0xffff  }
0x128: {  	s18 =	simm.s32 $0x200;
	v18 =	vadd.s32 $0x3E8, v5;
	v8 =	vld.idx.msk [tilespmem:v4+s30+$0x0], $0xffff  }
0x129: {  	s23 =	simm.s32 $0x40;
	s4 =	sand.u32 $0x3C00, s18;
	s19 =	simm.s32 $0x70;
	v19 =	vadd.s32 $0x1388, v1;
	v15 =	vld.idx.msk [tilespmem:v3+s30+$0x0], $0xffff  }
0x12a: {  	s22 =	simm.s32 $0x50;
	s4 =	sadd.s32 $0xCD00, s4;
	s6 =	sand.u32 $0x70, s19;
	[tilespmem:s21+$0x200] =	vst v10;
	v11 =	vadd.s32 $0x3E8, v4;
	v13 =	vld.idx.msk [tilespmem:v13+s30+$0x0], $0xffff  }
0x12b: {  	s11 =	sand.u32 $0x50, s22;
	s18 =	sand.u32 $0x40, s23;
	s17 =	sor.u32 s6, s4;
	v20 =	vadd.s32 $0x3E8, v3;
	v17 =	vld.idx.msk [tilespmem:v2+s30+$0x0], $0xffff;
	[tilespmem:s9+$0x280] =	vst v12  }
0x12c: {  	s6 =	sor.u32 s11, s4;
	s11 =	sor.u32 s18, s4;
	[tilespmem:s17+$0x0] =	vst v14;
	v14 =	vld.idx.msk [tilespmem:v16+s30+$0x0], $0xffff  }
0x12d: {  	v12 =	vadd.s32 $0x3E8, v2;
	v10 =	vld.idx.msk [tilespmem:v18+s30+$0x0], $0xffff;
	[tilespmem:s11+$0x0] =	vst v8  }
0x12e: {  	s24 =	simm.s32 $0x60;
	v16 =	vadd.s32 $0x1770, v6;
	[tilespmem:s6+$0x0] =	vst v15;
	v15 =	vld.idx.msk [tilespmem:v19+s30+$0x0], $0xffff  }
0x12f: {  	s14 =	sand.u32 $0x60, s24;
	[tilespmem:s12+$0x280] =	vst v9;
	v18 =	vadd.s32 $0x7D0, v5;
	v11 =	vld.idx.msk [tilespmem:v11+s30+$0x0], $0xffff  }
0x130: {  	s4 =	sor.u32 s14, s4;
	[tilespmem:s0+$0x280] =	vst v13;
	v19 =	vadd.s32 $0x1770, v0;
	v8 =	vld.idx.msk [tilespmem:v20+s30+$0x0], $0xffff  }
0x131: {  	v22 =	vld [tilespmem:s26+$0x0];
	v9 =	vadd.s32 $0x7D0, v4;
	[tilespmem:s4+$0x0] =	vst v17  }
0x132: {  	v17 =	vadd.s32 $0x7D0, v3;
	v12 =	vld.idx.msk [tilespmem:v12+s30+$0x0], $0xffff;
	[tilespmem:s9+$0x300] =	vst v14  }
0x133: {  	v16 =	vld.idx.msk [tilespmem:v16+s30+$0x0], $0xffff;
	v14 =	vadd.s32 $0x7D0, v2;
	[tilespmem:s17+$0x80] =	vst v10  }
0x134: {  	v10 =	vadd.s32 $0x1770, v1;
	v18 =	vld.idx.msk [tilespmem:v18+s30+$0x0], $0xffff;
	[tilespmem:s11+$0x80] =	vst v11  }
0x135: {  	v13 =	vadd.s32 $0xBB8, v5;
	[tilespmem:s6+$0x80] =	vst v8;
	v8 =	vld.idx.msk [tilespmem:v19+s30+$0x0], $0xffff  }
0x136: {  	v0 =	vadd.s32 $0x1B58, v0;
	v9 =	vld.idx.msk [tilespmem:v9+s30+$0x0], $0xffff  }
0x137: {  	v11 =	vld.idx.msk [tilespmem:v17+s30+$0x0], $0xffff;
	[tilespmem:s4+$0x80] =	vst v12  }
0x138: {  	[tilespmem:s21+$0x280] =	vst v15;
	v17 =	vadd.s32 $0xBB8, v3;
	v14 =	vld.idx.msk [tilespmem:v14+s30+$0x0], $0xffff  }
0x139: {  	v12 =	vadd.s32 $0xBB8, v4;
	v10 =	vld.idx.msk [tilespmem:v10+s30+$0x0], $0xffff;
	[tilespmem:s17+$0x100] =	vst v18  }
0x13a: {  	v15 =	vadd.s32 $0xBB8, v2;
	v13 =	vld.idx.msk [tilespmem:v13+s30+$0x0], $0xffff;
	[tilespmem:s0+$0x300] =	vst v8  }
0x13b: {  	v6 =	vadd.s32 $0x1B58, v6;
	v8 =	vld.idx.msk [tilespmem:v0+s30+$0x0], $0xffff  }
0x13c: {  	v7 =	vadd.s32 $0x1B58, v7;
	[tilespmem:s6+$0x100] =	vst v11;
	v0 =	vld [tilespmem:s26+$0x10]  }
0x13d: {  	[tilespmem:s11+$0x100] =	vst v9;
	v9 =	vld.idx.msk [tilespmem:v17+s30+$0x0], $0xffff  }
0x13e: {  	v11 =	vadd.s32 $0xFA0, v5;
	v12 =	vld.idx.msk [tilespmem:v12+s30+$0x0], $0xffff;
	[tilespmem:s4+$0x100] =	vst v14  }
0x13f: {  	[tilespmem:s12+$0x300] =	vst v16;
	v14 =	vld.idx.msk [tilespmem:v15+s30+$0x0], $0xffff;
	v15 =	vadd.s32 $0xFA0, v4  }
0x140: {  	v6 =	vld.idx.msk [tilespmem:v6+s30+$0x0], $0xffff  }
0x141: {  	v7 =	vld.idx.msk [tilespmem:v7+s30+$0x0], $0xffff;
	[tilespmem:s17+$0x180] =	vst v13;
	v13 =	vadd.s32 $0xFA0, v3  }
0x142: {  	v19 =	vld [tilespmem:s26+$0xFFFFFFE0];
	v16 =	vadd.s32 $0xFA0, v2;
	[tilespmem:s21+$0x300] =	vst v10  }
0x143: {  	v11 =	vld.idx.msk [tilespmem:v11+s30+$0x0], $0xffff;
	[tilespmem:s11+$0x180] =	vst v12  }
0x144: {  	[tilespmem:s6+$0x180] =	vst v9;
	v9 =	vld.idx.msk [tilespmem:v15+s30+$0x0], $0xffff  }
0x145: {  	v17 =	vadd.s32 $0x1388, v5;
	[tilespmem:s12+$0x380] =	vst v6;
	v10 =	vld.idx.msk [tilespmem:v0+s30+$0x0], $0xffff  }
0x146: {  	[tilespmem:s4+$0x180] =	vst v14;
	v12 =	vld.idx.msk [tilespmem:v13+s30+$0x0], $0xffff  }
0x147: {  	s23 =	simm.s32 $0x400;
	[tilespmem:s0+$0x380] =	vst v8;
	v13 =	vld.idx.msk [tilespmem:v16+s30+$0x0], $0xffff;
	v16 =	vadd.s32 $0x3E8, v0  }
0x148: {  	s18 =	sand.u32 $0x3C00, s23;
	v6 =	vld.idx.msk [tilespmem:v21+s30+$0x0], $0xffff;
	s0 =	simm.s32 $0xB0;
	[tilespmem:s17+$0x200] =	vst v11;
	v11 =	vadd.s32 $0x1388, v4  }
0x149: {  	s14 =	sadd.s32 $0xCD00, s18;
	[tilespmem:s9+$0x380] =	vst v7;
	v8 =	vld.idx.msk [tilespmem:v22+s30+$0x0], $0xffff;
	s19 =	sand.u32 $0x70, s0;
	v14 =	vadd.s32 $0x1388, v3  }
0x14a: {  	s12 =	sor.u32 s19, s14;
	v7 =	vld.idx.msk [tilespmem:v17+s30+$0x0], $0xffff;
	v17 =	vadd.s32 $0x1388, v2;
	[tilespmem:s11+$0x200] =	vst v9  }
0x14b: {  	s22 =	simm.s32 $0x90;
	v15 =	vadd.s32 $0x1770, v5;
	v9 =	vld.idx.msk [tilespmem:v19+s30+$0x0], $0xffff;
	[tilespmem:s12+$0x0] =	vst v10  }
0x14c: {  	s18 =	sand.u32 $0x50, s22;
	v18 =	vadd.s32 $0x3E8, v21;
	[tilespmem:s4+$0x200] =	vst v13;
	v13 =	vld.idx.msk [tilespmem:v16+s30+$0x0], $0xffff  }
0x14d: {  	s29 =	sor.u32 s18, s14;
	[tilespmem:s6+$0x200] =	vst v12;
	v12 =	vadd.s32 $0x3E8, v19;
	v11 =	vld.idx.msk [tilespmem:v11+s30+$0x0], $0xffff  }
0x14e: {  	s24 =	simm.s32 $0x80;
	[tilespmem:s29+$0x0] =	vst v6;
	v16 =	vadd.s32 $0x7D0, v0;
	v14 =	vld.idx.msk [tilespmem:v14+s30+$0x0], $0xffff  }
0x14f: {  	v1 =	vadd.s32 $0x1B58, v1;
	s9 =	sand.u32 $0x40, s24;
	[tilespmem:s17+$0x280] =	vst v7;
	v6 =	vld.idx.msk [tilespmem:v17+s30+$0x0], $0xffff  }
0x150: {  	s9 =	sor.u32 s9, s14;
	s19 =	simm.s32 $0xA0;
	v7 =	vadd.s32 $0x3E8, v22;
	v10 =	vld.idx.msk [tilespmem:v15+s30+$0x0], $0xffff  }
0x151: {  	s26 =	sand.u32 $0x60, s19;
	v17 =	vadd.s32 $0x1770, v3;
	[tilespmem:s9+$0x0] =	vst v9;
	v9 =	vld.idx.msk [tilespmem:v18+s30+$0x0], $0xffff  }
0x152: {  	s14 =	sor.u32 s26, s14;
	v15 =	vadd.s32 $0x1770, v4;
	v12 =	vld.idx.msk [tilespmem:v12+s30+$0x0], $0xffff;
	[tilespmem:s12+$0x80] =	vst v13  }
0x153: {  	v5 =	vadd.s32 $0x1B58, v5;
	[tilespmem:s14+$0x0] =	vst v8;
	v16 =	vld.idx.msk [tilespmem:v16+s30+$0x0], $0xffff  }
0x154: {  	v8 =	vadd.s32 $0x7D0, v21;
	[tilespmem:s6+$0x280] =	vst v14;
	v14 =	vld.idx.msk [tilespmem:v1+s30+$0x0], $0xffff  }
0x155: {  	[tilespmem:s11+$0x280] =	vst v11;
	v11 =	vadd.s32 $0x7D0, v19;
	v7 =	vld.idx.msk [tilespmem:v7+s30+$0x0], $0xffff  }
0x156: {  	v13 =	vadd.s32 $0x1770, v2;
	v23 =	vld.idx.msk [tilespmem:v17+s30+$0x0], $0xffff;
	[tilespmem:s4+$0x280] =	vst v6  }
0x157: {  	v15 =	vld.idx.msk [tilespmem:v15+s30+$0x0], $0xffff;
	[tilespmem:s17+$0x300] =	vst v10;
	v10 =	vadd.s32 $0x7D0, v22  }
0x158: {  	v5 =	vld.idx.msk [tilespmem:v5+s30+$0x0], $0xffff;
	[tilespmem:s29+$0x80] =	vst v9;
	v9 =	vadd.s32 $0xBB8, v0  }
0x159: {  	v4 =	vadd.s32 $0x1B58, v4;
	[tilespmem:s9+$0x80] =	vst v12;
	v8 =	vld.idx.msk [tilespmem:v8+s30+$0x0], $0xffff  }
0x15a: {  	v18 =	vld.idx.msk [tilespmem:v11+s30+$0x0], $0xffff;
	[tilespmem:s14+$0x80] =	vst v7;
	v7 =	vadd.s32 $0xBB8, v21  }
0x15b: {  	v25 =	vld.idx.msk [tilespmem:v13+s30+$0x0], $0xffff;
	[tilespmem:s12+$0x100] =	vst v16;
	v16 =	vadd.s32 $0x1B58, v3  }
0x15c: {  	v6 =	vadd.s32 $0xBB8, v19;
	[tilespmem:s6+$0x300] =	vst v23;
	v24 =	vld.idx.msk [tilespmem:v10+s30+$0x0], $0xffff  }
0x15d: {  	v26 =	vadd.s32 $0xBB8, v22;
	[tilespmem:s11+$0x300] =	vst v15;
	v17 =	vld.idx.msk [tilespmem:v9+s30+$0x0], $0xffff  }
0x15e: {  	v13 =	vadd.s32 $0xFA0, v21;
	v15 =	vld.idx.msk [tilespmem:v4+s30+$0x0], $0xffff;
	v9 =	vadd.s32 $0x1388, v21;
	[tilespmem:s29+$0x100] =	vst v8  }
0x15f: {  	v4 =	vadd.s32 $0x1B58, v21;
	[tilespmem:s9+$0x100] =	vst v18;
	v18 =	vld.idx.msk [tilespmem:v7+s30+$0x0], $0xffff;
	v7 =	vadd.s32 $0x1770, v21;
	v21 =	vadd.s32 $0xFA0, v0  }
0x160: {  	v1 =	vadd.s32 $0x1B58, v2;
	v2 =	vadd.s32 $0x1B58, v22;
	v12 =	vadd.s32 $0xFA0, v19;
	[tilespmem:s17+$0x380] =	vst v5;
	v16 =	vld.idx.msk [tilespmem:v16+s30+$0x0], $0xffff  }
0x161: {  	v11 =	vadd.s32 $0xFA0, v22;
	v3 =	vadd.s32 $0x1B58, v19;
	v10 =	vadd.s32 $0x1388, v22;
	v20 =	vld.idx.msk [tilespmem:v6+s30+$0x0], $0xffff;
	[tilespmem:s14+$0x100] =	vst v24  }
0x162: {  	s19 =	simm.s32 $0x8;
	v5 =	vadd.s32 $0x1770, v19;
	s17 =	simm.s32 $0x7DE0;
	v8 =	vadd.s32 $0x1388, v19;
	[tilespmem:s4+$0x300] =	vst v25;
	v6 =	vadd.s32 $0x1770, v22;
	v19 =	vld.idx.msk [tilespmem:v26+s30+$0x0], $0xffff  }
.LBB2_7:
0x163: {  	v22 =	vld [tilespmem:s17+$0x10];
	[tilespmem:s12+$0x180] =	vst v17  }
0x164: {  	s19 =	sadd.s32 $0x4, s19;
	v17 =	vld.idx.msk [tilespmem:v21+s30+$0x0], $0xffff;
	[tilespmem:s11+$0x380] =	vst v15;
	s11 =	smov.u32 s9  }
0x165: {  	p2 =	slt.u32 s19, $0x7C;
	v15 =	vld [tilespmem:s17+$0xFFFFFFF0];
	[tilespmem:s29+$0x180] =	vst v18  }
0x166: {  	v18 =	vld [tilespmem:s17+$0x0];
	[tilespmem:s11+$0x180] =	vst v20;
	v20 =	vadd.s32 $0x1388, v0  }
0x167: {  	v21 =	vld [tilespmem:s17+$0xFFFFFFE0];
	[tilespmem:s14+$0x180] =	vst v19  }
0x168: {  	v19 =	vld.idx.msk [tilespmem:v12+s30+$0x0], $0xffff;
	[tilespmem:s6+$0x380] =	vst v16;
	s6 =	smov.u32 s29  }
0x169: {  	v16 =	vld.idx.msk [tilespmem:v13+s30+$0x0], $0xffff;
	[tilespmem:s21+$0x380] =	vst v14;
	s21 =	smov.u32 s4;
	s4 =	smov.u32 s14  }
0x16a: {  	v14 =	vadd.s32 $0x3E8, v15;
	v23 =	vadd.s32 $0x7D0, v15;
	v24 =	vadd.s32 $0xBB8, v15;
	v25 =	vld.idx.msk [tilespmem:v11+s30+$0x0], $0xffff;
	[tilespmem:s12+$0x200] =	vst v17  }
0x16b: {  	v17 =	vadd.s32 $0x3E8, v18;
	v26 =	vadd.s32 $0x7D0, v18;
	v27 =	vadd.s32 $0xBB8, v18;
	v20 =	vld.idx.msk [tilespmem:v20+s30+$0x0], $0xffff  }
0x16c: {  	v28 =	vadd.s32 $0x3E8, v21;
	v29 =	vadd.s32 $0x7D0, v21;
	v30 =	vadd.s32 $0xBB8, v21;
	v31 =	vld.idx.msk [tilespmem:v22+s30+$0x0], $0xffff  }
0x16d: {  	v33 =	vadd.s32 $0x1770, v0;
	v13 =	vadd.s32 $0xFA0, v15;
	v12 =	vadd.s32 $0xFA0, v21;
	v32 =	vld.idx.msk [tilespmem:v15+s30+$0x0], $0xffff  }
0x16e: {  	s23 =	sadd.s32 $0x200, s23;
	v36 =	vadd.s32 $0x3E8, v22;
	v11 =	vadd.s32 $0xFA0, v18;
	v34 =	vadd.s32 $0x1388, v21;
	v35 =	vld.idx.msk [tilespmem:v18+s30+$0x0], $0xffff;
	[tilespmem:s11+$0x200] =	vst v19  }
0x16f: {  	s0 =	sadd.s32 $0x40, s0;
	s9 =	sand.u32 $0x3C00, s23;
	v38 =	vadd.s32 $0x1388, v15;
	v39 =	vadd.s32 $0x1388, v18;
	v37 =	vadd.s32 $0x1770, v21;
	v19 =	vld.idx.msk [tilespmem:v21+s30+$0x0], $0xffff;
	[tilespmem:s6+$0x200] =	vst v16  }
0x170: {  	s18 =	sadd.s32 $0xCD00, s9;
	s9 =	sand.u32 $0x70, s0;
	s14 =	sadd.s32 $0xFFFFFFD0, s0;
	v40 =	vadd.s32 $0x1770, v18;
	v16 =	vadd.s32 $0x1B58, v21;
	v21 =	vadd.s32 $0x1770, v15;
	v41 =	vld.idx.msk [tilespmem:v8+s30+$0x0], $0xffff;
	[tilespmem:s4+$0x200] =	vst v25;
	v8 =	vmovc v34  }
0x171: {  	s22 =	sadd.s32 $0xFFFFFFE0, s0;
	s24 =	sadd.s32 $0xFFFFFFF0, s0;
	s26 =	sor.u32 s9, s18;
	v25 =	vadd.s32 $0x1B58, v15;
	v15 =	vadd.s32 $0x1B58, v18;
	v18 =	vld.idx.msk [tilespmem:v9+s30+$0x0], $0xffff;
	[tilespmem:s12+$0x280] =	vst v20;
	v9 =	vmov v38  }
0x172: {  	s9 =	sand.u32 $0x40, s14;
	s14 =	sand.u32 $0x50, s22;
	s22 =	sand.u32 $0x60, s24;
	[tilespmem:s26+$0x0] =	vst v31;
	v20 =	vld.idx.msk [tilespmem:v33+s30+$0x0], $0xffff  }
0x173: {  	s9 =	sor.u32 s9, s18;
	s29 =	sor.u32 s14, s18;
	s14 =	sor.u32 s22, s18;
	v31 =	vld.idx.msk [tilespmem:v36+s30+$0x0], $0xffff  }
0x174: {  	v33 =	vadd.s32 $0x1B58, v0;
	v0 =	vmov v22;
	[tilespmem:s29+$0x0] =	vst v32;
	v32 =	vld.idx.msk [tilespmem:v10+s30+$0x0], $0xffff;
	v10 =	vmov v39  }
0x175: {  	[tilespmem:s9+$0x0] =	vst v19;
	v14 =	vld.idx.msk [tilespmem:v14+s30+$0x0], $0xffff;
	v19 =	vadd.s32 $0x7D0, v0  }
0x176: {  	v22 =	vld.idx.msk [tilespmem:v28+s30+$0x0], $0xffff;
	[tilespmem:s14+$0x0] =	vst v35  }
0x177: {  	v17 =	vld.idx.msk [tilespmem:v17+s30+$0x0], $0xffff;
	[tilespmem:s11+$0x280] =	vst v41  }
0x178: {  	v28 =	vld.idx.msk [tilespmem:v5+s30+$0x0], $0xffff;
	[tilespmem:s12+$0x300] =	vst v20;
	v5 =	vmov v37  }
0x179: {  	[tilespmem:s26+$0x80] =	vst v31;
	v20 =	vld.idx.msk [tilespmem:v33+s30+$0x0], $0xffff  }
0x17a: {  	v19 =	vld.idx.msk [tilespmem:v19+s30+$0x0], $0xffff;
	[tilespmem:s6+$0x280] =	vst v18  }
0x17b: {  	[tilespmem:s29+$0x80] =	vst v14;
	v31 =	vld.idx.msk [tilespmem:v7+s30+$0x0], $0xffff;
	v7 =	vmov v21  }
0x17c: {  	v21 =	vadd.s32 $0xBB8, v0;
	[tilespmem:s9+$0x80] =	vst v22;
	v18 =	vld.idx.msk [tilespmem:v23+s30+$0x0], $0xffff  }
0x17d: {  	v22 =	vld.idx.msk [tilespmem:v29+s30+$0x0], $0xffff;
	[tilespmem:s14+$0x80] =	vst v17  }
0x17e: {  	v23 =	vld.idx.msk [tilespmem:v26+s30+$0x0], $0xffff;
	[tilespmem:s4+$0x280] =	vst v32  }
0x17f: {  	v26 =	vld.idx.msk [tilespmem:v6+s30+$0x0], $0xffff;
	[tilespmem:s12+$0x380] =	vst v20;
	v6 =	vmov v40;
	s12 =	smov.u32 s26  }
0x180: {  	[tilespmem:s12+$0x100] =	vst v19;
	v14 =	vld.idx.msk [tilespmem:v1+s30+$0x0], $0xffff;
	v1 =	vmov v2;
	v2 =	vmov v15  }
0x181: {  	v17 =	vld.idx.msk [tilespmem:v21+s30+$0x0], $0xffff;
	[tilespmem:s11+$0x300] =	vst v28  }
.Ltmp2:
0x182: {  	[tilespmem:s29+$0x100] =	vst v18;
	v15 =	vld.idx.msk [tilespmem:v3+s30+$0x0], $0xffff;
	v3 =	vmov v16;
	(pc) =	sbr.rel @p2 .LBB2_7-.Ltmp2, $4  }
0x183: {  	v21 =	vadd.s32 $0xFA0, v0;
	[tilespmem:s9+$0x100] =	vst v22;
	v18 =	vld.idx.msk [tilespmem:v24+s30+$0x0], $0xffff  }
0x184: {  	v20 =	vld.idx.msk [tilespmem:v30+s30+$0x0], $0xffff;
	[tilespmem:s14+$0x100] =	vst v23  }
0x185: {  	v19 =	vld.idx.msk [tilespmem:v27+s30+$0x0], $0xffff;
	[tilespmem:s6+$0x300] =	vst v31  }
0x186: {  	s17 =	sadd.s32 $0x40, s17;
	v16 =	vld.idx.msk [tilespmem:v4+s30+$0x0], $0xffff;
	[tilespmem:s4+$0x300] =	vst v26;
	v4 =	vmov v25  }
0x187: {  	_ =	sdelay $0x2  }
0x188: {  	[tilespmem:s12+$0x180] =	vst v17  }
0x189: {  	v17 =	vld.idx.msk [tilespmem:v21+s30+$0x0], $0xffff;
	[tilespmem:s29+$0x180] =	vst v18  }
0x18a: {  	v18 =	vadd.s32 $0x1388, v0;
	[tilespmem:s9+$0x180] =	vst v20;
	v13 =	vld.idx.msk [tilespmem:v13+s30+$0x0], $0xffff  }
0x18b: {  	v12 =	vld.idx.msk [tilespmem:v12+s30+$0x0], $0xffff;
	[tilespmem:s14+$0x180] =	vst v19  }
0x18c: {  	v11 =	vld.idx.msk [tilespmem:v11+s30+$0x0], $0xffff;
	_ =	sdelay $0x1  }
0x18d: {  	[tilespmem:s12+$0x200] =	vst v17  }
0x18e: {  	v17 =	vld.idx.msk [tilespmem:v18+s30+$0x0], $0xffff;
	[tilespmem:s29+$0x200] =	vst v13  }
0x18f: {  	[tilespmem:s9+$0x200] =	vst v12;
	v12 =	vadd.s32 $0x1770, v0;
	v9 =	vld.idx.msk [tilespmem:v9+s30+$0x0], $0xffff  }
0x190: {  	v8 =	vld.idx.msk [tilespmem:v8+s30+$0x0], $0xffff;
	[tilespmem:s14+$0x200] =	vst v11  }
0x191: {  	v10 =	vld.idx.msk [tilespmem:v10+s30+$0x0], $0xffff;
	_ =	sdelay $0x1  }
0x192: {  	[tilespmem:s12+$0x280] =	vst v17  }
0x193: {  	v11 =	vld.idx.msk [tilespmem:v12+s30+$0x0], $0xffff;
	[tilespmem:s29+$0x280] =	vst v9  }
0x194: {  	v0 =	vadd.s32 $0x1B58, v0;
	[tilespmem:s9+$0x280] =	vst v8;
	v7 =	vld.idx.msk [tilespmem:v7+s30+$0x0], $0xffff  }
0x195: {  	v5 =	vld.idx.msk [tilespmem:v5+s30+$0x0], $0xffff;
	[tilespmem:s14+$0x280] =	vst v10  }
0x196: {  	[tilespmem:s11+$0x380] =	vst v15;
	v6 =	vld.idx.msk [tilespmem:v6+s30+$0x0], $0xffff  }
0x197: {  	[tilespmem:s21+$0x380] =	vst v14  }
0x198: {  	v1 =	vld.idx.msk [tilespmem:v1+s30+$0x0], $0xffff;
	[tilespmem:s12+$0x300] =	vst v11  }
0x199: {  	v0 =	vld.idx.msk [tilespmem:v0+s30+$0x0], $0xffff;
	[tilespmem:s29+$0x300] =	vst v7  }
0x19a: {  	[tilespmem:s9+$0x300] =	vst v5;
	v4 =	vld.idx.msk [tilespmem:v4+s30+$0x0], $0xffff  }
0x19b: {  	v3 =	vld.idx.msk [tilespmem:v3+s30+$0x0], $0xffff;
	[tilespmem:s14+$0x300] =	vst v6  }
0x19c: {  	[tilespmem:s6+$0x380] =	vst v16;
	v2 =	vld.idx.msk [tilespmem:v2+s30+$0x0], $0xffff  }
0x19d: {  	[tilespmem:s4+$0x380] =	vst v1  }
0x19e: {  	[tilespmem:s12+$0x380] =	vst v0  }
0x19f: {  	s0 =	sadd.s32 s13, s20;
	[tilespmem:s29+$0x380] =	vst v4  }
0x1a0: {  	s0 =	sshrl.u32 s0, $0x3;
	[tilespmem:s9+$0x380] =	vst v3  }
0x1a1: {  	s0 =	sadd.s32 s2, s0;
	s12 =	simm.s32 $0xCD00;
	[tilespmem:s14+$0x380] =	vst v2  }
0x1a2: {  	[hbm4b:s0+s3] =	stream.linear.scatter [tilespmem:s12], [sflag:$0x2], $0x4000, $0x38;
	[tilespmem:$0x1B8F8] =	vst v63  }
0x1a3: {  	s0 =	simm.s32 @!p1 $0x3  }
0x1a4: {  	_ =	swait.ge @!p1 [sflag:s0], $0x4000  }
0x1a5: {  	[sflag:s0] =	ssyncset.done @!p1 $0x0  }
0x1a6: {  	s14 =	simm.s32 $0x7D20;
	[sflag:s0] =	ssyncadd.s32 @!p1 $0xFFFFC000  }
0x1a7: {  	v7 =	vld [tilespmem:s14+$0x10]  }
0x1a8: {  	v6 =	vld [tilespmem:s14+$0xFFFFFFE0]  }
0x1a9: {  	v0 =	vld [tilespmem:s14+$0xFFFFFFF0];
	_ =	sdelay $0x1  }
0x1aa: {  	v1 =	vld [tilespmem:s14+$0x0];
	_ =	sdelay $0x3  }
0x1ab: {  	v2 =	vld.idx.msk [tilespmem:v7+s31+$0x0], $0xffff  }
0x1ac: {  	s17 =	simm.s32 $0x0;
	v3 =	vadd.s32 $0x3E8, v7;
	v8 =	vld.idx.msk [tilespmem:v6+s31+$0x0], $0xffff  }
0x1ad: {  	s18 =	simm.s32 $0x30;
	s0 =	sand.u32 $0x3C00, s17;
	v9 =	vadd.s32 $0x3E8, v6;
	v4 =	vld.idx.msk [tilespmem:v0+s31+$0x0], $0xffff  }
0x1ae: {  	s23 =	simm.s32 $0x0;
	s21 =	sand.u32 $0x70, s18;
	s19 =	sadd.s32 $0x10D00, s0;
	v5 =	vadd.s32 $0x3E8, v0  }
0x1af: {  	s22 =	simm.s32 $0x10;
	s26 =	sand.u32 $0x40, s23;
	s9 =	sor.u32 s21, s19;
	v10 =	vld.idx.msk [tilespmem:v1+s31+$0x0], $0xffff  }
0x1b0: {  	s4 =	sand.u32 $0x50, s22;
	s12 =	sor.u32 s26, s19;
	v11 =	vadd.s32 $0x3E8, v1;
	[tilespmem:s9+$0x0] =	vst v2  }
0x1b1: {  	s24 =	simm.s32 $0x20;
	s0 =	sor.u32 s4, s19;
	[tilespmem:s12+$0x0] =	vst v8;
	v2 =	vld.idx.msk [tilespmem:v3+s31+$0x0], $0xffff  }
0x1b2: {  	s14 =	sand.u32 $0x60, s24;
	[tilespmem:s0+$0x0] =	vst v4;
	v3 =	vadd.s32 $0x7D0, v7;
	v8 =	vld.idx.msk [tilespmem:v9+s31+$0x0], $0xffff  }
0x1b3: {  	s21 =	sor.u32 s14, s19;
	v4 =	vld.idx.msk [tilespmem:v5+s31+$0x0], $0xffff;
	v9 =	vadd.s32 $0x7D0, v6  }
0x1b4: {  	[tilespmem:s21+$0x0] =	vst v10;
	v5 =	vadd.s32 $0x7D0, v0  }
0x1b5: {  	v10 =	vld.idx.msk [tilespmem:v11+s31+$0x0], $0xffff  }
0x1b6: {  	v11 =	vadd.s32 $0x7D0, v1;
	[tilespmem:s9+$0x80] =	vst v2  }
0x1b7: {  	[tilespmem:s12+$0x80] =	vst v8;
	v2 =	vld.idx.msk [tilespmem:v3+s31+$0x0], $0xffff  }
0x1b8: {  	[tilespmem:s0+$0x80] =	vst v4;
	v3 =	vadd.s32 $0xBB8, v7;
	v8 =	vld.idx.msk [tilespmem:v9+s31+$0x0], $0xffff  }
0x1b9: {  	v4 =	vld.idx.msk [tilespmem:v5+s31+$0x0], $0xffff;
	v9 =	vadd.s32 $0xBB8, v6  }
0x1ba: {  	[tilespmem:s21+$0x80] =	vst v10  }
0x1bb: {  	v5 =	vadd.s32 $0xBB8, v0;
	v10 =	vld.idx.msk [tilespmem:v11+s31+$0x0], $0xffff  }
0x1bc: {  	v11 =	vadd.s32 $0xBB8, v1;
	[tilespmem:s9+$0x100] =	vst v2  }
0x1bd: {  	[tilespmem:s12+$0x100] =	vst v8;
	v2 =	vld.idx.msk [tilespmem:v3+s31+$0x0], $0xffff  }
0x1be: {  	s26 =	simm.s32 $0x7DA0;
	[tilespmem:s0+$0x100] =	vst v4;
	v4 =	vld.idx.msk [tilespmem:v9+s31+$0x0], $0xffff  }
0x1bf: {  	v21 =	vld [tilespmem:s26+$0xFFFFFFF0];
	v3 =	vadd.s32 $0xFA0, v7  }
0x1c0: {  	[tilespmem:s21+$0x100] =	vst v10;
	v8 =	vld.idx.msk [tilespmem:v5+s31+$0x0], $0xffff  }
0x1c1: {  	s17 =	simm.s32 $0x7D60;
	v10 =	vadd.s32 $0xFA0, v6;
	v9 =	vld.idx.msk [tilespmem:v11+s31+$0x0], $0xffff  }
0x1c2: {  	v5 =	vld [tilespmem:s17+$0x10];
	v11 =	vadd.s32 $0xFA0, v0;
	[tilespmem:s9+$0x180] =	vst v2  }
0x1c3: {  	[tilespmem:s12+$0x180] =	vst v4;
	v4 =	vld [tilespmem:s17+$0xFFFFFFE0]  }
0x1c4: {  	v13 =	vadd.s32 $0xFA0, v1;
	v12 =	vld.idx.msk [tilespmem:v3+s31+$0x0], $0xffff  }
0x1c5: {  	v14 =	vadd.s32 $0x1388, v7;
	v3 =	vld [tilespmem:s17+$0xFFFFFFF0]  }
0x1c6: {  	[tilespmem:s0+$0x180] =	vst v8;
	v8 =	vld.idx.msk [tilespmem:v10+s31+$0x0], $0xffff  }
0x1c7: {  	[tilespmem:s21+$0x180] =	vst v9;
	v9 =	vld.idx.msk [tilespmem:v11+s31+$0x0], $0xffff;
	v11 =	vadd.s32 $0x1388, v6  }
0x1c8: {  	v2 =	vld [tilespmem:s17+$0x0]  }
0x1c9: {  	v10 =	vld.idx.msk [tilespmem:v13+s31+$0x0], $0xffff;
	[tilespmem:s9+$0x200] =	vst v12  }
0x1ca: {  	v13 =	vadd.s32 $0x1388, v0;
	v12 =	vld.idx.msk [tilespmem:v14+s31+$0x0], $0xffff  }
0x1cb: {  	[tilespmem:s12+$0x200] =	vst v8;
	v14 =	vld.idx.msk [tilespmem:v5+s31+$0x0], $0xffff  }
0x1cc: {  	v16 =	vadd.s32 $0x1770, v7;
	[tilespmem:s0+$0x200] =	vst v9;
	v9 =	vld.idx.msk [tilespmem:v11+s31+$0x0], $0xffff  }
0x1cd: {  	s18 =	simm.s32 $0x200;
	v18 =	vadd.s32 $0x3E8, v5;
	v8 =	vld.idx.msk [tilespmem:v4+s31+$0x0], $0xffff  }
0x1ce: {  	s23 =	simm.s32 $0x40;
	s4 =	sand.u32 $0x3C00, s18;
	s19 =	simm.s32 $0x70;
	v19 =	vadd.s32 $0x1388, v1;
	v15 =	vld.idx.msk [tilespmem:v3+s31+$0x0], $0xffff  }
0x1cf: {  	s22 =	simm.s32 $0x50;
	s4 =	sadd.s32 $0x10D00, s4;
	s6 =	sand.u32 $0x70, s19;
	[tilespmem:s21+$0x200] =	vst v10;
	v11 =	vadd.s32 $0x3E8, v4;
	v13 =	vld.idx.msk [tilespmem:v13+s31+$0x0], $0xffff  }
0x1d0: {  	s11 =	sand.u32 $0x50, s22;
	s18 =	sand.u32 $0x40, s23;
	s17 =	sor.u32 s6, s4;
	v20 =	vadd.s32 $0x3E8, v3;
	v17 =	vld.idx.msk [tilespmem:v2+s31+$0x0], $0xffff;
	[tilespmem:s9+$0x280] =	vst v12  }
0x1d1: {  	s6 =	sor.u32 s11, s4;
	s11 =	sor.u32 s18, s4;
	[tilespmem:s17+$0x0] =	vst v14;
	v14 =	vld.idx.msk [tilespmem:v16+s31+$0x0], $0xffff  }
0x1d2: {  	v12 =	vadd.s32 $0x3E8, v2;
	v10 =	vld.idx.msk [tilespmem:v18+s31+$0x0], $0xffff;
	[tilespmem:s11+$0x0] =	vst v8  }
0x1d3: {  	s24 =	simm.s32 $0x60;
	v16 =	vadd.s32 $0x1770, v6;
	[tilespmem:s6+$0x0] =	vst v15;
	v15 =	vld.idx.msk [tilespmem:v19+s31+$0x0], $0xffff  }
0x1d4: {  	s14 =	sand.u32 $0x60, s24;
	[tilespmem:s12+$0x280] =	vst v9;
	v18 =	vadd.s32 $0x7D0, v5;
	v11 =	vld.idx.msk [tilespmem:v11+s31+$0x0], $0xffff  }
0x1d5: {  	s4 =	sor.u32 s14, s4;
	[tilespmem:s0+$0x280] =	vst v13;
	v19 =	vadd.s32 $0x1770, v0;
	v8 =	vld.idx.msk [tilespmem:v20+s31+$0x0], $0xffff  }
0x1d6: {  	v22 =	vld [tilespmem:s26+$0x0];
	v9 =	vadd.s32 $0x7D0, v4;
	[tilespmem:s4+$0x0] =	vst v17  }
0x1d7: {  	v17 =	vadd.s32 $0x7D0, v3;
	v12 =	vld.idx.msk [tilespmem:v12+s31+$0x0], $0xffff;
	[tilespmem:s9+$0x300] =	vst v14  }
0x1d8: {  	v16 =	vld.idx.msk [tilespmem:v16+s31+$0x0], $0xffff;
	v14 =	vadd.s32 $0x7D0, v2;
	[tilespmem:s17+$0x80] =	vst v10  }
0x1d9: {  	v10 =	vadd.s32 $0x1770, v1;
	v18 =	vld.idx.msk [tilespmem:v18+s31+$0x0], $0xffff;
	[tilespmem:s11+$0x80] =	vst v11  }
0x1da: {  	v13 =	vadd.s32 $0xBB8, v5;
	[tilespmem:s6+$0x80] =	vst v8;
	v8 =	vld.idx.msk [tilespmem:v19+s31+$0x0], $0xffff  }
0x1db: {  	v0 =	vadd.s32 $0x1B58, v0;
	v9 =	vld.idx.msk [tilespmem:v9+s31+$0x0], $0xffff  }
0x1dc: {  	v11 =	vld.idx.msk [tilespmem:v17+s31+$0x0], $0xffff;
	[tilespmem:s4+$0x80] =	vst v12  }
0x1dd: {  	[tilespmem:s21+$0x280] =	vst v15;
	v17 =	vadd.s32 $0xBB8, v3;
	v14 =	vld.idx.msk [tilespmem:v14+s31+$0x0], $0xffff  }
0x1de: {  	v12 =	vadd.s32 $0xBB8, v4;
	v10 =	vld.idx.msk [tilespmem:v10+s31+$0x0], $0xffff;
	[tilespmem:s17+$0x100] =	vst v18  }
0x1df: {  	v15 =	vadd.s32 $0xBB8, v2;
	v13 =	vld.idx.msk [tilespmem:v13+s31+$0x0], $0xffff;
	[tilespmem:s0+$0x300] =	vst v8  }
0x1e0: {  	v6 =	vadd.s32 $0x1B58, v6;
	v8 =	vld.idx.msk [tilespmem:v0+s31+$0x0], $0xffff  }
0x1e1: {  	v7 =	vadd.s32 $0x1B58, v7;
	[tilespmem:s6+$0x100] =	vst v11;
	v0 =	vld [tilespmem:s26+$0x10]  }
0x1e2: {  	[tilespmem:s11+$0x100] =	vst v9;
	v9 =	vld.idx.msk [tilespmem:v17+s31+$0x0], $0xffff  }
0x1e3: {  	v11 =	vadd.s32 $0xFA0, v5;
	v12 =	vld.idx.msk [tilespmem:v12+s31+$0x0], $0xffff;
	[tilespmem:s4+$0x100] =	vst v14  }
0x1e4: {  	[tilespmem:s12+$0x300] =	vst v16;
	v14 =	vld.idx.msk [tilespmem:v15+s31+$0x0], $0xffff;
	v15 =	vadd.s32 $0xFA0, v4  }
0x1e5: {  	v6 =	vld.idx.msk [tilespmem:v6+s31+$0x0], $0xffff  }
0x1e6: {  	v7 =	vld.idx.msk [tilespmem:v7+s31+$0x0], $0xffff;
	[tilespmem:s17+$0x180] =	vst v13;
	v13 =	vadd.s32 $0xFA0, v3  }
0x1e7: {  	v19 =	vld [tilespmem:s26+$0xFFFFFFE0];
	v16 =	vadd.s32 $0xFA0, v2;
	[tilespmem:s21+$0x300] =	vst v10  }
0x1e8: {  	v11 =	vld.idx.msk [tilespmem:v11+s31+$0x0], $0xffff;
	[tilespmem:s11+$0x180] =	vst v12  }
0x1e9: {  	[tilespmem:s6+$0x180] =	vst v9;
	v9 =	vld.idx.msk [tilespmem:v15+s31+$0x0], $0xffff  }
0x1ea: {  	v17 =	vadd.s32 $0x1388, v5;
	[tilespmem:s12+$0x380] =	vst v6;
	v10 =	vld.idx.msk [tilespmem:v0+s31+$0x0], $0xffff  }
0x1eb: {  	[tilespmem:s4+$0x180] =	vst v14;
	v12 =	vld.idx.msk [tilespmem:v13+s31+$0x0], $0xffff  }
0x1ec: {  	s23 =	simm.s32 $0x400;
	[tilespmem:s0+$0x380] =	vst v8;
	v13 =	vld.idx.msk [tilespmem:v16+s31+$0x0], $0xffff;
	v16 =	vadd.s32 $0x3E8, v0  }
0x1ed: {  	s18 =	sand.u32 $0x3C00, s23;
	v6 =	vld.idx.msk [tilespmem:v21+s31+$0x0], $0xffff;
	s0 =	simm.s32 $0xB0;
	[tilespmem:s17+$0x200] =	vst v11;
	v11 =	vadd.s32 $0x1388, v4  }
0x1ee: {  	s14 =	sadd.s32 $0x10D00, s18;
	[tilespmem:s9+$0x380] =	vst v7;
	v8 =	vld.idx.msk [tilespmem:v22+s31+$0x0], $0xffff;
	s19 =	sand.u32 $0x70, s0;
	v14 =	vadd.s32 $0x1388, v3  }
0x1ef: {  	s12 =	sor.u32 s19, s14;
	v7 =	vld.idx.msk [tilespmem:v17+s31+$0x0], $0xffff;
	v17 =	vadd.s32 $0x1388, v2;
	[tilespmem:s11+$0x200] =	vst v9  }
0x1f0: {  	s22 =	simm.s32 $0x90;
	v15 =	vadd.s32 $0x1770, v5;
	v9 =	vld.idx.msk [tilespmem:v19+s31+$0x0], $0xffff;
	[tilespmem:s12+$0x0] =	vst v10  }
0x1f1: {  	s18 =	sand.u32 $0x50, s22;
	v18 =	vadd.s32 $0x3E8, v21;
	[tilespmem:s4+$0x200] =	vst v13;
	v13 =	vld.idx.msk [tilespmem:v16+s31+$0x0], $0xffff  }
0x1f2: {  	s29 =	sor.u32 s18, s14;
	[tilespmem:s6+$0x200] =	vst v12;
	v12 =	vadd.s32 $0x3E8, v19;
	v11 =	vld.idx.msk [tilespmem:v11+s31+$0x0], $0xffff  }
0x1f3: {  	s24 =	simm.s32 $0x80;
	[tilespmem:s29+$0x0] =	vst v6;
	v16 =	vadd.s32 $0x7D0, v0;
	v14 =	vld.idx.msk [tilespmem:v14+s31+$0x0], $0xffff  }
0x1f4: {  	v1 =	vadd.s32 $0x1B58, v1;
	s9 =	sand.u32 $0x40, s24;
	[tilespmem:s17+$0x280] =	vst v7;
	v6 =	vld.idx.msk [tilespmem:v17+s31+$0x0], $0xffff  }
0x1f5: {  	s9 =	sor.u32 s9, s14;
	s19 =	simm.s32 $0xA0;
	v7 =	vadd.s32 $0x3E8, v22;
	v10 =	vld.idx.msk [tilespmem:v15+s31+$0x0], $0xffff  }
0x1f6: {  	s26 =	sand.u32 $0x60, s19;
	v17 =	vadd.s32 $0x1770, v3;
	[tilespmem:s9+$0x0] =	vst v9;
	v9 =	vld.idx.msk [tilespmem:v18+s31+$0x0], $0xffff  }
0x1f7: {  	s14 =	sor.u32 s26, s14;
	v15 =	vadd.s32 $0x1770, v4;
	v12 =	vld.idx.msk [tilespmem:v12+s31+$0x0], $0xffff;
	[tilespmem:s12+$0x80] =	vst v13  }
0x1f8: {  	v5 =	vadd.s32 $0x1B58, v5;
	[tilespmem:s14+$0x0] =	vst v8;
	v16 =	vld.idx.msk [tilespmem:v16+s31+$0x0], $0xffff  }
0x1f9: {  	v8 =	vadd.s32 $0x7D0, v21;
	[tilespmem:s6+$0x280] =	vst v14;
	v14 =	vld.idx.msk [tilespmem:v1+s31+$0x0], $0xffff  }
0x1fa: {  	[tilespmem:s11+$0x280] =	vst v11;
	v11 =	vadd.s32 $0x7D0, v19;
	v7 =	vld.idx.msk [tilespmem:v7+s31+$0x0], $0xffff  }
0x1fb: {  	v13 =	vadd.s32 $0x1770, v2;
	v23 =	vld.idx.msk [tilespmem:v17+s31+$0x0], $0xffff;
	[tilespmem:s4+$0x280] =	vst v6  }
0x1fc: {  	v15 =	vld.idx.msk [tilespmem:v15+s31+$0x0], $0xffff;
	[tilespmem:s17+$0x300] =	vst v10;
	v10 =	vadd.s32 $0x7D0, v22  }
0x1fd: {  	v5 =	vld.idx.msk [tilespmem:v5+s31+$0x0], $0xffff;
	[tilespmem:s29+$0x80] =	vst v9;
	v9 =	vadd.s32 $0xBB8, v0  }
0x1fe: {  	v4 =	vadd.s32 $0x1B58, v4;
	[tilespmem:s9+$0x80] =	vst v12;
	v8 =	vld.idx.msk [tilespmem:v8+s31+$0x0], $0xffff  }
0x1ff: {  	v18 =	vld.idx.msk [tilespmem:v11+s31+$0x0], $0xffff;
	[tilespmem:s14+$0x80] =	vst v7;
	v7 =	vadd.s32 $0xBB8, v21  }
0x200: {  	v25 =	vld.idx.msk [tilespmem:v13+s31+$0x0], $0xffff;
	[tilespmem:s12+$0x100] =	vst v16;
	v16 =	vadd.s32 $0x1B58, v3  }
0x201: {  	v6 =	vadd.s32 $0xBB8, v19;
	[tilespmem:s6+$0x300] =	vst v23;
	v24 =	vld.idx.msk [tilespmem:v10+s31+$0x0], $0xffff  }
0x202: {  	v26 =	vadd.s32 $0xBB8, v22;
	[tilespmem:s11+$0x300] =	vst v15;
	v17 =	vld.idx.msk [tilespmem:v9+s31+$0x0], $0xffff  }
0x203: {  	v13 =	vadd.s32 $0xFA0, v21;
	v15 =	vld.idx.msk [tilespmem:v4+s31+$0x0], $0xffff;
	v9 =	vadd.s32 $0x1388, v21;
	[tilespmem:s29+$0x100] =	vst v8  }
0x204: {  	v4 =	vadd.s32 $0x1B58, v21;
	[tilespmem:s9+$0x100] =	vst v18;
	v18 =	vld.idx.msk [tilespmem:v7+s31+$0x0], $0xffff;
	v7 =	vadd.s32 $0x1770, v21;
	v21 =	vadd.s32 $0xFA0, v0  }
0x205: {  	v1 =	vadd.s32 $0x1B58, v2;
	v2 =	vadd.s32 $0x1B58, v22;
	v12 =	vadd.s32 $0xFA0, v19;
	[tilespmem:s17+$0x380] =	vst v5;
	v16 =	vld.idx.msk [tilespmem:v16+s31+$0x0], $0xffff  }
0x206: {  	v11 =	vadd.s32 $0xFA0, v22;
	v3 =	vadd.s32 $0x1B58, v19;
	v10 =	vadd.s32 $0x1388, v22;
	v20 =	vld.idx.msk [tilespmem:v6+s31+$0x0], $0xffff;
	[tilespmem:s14+$0x100] =	vst v24  }
0x207: {  	s19 =	simm.s32 $0x8;
	v5 =	vadd.s32 $0x1770, v19;
	s17 =	simm.s32 $0x7DE0;
	v8 =	vadd.s32 $0x1388, v19;
	[tilespmem:s4+$0x300] =	vst v25;
	v6 =	vadd.s32 $0x1770, v22;
	v19 =	vld.idx.msk [tilespmem:v26+s31+$0x0], $0xffff  }
.LBB2_9:
0x208: {  	v22 =	vld [tilespmem:s17+$0x10];
	[tilespmem:s12+$0x180] =	vst v17  }
0x209: {  	s19 =	sadd.s32 $0x4, s19;
	v17 =	vld.idx.msk [tilespmem:v21+s31+$0x0], $0xffff;
	[tilespmem:s11+$0x380] =	vst v15;
	s11 =	smov.u32 s9  }
0x20a: {  	p2 =	slt.u32 s19, $0x7C;
	v15 =	vld [tilespmem:s17+$0xFFFFFFF0];
	[tilespmem:s29+$0x180] =	vst v18  }
0x20b: {  	v18 =	vld [tilespmem:s17+$0x0];
	[tilespmem:s11+$0x180] =	vst v20;
	v20 =	vadd.s32 $0x1388, v0  }
0x20c: {  	v21 =	vld [tilespmem:s17+$0xFFFFFFE0];
	[tilespmem:s14+$0x180] =	vst v19  }
0x20d: {  	v19 =	vld.idx.msk [tilespmem:v12+s31+$0x0], $0xffff;
	[tilespmem:s6+$0x380] =	vst v16;
	s6 =	smov.u32 s29  }
0x20e: {  	v16 =	vld.idx.msk [tilespmem:v13+s31+$0x0], $0xffff;
	[tilespmem:s21+$0x380] =	vst v14;
	s21 =	smov.u32 s4;
	s4 =	smov.u32 s14  }
0x20f: {  	v14 =	vadd.s32 $0x3E8, v15;
	v23 =	vadd.s32 $0x7D0, v15;
	v24 =	vadd.s32 $0xBB8, v15;
	v25 =	vld.idx.msk [tilespmem:v11+s31+$0x0], $0xffff;
	[tilespmem:s12+$0x200] =	vst v17  }
0x210: {  	v17 =	vadd.s32 $0x3E8, v18;
	v26 =	vadd.s32 $0x7D0, v18;
	v27 =	vadd.s32 $0xBB8, v18;
	v20 =	vld.idx.msk [tilespmem:v20+s31+$0x0], $0xffff  }
0x211: {  	v28 =	vadd.s32 $0x3E8, v21;
	v29 =	vadd.s32 $0x7D0, v21;
	v30 =	vadd.s32 $0xBB8, v21;
	v31 =	vld.idx.msk [tilespmem:v22+s31+$0x0], $0xffff  }
0x212: {  	v33 =	vadd.s32 $0x1770, v0;
	v13 =	vadd.s32 $0xFA0, v15;
	v12 =	vadd.s32 $0xFA0, v21;
	v32 =	vld.idx.msk [tilespmem:v15+s31+$0x0], $0xffff  }
0x213: {  	s23 =	sadd.s32 $0x200, s23;
	v36 =	vadd.s32 $0x3E8, v22;
	v11 =	vadd.s32 $0xFA0, v18;
	v34 =	vadd.s32 $0x1388, v21;
	v35 =	vld.idx.msk [tilespmem:v18+s31+$0x0], $0xffff;
	[tilespmem:s11+$0x200] =	vst v19  }
0x214: {  	s0 =	sadd.s32 $0x40, s0;
	s9 =	sand.u32 $0x3C00, s23;
	v38 =	vadd.s32 $0x1388, v15;
	v39 =	vadd.s32 $0x1388, v18;
	v37 =	vadd.s32 $0x1770, v21;
	v19 =	vld.idx.msk [tilespmem:v21+s31+$0x0], $0xffff;
	[tilespmem:s6+$0x200] =	vst v16  }
0x215: {  	s18 =	sadd.s32 $0x10D00, s9;
	s9 =	sand.u32 $0x70, s0;
	s14 =	sadd.s32 $0xFFFFFFD0, s0;
	v40 =	vadd.s32 $0x1770, v18;
	v16 =	vadd.s32 $0x1B58, v21;
	v21 =	vadd.s32 $0x1770, v15;
	v41 =	vld.idx.msk [tilespmem:v8+s31+$0x0], $0xffff;
	[tilespmem:s4+$0x200] =	vst v25;
	v8 =	vmovc v34  }
0x216: {  	s22 =	sadd.s32 $0xFFFFFFE0, s0;
	s24 =	sadd.s32 $0xFFFFFFF0, s0;
	s26 =	sor.u32 s9, s18;
	v25 =	vadd.s32 $0x1B58, v15;
	v15 =	vadd.s32 $0x1B58, v18;
	v18 =	vld.idx.msk [tilespmem:v9+s31+$0x0], $0xffff;
	[tilespmem:s12+$0x280] =	vst v20;
	v9 =	vmov v38  }
0x217: {  	s9 =	sand.u32 $0x40, s14;
	s14 =	sand.u32 $0x50, s22;
	s22 =	sand.u32 $0x60, s24;
	[tilespmem:s26+$0x0] =	vst v31;
	v20 =	vld.idx.msk [tilespmem:v33+s31+$0x0], $0xffff  }
0x218: {  	s9 =	sor.u32 s9, s18;
	s29 =	sor.u32 s14, s18;
	s14 =	sor.u32 s22, s18;
	v31 =	vld.idx.msk [tilespmem:v36+s31+$0x0], $0xffff  }
0x219: {  	v33 =	vadd.s32 $0x1B58, v0;
	v0 =	vmov v22;
	[tilespmem:s29+$0x0] =	vst v32;
	v32 =	vld.idx.msk [tilespmem:v10+s31+$0x0], $0xffff;
	v10 =	vmov v39  }
0x21a: {  	[tilespmem:s9+$0x0] =	vst v19;
	v14 =	vld.idx.msk [tilespmem:v14+s31+$0x0], $0xffff;
	v19 =	vadd.s32 $0x7D0, v0  }
0x21b: {  	v22 =	vld.idx.msk [tilespmem:v28+s31+$0x0], $0xffff;
	[tilespmem:s14+$0x0] =	vst v35  }
0x21c: {  	v17 =	vld.idx.msk [tilespmem:v17+s31+$0x0], $0xffff;
	[tilespmem:s11+$0x280] =	vst v41  }
0x21d: {  	v28 =	vld.idx.msk [tilespmem:v5+s31+$0x0], $0xffff;
	[tilespmem:s12+$0x300] =	vst v20;
	v5 =	vmov v37  }
0x21e: {  	[tilespmem:s26+$0x80] =	vst v31;
	v20 =	vld.idx.msk [tilespmem:v33+s31+$0x0], $0xffff  }
0x21f: {  	v19 =	vld.idx.msk [tilespmem:v19+s31+$0x0], $0xffff;
	[tilespmem:s6+$0x280] =	vst v18  }
0x220: {  	[tilespmem:s29+$0x80] =	vst v14;
	v31 =	vld.idx.msk [tilespmem:v7+s31+$0x0], $0xffff;
	v7 =	vmov v21  }
0x221: {  	v21 =	vadd.s32 $0xBB8, v0;
	[tilespmem:s9+$0x80] =	vst v22;
	v18 =	vld.idx.msk [tilespmem:v23+s31+$0x0], $0xffff  }
0x222: {  	v22 =	vld.idx.msk [tilespmem:v29+s31+$0x0], $0xffff;
	[tilespmem:s14+$0x80] =	vst v17  }
0x223: {  	v23 =	vld.idx.msk [tilespmem:v26+s31+$0x0], $0xffff;
	[tilespmem:s4+$0x280] =	vst v32  }
0x224: {  	v26 =	vld.idx.msk [tilespmem:v6+s31+$0x0], $0xffff;
	[tilespmem:s12+$0x380] =	vst v20;
	v6 =	vmov v40;
	s12 =	smov.u32 s26  }
0x225: {  	[tilespmem:s12+$0x100] =	vst v19;
	v14 =	vld.idx.msk [tilespmem:v1+s31+$0x0], $0xffff;
	v1 =	vmov v2;
	v2 =	vmov v15  }
0x226: {  	v17 =	vld.idx.msk [tilespmem:v21+s31+$0x0], $0xffff;
	[tilespmem:s11+$0x300] =	vst v28  }
.Ltmp3:
0x227: {  	[tilespmem:s29+$0x100] =	vst v18;
	v15 =	vld.idx.msk [tilespmem:v3+s31+$0x0], $0xffff;
	v3 =	vmov v16;
	(pc) =	sbr.rel @p2 .LBB2_9-.Ltmp3, $4  }
0x228: {  	v21 =	vadd.s32 $0xFA0, v0;
	[tilespmem:s9+$0x100] =	vst v22;
	v18 =	vld.idx.msk [tilespmem:v24+s31+$0x0], $0xffff  }
0x229: {  	v20 =	vld.idx.msk [tilespmem:v30+s31+$0x0], $0xffff;
	[tilespmem:s14+$0x100] =	vst v23  }
0x22a: {  	v19 =	vld.idx.msk [tilespmem:v27+s31+$0x0], $0xffff;
	[tilespmem:s6+$0x300] =	vst v31  }
0x22b: {  	s17 =	sadd.s32 $0x40, s17;
	v16 =	vld.idx.msk [tilespmem:v4+s31+$0x0], $0xffff;
	[tilespmem:s4+$0x300] =	vst v26;
	v4 =	vmov v25  }
0x22c: {  	_ =	sdelay $0x2  }
0x22d: {  	[tilespmem:s12+$0x180] =	vst v17  }
0x22e: {  	v17 =	vld.idx.msk [tilespmem:v21+s31+$0x0], $0xffff;
	[tilespmem:s29+$0x180] =	vst v18  }
0x22f: {  	v60 =	vadd.s32 $0x1388, v0;
	[tilespmem:s9+$0x180] =	vst v20;
	v13 =	vld.idx.msk [tilespmem:v13+s31+$0x0], $0xffff  }
0x230: {  	v12 =	vld.idx.msk [tilespmem:v12+s31+$0x0], $0xffff;
	[tilespmem:s14+$0x180] =	vst v19  }
0x231: {  	v11 =	vld.idx.msk [tilespmem:v11+s31+$0x0], $0xffff;
	_ =	sdelay $0x1  }
0x232: {  	[tilespmem:s12+$0x200] =	vst v17  }
0x233: {  	v17 =	vld.idx.msk [tilespmem:v60+s31+$0x0], $0xffff;
	[tilespmem:s29+$0x200] =	vst v13  }
0x234: {  	v61 =	vadd.s32 $0x1770, v0;
	[tilespmem:s9+$0x200] =	vst v12;
	v9 =	vld.idx.msk [tilespmem:v9+s31+$0x0], $0xffff  }
0x235: {  	v8 =	vld.idx.msk [tilespmem:v8+s31+$0x0], $0xffff;
	[tilespmem:s14+$0x200] =	vst v11  }
0x236: {  	v10 =	vld.idx.msk [tilespmem:v10+s31+$0x0], $0xffff;
	_ =	sdelay $0x1  }
0x237: {  	[tilespmem:s12+$0x280] =	vst v17  }
0x238: {  	v62 =	vld.idx.msk [tilespmem:v61+s31+$0x0], $0xffff;
	[tilespmem:s29+$0x280] =	vst v9  }
0x239: {  	v63 =	vadd.s32 $0x1B58, v0;
	[tilespmem:s9+$0x280] =	vst v8;
	v7 =	vld.idx.msk [tilespmem:v7+s31+$0x0], $0xffff  }
0x23a: {  	v5 =	vld.idx.msk [tilespmem:v5+s31+$0x0], $0xffff;
	[tilespmem:s14+$0x280] =	vst v10  }
0x23b: {  	[tilespmem:s11+$0x380] =	vst v15;
	v6 =	vld.idx.msk [tilespmem:v6+s31+$0x0], $0xffff  }
0x23c: {  	[tilespmem:s21+$0x380] =	vst v14  }
0x23d: {  	v1 =	vld.idx.msk [tilespmem:v1+s31+$0x0], $0xffff;
	[tilespmem:s12+$0x300] =	vst v62  }
0x23e: {  	v0 =	vld.idx.msk [tilespmem:v63+s31+$0x0], $0xffff;
	[tilespmem:s29+$0x300] =	vst v7  }
0x23f: {  	[tilespmem:s9+$0x300] =	vst v5;
	v4 =	vld.idx.msk [tilespmem:v4+s31+$0x0], $0xffff  }
0x240: {  	v3 =	vld.idx.msk [tilespmem:v3+s31+$0x0], $0xffff;
	[tilespmem:s14+$0x300] =	vst v6  }
0x241: {  	[tilespmem:s6+$0x380] =	vst v16;
	v2 =	vld.idx.msk [tilespmem:v2+s31+$0x0], $0xffff  }
0x242: {  	[tilespmem:s4+$0x380] =	vst v1  }
.Ltmp4:
0x243: {  	[tilespmem:s12+$0x380] =	vst v0;
	(pc) =	sbr.rel @p0 .LBB2_14-.Ltmp4, $4  }
0x244: {  	s0 =	sadd.s32 s16, s20;
	[tilespmem:s29+$0x380] =	vst v4  }
0x245: {  	s0 =	sshrl.u32 s0, $0x3;
	[tilespmem:s9+$0x380] =	vst v3  }
0x246: {  	s0 =	sadd.s32 s2, s0;
	s29 =	simm.s32 $0x10D00;
	[tilespmem:s14+$0x380] =	vst v2  }
0x247: {  	[hbm4b:s0+s3] =	stream.linear.scatter [tilespmem:s29], [sflag:$0x3], $0x4000, $0x38;
	[tilespmem:$0x1B8F8] =	vst v63  }
0x248: {  	s0 =	simm.s32 @!p1 $0x4  }
0x249: {  	_ =	swait.ge @!p1 [sflag:s0], $0x4000  }
0x24a: {  	[sflag:s0] =	ssyncset.done @!p1 $0x0  }
0x24b: {  	s6 =	simm.s32 $0x7D20;
	[sflag:s0] =	ssyncadd.s32 @!p1 $0xFFFFC000  }
0x24c: {  	v7 =	vld [tilespmem:s6+$0x10]  }
0x24d: {  	v6 =	vld [tilespmem:s6+$0xFFFFFFE0]  }
0x24e: {  	v0 =	vld [tilespmem:s6+$0xFFFFFFF0];
	_ =	sdelay $0x1  }
0x24f: {  	v1 =	vld [tilespmem:s6+$0x0];
	_ =	sdelay $0x3  }
0x250: {  	v2 =	vld.idx.msk [tilespmem:v7+s28+$0x0], $0xffff  }
0x251: {  	s9 =	simm.s32 $0x0;
	v3 =	vadd.s32 $0x3E8, v7;
	v8 =	vld.idx.msk [tilespmem:v6+s28+$0x0], $0xffff  }
0x252: {  	s4 =	simm.s32 $0x30;
	s12 =	simm.s32 $0x10;
	s0 =	sand.u32 $0x3C00, s9;
	v9 =	vadd.s32 $0x3E8, v6;
	v4 =	vld.idx.msk [tilespmem:v0+s28+$0x0], $0xffff  }
0x253: {  	s14 =	simm.s32 $0x0;
	s11 =	sand.u32 $0x70, s4;
	s6 =	sadd.s32 $0x14D00, s0;
	v5 =	vadd.s32 $0x3E8, v0  }
0x254: {  	s4 =	sand.u32 $0x50, s12;
	s12 =	sand.u32 $0x40, s14;
	s9 =	sor.u32 s11, s6;
	v10 =	vld.idx.msk [tilespmem:v1+s28+$0x0], $0xffff  }
0x255: {  	s12 =	sor.u32 s12, s6;
	v11 =	vadd.s32 $0x3E8, v1;
	[tilespmem:s9+$0x0] =	vst v2  }
0x256: {  	s11 =	simm.s32 $0x20;
	s0 =	sor.u32 s4, s6;
	[tilespmem:s12+$0x0] =	vst v8;
	v2 =	vld.idx.msk [tilespmem:v3+s28+$0x0], $0xffff  }
0x257: {  	s17 =	sand.u32 $0x60, s11;
	[tilespmem:s0+$0x0] =	vst v4;
	v3 =	vadd.s32 $0x7D0, v7;
	v8 =	vld.idx.msk [tilespmem:v9+s28+$0x0], $0xffff  }
0x258: {  	s21 =	sor.u32 s17, s6;
	v4 =	vld.idx.msk [tilespmem:v5+s28+$0x0], $0xffff;
	v9 =	vadd.s32 $0x7D0, v6  }
0x259: {  	[tilespmem:s21+$0x0] =	vst v10;
	v5 =	vadd.s32 $0x7D0, v0  }
0x25a: {  	v10 =	vld.idx.msk [tilespmem:v11+s28+$0x0], $0xffff  }
0x25b: {  	v11 =	vadd.s32 $0x7D0, v1;
	[tilespmem:s9+$0x80] =	vst v2  }
0x25c: {  	[tilespmem:s12+$0x80] =	vst v8;
	v2 =	vld.idx.msk [tilespmem:v3+s28+$0x0], $0xffff  }
0x25d: {  	[tilespmem:s0+$0x80] =	vst v4;
	v3 =	vadd.s32 $0xBB8, v7;
	v8 =	vld.idx.msk [tilespmem:v9+s28+$0x0], $0xffff  }
0x25e: {  	v4 =	vld.idx.msk [tilespmem:v5+s28+$0x0], $0xffff;
	v9 =	vadd.s32 $0xBB8, v6  }
0x25f: {  	[tilespmem:s21+$0x80] =	vst v10  }
0x260: {  	v5 =	vadd.s32 $0xBB8, v0;
	v10 =	vld.idx.msk [tilespmem:v11+s28+$0x0], $0xffff  }
0x261: {  	v11 =	vadd.s32 $0xBB8, v1;
	[tilespmem:s9+$0x100] =	vst v2  }
0x262: {  	[tilespmem:s12+$0x100] =	vst v8;
	v2 =	vld.idx.msk [tilespmem:v3+s28+$0x0], $0xffff  }
0x263: {  	s26 =	simm.s32 $0x7DA0;
	[tilespmem:s0+$0x100] =	vst v4;
	v4 =	vld.idx.msk [tilespmem:v9+s28+$0x0], $0xffff  }
0x264: {  	v21 =	vld [tilespmem:s26+$0xFFFFFFF0];
	v3 =	vadd.s32 $0xFA0, v7  }
0x265: {  	[tilespmem:s21+$0x100] =	vst v10;
	v8 =	vld.idx.msk [tilespmem:v5+s28+$0x0], $0xffff  }
0x266: {  	s18 =	simm.s32 $0x7D60;
	v10 =	vadd.s32 $0xFA0, v6;
	v9 =	vld.idx.msk [tilespmem:v11+s28+$0x0], $0xffff  }
0x267: {  	v5 =	vld [tilespmem:s18+$0x10];
	v11 =	vadd.s32 $0xFA0, v0;
	[tilespmem:s9+$0x180] =	vst v2  }
0x268: {  	[tilespmem:s12+$0x180] =	vst v4;
	v4 =	vld [tilespmem:s18+$0xFFFFFFE0]  }
0x269: {  	v13 =	vadd.s32 $0xFA0, v1;
	v12 =	vld.idx.msk [tilespmem:v3+s28+$0x0], $0xffff  }
0x26a: {  	v14 =	vadd.s32 $0x1388, v7;
	v3 =	vld [tilespmem:s18+$0xFFFFFFF0]  }
0x26b: {  	[tilespmem:s0+$0x180] =	vst v8;
	v8 =	vld.idx.msk [tilespmem:v10+s28+$0x0], $0xffff  }
0x26c: {  	[tilespmem:s21+$0x180] =	vst v9;
	v9 =	vld.idx.msk [tilespmem:v11+s28+$0x0], $0xffff;
	v11 =	vadd.s32 $0x1388, v6  }
0x26d: {  	v2 =	vld [tilespmem:s18+$0x0]  }
0x26e: {  	v10 =	vld.idx.msk [tilespmem:v13+s28+$0x0], $0xffff;
	[tilespmem:s9+$0x200] =	vst v12  }
0x26f: {  	v13 =	vadd.s32 $0x1388, v0;
	v12 =	vld.idx.msk [tilespmem:v14+s28+$0x0], $0xffff  }
0x270: {  	[tilespmem:s12+$0x200] =	vst v8;
	v14 =	vld.idx.msk [tilespmem:v5+s28+$0x0], $0xffff  }
0x271: {  	v16 =	vadd.s32 $0x1770, v7;
	[tilespmem:s0+$0x200] =	vst v9;
	v9 =	vld.idx.msk [tilespmem:v11+s28+$0x0], $0xffff  }
0x272: {  	s19 =	simm.s32 $0x200;
	v18 =	vadd.s32 $0x3E8, v5;
	v8 =	vld.idx.msk [tilespmem:v4+s28+$0x0], $0xffff  }
0x273: {  	s22 =	simm.s32 $0x70;
	s23 =	simm.s32 $0x50;
	s4 =	sand.u32 $0x3C00, s19;
	v19 =	vadd.s32 $0x1388, v1;
	v15 =	vld.idx.msk [tilespmem:v3+s28+$0x0], $0xffff  }
0x274: {  	s24 =	simm.s32 $0x40;
	s4 =	sadd.s32 $0x14D00, s4;
	s6 =	sand.u32 $0x70, s22;
	[tilespmem:s21+$0x200] =	vst v10;
	v11 =	vadd.s32 $0x3E8, v4;
	v13 =	vld.idx.msk [tilespmem:v13+s28+$0x0], $0xffff  }
0x275: {  	s11 =	sand.u32 $0x50, s23;
	s17 =	sor.u32 s6, s4;
	s18 =	sand.u32 $0x40, s24;
	v20 =	vadd.s32 $0x3E8, v3;
	v17 =	vld.idx.msk [tilespmem:v2+s28+$0x0], $0xffff;
	[tilespmem:s9+$0x280] =	vst v12  }
0x276: {  	s6 =	sor.u32 s11, s4;
	s11 =	sor.u32 s18, s4;
	[tilespmem:s17+$0x0] =	vst v14;
	v14 =	vld.idx.msk [tilespmem:v16+s28+$0x0], $0xffff  }
0x277: {  	v12 =	vadd.s32 $0x3E8, v2;
	v10 =	vld.idx.msk [tilespmem:v18+s28+$0x0], $0xffff;
	[tilespmem:s11+$0x0] =	vst v8  }
0x278: {  	s14 =	simm.s32 $0x60;
	v16 =	vadd.s32 $0x1770, v6;
	[tilespmem:s6+$0x0] =	vst v15;
	v15 =	vld.idx.msk [tilespmem:v19+s28+$0x0], $0xffff  }
0x279: {  	s14 =	sand.u32 $0x60, s14;
	[tilespmem:s12+$0x280] =	vst v9;
	v18 =	vadd.s32 $0x7D0, v5;
	v11 =	vld.idx.msk [tilespmem:v11+s28+$0x0], $0xffff  }
0x27a: {  	s4 =	sor.u32 s14, s4;
	[tilespmem:s0+$0x280] =	vst v13;
	v19 =	vadd.s32 $0x1770, v0;
	v8 =	vld.idx.msk [tilespmem:v20+s28+$0x0], $0xffff  }
0x27b: {  	v22 =	vld [tilespmem:s26+$0x0];
	v9 =	vadd.s32 $0x7D0, v4;
	[tilespmem:s4+$0x0] =	vst v17  }
0x27c: {  	v17 =	vadd.s32 $0x7D0, v3;
	v12 =	vld.idx.msk [tilespmem:v12+s28+$0x0], $0xffff;
	[tilespmem:s9+$0x300] =	vst v14  }
0x27d: {  	v16 =	vld.idx.msk [tilespmem:v16+s28+$0x0], $0xffff;
	v14 =	vadd.s32 $0x7D0, v2;
	[tilespmem:s17+$0x80] =	vst v10  }
0x27e: {  	v10 =	vadd.s32 $0x1770, v1;
	v18 =	vld.idx.msk [tilespmem:v18+s28+$0x0], $0xffff;
	[tilespmem:s11+$0x80] =	vst v11  }
0x27f: {  	v13 =	vadd.s32 $0xBB8, v5;
	[tilespmem:s6+$0x80] =	vst v8;
	v8 =	vld.idx.msk [tilespmem:v19+s28+$0x0], $0xffff  }
0x280: {  	v0 =	vadd.s32 $0x1B58, v0;
	v9 =	vld.idx.msk [tilespmem:v9+s28+$0x0], $0xffff  }
0x281: {  	v11 =	vld.idx.msk [tilespmem:v17+s28+$0x0], $0xffff;
	[tilespmem:s4+$0x80] =	vst v12  }
0x282: {  	[tilespmem:s21+$0x280] =	vst v15;
	v17 =	vadd.s32 $0xBB8, v3;
	v14 =	vld.idx.msk [tilespmem:v14+s28+$0x0], $0xffff  }
0x283: {  	v12 =	vadd.s32 $0xBB8, v4;
	v10 =	vld.idx.msk [tilespmem:v10+s28+$0x0], $0xffff;
	[tilespmem:s17+$0x100] =	vst v18  }
0x284: {  	v15 =	vadd.s32 $0xBB8, v2;
	v13 =	vld.idx.msk [tilespmem:v13+s28+$0x0], $0xffff;
	[tilespmem:s0+$0x300] =	vst v8  }
0x285: {  	v6 =	vadd.s32 $0x1B58, v6;
	v8 =	vld.idx.msk [tilespmem:v0+s28+$0x0], $0xffff  }
0x286: {  	v7 =	vadd.s32 $0x1B58, v7;
	[tilespmem:s6+$0x100] =	vst v11;
	v0 =	vld [tilespmem:s26+$0x10]  }
0x287: {  	[tilespmem:s11+$0x100] =	vst v9;
	v9 =	vld.idx.msk [tilespmem:v17+s28+$0x0], $0xffff  }
0x288: {  	v11 =	vadd.s32 $0xFA0, v5;
	v12 =	vld.idx.msk [tilespmem:v12+s28+$0x0], $0xffff;
	[tilespmem:s4+$0x100] =	vst v14  }
0x289: {  	[tilespmem:s12+$0x300] =	vst v16;
	v14 =	vld.idx.msk [tilespmem:v15+s28+$0x0], $0xffff;
	v15 =	vadd.s32 $0xFA0, v4  }
0x28a: {  	v6 =	vld.idx.msk [tilespmem:v6+s28+$0x0], $0xffff  }
0x28b: {  	v7 =	vld.idx.msk [tilespmem:v7+s28+$0x0], $0xffff;
	[tilespmem:s17+$0x180] =	vst v13;
	v13 =	vadd.s32 $0xFA0, v3  }
0x28c: {  	v19 =	vld [tilespmem:s26+$0xFFFFFFE0];
	v16 =	vadd.s32 $0xFA0, v2;
	[tilespmem:s21+$0x300] =	vst v10  }
0x28d: {  	v11 =	vld.idx.msk [tilespmem:v11+s28+$0x0], $0xffff;
	[tilespmem:s11+$0x180] =	vst v12  }
0x28e: {  	[tilespmem:s6+$0x180] =	vst v9;
	v9 =	vld.idx.msk [tilespmem:v15+s28+$0x0], $0xffff  }
0x28f: {  	v17 =	vadd.s32 $0x1388, v5;
	[tilespmem:s12+$0x380] =	vst v6;
	v10 =	vld.idx.msk [tilespmem:v0+s28+$0x0], $0xffff  }
0x290: {  	[tilespmem:s4+$0x180] =	vst v14;
	v12 =	vld.idx.msk [tilespmem:v13+s28+$0x0], $0xffff  }
0x291: {  	s23 =	simm.s32 $0x400;
	[tilespmem:s0+$0x380] =	vst v8;
	v13 =	vld.idx.msk [tilespmem:v16+s28+$0x0], $0xffff;
	v16 =	vadd.s32 $0x3E8, v0  }
0x292: {  	s18 =	sand.u32 $0x3C00, s23;
	v6 =	vld.idx.msk [tilespmem:v21+s28+$0x0], $0xffff;
	s0 =	simm.s32 $0xB0;
	[tilespmem:s17+$0x200] =	vst v11;
	v11 =	vadd.s32 $0x1388, v4  }
0x293: {  	s14 =	sadd.s32 $0x14D00, s18;
	[tilespmem:s9+$0x380] =	vst v7;
	v8 =	vld.idx.msk [tilespmem:v22+s28+$0x0], $0xffff;
	s19 =	sand.u32 $0x70, s0;
	v14 =	vadd.s32 $0x1388, v3  }
0x294: {  	s12 =	sor.u32 s19, s14;
	v7 =	vld.idx.msk [tilespmem:v17+s28+$0x0], $0xffff;
	v17 =	vadd.s32 $0x1388, v2;
	[tilespmem:s11+$0x200] =	vst v9  }
0x295: {  	s22 =	simm.s32 $0x90;
	v15 =	vadd.s32 $0x1770, v5;
	v9 =	vld.idx.msk [tilespmem:v19+s28+$0x0], $0xffff;
	[tilespmem:s12+$0x0] =	vst v10  }
0x296: {  	s18 =	sand.u32 $0x50, s22;
	v18 =	vadd.s32 $0x3E8, v21;
	[tilespmem:s4+$0x200] =	vst v13;
	v13 =	vld.idx.msk [tilespmem:v16+s28+$0x0], $0xffff  }
0x297: {  	s29 =	sor.u32 s18, s14;
	[tilespmem:s6+$0x200] =	vst v12;
	v12 =	vadd.s32 $0x3E8, v19;
	v11 =	vld.idx.msk [tilespmem:v11+s28+$0x0], $0xffff  }
0x298: {  	s24 =	simm.s32 $0x80;
	[tilespmem:s29+$0x0] =	vst v6;
	v16 =	vadd.s32 $0x7D0, v0;
	v14 =	vld.idx.msk [tilespmem:v14+s28+$0x0], $0xffff  }
0x299: {  	v1 =	vadd.s32 $0x1B58, v1;
	s9 =	sand.u32 $0x40, s24;
	[tilespmem:s17+$0x280] =	vst v7;
	v6 =	vld.idx.msk [tilespmem:v17+s28+$0x0], $0xffff  }
0x29a: {  	s9 =	sor.u32 s9, s14;
	s19 =	simm.s32 $0xA0;
	v7 =	vadd.s32 $0x3E8, v22;
	v10 =	vld.idx.msk [tilespmem:v15+s28+$0x0], $0xffff  }
0x29b: {  	s26 =	sand.u32 $0x60, s19;
	v17 =	vadd.s32 $0x1770, v3;
	[tilespmem:s9+$0x0] =	vst v9;
	v9 =	vld.idx.msk [tilespmem:v18+s28+$0x0], $0xffff  }
0x29c: {  	s14 =	sor.u32 s26, s14;
	v15 =	vadd.s32 $0x1770, v4;
	v12 =	vld.idx.msk [tilespmem:v12+s28+$0x0], $0xffff;
	[tilespmem:s12+$0x80] =	vst v13  }
0x29d: {  	v5 =	vadd.s32 $0x1B58, v5;
	[tilespmem:s14+$0x0] =	vst v8;
	v16 =	vld.idx.msk [tilespmem:v16+s28+$0x0], $0xffff  }
0x29e: {  	v8 =	vadd.s32 $0x7D0, v21;
	[tilespmem:s6+$0x280] =	vst v14;
	v14 =	vld.idx.msk [tilespmem:v1+s28+$0x0], $0xffff  }
0x29f: {  	[tilespmem:s11+$0x280] =	vst v11;
	v11 =	vadd.s32 $0x7D0, v19;
	v7 =	vld.idx.msk [tilespmem:v7+s28+$0x0], $0xffff  }
0x2a0: {  	v13 =	vadd.s32 $0x1770, v2;
	v23 =	vld.idx.msk [tilespmem:v17+s28+$0x0], $0xffff;
	[tilespmem:s4+$0x280] =	vst v6  }
0x2a1: {  	v15 =	vld.idx.msk [tilespmem:v15+s28+$0x0], $0xffff;
	[tilespmem:s17+$0x300] =	vst v10;
	v10 =	vadd.s32 $0x7D0, v22  }
0x2a2: {  	v5 =	vld.idx.msk [tilespmem:v5+s28+$0x0], $0xffff;
	[tilespmem:s29+$0x80] =	vst v9;
	v9 =	vadd.s32 $0xBB8, v0  }
0x2a3: {  	v4 =	vadd.s32 $0x1B58, v4;
	[tilespmem:s9+$0x80] =	vst v12;
	v8 =	vld.idx.msk [tilespmem:v8+s28+$0x0], $0xffff  }
0x2a4: {  	v18 =	vld.idx.msk [tilespmem:v11+s28+$0x0], $0xffff;
	[tilespmem:s14+$0x80] =	vst v7;
	v7 =	vadd.s32 $0xBB8, v21  }
0x2a5: {  	v25 =	vld.idx.msk [tilespmem:v13+s28+$0x0], $0xffff;
	[tilespmem:s12+$0x100] =	vst v16;
	v16 =	vadd.s32 $0x1B58, v3  }
0x2a6: {  	v6 =	vadd.s32 $0xBB8, v19;
	[tilespmem:s6+$0x300] =	vst v23;
	v24 =	vld.idx.msk [tilespmem:v10+s28+$0x0], $0xffff  }
0x2a7: {  	v26 =	vadd.s32 $0xBB8, v22;
	[tilespmem:s11+$0x300] =	vst v15;
	v17 =	vld.idx.msk [tilespmem:v9+s28+$0x0], $0xffff  }
0x2a8: {  	v13 =	vadd.s32 $0xFA0, v21;
	v15 =	vld.idx.msk [tilespmem:v4+s28+$0x0], $0xffff;
	v9 =	vadd.s32 $0x1388, v21;
	[tilespmem:s29+$0x100] =	vst v8  }
0x2a9: {  	v4 =	vadd.s32 $0x1B58, v21;
	[tilespmem:s9+$0x100] =	vst v18;
	v18 =	vld.idx.msk [tilespmem:v7+s28+$0x0], $0xffff;
	v7 =	vadd.s32 $0x1770, v21;
	v21 =	vadd.s32 $0xFA0, v0  }
0x2aa: {  	v1 =	vadd.s32 $0x1B58, v2;
	v2 =	vadd.s32 $0x1B58, v22;
	v12 =	vadd.s32 $0xFA0, v19;
	[tilespmem:s17+$0x380] =	vst v5;
	v16 =	vld.idx.msk [tilespmem:v16+s28+$0x0], $0xffff  }
0x2ab: {  	v11 =	vadd.s32 $0xFA0, v22;
	v3 =	vadd.s32 $0x1B58, v19;
	v10 =	vadd.s32 $0x1388, v22;
	v20 =	vld.idx.msk [tilespmem:v6+s28+$0x0], $0xffff;
	[tilespmem:s14+$0x100] =	vst v24  }
0x2ac: {  	s19 =	simm.s32 $0x8;
	v5 =	vadd.s32 $0x1770, v19;
	s17 =	simm.s32 $0x7DE0;
	v8 =	vadd.s32 $0x1388, v19;
	[tilespmem:s4+$0x300] =	vst v25;
	v6 =	vadd.s32 $0x1770, v22;
	v19 =	vld.idx.msk [tilespmem:v26+s28+$0x0], $0xffff  }
.LBB2_12:
0x2ad: {  	v22 =	vld [tilespmem:s17+$0x10];
	[tilespmem:s12+$0x180] =	vst v17  }
0x2ae: {  	s19 =	sadd.s32 $0x4, s19;
	v17 =	vld.idx.msk [tilespmem:v21+s28+$0x0], $0xffff;
	[tilespmem:s11+$0x380] =	vst v15;
	s11 =	smov.u32 s9  }
0x2af: {  	p1 =	slt.u32 s19, $0x7C;
	v15 =	vld [tilespmem:s17+$0xFFFFFFF0];
	[tilespmem:s29+$0x180] =	vst v18  }
0x2b0: {  	v18 =	vld [tilespmem:s17+$0x0];
	[tilespmem:s11+$0x180] =	vst v20;
	v20 =	vadd.s32 $0x1388, v0  }
0x2b1: {  	v21 =	vld [tilespmem:s17+$0xFFFFFFE0];
	[tilespmem:s14+$0x180] =	vst v19  }
0x2b2: {  	v19 =	vld.idx.msk [tilespmem:v12+s28+$0x0], $0xffff;
	[tilespmem:s6+$0x380] =	vst v16;
	s6 =	smov.u32 s29  }
0x2b3: {  	v16 =	vld.idx.msk [tilespmem:v13+s28+$0x0], $0xffff;
	[tilespmem:s21+$0x380] =	vst v14;
	s21 =	smov.u32 s4;
	s4 =	smov.u32 s14  }
0x2b4: {  	v14 =	vadd.s32 $0x3E8, v15;
	v23 =	vadd.s32 $0x7D0, v15;
	v24 =	vadd.s32 $0xBB8, v15;
	v25 =	vld.idx.msk [tilespmem:v11+s28+$0x0], $0xffff;
	[tilespmem:s12+$0x200] =	vst v17  }
0x2b5: {  	v17 =	vadd.s32 $0x3E8, v18;
	v26 =	vadd.s32 $0x7D0, v18;
	v27 =	vadd.s32 $0xBB8, v18;
	v20 =	vld.idx.msk [tilespmem:v20+s28+$0x0], $0xffff  }
0x2b6: {  	v28 =	vadd.s32 $0x3E8, v21;
	v29 =	vadd.s32 $0x7D0, v21;
	v30 =	vadd.s32 $0xBB8, v21;
	v31 =	vld.idx.msk [tilespmem:v22+s28+$0x0], $0xffff  }
0x2b7: {  	v33 =	vadd.s32 $0x1770, v0;
	v13 =	vadd.s32 $0xFA0, v15;
	v12 =	vadd.s32 $0xFA0, v21;
	v32 =	vld.idx.msk [tilespmem:v15+s28+$0x0], $0xffff  }
0x2b8: {  	s23 =	sadd.s32 $0x200, s23;
	v36 =	vadd.s32 $0x3E8, v22;
	v11 =	vadd.s32 $0xFA0, v18;
	v34 =	vadd.s32 $0x1388, v21;
	v35 =	vld.idx.msk [tilespmem:v18+s28+$0x0], $0xffff;
	[tilespmem:s11+$0x200] =	vst v19  }
0x2b9: {  	s0 =	sadd.s32 $0x40, s0;
	s9 =	sand.u32 $0x3C00, s23;
	v38 =	vadd.s32 $0x1388, v15;
	v39 =	vadd.s32 $0x1388, v18;
	v37 =	vadd.s32 $0x1770, v21;
	v19 =	vld.idx.msk [tilespmem:v21+s28+$0x0], $0xffff;
	[tilespmem:s6+$0x200] =	vst v16  }
0x2ba: {  	s18 =	sadd.s32 $0x14D00, s9;
	s9 =	sand.u32 $0x70, s0;
	s14 =	sadd.s32 $0xFFFFFFD0, s0;
	v40 =	vadd.s32 $0x1770, v18;
	v16 =	vadd.s32 $0x1B58, v21;
	v21 =	vadd.s32 $0x1770, v15;
	v41 =	vld.idx.msk [tilespmem:v8+s28+$0x0], $0xffff;
	[tilespmem:s4+$0x200] =	vst v25;
	v8 =	vmovc v34  }
0x2bb: {  	s22 =	sadd.s32 $0xFFFFFFE0, s0;
	s24 =	sadd.s32 $0xFFFFFFF0, s0;
	s26 =	sor.u32 s9, s18;
	v25 =	vadd.s32 $0x1B58, v15;
	v15 =	vadd.s32 $0x1B58, v18;
	v18 =	vld.idx.msk [tilespmem:v9+s28+$0x0], $0xffff;
	[tilespmem:s12+$0x280] =	vst v20;
	v9 =	vmov v38  }
0x2bc: {  	s9 =	sand.u32 $0x40, s14;
	s14 =	sand.u32 $0x50, s22;
	s22 =	sand.u32 $0x60, s24;
	[tilespmem:s26+$0x0] =	vst v31;
	v20 =	vld.idx.msk [tilespmem:v33+s28+$0x0], $0xffff  }
0x2bd: {  	s9 =	sor.u32 s9, s18;
	s29 =	sor.u32 s14, s18;
	s14 =	sor.u32 s22, s18;
	v31 =	vld.idx.msk [tilespmem:v36+s28+$0x0], $0xffff  }
0x2be: {  	v33 =	vadd.s32 $0x1B58, v0;
	v0 =	vmov v22;
	[tilespmem:s29+$0x0] =	vst v32;
	v32 =	vld.idx.msk [tilespmem:v10+s28+$0x0], $0xffff;
	v10 =	vmov v39  }
0x2bf: {  	[tilespmem:s9+$0x0] =	vst v19;
	v14 =	vld.idx.msk [tilespmem:v14+s28+$0x0], $0xffff;
	v19 =	vadd.s32 $0x7D0, v0  }
0x2c0: {  	v22 =	vld.idx.msk [tilespmem:v28+s28+$0x0], $0xffff;
	[tilespmem:s14+$0x0] =	vst v35  }
0x2c1: {  	v17 =	vld.idx.msk [tilespmem:v17+s28+$0x0], $0xffff;
	[tilespmem:s11+$0x280] =	vst v41  }
0x2c2: {  	v28 =	vld.idx.msk [tilespmem:v5+s28+$0x0], $0xffff;
	[tilespmem:s12+$0x300] =	vst v20;
	v5 =	vmov v37  }
0x2c3: {  	[tilespmem:s26+$0x80] =	vst v31;
	v20 =	vld.idx.msk [tilespmem:v33+s28+$0x0], $0xffff  }
0x2c4: {  	v19 =	vld.idx.msk [tilespmem:v19+s28+$0x0], $0xffff;
	[tilespmem:s6+$0x280] =	vst v18  }
0x2c5: {  	[tilespmem:s29+$0x80] =	vst v14;
	v31 =	vld.idx.msk [tilespmem:v7+s28+$0x0], $0xffff;
	v7 =	vmov v21  }
0x2c6: {  	v21 =	vadd.s32 $0xBB8, v0;
	[tilespmem:s9+$0x80] =	vst v22;
	v18 =	vld.idx.msk [tilespmem:v23+s28+$0x0], $0xffff  }
0x2c7: {  	v22 =	vld.idx.msk [tilespmem:v29+s28+$0x0], $0xffff;
	[tilespmem:s14+$0x80] =	vst v17  }
0x2c8: {  	v23 =	vld.idx.msk [tilespmem:v26+s28+$0x0], $0xffff;
	[tilespmem:s4+$0x280] =	vst v32  }
0x2c9: {  	v26 =	vld.idx.msk [tilespmem:v6+s28+$0x0], $0xffff;
	[tilespmem:s12+$0x380] =	vst v20;
	v6 =	vmov v40;
	s12 =	smov.u32 s26  }
0x2ca: {  	[tilespmem:s12+$0x100] =	vst v19;
	v14 =	vld.idx.msk [tilespmem:v1+s28+$0x0], $0xffff;
	v1 =	vmov v2;
	v2 =	vmov v15  }
0x2cb: {  	v17 =	vld.idx.msk [tilespmem:v21+s28+$0x0], $0xffff;
	[tilespmem:s11+$0x300] =	vst v28  }
.Ltmp5:
0x2cc: {  	[tilespmem:s29+$0x100] =	vst v18;
	v15 =	vld.idx.msk [tilespmem:v3+s28+$0x0], $0xffff;
	v3 =	vmov v16;
	(pc) =	sbr.rel @p1 .LBB2_12-.Ltmp5, $4  }
0x2cd: {  	v21 =	vadd.s32 $0xFA0, v0;
	[tilespmem:s9+$0x100] =	vst v22;
	v18 =	vld.idx.msk [tilespmem:v24+s28+$0x0], $0xffff  }
0x2ce: {  	v20 =	vld.idx.msk [tilespmem:v30+s28+$0x0], $0xffff;
	[tilespmem:s14+$0x100] =	vst v23  }
0x2cf: {  	v19 =	vld.idx.msk [tilespmem:v27+s28+$0x0], $0xffff;
	[tilespmem:s6+$0x300] =	vst v31  }
0x2d0: {  	s17 =	sadd.s32 $0x40, s17;
	v16 =	vld.idx.msk [tilespmem:v4+s28+$0x0], $0xffff;
	[tilespmem:s4+$0x300] =	vst v26;
	v4 =	vmov v25  }
0x2d1: {  	_ =	sdelay $0x2  }
0x2d2: {  	[tilespmem:s12+$0x180] =	vst v17  }
0x2d3: {  	v17 =	vld.idx.msk [tilespmem:v21+s28+$0x0], $0xffff;
	[tilespmem:s29+$0x180] =	vst v18  }
0x2d4: {  	v60 =	vadd.s32 $0x1388, v0;
	[tilespmem:s9+$0x180] =	vst v20;
	v13 =	vld.idx.msk [tilespmem:v13+s28+$0x0], $0xffff  }
0x2d5: {  	v12 =	vld.idx.msk [tilespmem:v12+s28+$0x0], $0xffff;
	_ =	sdelay $0x1  }
0x2d6: {  	[tilespmem:s14+$0x180] =	vst v19  }
0x2d7: {  	v11 =	vld.idx.msk [tilespmem:v11+s28+$0x0], $0xffff;
	[tilespmem:s12+$0x200] =	vst v17  }
0x2d8: {  	v17 =	vld.idx.msk [tilespmem:v60+s28+$0x0], $0xffff;
	[tilespmem:s29+$0x200] =	vst v13  }
0x2d9: {  	v61 =	vadd.s32 $0x1770, v0;
	[tilespmem:s9+$0x200] =	vst v12;
	v9 =	vld.idx.msk [tilespmem:v9+s28+$0x0], $0xffff  }
0x2da: {  	v8 =	vld.idx.msk [tilespmem:v8+s28+$0x0], $0xffff;
	_ =	sdelay $0x1  }
0x2db: {  	[tilespmem:s14+$0x200] =	vst v11  }
0x2dc: {  	v10 =	vld.idx.msk [tilespmem:v10+s28+$0x0], $0xffff;
	[tilespmem:s12+$0x280] =	vst v17  }
0x2dd: {  	v62 =	vld.idx.msk [tilespmem:v61+s28+$0x0], $0xffff;
	[tilespmem:s29+$0x280] =	vst v9  }
0x2de: {  	v63 =	vadd.s32 $0x1B58, v0;
	[tilespmem:s9+$0x280] =	vst v8;
	v7 =	vld.idx.msk [tilespmem:v7+s28+$0x0], $0xffff  }
0x2df: {  	v5 =	vld.idx.msk [tilespmem:v5+s28+$0x0], $0xffff  }
0x2e0: {  	[tilespmem:s11+$0x380] =	vst v15  }
0x2e1: {  	[tilespmem:s14+$0x280] =	vst v10  }
0x2e2: {  	v6 =	vld.idx.msk [tilespmem:v6+s28+$0x0], $0xffff;
	[tilespmem:s12+$0x300] =	vst v62  }
0x2e3: {  	v0 =	vld.idx.msk [tilespmem:v63+s28+$0x0], $0xffff;
	[tilespmem:s29+$0x300] =	vst v7  }
0x2e4: {  	[tilespmem:s9+$0x300] =	vst v5;
	v4 =	vld.idx.msk [tilespmem:v4+s28+$0x0], $0xffff  }
0x2e5: {  	[tilespmem:s21+$0x380] =	vst v14;
	v3 =	vld.idx.msk [tilespmem:v3+s28+$0x0], $0xffff  }
0x2e6: {  	[tilespmem:s6+$0x380] =	vst v16  }
0x2e7: {  	[tilespmem:s14+$0x300] =	vst v6  }
0x2e8: {  	v1 =	vld.idx.msk [tilespmem:v1+s28+$0x0], $0xffff;
	[tilespmem:s12+$0x380] =	vst v0  }
0x2e9: {  	v2 =	vld.idx.msk [tilespmem:v2+s28+$0x0], $0xffff;
	[tilespmem:s29+$0x380] =	vst v4  }
0x2ea: {  	[tilespmem:s9+$0x380] =	vst v3  }
0x2eb: {  	s0 =	rddreg [dreg:$0xd]  }
0x2ec: {  	s0 =	sadd.s32 s0, s20  }
0x2ed: {  	[tilespmem:s4+$0x380] =	vst v1;
	s0 =	sshrl.u32 s0, $0x3  }
0x2ee: {  	s29 =	simm.s32 $0x14D00;
	[tilespmem:s14+$0x380] =	vst v2;
	s0 =	sadd.s32 s2, s0  }
0x2ef: {  	[hbm4b:s0+s3] =	stream.linear.scatter [tilespmem:s29], [sflag:$0x4], $0x4000, $0x38;
	[tilespmem:$0x1B8F8] =	vst v63  }
.LBB2_14:
0x2f0: {  	p1 =	seq.s32 s15, $0x13  }
0x2f1: {  	s4 =	rddreg [dreg:$0xe];
	s0 =	sshll.u32 @!p1 s15, $0x9  }
0x2f2: {  	s6 =	simm.s32 @!p1 $0x7D00;
	s0 =	sadd.s32 @!p1 s0, s4;
	s4 =	simm.s32 @!p1 $0x0  }
0x2f3: {  	[tilespmem:s6], [sflag:$0x5] =	stream.linear.gather @!p1 [hbm4b:s0+s4], $0x800, $0x38;
	[tilespmem:$0x1B8F8] =	vst v63  }
0x2f4: {  	_ =	swait.ge [sflag:s1], $0x800  }
0x2f5: {  	[sflag:s1] =	ssyncset.done $0x0  }
0x2f6: {  	[sflag:s1] =	ssyncadd.s32 $0xFFFFF800  }
0x2f7: {  	_ =	swait.ge [sflag:s5], $0x4000  }
0x2f8: {  	[sflag:s5] =	ssyncset.done $0x0  }
0x2f9: {  	s22 =	simm.s32 $0x8520;
	[sflag:s5] =	ssyncadd.s32 $0xFFFFC000  }
0x2fa: {  	v7 =	vld [tilespmem:s22+$0x10]  }
0x2fb: {  	v6 =	vld [tilespmem:s22+$0xFFFFFFE0]  }
0x2fc: {  	v0 =	vld [tilespmem:s22+$0xFFFFFFF0];
	_ =	sdelay $0x1  }
0x2fd: {  	v1 =	vld [tilespmem:s22+$0x0];
	_ =	sdelay $0x3  }
0x2fe: {  	v2 =	vld.idx.msk [tilespmem:v7+s3+$0x0], $0xffff  }
0x2ff: {  	s23 =	simm.s32 $0x0;
	v3 =	vadd.s32 $0x3E8, v7;
	v8 =	vld.idx.msk [tilespmem:v6+s3+$0x0], $0xffff  }
0x300: {  	s24 =	simm.s32 $0x30;
	s0 =	sand.u32 $0x3C00, s23;
	v9 =	vadd.s32 $0x3E8, v6;
	v4 =	vld.idx.msk [tilespmem:v0+s3+$0x0], $0xffff  }
0x301: {  	s17 =	simm.s32 $0x0;
	s12 =	sand.u32 $0x70, s24;
	s26 =	sadd.s32 $0x8D00, s0;
	v5 =	vadd.s32 $0x3E8, v0  }
0x302: {  	s14 =	simm.s32 $0x10;
	s9 =	sor.u32 s12, s26;
	s12 =	sand.u32 $0x40, s17;
	v10 =	vld.idx.msk [tilespmem:v1+s3+$0x0], $0xffff  }
0x303: {  	s4 =	sand.u32 $0x50, s14;
	s12 =	sor.u32 s12, s26;
	v11 =	vadd.s32 $0x3E8, v1;
	[tilespmem:s9+$0x0] =	vst v2  }
0x304: {  	s11 =	simm.s32 $0x20;
	s0 =	sor.u32 s4, s26;
	[tilespmem:s12+$0x0] =	vst v8;
	v2 =	vld.idx.msk [tilespmem:v3+s3+$0x0], $0xffff  }
0x305: {  	s18 =	sand.u32 $0x60, s11;
	[tilespmem:s0+$0x0] =	vst v4;
	v3 =	vadd.s32 $0x7D0, v7;
	v8 =	vld.idx.msk [tilespmem:v9+s3+$0x0], $0xffff  }
0x306: {  	s21 =	sor.u32 s18, s26;
	v4 =	vld.idx.msk [tilespmem:v5+s3+$0x0], $0xffff;
	v9 =	vadd.s32 $0x7D0, v6  }
0x307: {  	[tilespmem:s21+$0x0] =	vst v10;
	v5 =	vadd.s32 $0x7D0, v0  }
0x308: {  	v10 =	vld.idx.msk [tilespmem:v11+s3+$0x0], $0xffff  }
0x309: {  	v11 =	vadd.s32 $0x7D0, v1;
	[tilespmem:s9+$0x80] =	vst v2  }
0x30a: {  	[tilespmem:s12+$0x80] =	vst v8;
	v2 =	vld.idx.msk [tilespmem:v3+s3+$0x0], $0xffff  }
0x30b: {  	[tilespmem:s0+$0x80] =	vst v4;
	v3 =	vadd.s32 $0xBB8, v7;
	v8 =	vld.idx.msk [tilespmem:v9+s3+$0x0], $0xffff  }
0x30c: {  	v4 =	vld.idx.msk [tilespmem:v5+s3+$0x0], $0xffff;
	v9 =	vadd.s32 $0xBB8, v6  }
0x30d: {  	s22 =	simm.s32 $0x200;
	[tilespmem:s21+$0x80] =	vst v10  }
0x30e: {  	s24 =	simm.s32 $0x50;
	s23 =	simm.s32 $0x70;
	s4 =	sand.u32 $0x3C00, s22;
	v5 =	vadd.s32 $0xBB8, v0;
	v10 =	vld.idx.msk [tilespmem:v11+s3+$0x0], $0xffff  }
0x30f: {  	s6 =	sand.u32 $0x70, s23;
	s26 =	simm.s32 $0x40;
	s4 =	sadd.s32 $0x8D00, s4;
	v11 =	vadd.s32 $0xBB8, v1;
	[tilespmem:s9+$0x100] =	vst v2  }
0x310: {  	s11 =	sand.u32 $0x50, s24;
	s18 =	sand.u32 $0x40, s26;
	s17 =	sor.u32 s6, s4;
	[tilespmem:s12+$0x100] =	vst v8;
	v2 =	vld.idx.msk [tilespmem:v3+s3+$0x0], $0xffff  }
0x311: {  	s6 =	sor.u32 s11, s4;
	s11 =	sor.u32 s18, s4;
	s18 =	simm.s32 $0x85A0;
	[tilespmem:s0+$0x100] =	vst v4;
	v4 =	vld.idx.msk [tilespmem:v9+s3+$0x0], $0xffff  }
0x312: {  	v21 =	vld [tilespmem:s18+$0xFFFFFFF0];
	v3 =	vadd.s32 $0xFA0, v7  }
0x313: {  	[tilespmem:s21+$0x100] =	vst v10;
	v8 =	vld.idx.msk [tilespmem:v5+s3+$0x0], $0xffff  }
0x314: {  	s19 =	simm.s32 $0x8560;
	v10 =	vadd.s32 $0xFA0, v6;
	v9 =	vld.idx.msk [tilespmem:v11+s3+$0x0], $0xffff  }
0x315: {  	v5 =	vld [tilespmem:s19+$0x10];
	v11 =	vadd.s32 $0xFA0, v0;
	[tilespmem:s9+$0x180] =	vst v2  }
0x316: {  	[tilespmem:s12+$0x180] =	vst v4;
	v4 =	vld [tilespmem:s19+$0xFFFFFFE0]  }
0x317: {  	v13 =	vadd.s32 $0xFA0, v1;
	v12 =	vld.idx.msk [tilespmem:v3+s3+$0x0], $0xffff  }
0x318: {  	v14 =	vadd.s32 $0x1388, v7;
	v3 =	vld [tilespmem:s19+$0xFFFFFFF0]  }
0x319: {  	[tilespmem:s0+$0x180] =	vst v8;
	v8 =	vld.idx.msk [tilespmem:v10+s3+$0x0], $0xffff  }
0x31a: {  	[tilespmem:s21+$0x180] =	vst v9;
	v9 =	vld.idx.msk [tilespmem:v11+s3+$0x0], $0xffff;
	v11 =	vadd.s32 $0x1388, v6  }
0x31b: {  	v2 =	vld [tilespmem:s19+$0x0]  }
0x31c: {  	v10 =	vld.idx.msk [tilespmem:v13+s3+$0x0], $0xffff;
	[tilespmem:s9+$0x200] =	vst v12  }
0x31d: {  	v13 =	vadd.s32 $0x1388, v0;
	v12 =	vld.idx.msk [tilespmem:v14+s3+$0x0], $0xffff  }
0x31e: {  	[tilespmem:s12+$0x200] =	vst v8;
	v14 =	vld.idx.msk [tilespmem:v5+s3+$0x0], $0xffff  }
0x31f: {  	v16 =	vadd.s32 $0x1770, v7;
	[tilespmem:s0+$0x200] =	vst v9;
	v9 =	vld.idx.msk [tilespmem:v11+s3+$0x0], $0xffff  }
0x320: {  	v18 =	vadd.s32 $0x3E8, v5;
	v8 =	vld.idx.msk [tilespmem:v4+s3+$0x0], $0xffff  }
0x321: {  	v19 =	vadd.s32 $0x1388, v1;
	v15 =	vld.idx.msk [tilespmem:v3+s3+$0x0], $0xffff  }
0x322: {  	[tilespmem:s21+$0x200] =	vst v10;
	v11 =	vadd.s32 $0x3E8, v4;
	v13 =	vld.idx.msk [tilespmem:v13+s3+$0x0], $0xffff  }
0x323: {  	v20 =	vadd.s32 $0x3E8, v3;
	v17 =	vld.idx.msk [tilespmem:v2+s3+$0x0], $0xffff;
	[tilespmem:s9+$0x280] =	vst v12  }
0x324: {  	[tilespmem:s17+$0x0] =	vst v14;
	v14 =	vld.idx.msk [tilespmem:v16+s3+$0x0], $0xffff  }
0x325: {  	v12 =	vadd.s32 $0x3E8, v2;
	v10 =	vld.idx.msk [tilespmem:v18+s3+$0x0], $0xffff;
	[tilespmem:s11+$0x0] =	vst v8  }
0x326: {  	s14 =	simm.s32 $0x60;
	v16 =	vadd.s32 $0x1770, v6;
	[tilespmem:s6+$0x0] =	vst v15;
	v15 =	vld.idx.msk [tilespmem:v19+s3+$0x0], $0xffff  }
0x327: {  	s14 =	sand.u32 $0x60, s14;
	[tilespmem:s12+$0x280] =	vst v9;
	v18 =	vadd.s32 $0x7D0, v5;
	v11 =	vld.idx.msk [tilespmem:v11+s3+$0x0], $0xffff  }
0x328: {  	s4 =	sor.u32 s14, s4;
	[tilespmem:s0+$0x280] =	vst v13;
	v19 =	vadd.s32 $0x1770, v0;
	v8 =	vld.idx.msk [tilespmem:v20+s3+$0x0], $0xffff  }
0x329: {  	v22 =	vld [tilespmem:s18+$0x0];
	v9 =	vadd.s32 $0x7D0, v4;
	[tilespmem:s4+$0x0] =	vst v17  }
0x32a: {  	v17 =	vadd.s32 $0x7D0, v3;
	v12 =	vld.idx.msk [tilespmem:v12+s3+$0x0], $0xffff;
	[tilespmem:s9+$0x300] =	vst v14  }
0x32b: {  	v16 =	vld.idx.msk [tilespmem:v16+s3+$0x0], $0xffff;
	v14 =	vadd.s32 $0x7D0, v2;
	[tilespmem:s17+$0x80] =	vst v10  }
0x32c: {  	v10 =	vadd.s32 $0x1770, v1;
	v18 =	vld.idx.msk [tilespmem:v18+s3+$0x0], $0xffff;
	[tilespmem:s11+$0x80] =	vst v11  }
0x32d: {  	v13 =	vadd.s32 $0xBB8, v5;
	[tilespmem:s6+$0x80] =	vst v8;
	v8 =	vld.idx.msk [tilespmem:v19+s3+$0x0], $0xffff  }
0x32e: {  	v0 =	vadd.s32 $0x1B58, v0;
	v9 =	vld.idx.msk [tilespmem:v9+s3+$0x0], $0xffff  }
0x32f: {  	v11 =	vld.idx.msk [tilespmem:v17+s3+$0x0], $0xffff;
	[tilespmem:s4+$0x80] =	vst v12  }
0x330: {  	[tilespmem:s21+$0x280] =	vst v15;
	v17 =	vadd.s32 $0xBB8, v3;
	v14 =	vld.idx.msk [tilespmem:v14+s3+$0x0], $0xffff  }
0x331: {  	v12 =	vadd.s32 $0xBB8, v4;
	v10 =	vld.idx.msk [tilespmem:v10+s3+$0x0], $0xffff;
	[tilespmem:s17+$0x100] =	vst v18  }
0x332: {  	v15 =	vadd.s32 $0xBB8, v2;
	v13 =	vld.idx.msk [tilespmem:v13+s3+$0x0], $0xffff;
	[tilespmem:s0+$0x300] =	vst v8  }
0x333: {  	v6 =	vadd.s32 $0x1B58, v6;
	v8 =	vld.idx.msk [tilespmem:v0+s3+$0x0], $0xffff  }
0x334: {  	v7 =	vadd.s32 $0x1B58, v7;
	[tilespmem:s6+$0x100] =	vst v11;
	v0 =	vld [tilespmem:s18+$0x10]  }
0x335: {  	[tilespmem:s11+$0x100] =	vst v9;
	v9 =	vld.idx.msk [tilespmem:v17+s3+$0x0], $0xffff  }
0x336: {  	v11 =	vadd.s32 $0xFA0, v5;
	v12 =	vld.idx.msk [tilespmem:v12+s3+$0x0], $0xffff;
	[tilespmem:s4+$0x100] =	vst v14  }
0x337: {  	[tilespmem:s12+$0x300] =	vst v16;
	v14 =	vld.idx.msk [tilespmem:v15+s3+$0x0], $0xffff;
	v15 =	vadd.s32 $0xFA0, v4  }
0x338: {  	v6 =	vld.idx.msk [tilespmem:v6+s3+$0x0], $0xffff  }
0x339: {  	v7 =	vld.idx.msk [tilespmem:v7+s3+$0x0], $0xffff;
	[tilespmem:s17+$0x180] =	vst v13;
	v13 =	vadd.s32 $0xFA0, v3  }
0x33a: {  	v19 =	vld [tilespmem:s18+$0xFFFFFFE0];
	v16 =	vadd.s32 $0xFA0, v2;
	[tilespmem:s21+$0x300] =	vst v10  }
0x33b: {  	v11 =	vld.idx.msk [tilespmem:v11+s3+$0x0], $0xffff;
	[tilespmem:s11+$0x180] =	vst v12  }
0x33c: {  	[tilespmem:s6+$0x180] =	vst v9;
	v9 =	vld.idx.msk [tilespmem:v15+s3+$0x0], $0xffff  }
0x33d: {  	v17 =	vadd.s32 $0x1388, v5;
	[tilespmem:s12+$0x380] =	vst v6;
	v10 =	vld.idx.msk [tilespmem:v0+s3+$0x0], $0xffff  }
0x33e: {  	[tilespmem:s4+$0x180] =	vst v14;
	v12 =	vld.idx.msk [tilespmem:v13+s3+$0x0], $0xffff  }
0x33f: {  	s23 =	simm.s32 $0x400;
	[tilespmem:s0+$0x380] =	vst v8;
	v13 =	vld.idx.msk [tilespmem:v16+s3+$0x0], $0xffff;
	v16 =	vadd.s32 $0x3E8, v0  }
0x340: {  	s19 =	sand.u32 $0x3C00, s23;
	v6 =	vld.idx.msk [tilespmem:v21+s3+$0x0], $0xffff;
	s0 =	simm.s32 $0xB0;
	[tilespmem:s17+$0x200] =	vst v11;
	v11 =	vadd.s32 $0x1388, v4  }
0x341: {  	[tilespmem:s9+$0x380] =	vst v7;
	s18 =	sadd.s32 $0x8D00, s19;
	v8 =	vld.idx.msk [tilespmem:v22+s3+$0x0], $0xffff;
	s22 =	sand.u32 $0x70, s0;
	v14 =	vadd.s32 $0x1388, v3  }
0x342: {  	s12 =	sor.u32 s22, s18;
	v7 =	vld.idx.msk [tilespmem:v17+s3+$0x0], $0xffff;
	v17 =	vadd.s32 $0x1388, v2;
	[tilespmem:s11+$0x200] =	vst v9  }
0x343: {  	s24 =	simm.s32 $0x90;
	v15 =	vadd.s32 $0x1770, v5;
	v9 =	vld.idx.msk [tilespmem:v19+s3+$0x0], $0xffff;
	[tilespmem:s12+$0x0] =	vst v10  }
0x344: {  	s14 =	sand.u32 $0x50, s24;
	v18 =	vadd.s32 $0x3E8, v21;
	[tilespmem:s4+$0x200] =	vst v13;
	v13 =	vld.idx.msk [tilespmem:v16+s3+$0x0], $0xffff  }
0x345: {  	s14 =	sor.u32 s14, s18;
	[tilespmem:s6+$0x200] =	vst v12;
	v12 =	vadd.s32 $0x3E8, v19;
	v11 =	vld.idx.msk [tilespmem:v11+s3+$0x0], $0xffff  }
0x346: {  	s26 =	simm.s32 $0x80;
	[tilespmem:s14+$0x0] =	vst v6;
	v16 =	vadd.s32 $0x7D0, v0;
	v14 =	vld.idx.msk [tilespmem:v14+s3+$0x0], $0xffff  }
0x347: {  	v1 =	vadd.s32 $0x1B58, v1;
	s9 =	sand.u32 $0x40, s26;
	[tilespmem:s17+$0x280] =	vst v7;
	v6 =	vld.idx.msk [tilespmem:v17+s3+$0x0], $0xffff  }
0x348: {  	s19 =	simm.s32 $0xA0;
	s9 =	sor.u32 s9, s18;
	v7 =	vadd.s32 $0x3E8, v22;
	v10 =	vld.idx.msk [tilespmem:v15+s3+$0x0], $0xffff  }
0x349: {  	s19 =	sand.u32 $0x60, s19;
	v17 =	vadd.s32 $0x1770, v3;
	[tilespmem:s9+$0x0] =	vst v9;
	v9 =	vld.idx.msk [tilespmem:v18+s3+$0x0], $0xffff  }
0x34a: {  	s29 =	sor.u32 s19, s18;
	v15 =	vadd.s32 $0x1770, v4;
	v12 =	vld.idx.msk [tilespmem:v12+s3+$0x0], $0xffff;
	[tilespmem:s12+$0x80] =	vst v13  }
0x34b: {  	v5 =	vadd.s32 $0x1B58, v5;
	[tilespmem:s29+$0x0] =	vst v8;
	v16 =	vld.idx.msk [tilespmem:v16+s3+$0x0], $0xffff  }
0x34c: {  	v8 =	vadd.s32 $0x7D0, v21;
	[tilespmem:s6+$0x280] =	vst v14;
	v14 =	vld.idx.msk [tilespmem:v1+s3+$0x0], $0xffff  }
0x34d: {  	[tilespmem:s11+$0x280] =	vst v11;
	v11 =	vadd.s32 $0x7D0, v19;
	v7 =	vld.idx.msk [tilespmem:v7+s3+$0x0], $0xffff  }
0x34e: {  	v13 =	vadd.s32 $0x1770, v2;
	v23 =	vld.idx.msk [tilespmem:v17+s3+$0x0], $0xffff;
	[tilespmem:s4+$0x280] =	vst v6  }
0x34f: {  	v15 =	vld.idx.msk [tilespmem:v15+s3+$0x0], $0xffff;
	[tilespmem:s17+$0x300] =	vst v10;
	v10 =	vadd.s32 $0x7D0, v22  }
0x350: {  	v5 =	vld.idx.msk [tilespmem:v5+s3+$0x0], $0xffff;
	[tilespmem:s14+$0x80] =	vst v9;
	v9 =	vadd.s32 $0xBB8, v0  }
0x351: {  	v4 =	vadd.s32 $0x1B58, v4;
	[tilespmem:s9+$0x80] =	vst v12;
	v8 =	vld.idx.msk [tilespmem:v8+s3+$0x0], $0xffff  }
0x352: {  	v18 =	vld.idx.msk [tilespmem:v11+s3+$0x0], $0xffff;
	[tilespmem:s29+$0x80] =	vst v7;
	v7 =	vadd.s32 $0xBB8, v21  }
0x353: {  	v25 =	vld.idx.msk [tilespmem:v13+s3+$0x0], $0xffff;
	[tilespmem:s12+$0x100] =	vst v16;
	v16 =	vadd.s32 $0x1B58, v3  }
0x354: {  	v6 =	vadd.s32 $0xBB8, v19;
	[tilespmem:s6+$0x300] =	vst v23;
	v24 =	vld.idx.msk [tilespmem:v10+s3+$0x0], $0xffff  }
0x355: {  	v26 =	vadd.s32 $0xBB8, v22;
	[tilespmem:s11+$0x300] =	vst v15;
	v17 =	vld.idx.msk [tilespmem:v9+s3+$0x0], $0xffff  }
0x356: {  	v13 =	vadd.s32 $0xFA0, v21;
	v15 =	vld.idx.msk [tilespmem:v4+s3+$0x0], $0xffff;
	v9 =	vadd.s32 $0x1388, v21;
	[tilespmem:s14+$0x100] =	vst v8  }
0x357: {  	v4 =	vadd.s32 $0x1B58, v21;
	[tilespmem:s9+$0x100] =	vst v18;
	v18 =	vld.idx.msk [tilespmem:v7+s3+$0x0], $0xffff;
	v7 =	vadd.s32 $0x1770, v21;
	v21 =	vadd.s32 $0xFA0, v0  }
0x358: {  	v1 =	vadd.s32 $0x1B58, v2;
	v2 =	vadd.s32 $0x1B58, v22;
	v12 =	vadd.s32 $0xFA0, v19;
	[tilespmem:s17+$0x380] =	vst v5;
	v16 =	vld.idx.msk [tilespmem:v16+s3+$0x0], $0xffff  }
0x359: {  	v11 =	vadd.s32 $0xFA0, v22;
	v3 =	vadd.s32 $0x1B58, v19;
	v10 =	vadd.s32 $0x1388, v22;
	v20 =	vld.idx.msk [tilespmem:v6+s3+$0x0], $0xffff;
	[tilespmem:s29+$0x100] =	vst v24  }
0x35a: {  	s19 =	simm.s32 $0x8;
	v5 =	vadd.s32 $0x1770, v19;
	s17 =	simm.s32 $0x85E0;
	v8 =	vadd.s32 $0x1388, v19;
	[tilespmem:s4+$0x300] =	vst v25;
	v6 =	vadd.s32 $0x1770, v22;
	v19 =	vld.idx.msk [tilespmem:v26+s3+$0x0], $0xffff  }
.LBB2_15:
0x35b: {  	v22 =	vld [tilespmem:s17+$0x10];
	[tilespmem:s12+$0x180] =	vst v17  }
0x35c: {  	s19 =	sadd.s32 $0x4, s19;
	v17 =	vld.idx.msk [tilespmem:v21+s3+$0x0], $0xffff;
	[tilespmem:s11+$0x380] =	vst v15;
	s11 =	smov.u32 s9  }
0x35d: {  	p2 =	slt.u32 s19, $0x7C;
	v15 =	vld [tilespmem:s17+$0xFFFFFFF0];
	[tilespmem:s14+$0x180] =	vst v18  }
0x35e: {  	v18 =	vld [tilespmem:s17+$0x0];
	[tilespmem:s11+$0x180] =	vst v20;
	v20 =	vadd.s32 $0x1388, v0  }
0x35f: {  	v21 =	vld [tilespmem:s17+$0xFFFFFFE0];
	[tilespmem:s29+$0x180] =	vst v19  }
0x360: {  	v19 =	vld.idx.msk [tilespmem:v12+s3+$0x0], $0xffff;
	[tilespmem:s6+$0x380] =	vst v16;
	s6 =	smov.u32 s14  }
0x361: {  	v16 =	vld.idx.msk [tilespmem:v13+s3+$0x0], $0xffff;
	[tilespmem:s21+$0x380] =	vst v14;
	s21 =	smov.u32 s4;
	s4 =	smov.u32 s29  }
0x362: {  	v14 =	vadd.s32 $0x3E8, v15;
	v23 =	vadd.s32 $0x7D0, v15;
	v24 =	vadd.s32 $0xBB8, v15;
	v25 =	vld.idx.msk [tilespmem:v11+s3+$0x0], $0xffff;
	[tilespmem:s12+$0x200] =	vst v17  }
0x363: {  	v17 =	vadd.s32 $0x3E8, v18;
	v26 =	vadd.s32 $0x7D0, v18;
	v27 =	vadd.s32 $0xBB8, v18;
	v20 =	vld.idx.msk [tilespmem:v20+s3+$0x0], $0xffff  }
0x364: {  	v28 =	vadd.s32 $0x3E8, v21;
	v29 =	vadd.s32 $0x7D0, v21;
	v30 =	vadd.s32 $0xBB8, v21;
	v31 =	vld.idx.msk [tilespmem:v22+s3+$0x0], $0xffff  }
0x365: {  	v33 =	vadd.s32 $0x1770, v0;
	v13 =	vadd.s32 $0xFA0, v15;
	v12 =	vadd.s32 $0xFA0, v21;
	v32 =	vld.idx.msk [tilespmem:v15+s3+$0x0], $0xffff  }
0x366: {  	s23 =	sadd.s32 $0x200, s23;
	v36 =	vadd.s32 $0x3E8, v22;
	v11 =	vadd.s32 $0xFA0, v18;
	v34 =	vadd.s32 $0x1388, v21;
	v35 =	vld.idx.msk [tilespmem:v18+s3+$0x0], $0xffff;
	[tilespmem:s11+$0x200] =	vst v19  }
0x367: {  	s0 =	sadd.s32 $0x40, s0;
	s9 =	sand.u32 $0x3C00, s23;
	v38 =	vadd.s32 $0x1388, v15;
	v39 =	vadd.s32 $0x1388, v18;
	v37 =	vadd.s32 $0x1770, v21;
	v19 =	vld.idx.msk [tilespmem:v21+s3+$0x0], $0xffff;
	[tilespmem:s6+$0x200] =	vst v16  }
0x368: {  	s18 =	sadd.s32 $0x8D00, s9;
	s9 =	sand.u32 $0x70, s0;
	s14 =	sadd.s32 $0xFFFFFFD0, s0;
	v40 =	vadd.s32 $0x1770, v18;
	v16 =	vadd.s32 $0x1B58, v21;
	v21 =	vadd.s32 $0x1770, v15;
	v41 =	vld.idx.msk [tilespmem:v8+s3+$0x0], $0xffff;
	[tilespmem:s4+$0x200] =	vst v25;
	v8 =	vmovc v34  }
0x369: {  	s22 =	sadd.s32 $0xFFFFFFE0, s0;
	s24 =	sadd.s32 $0xFFFFFFF0, s0;
	s26 =	sor.u32 s9, s18;
	v25 =	vadd.s32 $0x1B58, v15;
	v15 =	vadd.s32 $0x1B58, v18;
	v18 =	vld.idx.msk [tilespmem:v9+s3+$0x0], $0xffff;
	[tilespmem:s12+$0x280] =	vst v20;
	v9 =	vmov v38  }
0x36a: {  	s9 =	sand.u32 $0x40, s14;
	s14 =	sand.u32 $0x50, s22;
	s22 =	sand.u32 $0x60, s24;
	[tilespmem:s26+$0x0] =	vst v31;
	v20 =	vld.idx.msk [tilespmem:v33+s3+$0x0], $0xffff  }
0x36b: {  	s9 =	sor.u32 s9, s18;
	s14 =	sor.u32 s14, s18;
	s29 =	sor.u32 s22, s18;
	v31 =	vld.idx.msk [tilespmem:v36+s3+$0x0], $0xffff  }
0x36c: {  	v33 =	vadd.s32 $0x1B58, v0;
	v0 =	vmov v22;
	[tilespmem:s14+$0x0] =	vst v32;
	v32 =	vld.idx.msk [tilespmem:v10+s3+$0x0], $0xffff;
	v10 =	vmov v39  }
0x36d: {  	[tilespmem:s9+$0x0] =	vst v19;
	v14 =	vld.idx.msk [tilespmem:v14+s3+$0x0], $0xffff;
	v19 =	vadd.s32 $0x7D0, v0  }
0x36e: {  	v22 =	vld.idx.msk [tilespmem:v28+s3+$0x0], $0xffff;
	[tilespmem:s29+$0x0] =	vst v35  }
0x36f: {  	v17 =	vld.idx.msk [tilespmem:v17+s3+$0x0], $0xffff;
	[tilespmem:s11+$0x280] =	vst v41  }
0x370: {  	v28 =	vld.idx.msk [tilespmem:v5+s3+$0x0], $0xffff;
	[tilespmem:s12+$0x300] =	vst v20;
	v5 =	vmov v37  }
0x371: {  	[tilespmem:s26+$0x80] =	vst v31;
	v20 =	vld.idx.msk [tilespmem:v33+s3+$0x0], $0xffff  }
0x372: {  	v19 =	vld.idx.msk [tilespmem:v19+s3+$0x0], $0xffff;
	[tilespmem:s6+$0x280] =	vst v18  }
0x373: {  	[tilespmem:s14+$0x80] =	vst v14;
	v31 =	vld.idx.msk [tilespmem:v7+s3+$0x0], $0xffff;
	v7 =	vmov v21  }
0x374: {  	v21 =	vadd.s32 $0xBB8, v0;
	[tilespmem:s9+$0x80] =	vst v22;
	v18 =	vld.idx.msk [tilespmem:v23+s3+$0x0], $0xffff  }
0x375: {  	v22 =	vld.idx.msk [tilespmem:v29+s3+$0x0], $0xffff;
	[tilespmem:s29+$0x80] =	vst v17  }
0x376: {  	v23 =	vld.idx.msk [tilespmem:v26+s3+$0x0], $0xffff;
	[tilespmem:s4+$0x280] =	vst v32  }
0x377: {  	v26 =	vld.idx.msk [tilespmem:v6+s3+$0x0], $0xffff;
	[tilespmem:s12+$0x380] =	vst v20;
	v6 =	vmov v40;
	s12 =	smov.u32 s26  }
0x378: {  	[tilespmem:s12+$0x100] =	vst v19;
	v14 =	vld.idx.msk [tilespmem:v1+s3+$0x0], $0xffff;
	v1 =	vmov v2;
	v2 =	vmov v15  }
0x379: {  	v17 =	vld.idx.msk [tilespmem:v21+s3+$0x0], $0xffff;
	[tilespmem:s11+$0x300] =	vst v28  }
.Ltmp6:
0x37a: {  	[tilespmem:s14+$0x100] =	vst v18;
	v15 =	vld.idx.msk [tilespmem:v3+s3+$0x0], $0xffff;
	v3 =	vmov v16;
	(pc) =	sbr.rel @p2 .LBB2_15-.Ltmp6, $4  }
0x37b: {  	v21 =	vadd.s32 $0xFA0, v0;
	[tilespmem:s9+$0x100] =	vst v22;
	v18 =	vld.idx.msk [tilespmem:v24+s3+$0x0], $0xffff  }
0x37c: {  	v20 =	vld.idx.msk [tilespmem:v30+s3+$0x0], $0xffff;
	[tilespmem:s29+$0x100] =	vst v23  }
0x37d: {  	v19 =	vld.idx.msk [tilespmem:v27+s3+$0x0], $0xffff;
	[tilespmem:s6+$0x300] =	vst v31  }
0x37e: {  	s17 =	sadd.s32 $0x40, s17;
	v16 =	vld.idx.msk [tilespmem:v4+s3+$0x0], $0xffff;
	[tilespmem:s4+$0x300] =	vst v26;
	v4 =	vmov v25  }
0x37f: {  	_ =	sdelay $0x2  }
0x380: {  	[tilespmem:s12+$0x180] =	vst v17  }
0x381: {  	v17 =	vld.idx.msk [tilespmem:v21+s3+$0x0], $0xffff;
	[tilespmem:s14+$0x180] =	vst v18  }
0x382: {  	v18 =	vadd.s32 $0x1388, v0;
	[tilespmem:s9+$0x180] =	vst v20;
	v13 =	vld.idx.msk [tilespmem:v13+s3+$0x0], $0xffff  }
0x383: {  	v12 =	vld.idx.msk [tilespmem:v12+s3+$0x0], $0xffff;
	[tilespmem:s29+$0x180] =	vst v19  }
0x384: {  	v11 =	vld.idx.msk [tilespmem:v11+s3+$0x0], $0xffff;
	_ =	sdelay $0x1  }
0x385: {  	[tilespmem:s12+$0x200] =	vst v17  }
0x386: {  	v17 =	vld.idx.msk [tilespmem:v18+s3+$0x0], $0xffff;
	[tilespmem:s14+$0x200] =	vst v13  }
0x387: {  	[tilespmem:s9+$0x200] =	vst v12;
	v12 =	vadd.s32 $0x1770, v0;
	v9 =	vld.idx.msk [tilespmem:v9+s3+$0x0], $0xffff  }
0x388: {  	v8 =	vld.idx.msk [tilespmem:v8+s3+$0x0], $0xffff;
	[tilespmem:s29+$0x200] =	vst v11  }
0x389: {  	v10 =	vld.idx.msk [tilespmem:v10+s3+$0x0], $0xffff;
	_ =	sdelay $0x1  }
0x38a: {  	[tilespmem:s12+$0x280] =	vst v17  }
0x38b: {  	v11 =	vld.idx.msk [tilespmem:v12+s3+$0x0], $0xffff;
	[tilespmem:s14+$0x280] =	vst v9  }
0x38c: {  	v0 =	vadd.s32 $0x1B58, v0;
	[tilespmem:s9+$0x280] =	vst v8;
	v7 =	vld.idx.msk [tilespmem:v7+s3+$0x0], $0xffff  }
0x38d: {  	v5 =	vld.idx.msk [tilespmem:v5+s3+$0x0], $0xffff;
	[tilespmem:s29+$0x280] =	vst v10  }
0x38e: {  	[tilespmem:s11+$0x380] =	vst v15;
	v6 =	vld.idx.msk [tilespmem:v6+s3+$0x0], $0xffff  }
0x38f: {  	[tilespmem:s21+$0x380] =	vst v14  }
0x390: {  	v1 =	vld.idx.msk [tilespmem:v1+s3+$0x0], $0xffff;
	[tilespmem:s12+$0x300] =	vst v11  }
0x391: {  	v0 =	vld.idx.msk [tilespmem:v0+s3+$0x0], $0xffff;
	[tilespmem:s14+$0x300] =	vst v7  }
0x392: {  	[tilespmem:s9+$0x300] =	vst v5;
	v4 =	vld.idx.msk [tilespmem:v4+s3+$0x0], $0xffff  }
0x393: {  	v3 =	vld.idx.msk [tilespmem:v3+s3+$0x0], $0xffff;
	[tilespmem:s29+$0x300] =	vst v6  }
0x394: {  	[tilespmem:s6+$0x380] =	vst v16;
	v2 =	vld.idx.msk [tilespmem:v2+s3+$0x0], $0xffff  }
0x395: {  	[tilespmem:s4+$0x380] =	vst v1  }
0x396: {  	s20 =	sor.u32 $0x4000, s20;
	[tilespmem:s12+$0x380] =	vst v0  }
0x397: {  	s0 =	sadd.s32 s10, s20;
	[tilespmem:s14+$0x380] =	vst v4  }
0x398: {  	s0 =	sshrl.u32 s0, $0x3;
	[tilespmem:s9+$0x380] =	vst v3  }
0x399: {  	s17 =	simm.s32 $0x0;
	s18 =	simm.s32 $0x8D00;
	s0 =	sadd.s32 s2, s0;
	[tilespmem:s29+$0x380] =	vst v2  }
0x39a: {  	[hbm4b:s0+s17] =	stream.linear.scatter [tilespmem:s18], [sflag:$0x1], $0x4000, $0x38;
	[tilespmem:$0x1B8F8] =	vst v63  }
0x39b: {  	_ =	swait.ge [sflag:s7], $0x4000  }
0x39c: {  	[sflag:s7] =	ssyncset.done $0x0  }
0x39d: {  	s19 =	simm.s32 $0x8520;
	[sflag:s7] =	ssyncadd.s32 $0xFFFFC000  }
0x39e: {  	v7 =	vld [tilespmem:s19+$0x10]  }
0x39f: {  	v6 =	vld [tilespmem:s19+$0xFFFFFFE0]  }
0x3a0: {  	v0 =	vld [tilespmem:s19+$0xFFFFFFF0];
	_ =	sdelay $0x1  }
0x3a1: {  	v1 =	vld [tilespmem:s19+$0x0];
	_ =	sdelay $0x3  }
0x3a2: {  	v2 =	vld.idx.msk [tilespmem:v7+s30+$0x0], $0xffff  }
0x3a3: {  	v3 =	vadd.s32 $0x3E8, v7;
	v8 =	vld.idx.msk [tilespmem:v6+s30+$0x0], $0xffff  }
0x3a4: {  	s21 =	simm.s32 $0x30;
	s4 =	sand.u32 $0x3C00, s17;
	v9 =	vadd.s32 $0x3E8, v6;
	v4 =	vld.idx.msk [tilespmem:v0+s30+$0x0], $0xffff  }
0x3a5: {  	s23 =	simm.s32 $0x0;
	s4 =	sadd.s32 $0xCD00, s4;
	s0 =	sand.u32 $0x70, s21;
	v5 =	vadd.s32 $0x3E8, v0  }
0x3a6: {  	s22 =	simm.s32 $0x10;
	s26 =	sand.u32 $0x40, s23;
	s9 =	sor.u32 s0, s4;
	v10 =	vld.idx.msk [tilespmem:v1+s30+$0x0], $0xffff  }
0x3a7: {  	s6 =	sand.u32 $0x50, s22;
	s12 =	sor.u32 s26, s4;
	v11 =	vadd.s32 $0x3E8, v1;
	[tilespmem:s9+$0x0] =	vst v2  }
0x3a8: {  	s24 =	simm.s32 $0x20;
	s0 =	sor.u32 s6, s4;
	[tilespmem:s12+$0x0] =	vst v8;
	v2 =	vld.idx.msk [tilespmem:v3+s30+$0x0], $0xffff  }
0x3a9: {  	s14 =	sand.u32 $0x60, s24;
	[tilespmem:s0+$0x0] =	vst v4;
	v3 =	vadd.s32 $0x7D0, v7;
	v8 =	vld.idx.msk [tilespmem:v9+s30+$0x0], $0xffff  }
0x3aa: {  	s21 =	sor.u32 s14, s4;
	v4 =	vld.idx.msk [tilespmem:v5+s30+$0x0], $0xffff;
	v9 =	vadd.s32 $0x7D0, v6  }
0x3ab: {  	[tilespmem:s21+$0x0] =	vst v10;
	v5 =	vadd.s32 $0x7D0, v0  }
0x3ac: {  	v10 =	vld.idx.msk [tilespmem:v11+s30+$0x0], $0xffff  }
0x3ad: {  	v11 =	vadd.s32 $0x7D0, v1;
	[tilespmem:s9+$0x80] =	vst v2  }
0x3ae: {  	[tilespmem:s12+$0x80] =	vst v8;
	v2 =	vld.idx.msk [tilespmem:v3+s30+$0x0], $0xffff  }
0x3af: {  	[tilespmem:s0+$0x80] =	vst v4;
	v3 =	vadd.s32 $0xBB8, v7;
	v8 =	vld.idx.msk [tilespmem:v9+s30+$0x0], $0xffff  }
0x3b0: {  	v4 =	vld.idx.msk [tilespmem:v5+s30+$0x0], $0xffff;
	v9 =	vadd.s32 $0xBB8, v6  }
0x3b1: {  	[tilespmem:s21+$0x80] =	vst v10  }
0x3b2: {  	v5 =	vadd.s32 $0xBB8, v0;
	v10 =	vld.idx.msk [tilespmem:v11+s30+$0x0], $0xffff  }
0x3b3: {  	v11 =	vadd.s32 $0xBB8, v1;
	[tilespmem:s9+$0x100] =	vst v2  }
0x3b4: {  	[tilespmem:s12+$0x100] =	vst v8;
	v2 =	vld.idx.msk [tilespmem:v3+s30+$0x0], $0xffff  }
0x3b5: {  	s26 =	simm.s32 $0x85A0;
	[tilespmem:s0+$0x100] =	vst v4;
	v4 =	vld.idx.msk [tilespmem:v9+s30+$0x0], $0xffff  }
0x3b6: {  	v21 =	vld [tilespmem:s26+$0xFFFFFFF0];
	v3 =	vadd.s32 $0xFA0, v7  }
0x3b7: {  	[tilespmem:s21+$0x100] =	vst v10;
	v8 =	vld.idx.msk [tilespmem:v5+s30+$0x0], $0xffff  }
0x3b8: {  	s17 =	simm.s32 $0x8560;
	v10 =	vadd.s32 $0xFA0, v6;
	v9 =	vld.idx.msk [tilespmem:v11+s30+$0x0], $0xffff  }
0x3b9: {  	v5 =	vld [tilespmem:s17+$0x10];
	v11 =	vadd.s32 $0xFA0, v0;
	[tilespmem:s9+$0x180] =	vst v2  }
0x3ba: {  	[tilespmem:s12+$0x180] =	vst v4;
	v4 =	vld [tilespmem:s17+$0xFFFFFFE0]  }
0x3bb: {  	v13 =	vadd.s32 $0xFA0, v1;
	v12 =	vld.idx.msk [tilespmem:v3+s30+$0x0], $0xffff  }
0x3bc: {  	v14 =	vadd.s32 $0x1388, v7;
	v3 =	vld [tilespmem:s17+$0xFFFFFFF0]  }
0x3bd: {  	[tilespmem:s0+$0x180] =	vst v8;
	v8 =	vld.idx.msk [tilespmem:v10+s30+$0x0], $0xffff  }
0x3be: {  	[tilespmem:s21+$0x180] =	vst v9;
	v9 =	vld.idx.msk [tilespmem:v11+s30+$0x0], $0xffff;
	v11 =	vadd.s32 $0x1388, v6  }
0x3bf: {  	v2 =	vld [tilespmem:s17+$0x0]  }
0x3c0: {  	v10 =	vld.idx.msk [tilespmem:v13+s30+$0x0], $0xffff;
	[tilespmem:s9+$0x200] =	vst v12  }
0x3c1: {  	v13 =	vadd.s32 $0x1388, v0;
	v12 =	vld.idx.msk [tilespmem:v14+s30+$0x0], $0xffff  }
0x3c2: {  	[tilespmem:s12+$0x200] =	vst v8;
	v14 =	vld.idx.msk [tilespmem:v5+s30+$0x0], $0xffff  }
0x3c3: {  	v16 =	vadd.s32 $0x1770, v7;
	[tilespmem:s0+$0x200] =	vst v9;
	v9 =	vld.idx.msk [tilespmem:v11+s30+$0x0], $0xffff  }
0x3c4: {  	s18 =	simm.s32 $0x200;
	v18 =	vadd.s32 $0x3E8, v5;
	v8 =	vld.idx.msk [tilespmem:v4+s30+$0x0], $0xffff  }
0x3c5: {  	s23 =	simm.s32 $0x40;
	s4 =	sand.u32 $0x3C00, s18;
	s19 =	simm.s32 $0x70;
	v19 =	vadd.s32 $0x1388, v1;
	v15 =	vld.idx.msk [tilespmem:v3+s30+$0x0], $0xffff  }
0x3c6: {  	s22 =	simm.s32 $0x50;
	s4 =	sadd.s32 $0xCD00, s4;
	s6 =	sand.u32 $0x70, s19;
	[tilespmem:s21+$0x200] =	vst v10;
	v11 =	vadd.s32 $0x3E8, v4;
	v13 =	vld.idx.msk [tilespmem:v13+s30+$0x0], $0xffff  }
0x3c7: {  	s11 =	sand.u32 $0x50, s22;
	s18 =	sand.u32 $0x40, s23;
	s17 =	sor.u32 s6, s4;
	v20 =	vadd.s32 $0x3E8, v3;
	v17 =	vld.idx.msk [tilespmem:v2+s30+$0x0], $0xffff;
	[tilespmem:s9+$0x280] =	vst v12  }
0x3c8: {  	s6 =	sor.u32 s11, s4;
	s11 =	sor.u32 s18, s4;
	[tilespmem:s17+$0x0] =	vst v14;
	v14 =	vld.idx.msk [tilespmem:v16+s30+$0x0], $0xffff  }
0x3c9: {  	v12 =	vadd.s32 $0x3E8, v2;
	v10 =	vld.idx.msk [tilespmem:v18+s30+$0x0], $0xffff;
	[tilespmem:s11+$0x0] =	vst v8  }
0x3ca: {  	s24 =	simm.s32 $0x60;
	v16 =	vadd.s32 $0x1770, v6;
	[tilespmem:s6+$0x0] =	vst v15;
	v15 =	vld.idx.msk [tilespmem:v19+s30+$0x0], $0xffff  }
0x3cb: {  	s14 =	sand.u32 $0x60, s24;
	[tilespmem:s12+$0x280] =	vst v9;
	v18 =	vadd.s32 $0x7D0, v5;
	v11 =	vld.idx.msk [tilespmem:v11+s30+$0x0], $0xffff  }
0x3cc: {  	s4 =	sor.u32 s14, s4;
	[tilespmem:s0+$0x280] =	vst v13;
	v19 =	vadd.s32 $0x1770, v0;
	v8 =	vld.idx.msk [tilespmem:v20+s30+$0x0], $0xffff  }
0x3cd: {  	v22 =	vld [tilespmem:s26+$0x0];
	v9 =	vadd.s32 $0x7D0, v4;
	[tilespmem:s4+$0x0] =	vst v17  }
0x3ce: {  	v17 =	vadd.s32 $0x7D0, v3;
	v12 =	vld.idx.msk [tilespmem:v12+s30+$0x0], $0xffff;
	[tilespmem:s9+$0x300] =	vst v14  }
0x3cf: {  	v16 =	vld.idx.msk [tilespmem:v16+s30+$0x0], $0xffff;
	v14 =	vadd.s32 $0x7D0, v2;
	[tilespmem:s17+$0x80] =	vst v10  }
0x3d0: {  	v10 =	vadd.s32 $0x1770, v1;
	v18 =	vld.idx.msk [tilespmem:v18+s30+$0x0], $0xffff;
	[tilespmem:s11+$0x80] =	vst v11  }
0x3d1: {  	v13 =	vadd.s32 $0xBB8, v5;
	[tilespmem:s6+$0x80] =	vst v8;
	v8 =	vld.idx.msk [tilespmem:v19+s30+$0x0], $0xffff  }
0x3d2: {  	v0 =	vadd.s32 $0x1B58, v0;
	v9 =	vld.idx.msk [tilespmem:v9+s30+$0x0], $0xffff  }
0x3d3: {  	v11 =	vld.idx.msk [tilespmem:v17+s30+$0x0], $0xffff;
	[tilespmem:s4+$0x80] =	vst v12  }
0x3d4: {  	[tilespmem:s21+$0x280] =	vst v15;
	v17 =	vadd.s32 $0xBB8, v3;
	v14 =	vld.idx.msk [tilespmem:v14+s30+$0x0], $0xffff  }
0x3d5: {  	v12 =	vadd.s32 $0xBB8, v4;
	v10 =	vld.idx.msk [tilespmem:v10+s30+$0x0], $0xffff;
	[tilespmem:s17+$0x100] =	vst v18  }
0x3d6: {  	v15 =	vadd.s32 $0xBB8, v2;
	v13 =	vld.idx.msk [tilespmem:v13+s30+$0x0], $0xffff;
	[tilespmem:s0+$0x300] =	vst v8  }
0x3d7: {  	v6 =	vadd.s32 $0x1B58, v6;
	v8 =	vld.idx.msk [tilespmem:v0+s30+$0x0], $0xffff  }
0x3d8: {  	v7 =	vadd.s32 $0x1B58, v7;
	[tilespmem:s6+$0x100] =	vst v11;
	v0 =	vld [tilespmem:s26+$0x10]  }
0x3d9: {  	[tilespmem:s11+$0x100] =	vst v9;
	v9 =	vld.idx.msk [tilespmem:v17+s30+$0x0], $0xffff  }
0x3da: {  	v11 =	vadd.s32 $0xFA0, v5;
	v12 =	vld.idx.msk [tilespmem:v12+s30+$0x0], $0xffff;
	[tilespmem:s4+$0x100] =	vst v14  }
0x3db: {  	[tilespmem:s12+$0x300] =	vst v16;
	v14 =	vld.idx.msk [tilespmem:v15+s30+$0x0], $0xffff;
	v15 =	vadd.s32 $0xFA0, v4  }
0x3dc: {  	v6 =	vld.idx.msk [tilespmem:v6+s30+$0x0], $0xffff  }
0x3dd: {  	v7 =	vld.idx.msk [tilespmem:v7+s30+$0x0], $0xffff;
	[tilespmem:s17+$0x180] =	vst v13;
	v13 =	vadd.s32 $0xFA0, v3  }
0x3de: {  	v19 =	vld [tilespmem:s26+$0xFFFFFFE0];
	v16 =	vadd.s32 $0xFA0, v2;
	[tilespmem:s21+$0x300] =	vst v10  }
0x3df: {  	v11 =	vld.idx.msk [tilespmem:v11+s30+$0x0], $0xffff;
	[tilespmem:s11+$0x180] =	vst v12  }
0x3e0: {  	[tilespmem:s6+$0x180] =	vst v9;
	v9 =	vld.idx.msk [tilespmem:v15+s30+$0x0], $0xffff  }
0x3e1: {  	v17 =	vadd.s32 $0x1388, v5;
	[tilespmem:s12+$0x380] =	vst v6;
	v10 =	vld.idx.msk [tilespmem:v0+s30+$0x0], $0xffff  }
0x3e2: {  	[tilespmem:s4+$0x180] =	vst v14;
	v12 =	vld.idx.msk [tilespmem:v13+s30+$0x0], $0xffff  }
0x3e3: {  	s23 =	simm.s32 $0x400;
	[tilespmem:s0+$0x380] =	vst v8;
	v13 =	vld.idx.msk [tilespmem:v16+s30+$0x0], $0xffff;
	v16 =	vadd.s32 $0x3E8, v0  }
0x3e4: {  	s18 =	sand.u32 $0x3C00, s23;
	v6 =	vld.idx.msk [tilespmem:v21+s30+$0x0], $0xffff;
	s0 =	simm.s32 $0xB0;
	[tilespmem:s17+$0x200] =	vst v11;
	v11 =	vadd.s32 $0x1388, v4  }
0x3e5: {  	s14 =	sadd.s32 $0xCD00, s18;
	[tilespmem:s9+$0x380] =	vst v7;
	v8 =	vld.idx.msk [tilespmem:v22+s30+$0x0], $0xffff;
	s19 =	sand.u32 $0x70, s0;
	v14 =	vadd.s32 $0x1388, v3  }
0x3e6: {  	s12 =	sor.u32 s19, s14;
	v7 =	vld.idx.msk [tilespmem:v17+s30+$0x0], $0xffff;
	v17 =	vadd.s32 $0x1388, v2;
	[tilespmem:s11+$0x200] =	vst v9  }
0x3e7: {  	s22 =	simm.s32 $0x90;
	v15 =	vadd.s32 $0x1770, v5;
	v9 =	vld.idx.msk [tilespmem:v19+s30+$0x0], $0xffff;
	[tilespmem:s12+$0x0] =	vst v10  }
0x3e8: {  	s18 =	sand.u32 $0x50, s22;
	v18 =	vadd.s32 $0x3E8, v21;
	[tilespmem:s4+$0x200] =	vst v13;
	v13 =	vld.idx.msk [tilespmem:v16+s30+$0x0], $0xffff  }
0x3e9: {  	s29 =	sor.u32 s18, s14;
	[tilespmem:s6+$0x200] =	vst v12;
	v12 =	vadd.s32 $0x3E8, v19;
	v11 =	vld.idx.msk [tilespmem:v11+s30+$0x0], $0xffff  }
0x3ea: {  	s24 =	simm.s32 $0x80;
	[tilespmem:s29+$0x0] =	vst v6;
	v16 =	vadd.s32 $0x7D0, v0;
	v14 =	vld.idx.msk [tilespmem:v14+s30+$0x0], $0xffff  }
0x3eb: {  	v1 =	vadd.s32 $0x1B58, v1;
	s9 =	sand.u32 $0x40, s24;
	[tilespmem:s17+$0x280] =	vst v7;
	v6 =	vld.idx.msk [tilespmem:v17+s30+$0x0], $0xffff  }
0x3ec: {  	s9 =	sor.u32 s9, s14;
	s19 =	simm.s32 $0xA0;
	v7 =	vadd.s32 $0x3E8, v22;
	v10 =	vld.idx.msk [tilespmem:v15+s30+$0x0], $0xffff  }
0x3ed: {  	s26 =	sand.u32 $0x60, s19;
	v17 =	vadd.s32 $0x1770, v3;
	[tilespmem:s9+$0x0] =	vst v9;
	v9 =	vld.idx.msk [tilespmem:v18+s30+$0x0], $0xffff  }
0x3ee: {  	s14 =	sor.u32 s26, s14;
	v15 =	vadd.s32 $0x1770, v4;
	v12 =	vld.idx.msk [tilespmem:v12+s30+$0x0], $0xffff;
	[tilespmem:s12+$0x80] =	vst v13  }
0x3ef: {  	v5 =	vadd.s32 $0x1B58, v5;
	[tilespmem:s14+$0x0] =	vst v8;
	v16 =	vld.idx.msk [tilespmem:v16+s30+$0x0], $0xffff  }
0x3f0: {  	v8 =	vadd.s32 $0x7D0, v21;
	[tilespmem:s6+$0x280] =	vst v14;
	v14 =	vld.idx.msk [tilespmem:v1+s30+$0x0], $0xffff  }
0x3f1: {  	[tilespmem:s11+$0x280] =	vst v11;
	v11 =	vadd.s32 $0x7D0, v19;
	v7 =	vld.idx.msk [tilespmem:v7+s30+$0x0], $0xffff  }
0x3f2: {  	v13 =	vadd.s32 $0x1770, v2;
	v23 =	vld.idx.msk [tilespmem:v17+s30+$0x0], $0xffff;
	[tilespmem:s4+$0x280] =	vst v6  }
0x3f3: {  	v15 =	vld.idx.msk [tilespmem:v15+s30+$0x0], $0xffff;
	[tilespmem:s17+$0x300] =	vst v10;
	v10 =	vadd.s32 $0x7D0, v22  }
0x3f4: {  	v5 =	vld.idx.msk [tilespmem:v5+s30+$0x0], $0xffff;
	[tilespmem:s29+$0x80] =	vst v9;
	v9 =	vadd.s32 $0xBB8, v0  }
0x3f5: {  	v4 =	vadd.s32 $0x1B58, v4;
	[tilespmem:s9+$0x80] =	vst v12;
	v8 =	vld.idx.msk [tilespmem:v8+s30+$0x0], $0xffff  }
0x3f6: {  	v18 =	vld.idx.msk [tilespmem:v11+s30+$0x0], $0xffff;
	[tilespmem:s14+$0x80] =	vst v7;
	v7 =	vadd.s32 $0xBB8, v21  }
0x3f7: {  	v25 =	vld.idx.msk [tilespmem:v13+s30+$0x0], $0xffff;
	[tilespmem:s12+$0x100] =	vst v16;
	v16 =	vadd.s32 $0x1B58, v3  }
0x3f8: {  	v6 =	vadd.s32 $0xBB8, v19;
	[tilespmem:s6+$0x300] =	vst v23;
	v24 =	vld.idx.msk [tilespmem:v10+s30+$0x0], $0xffff  }
0x3f9: {  	v26 =	vadd.s32 $0xBB8, v22;
	[tilespmem:s11+$0x300] =	vst v15;
	v17 =	vld.idx.msk [tilespmem:v9+s30+$0x0], $0xffff  }
0x3fa: {  	v13 =	vadd.s32 $0xFA0, v21;
	v15 =	vld.idx.msk [tilespmem:v4+s30+$0x0], $0xffff;
	v9 =	vadd.s32 $0x1388, v21;
	[tilespmem:s29+$0x100] =	vst v8  }
0x3fb: {  	v4 =	vadd.s32 $0x1B58, v21;
	[tilespmem:s9+$0x100] =	vst v18;
	v18 =	vld.idx.msk [tilespmem:v7+s30+$0x0], $0xffff;
	v7 =	vadd.s32 $0x1770, v21;
	v21 =	vadd.s32 $0xFA0, v0  }
0x3fc: {  	v1 =	vadd.s32 $0x1B58, v2;
	v2 =	vadd.s32 $0x1B58, v22;
	v12 =	vadd.s32 $0xFA0, v19;
	[tilespmem:s17+$0x380] =	vst v5;
	v16 =	vld.idx.msk [tilespmem:v16+s30+$0x0], $0xffff  }
0x3fd: {  	v11 =	vadd.s32 $0xFA0, v22;
	v3 =	vadd.s32 $0x1B58, v19;
	v10 =	vadd.s32 $0x1388, v22;
	v20 =	vld.idx.msk [tilespmem:v6+s30+$0x0], $0xffff;
	[tilespmem:s14+$0x100] =	vst v24  }
0x3fe: {  	s19 =	simm.s32 $0x8;
	v5 =	vadd.s32 $0x1770, v19;
	s17 =	simm.s32 $0x85E0;
	v8 =	vadd.s32 $0x1388, v19;
	[tilespmem:s4+$0x300] =	vst v25;
	v6 =	vadd.s32 $0x1770, v22;
	v19 =	vld.idx.msk [tilespmem:v26+s30+$0x0], $0xffff  }
.LBB2_17:
0x3ff: {  	v22 =	vld [tilespmem:s17+$0x10];
	[tilespmem:s12+$0x180] =	vst v17  }
0x400: {  	s19 =	sadd.s32 $0x4, s19;
	v17 =	vld.idx.msk [tilespmem:v21+s30+$0x0], $0xffff;
	[tilespmem:s11+$0x380] =	vst v15;
	s11 =	smov.u32 s9  }
0x401: {  	p2 =	slt.u32 s19, $0x7C;
	v15 =	vld [tilespmem:s17+$0xFFFFFFF0];
	[tilespmem:s29+$0x180] =	vst v18  }
0x402: {  	v18 =	vld [tilespmem:s17+$0x0];
	[tilespmem:s11+$0x180] =	vst v20;
	v20 =	vadd.s32 $0x1388, v0  }
0x403: {  	v21 =	vld [tilespmem:s17+$0xFFFFFFE0];
	[tilespmem:s14+$0x180] =	vst v19  }
0x404: {  	v19 =	vld.idx.msk [tilespmem:v12+s30+$0x0], $0xffff;
	[tilespmem:s6+$0x380] =	vst v16;
	s6 =	smov.u32 s29  }
0x405: {  	v16 =	vld.idx.msk [tilespmem:v13+s30+$0x0], $0xffff;
	[tilespmem:s21+$0x380] =	vst v14;
	s21 =	smov.u32 s4;
	s4 =	smov.u32 s14  }
0x406: {  	v14 =	vadd.s32 $0x3E8, v15;
	v23 =	vadd.s32 $0x7D0, v15;
	v24 =	vadd.s32 $0xBB8, v15;
	v25 =	vld.idx.msk [tilespmem:v11+s30+$0x0], $0xffff;
	[tilespmem:s12+$0x200] =	vst v17  }
0x407: {  	v17 =	vadd.s32 $0x3E8, v18;
	v26 =	vadd.s32 $0x7D0, v18;
	v27 =	vadd.s32 $0xBB8, v18;
	v20 =	vld.idx.msk [tilespmem:v20+s30+$0x0], $0xffff  }
0x408: {  	v28 =	vadd.s32 $0x3E8, v21;
	v29 =	vadd.s32 $0x7D0, v21;
	v30 =	vadd.s32 $0xBB8, v21;
	v31 =	vld.idx.msk [tilespmem:v22+s30+$0x0], $0xffff  }
0x409: {  	v33 =	vadd.s32 $0x1770, v0;
	v13 =	vadd.s32 $0xFA0, v15;
	v12 =	vadd.s32 $0xFA0, v21;
	v32 =	vld.idx.msk [tilespmem:v15+s30+$0x0], $0xffff  }
0x40a: {  	s23 =	sadd.s32 $0x200, s23;
	v36 =	vadd.s32 $0x3E8, v22;
	v11 =	vadd.s32 $0xFA0, v18;
	v34 =	vadd.s32 $0x1388, v21;
	v35 =	vld.idx.msk [tilespmem:v18+s30+$0x0], $0xffff;
	[tilespmem:s11+$0x200] =	vst v19  }
0x40b: {  	s0 =	sadd.s32 $0x40, s0;
	s9 =	sand.u32 $0x3C00, s23;
	v38 =	vadd.s32 $0x1388, v15;
	v39 =	vadd.s32 $0x1388, v18;
	v37 =	vadd.s32 $0x1770, v21;
	v19 =	vld.idx.msk [tilespmem:v21+s30+$0x0], $0xffff;
	[tilespmem:s6+$0x200] =	vst v16  }
0x40c: {  	s18 =	sadd.s32 $0xCD00, s9;
	s9 =	sand.u32 $0x70, s0;
	s14 =	sadd.s32 $0xFFFFFFD0, s0;
	v40 =	vadd.s32 $0x1770, v18;
	v16 =	vadd.s32 $0x1B58, v21;
	v21 =	vadd.s32 $0x1770, v15;
	v41 =	vld.idx.msk [tilespmem:v8+s30+$0x0], $0xffff;
	[tilespmem:s4+$0x200] =	vst v25;
	v8 =	vmovc v34  }
0x40d: {  	s22 =	sadd.s32 $0xFFFFFFE0, s0;
	s24 =	sadd.s32 $0xFFFFFFF0, s0;
	s26 =	sor.u32 s9, s18;
	v25 =	vadd.s32 $0x1B58, v15;
	v15 =	vadd.s32 $0x1B58, v18;
	v18 =	vld.idx.msk [tilespmem:v9+s30+$0x0], $0xffff;
	[tilespmem:s12+$0x280] =	vst v20;
	v9 =	vmov v38  }
0x40e: {  	s9 =	sand.u32 $0x40, s14;
	s14 =	sand.u32 $0x50, s22;
	s22 =	sand.u32 $0x60, s24;
	[tilespmem:s26+$0x0] =	vst v31;
	v20 =	vld.idx.msk [tilespmem:v33+s30+$0x0], $0xffff  }
0x40f: {  	s9 =	sor.u32 s9, s18;
	s29 =	sor.u32 s14, s18;
	s14 =	sor.u32 s22, s18;
	v31 =	vld.idx.msk [tilespmem:v36+s30+$0x0], $0xffff  }
0x410: {  	v33 =	vadd.s32 $0x1B58, v0;
	v0 =	vmov v22;
	[tilespmem:s29+$0x0] =	vst v32;
	v32 =	vld.idx.msk [tilespmem:v10+s30+$0x0], $0xffff;
	v10 =	vmov v39  }
0x411: {  	[tilespmem:s9+$0x0] =	vst v19;
	v14 =	vld.idx.msk [tilespmem:v14+s30+$0x0], $0xffff;
	v19 =	vadd.s32 $0x7D0, v0  }
0x412: {  	v22 =	vld.idx.msk [tilespmem:v28+s30+$0x0], $0xffff;
	[tilespmem:s14+$0x0] =	vst v35  }
0x413: {  	v17 =	vld.idx.msk [tilespmem:v17+s30+$0x0], $0xffff;
	[tilespmem:s11+$0x280] =	vst v41  }
0x414: {  	v28 =	vld.idx.msk [tilespmem:v5+s30+$0x0], $0xffff;
	[tilespmem:s12+$0x300] =	vst v20;
	v5 =	vmov v37  }
0x415: {  	[tilespmem:s26+$0x80] =	vst v31;
	v20 =	vld.idx.msk [tilespmem:v33+s30+$0x0], $0xffff  }
0x416: {  	v19 =	vld.idx.msk [tilespmem:v19+s30+$0x0], $0xffff;
	[tilespmem:s6+$0x280] =	vst v18  }
0x417: {  	[tilespmem:s29+$0x80] =	vst v14;
	v31 =	vld.idx.msk [tilespmem:v7+s30+$0x0], $0xffff;
	v7 =	vmov v21  }
0x418: {  	v21 =	vadd.s32 $0xBB8, v0;
	[tilespmem:s9+$0x80] =	vst v22;
	v18 =	vld.idx.msk [tilespmem:v23+s30+$0x0], $0xffff  }
0x419: {  	v22 =	vld.idx.msk [tilespmem:v29+s30+$0x0], $0xffff;
	[tilespmem:s14+$0x80] =	vst v17  }
0x41a: {  	v23 =	vld.idx.msk [tilespmem:v26+s30+$0x0], $0xffff;
	[tilespmem:s4+$0x280] =	vst v32  }
0x41b: {  	v26 =	vld.idx.msk [tilespmem:v6+s30+$0x0], $0xffff;
	[tilespmem:s12+$0x380] =	vst v20;
	v6 =	vmov v40;
	s12 =	smov.u32 s26  }
0x41c: {  	[tilespmem:s12+$0x100] =	vst v19;
	v14 =	vld.idx.msk [tilespmem:v1+s30+$0x0], $0xffff;
	v1 =	vmov v2;
	v2 =	vmov v15  }
0x41d: {  	v17 =	vld.idx.msk [tilespmem:v21+s30+$0x0], $0xffff;
	[tilespmem:s11+$0x300] =	vst v28  }
.Ltmp7:
0x41e: {  	[tilespmem:s29+$0x100] =	vst v18;
	v15 =	vld.idx.msk [tilespmem:v3+s30+$0x0], $0xffff;
	v3 =	vmov v16;
	(pc) =	sbr.rel @p2 .LBB2_17-.Ltmp7, $4  }
0x41f: {  	v21 =	vadd.s32 $0xFA0, v0;
	[tilespmem:s9+$0x100] =	vst v22;
	v18 =	vld.idx.msk [tilespmem:v24+s30+$0x0], $0xffff  }
0x420: {  	v20 =	vld.idx.msk [tilespmem:v30+s30+$0x0], $0xffff;
	[tilespmem:s14+$0x100] =	vst v23  }
0x421: {  	v19 =	vld.idx.msk [tilespmem:v27+s30+$0x0], $0xffff;
	[tilespmem:s6+$0x300] =	vst v31  }
0x422: {  	s17 =	sadd.s32 $0x40, s17;
	v16 =	vld.idx.msk [tilespmem:v4+s30+$0x0], $0xffff;
	[tilespmem:s4+$0x300] =	vst v26;
	v4 =	vmov v25  }
0x423: {  	_ =	sdelay $0x2  }
0x424: {  	[tilespmem:s12+$0x180] =	vst v17  }
0x425: {  	v17 =	vld.idx.msk [tilespmem:v21+s30+$0x0], $0xffff;
	[tilespmem:s29+$0x180] =	vst v18  }
0x426: {  	v18 =	vadd.s32 $0x1388, v0;
	[tilespmem:s9+$0x180] =	vst v20;
	v13 =	vld.idx.msk [tilespmem:v13+s30+$0x0], $0xffff  }
0x427: {  	v12 =	vld.idx.msk [tilespmem:v12+s30+$0x0], $0xffff;
	[tilespmem:s14+$0x180] =	vst v19  }
0x428: {  	v11 =	vld.idx.msk [tilespmem:v11+s30+$0x0], $0xffff;
	_ =	sdelay $0x1  }
0x429: {  	[tilespmem:s12+$0x200] =	vst v17  }
0x42a: {  	v17 =	vld.idx.msk [tilespmem:v18+s30+$0x0], $0xffff;
	[tilespmem:s29+$0x200] =	vst v13  }
0x42b: {  	[tilespmem:s9+$0x200] =	vst v12;
	v12 =	vadd.s32 $0x1770, v0;
	v9 =	vld.idx.msk [tilespmem:v9+s30+$0x0], $0xffff  }
0x42c: {  	v8 =	vld.idx.msk [tilespmem:v8+s30+$0x0], $0xffff;
	[tilespmem:s14+$0x200] =	vst v11  }
0x42d: {  	v10 =	vld.idx.msk [tilespmem:v10+s30+$0x0], $0xffff;
	_ =	sdelay $0x1  }
0x42e: {  	[tilespmem:s12+$0x280] =	vst v17  }
0x42f: {  	v11 =	vld.idx.msk [tilespmem:v12+s30+$0x0], $0xffff;
	[tilespmem:s29+$0x280] =	vst v9  }
0x430: {  	v0 =	vadd.s32 $0x1B58, v0;
	[tilespmem:s9+$0x280] =	vst v8;
	v7 =	vld.idx.msk [tilespmem:v7+s30+$0x0], $0xffff  }
0x431: {  	v5 =	vld.idx.msk [tilespmem:v5+s30+$0x0], $0xffff;
	[tilespmem:s14+$0x280] =	vst v10  }
0x432: {  	[tilespmem:s11+$0x380] =	vst v15;
	v6 =	vld.idx.msk [tilespmem:v6+s30+$0x0], $0xffff  }
0x433: {  	[tilespmem:s21+$0x380] =	vst v14  }
0x434: {  	v1 =	vld.idx.msk [tilespmem:v1+s30+$0x0], $0xffff;
	[tilespmem:s12+$0x300] =	vst v11  }
0x435: {  	v0 =	vld.idx.msk [tilespmem:v0+s30+$0x0], $0xffff;
	[tilespmem:s29+$0x300] =	vst v7  }
0x436: {  	[tilespmem:s9+$0x300] =	vst v5;
	v4 =	vld.idx.msk [tilespmem:v4+s30+$0x0], $0xffff  }
0x437: {  	v3 =	vld.idx.msk [tilespmem:v3+s30+$0x0], $0xffff;
	[tilespmem:s14+$0x300] =	vst v6  }
0x438: {  	[tilespmem:s6+$0x380] =	vst v16;
	v2 =	vld.idx.msk [tilespmem:v2+s30+$0x0], $0xffff  }
0x439: {  	[tilespmem:s4+$0x380] =	vst v1  }
0x43a: {  	[tilespmem:s12+$0x380] =	vst v0  }
0x43b: {  	s0 =	sadd.s32 s13, s20;
	[tilespmem:s29+$0x380] =	vst v4  }
0x43c: {  	s0 =	sshrl.u32 s0, $0x3;
	[tilespmem:s9+$0x380] =	vst v3  }
0x43d: {  	s17 =	simm.s32 $0x0;
	s18 =	simm.s32 $0xCD00;
	s0 =	sadd.s32 s2, s0;
	[tilespmem:s14+$0x380] =	vst v2  }
0x43e: {  	[hbm4b:s0+s17] =	stream.linear.scatter [tilespmem:s18], [sflag:$0x2], $0x4000, $0x38;
	[tilespmem:$0x1B8F8] =	vst v63  }
0x43f: {  	_ =	swait.ge [sflag:s8], $0x4000  }
0x440: {  	[sflag:s8] =	ssyncset.done $0x0  }
0x441: {  	s19 =	simm.s32 $0x8520;
	[sflag:s8] =	ssyncadd.s32 $0xFFFFC000  }
0x442: {  	v7 =	vld [tilespmem:s19+$0x10]  }
0x443: {  	v6 =	vld [tilespmem:s19+$0xFFFFFFE0]  }
0x444: {  	v0 =	vld [tilespmem:s19+$0xFFFFFFF0];
	_ =	sdelay $0x1  }
0x445: {  	v1 =	vld [tilespmem:s19+$0x0];
	_ =	sdelay $0x3  }
0x446: {  	v2 =	vld.idx.msk [tilespmem:v7+s31+$0x0], $0xffff  }
0x447: {  	v3 =	vadd.s32 $0x3E8, v7;
	v8 =	vld.idx.msk [tilespmem:v6+s31+$0x0], $0xffff  }
0x448: {  	s21 =	simm.s32 $0x30;
	s4 =	sand.u32 $0x3C00, s17;
	v9 =	vadd.s32 $0x3E8, v6;
	v4 =	vld.idx.msk [tilespmem:v0+s31+$0x0], $0xffff  }
0x449: {  	s23 =	simm.s32 $0x0;
	s4 =	sadd.s32 $0x10D00, s4;
	s0 =	sand.u32 $0x70, s21;
	v5 =	vadd.s32 $0x3E8, v0  }
0x44a: {  	s22 =	simm.s32 $0x10;
	s26 =	sand.u32 $0x40, s23;
	s9 =	sor.u32 s0, s4;
	v10 =	vld.idx.msk [tilespmem:v1+s31+$0x0], $0xffff  }
0x44b: {  	s6 =	sand.u32 $0x50, s22;
	s12 =	sor.u32 s26, s4;
	v11 =	vadd.s32 $0x3E8, v1;
	[tilespmem:s9+$0x0] =	vst v2  }
0x44c: {  	s24 =	simm.s32 $0x20;
	s0 =	sor.u32 s6, s4;
	[tilespmem:s12+$0x0] =	vst v8;
	v2 =	vld.idx.msk [tilespmem:v3+s31+$0x0], $0xffff  }
0x44d: {  	s14 =	sand.u32 $0x60, s24;
	[tilespmem:s0+$0x0] =	vst v4;
	v3 =	vadd.s32 $0x7D0, v7;
	v8 =	vld.idx.msk [tilespmem:v9+s31+$0x0], $0xffff  }
0x44e: {  	s21 =	sor.u32 s14, s4;
	v4 =	vld.idx.msk [tilespmem:v5+s31+$0x0], $0xffff;
	v9 =	vadd.s32 $0x7D0, v6  }
0x44f: {  	[tilespmem:s21+$0x0] =	vst v10;
	v5 =	vadd.s32 $0x7D0, v0  }
0x450: {  	v10 =	vld.idx.msk [tilespmem:v11+s31+$0x0], $0xffff  }
0x451: {  	v11 =	vadd.s32 $0x7D0, v1;
	[tilespmem:s9+$0x80] =	vst v2  }
0x452: {  	[tilespmem:s12+$0x80] =	vst v8;
	v2 =	vld.idx.msk [tilespmem:v3+s31+$0x0], $0xffff  }
0x453: {  	[tilespmem:s0+$0x80] =	vst v4;
	v3 =	vadd.s32 $0xBB8, v7;
	v8 =	vld.idx.msk [tilespmem:v9+s31+$0x0], $0xffff  }
0x454: {  	v4 =	vld.idx.msk [tilespmem:v5+s31+$0x0], $0xffff;
	v9 =	vadd.s32 $0xBB8, v6  }
0x455: {  	[tilespmem:s21+$0x80] =	vst v10  }
0x456: {  	v5 =	vadd.s32 $0xBB8, v0;
	v10 =	vld.idx.msk [tilespmem:v11+s31+$0x0], $0xffff  }
0x457: {  	v11 =	vadd.s32 $0xBB8, v1;
	[tilespmem:s9+$0x100] =	vst v2  }
0x458: {  	[tilespmem:s12+$0x100] =	vst v8;
	v2 =	vld.idx.msk [tilespmem:v3+s31+$0x0], $0xffff  }
0x459: {  	s26 =	simm.s32 $0x85A0;
	[tilespmem:s0+$0x100] =	vst v4;
	v4 =	vld.idx.msk [tilespmem:v9+s31+$0x0], $0xffff  }
0x45a: {  	v21 =	vld [tilespmem:s26+$0xFFFFFFF0];
	v3 =	vadd.s32 $0xFA0, v7  }
0x45b: {  	[tilespmem:s21+$0x100] =	vst v10;
	v8 =	vld.idx.msk [tilespmem:v5+s31+$0x0], $0xffff  }
0x45c: {  	s17 =	simm.s32 $0x8560;
	v10 =	vadd.s32 $0xFA0, v6;
	v9 =	vld.idx.msk [tilespmem:v11+s31+$0x0], $0xffff  }
0x45d: {  	v5 =	vld [tilespmem:s17+$0x10];
	v11 =	vadd.s32 $0xFA0, v0;
	[tilespmem:s9+$0x180] =	vst v2  }
0x45e: {  	[tilespmem:s12+$0x180] =	vst v4;
	v4 =	vld [tilespmem:s17+$0xFFFFFFE0]  }
0x45f: {  	v13 =	vadd.s32 $0xFA0, v1;
	v12 =	vld.idx.msk [tilespmem:v3+s31+$0x0], $0xffff  }
0x460: {  	v14 =	vadd.s32 $0x1388, v7;
	v3 =	vld [tilespmem:s17+$0xFFFFFFF0]  }
0x461: {  	[tilespmem:s0+$0x180] =	vst v8;
	v8 =	vld.idx.msk [tilespmem:v10+s31+$0x0], $0xffff  }
0x462: {  	[tilespmem:s21+$0x180] =	vst v9;
	v9 =	vld.idx.msk [tilespmem:v11+s31+$0x0], $0xffff;
	v11 =	vadd.s32 $0x1388, v6  }
0x463: {  	v2 =	vld [tilespmem:s17+$0x0]  }
0x464: {  	v10 =	vld.idx.msk [tilespmem:v13+s31+$0x0], $0xffff;
	[tilespmem:s9+$0x200] =	vst v12  }
0x465: {  	v13 =	vadd.s32 $0x1388, v0;
	v12 =	vld.idx.msk [tilespmem:v14+s31+$0x0], $0xffff  }
0x466: {  	[tilespmem:s12+$0x200] =	vst v8;
	v14 =	vld.idx.msk [tilespmem:v5+s31+$0x0], $0xffff  }
0x467: {  	v16 =	vadd.s32 $0x1770, v7;
	[tilespmem:s0+$0x200] =	vst v9;
	v9 =	vld.idx.msk [tilespmem:v11+s31+$0x0], $0xffff  }
0x468: {  	s18 =	simm.s32 $0x200;
	v18 =	vadd.s32 $0x3E8, v5;
	v8 =	vld.idx.msk [tilespmem:v4+s31+$0x0], $0xffff  }
0x469: {  	s23 =	simm.s32 $0x40;
	s4 =	sand.u32 $0x3C00, s18;
	s19 =	simm.s32 $0x70;
	v19 =	vadd.s32 $0x1388, v1;
	v15 =	vld.idx.msk [tilespmem:v3+s31+$0x0], $0xffff  }
0x46a: {  	s22 =	simm.s32 $0x50;
	s4 =	sadd.s32 $0x10D00, s4;
	s6 =	sand.u32 $0x70, s19;
	[tilespmem:s21+$0x200] =	vst v10;
	v11 =	vadd.s32 $0x3E8, v4;
	v13 =	vld.idx.msk [tilespmem:v13+s31+$0x0], $0xffff  }
0x46b: {  	s11 =	sand.u32 $0x50, s22;
	s18 =	sand.u32 $0x40, s23;
	s17 =	sor.u32 s6, s4;
	v20 =	vadd.s32 $0x3E8, v3;
	v17 =	vld.idx.msk [tilespmem:v2+s31+$0x0], $0xffff;
	[tilespmem:s9+$0x280] =	vst v12  }
0x46c: {  	s6 =	sor.u32 s11, s4;
	s11 =	sor.u32 s18, s4;
	[tilespmem:s17+$0x0] =	vst v14;
	v14 =	vld.idx.msk [tilespmem:v16+s31+$0x0], $0xffff  }
0x46d: {  	v12 =	vadd.s32 $0x3E8, v2;
	v10 =	vld.idx.msk [tilespmem:v18+s31+$0x0], $0xffff;
	[tilespmem:s11+$0x0] =	vst v8  }
0x46e: {  	s24 =	simm.s32 $0x60;
	v16 =	vadd.s32 $0x1770, v6;
	[tilespmem:s6+$0x0] =	vst v15;
	v15 =	vld.idx.msk [tilespmem:v19+s31+$0x0], $0xffff  }
0x46f: {  	s14 =	sand.u32 $0x60, s24;
	[tilespmem:s12+$0x280] =	vst v9;
	v18 =	vadd.s32 $0x7D0, v5;
	v11 =	vld.idx.msk [tilespmem:v11+s31+$0x0], $0xffff  }
0x470: {  	s4 =	sor.u32 s14, s4;
	[tilespmem:s0+$0x280] =	vst v13;
	v19 =	vadd.s32 $0x1770, v0;
	v8 =	vld.idx.msk [tilespmem:v20+s31+$0x0], $0xffff  }
0x471: {  	v22 =	vld [tilespmem:s26+$0x0];
	v9 =	vadd.s32 $0x7D0, v4;
	[tilespmem:s4+$0x0] =	vst v17  }
0x472: {  	v17 =	vadd.s32 $0x7D0, v3;
	v12 =	vld.idx.msk [tilespmem:v12+s31+$0x0], $0xffff;
	[tilespmem:s9+$0x300] =	vst v14  }
0x473: {  	v16 =	vld.idx.msk [tilespmem:v16+s31+$0x0], $0xffff;
	v14 =	vadd.s32 $0x7D0, v2;
	[tilespmem:s17+$0x80] =	vst v10  }
0x474: {  	v10 =	vadd.s32 $0x1770, v1;
	v18 =	vld.idx.msk [tilespmem:v18+s31+$0x0], $0xffff;
	[tilespmem:s11+$0x80] =	vst v11  }
0x475: {  	v13 =	vadd.s32 $0xBB8, v5;
	[tilespmem:s6+$0x80] =	vst v8;
	v8 =	vld.idx.msk [tilespmem:v19+s31+$0x0], $0xffff  }
0x476: {  	v0 =	vadd.s32 $0x1B58, v0;
	v9 =	vld.idx.msk [tilespmem:v9+s31+$0x0], $0xffff  }
0x477: {  	v11 =	vld.idx.msk [tilespmem:v17+s31+$0x0], $0xffff;
	[tilespmem:s4+$0x80] =	vst v12  }
0x478: {  	[tilespmem:s21+$0x280] =	vst v15;
	v17 =	vadd.s32 $0xBB8, v3;
	v14 =	vld.idx.msk [tilespmem:v14+s31+$0x0], $0xffff  }
0x479: {  	v12 =	vadd.s32 $0xBB8, v4;
	v10 =	vld.idx.msk [tilespmem:v10+s31+$0x0], $0xffff;
	[tilespmem:s17+$0x100] =	vst v18  }
0x47a: {  	v15 =	vadd.s32 $0xBB8, v2;
	v13 =	vld.idx.msk [tilespmem:v13+s31+$0x0], $0xffff;
	[tilespmem:s0+$0x300] =	vst v8  }
0x47b: {  	v6 =	vadd.s32 $0x1B58, v6;
	v8 =	vld.idx.msk [tilespmem:v0+s31+$0x0], $0xffff  }
0x47c: {  	v7 =	vadd.s32 $0x1B58, v7;
	[tilespmem:s6+$0x100] =	vst v11;
	v0 =	vld [tilespmem:s26+$0x10]  }
0x47d: {  	[tilespmem:s11+$0x100] =	vst v9;
	v9 =	vld.idx.msk [tilespmem:v17+s31+$0x0], $0xffff  }
0x47e: {  	v11 =	vadd.s32 $0xFA0, v5;
	v12 =	vld.idx.msk [tilespmem:v12+s31+$0x0], $0xffff;
	[tilespmem:s4+$0x100] =	vst v14  }
0x47f: {  	[tilespmem:s12+$0x300] =	vst v16;
	v14 =	vld.idx.msk [tilespmem:v15+s31+$0x0], $0xffff;
	v15 =	vadd.s32 $0xFA0, v4  }
0x480: {  	v6 =	vld.idx.msk [tilespmem:v6+s31+$0x0], $0xffff  }
0x481: {  	v7 =	vld.idx.msk [tilespmem:v7+s31+$0x0], $0xffff;
	[tilespmem:s17+$0x180] =	vst v13;
	v13 =	vadd.s32 $0xFA0, v3  }
0x482: {  	v19 =	vld [tilespmem:s26+$0xFFFFFFE0];
	v16 =	vadd.s32 $0xFA0, v2;
	[tilespmem:s21+$0x300] =	vst v10  }
0x483: {  	v11 =	vld.idx.msk [tilespmem:v11+s31+$0x0], $0xffff;
	[tilespmem:s11+$0x180] =	vst v12  }
0x484: {  	[tilespmem:s6+$0x180] =	vst v9;
	v9 =	vld.idx.msk [tilespmem:v15+s31+$0x0], $0xffff  }
0x485: {  	v17 =	vadd.s32 $0x1388, v5;
	[tilespmem:s12+$0x380] =	vst v6;
	v10 =	vld.idx.msk [tilespmem:v0+s31+$0x0], $0xffff  }
0x486: {  	[tilespmem:s4+$0x180] =	vst v14;
	v12 =	vld.idx.msk [tilespmem:v13+s31+$0x0], $0xffff  }
0x487: {  	s23 =	simm.s32 $0x400;
	[tilespmem:s0+$0x380] =	vst v8;
	v13 =	vld.idx.msk [tilespmem:v16+s31+$0x0], $0xffff;
	v16 =	vadd.s32 $0x3E8, v0  }
0x488: {  	s18 =	sand.u32 $0x3C00, s23;
	v6 =	vld.idx.msk [tilespmem:v21+s31+$0x0], $0xffff;
	s0 =	simm.s32 $0xB0;
	[tilespmem:s17+$0x200] =	vst v11;
	v11 =	vadd.s32 $0x1388, v4  }
0x489: {  	s14 =	sadd.s32 $0x10D00, s18;
	[tilespmem:s9+$0x380] =	vst v7;
	v8 =	vld.idx.msk [tilespmem:v22+s31+$0x0], $0xffff;
	s19 =	sand.u32 $0x70, s0;
	v14 =	vadd.s32 $0x1388, v3  }
0x48a: {  	s12 =	sor.u32 s19, s14;
	v7 =	vld.idx.msk [tilespmem:v17+s31+$0x0], $0xffff;
	v17 =	vadd.s32 $0x1388, v2;
	[tilespmem:s11+$0x200] =	vst v9  }
0x48b: {  	s22 =	simm.s32 $0x90;
	v15 =	vadd.s32 $0x1770, v5;
	v9 =	vld.idx.msk [tilespmem:v19+s31+$0x0], $0xffff;
	[tilespmem:s12+$0x0] =	vst v10  }
0x48c: {  	s18 =	sand.u32 $0x50, s22;
	v18 =	vadd.s32 $0x3E8, v21;
	[tilespmem:s4+$0x200] =	vst v13;
	v13 =	vld.idx.msk [tilespmem:v16+s31+$0x0], $0xffff  }
0x48d: {  	s29 =	sor.u32 s18, s14;
	[tilespmem:s6+$0x200] =	vst v12;
	v12 =	vadd.s32 $0x3E8, v19;
	v11 =	vld.idx.msk [tilespmem:v11+s31+$0x0], $0xffff  }
0x48e: {  	s24 =	simm.s32 $0x80;
	[tilespmem:s29+$0x0] =	vst v6;
	v16 =	vadd.s32 $0x7D0, v0;
	v14 =	vld.idx.msk [tilespmem:v14+s31+$0x0], $0xffff  }
0x48f: {  	v1 =	vadd.s32 $0x1B58, v1;
	s9 =	sand.u32 $0x40, s24;
	[tilespmem:s17+$0x280] =	vst v7;
	v6 =	vld.idx.msk [tilespmem:v17+s31+$0x0], $0xffff  }
0x490: {  	s9 =	sor.u32 s9, s14;
	s19 =	simm.s32 $0xA0;
	v7 =	vadd.s32 $0x3E8, v22;
	v10 =	vld.idx.msk [tilespmem:v15+s31+$0x0], $0xffff  }
0x491: {  	s26 =	sand.u32 $0x60, s19;
	v17 =	vadd.s32 $0x1770, v3;
	[tilespmem:s9+$0x0] =	vst v9;
	v9 =	vld.idx.msk [tilespmem:v18+s31+$0x0], $0xffff  }
0x492: {  	s14 =	sor.u32 s26, s14;
	v15 =	vadd.s32 $0x1770, v4;
	v12 =	vld.idx.msk [tilespmem:v12+s31+$0x0], $0xffff;
	[tilespmem:s12+$0x80] =	vst v13  }
0x493: {  	v5 =	vadd.s32 $0x1B58, v5;
	[tilespmem:s14+$0x0] =	vst v8;
	v16 =	vld.idx.msk [tilespmem:v16+s31+$0x0], $0xffff  }
0x494: {  	v8 =	vadd.s32 $0x7D0, v21;
	[tilespmem:s6+$0x280] =	vst v14;
	v14 =	vld.idx.msk [tilespmem:v1+s31+$0x0], $0xffff  }
0x495: {  	[tilespmem:s11+$0x280] =	vst v11;
	v11 =	vadd.s32 $0x7D0, v19;
	v7 =	vld.idx.msk [tilespmem:v7+s31+$0x0], $0xffff  }
0x496: {  	v13 =	vadd.s32 $0x1770, v2;
	v23 =	vld.idx.msk [tilespmem:v17+s31+$0x0], $0xffff;
	[tilespmem:s4+$0x280] =	vst v6  }
0x497: {  	v15 =	vld.idx.msk [tilespmem:v15+s31+$0x0], $0xffff;
	[tilespmem:s17+$0x300] =	vst v10;
	v10 =	vadd.s32 $0x7D0, v22  }
0x498: {  	v5 =	vld.idx.msk [tilespmem:v5+s31+$0x0], $0xffff;
	[tilespmem:s29+$0x80] =	vst v9;
	v9 =	vadd.s32 $0xBB8, v0  }
0x499: {  	v4 =	vadd.s32 $0x1B58, v4;
	[tilespmem:s9+$0x80] =	vst v12;
	v8 =	vld.idx.msk [tilespmem:v8+s31+$0x0], $0xffff  }
0x49a: {  	v18 =	vld.idx.msk [tilespmem:v11+s31+$0x0], $0xffff;
	[tilespmem:s14+$0x80] =	vst v7;
	v7 =	vadd.s32 $0xBB8, v21  }
0x49b: {  	v25 =	vld.idx.msk [tilespmem:v13+s31+$0x0], $0xffff;
	[tilespmem:s12+$0x100] =	vst v16;
	v16 =	vadd.s32 $0x1B58, v3  }
0x49c: {  	v6 =	vadd.s32 $0xBB8, v19;
	[tilespmem:s6+$0x300] =	vst v23;
	v24 =	vld.idx.msk [tilespmem:v10+s31+$0x0], $0xffff  }
0x49d: {  	v26 =	vadd.s32 $0xBB8, v22;
	[tilespmem:s11+$0x300] =	vst v15;
	v17 =	vld.idx.msk [tilespmem:v9+s31+$0x0], $0xffff  }
0x49e: {  	v13 =	vadd.s32 $0xFA0, v21;
	v15 =	vld.idx.msk [tilespmem:v4+s31+$0x0], $0xffff;
	v9 =	vadd.s32 $0x1388, v21;
	[tilespmem:s29+$0x100] =	vst v8  }
0x49f: {  	v4 =	vadd.s32 $0x1B58, v21;
	[tilespmem:s9+$0x100] =	vst v18;
	v18 =	vld.idx.msk [tilespmem:v7+s31+$0x0], $0xffff;
	v7 =	vadd.s32 $0x1770, v21;
	v21 =	vadd.s32 $0xFA0, v0  }
0x4a0: {  	v1 =	vadd.s32 $0x1B58, v2;
	v2 =	vadd.s32 $0x1B58, v22;
	v12 =	vadd.s32 $0xFA0, v19;
	[tilespmem:s17+$0x380] =	vst v5;
	v16 =	vld.idx.msk [tilespmem:v16+s31+$0x0], $0xffff  }
0x4a1: {  	v11 =	vadd.s32 $0xFA0, v22;
	v3 =	vadd.s32 $0x1B58, v19;
	v10 =	vadd.s32 $0x1388, v22;
	v20 =	vld.idx.msk [tilespmem:v6+s31+$0x0], $0xffff;
	[tilespmem:s14+$0x100] =	vst v24  }
0x4a2: {  	s19 =	simm.s32 $0x8;
	v5 =	vadd.s32 $0x1770, v19;
	s17 =	simm.s32 $0x85E0;
	v8 =	vadd.s32 $0x1388, v19;
	[tilespmem:s4+$0x300] =	vst v25;
	v6 =	vadd.s32 $0x1770, v22;
	v19 =	vld.idx.msk [tilespmem:v26+s31+$0x0], $0xffff  }
.LBB2_19:
0x4a3: {  	v22 =	vld [tilespmem:s17+$0x10];
	[tilespmem:s12+$0x180] =	vst v17  }
0x4a4: {  	s19 =	sadd.s32 $0x4, s19;
	v17 =	vld.idx.msk [tilespmem:v21+s31+$0x0], $0xffff;
	[tilespmem:s11+$0x380] =	vst v15;
	s11 =	smov.u32 s9  }
0x4a5: {  	p2 =	slt.u32 s19, $0x7C;
	v15 =	vld [tilespmem:s17+$0xFFFFFFF0];
	[tilespmem:s29+$0x180] =	vst v18  }
0x4a6: {  	v18 =	vld [tilespmem:s17+$0x0];
	[tilespmem:s11+$0x180] =	vst v20;
	v20 =	vadd.s32 $0x1388, v0  }
0x4a7: {  	v21 =	vld [tilespmem:s17+$0xFFFFFFE0];
	[tilespmem:s14+$0x180] =	vst v19  }
0x4a8: {  	v19 =	vld.idx.msk [tilespmem:v12+s31+$0x0], $0xffff;
	[tilespmem:s6+$0x380] =	vst v16;
	s6 =	smov.u32 s29  }
0x4a9: {  	v16 =	vld.idx.msk [tilespmem:v13+s31+$0x0], $0xffff;
	[tilespmem:s21+$0x380] =	vst v14;
	s21 =	smov.u32 s4;
	s4 =	smov.u32 s14  }
0x4aa: {  	v14 =	vadd.s32 $0x3E8, v15;
	v23 =	vadd.s32 $0x7D0, v15;
	v24 =	vadd.s32 $0xBB8, v15;
	v25 =	vld.idx.msk [tilespmem:v11+s31+$0x0], $0xffff;
	[tilespmem:s12+$0x200] =	vst v17  }
0x4ab: {  	v17 =	vadd.s32 $0x3E8, v18;
	v26 =	vadd.s32 $0x7D0, v18;
	v27 =	vadd.s32 $0xBB8, v18;
	v20 =	vld.idx.msk [tilespmem:v20+s31+$0x0], $0xffff  }
0x4ac: {  	v28 =	vadd.s32 $0x3E8, v21;
	v29 =	vadd.s32 $0x7D0, v21;
	v30 =	vadd.s32 $0xBB8, v21;
	v31 =	vld.idx.msk [tilespmem:v22+s31+$0x0], $0xffff  }
0x4ad: {  	v33 =	vadd.s32 $0x1770, v0;
	v13 =	vadd.s32 $0xFA0, v15;
	v12 =	vadd.s32 $0xFA0, v21;
	v32 =	vld.idx.msk [tilespmem:v15+s31+$0x0], $0xffff  }
0x4ae: {  	s23 =	sadd.s32 $0x200, s23;
	v36 =	vadd.s32 $0x3E8, v22;
	v11 =	vadd.s32 $0xFA0, v18;
	v34 =	vadd.s32 $0x1388, v21;
	v35 =	vld.idx.msk [tilespmem:v18+s31+$0x0], $0xffff;
	[tilespmem:s11+$0x200] =	vst v19  }
0x4af: {  	s0 =	sadd.s32 $0x40, s0;
	s9 =	sand.u32 $0x3C00, s23;
	v38 =	vadd.s32 $0x1388, v15;
	v39 =	vadd.s32 $0x1388, v18;
	v37 =	vadd.s32 $0x1770, v21;
	v19 =	vld.idx.msk [tilespmem:v21+s31+$0x0], $0xffff;
	[tilespmem:s6+$0x200] =	vst v16  }
0x4b0: {  	s18 =	sadd.s32 $0x10D00, s9;
	s9 =	sand.u32 $0x70, s0;
	s14 =	sadd.s32 $0xFFFFFFD0, s0;
	v40 =	vadd.s32 $0x1770, v18;
	v16 =	vadd.s32 $0x1B58, v21;
	v21 =	vadd.s32 $0x1770, v15;
	v41 =	vld.idx.msk [tilespmem:v8+s31+$0x0], $0xffff;
	[tilespmem:s4+$0x200] =	vst v25;
	v8 =	vmovc v34  }
0x4b1: {  	s22 =	sadd.s32 $0xFFFFFFE0, s0;
	s24 =	sadd.s32 $0xFFFFFFF0, s0;
	s26 =	sor.u32 s9, s18;
	v25 =	vadd.s32 $0x1B58, v15;
	v15 =	vadd.s32 $0x1B58, v18;
	v18 =	vld.idx.msk [tilespmem:v9+s31+$0x0], $0xffff;
	[tilespmem:s12+$0x280] =	vst v20;
	v9 =	vmov v38  }
0x4b2: {  	s9 =	sand.u32 $0x40, s14;
	s14 =	sand.u32 $0x50, s22;
	s22 =	sand.u32 $0x60, s24;
	[tilespmem:s26+$0x0] =	vst v31;
	v20 =	vld.idx.msk [tilespmem:v33+s31+$0x0], $0xffff  }
0x4b3: {  	s9 =	sor.u32 s9, s18;
	s29 =	sor.u32 s14, s18;
	s14 =	sor.u32 s22, s18;
	v31 =	vld.idx.msk [tilespmem:v36+s31+$0x0], $0xffff  }
0x4b4: {  	v33 =	vadd.s32 $0x1B58, v0;
	v0 =	vmov v22;
	[tilespmem:s29+$0x0] =	vst v32;
	v32 =	vld.idx.msk [tilespmem:v10+s31+$0x0], $0xffff;
	v10 =	vmov v39  }
0x4b5: {  	[tilespmem:s9+$0x0] =	vst v19;
	v14 =	vld.idx.msk [tilespmem:v14+s31+$0x0], $0xffff;
	v19 =	vadd.s32 $0x7D0, v0  }
0x4b6: {  	v22 =	vld.idx.msk [tilespmem:v28+s31+$0x0], $0xffff;
	[tilespmem:s14+$0x0] =	vst v35  }
0x4b7: {  	v17 =	vld.idx.msk [tilespmem:v17+s31+$0x0], $0xffff;
	[tilespmem:s11+$0x280] =	vst v41  }
0x4b8: {  	v28 =	vld.idx.msk [tilespmem:v5+s31+$0x0], $0xffff;
	[tilespmem:s12+$0x300] =	vst v20;
	v5 =	vmov v37  }
0x4b9: {  	[tilespmem:s26+$0x80] =	vst v31;
	v20 =	vld.idx.msk [tilespmem:v33+s31+$0x0], $0xffff  }
0x4ba: {  	v19 =	vld.idx.msk [tilespmem:v19+s31+$0x0], $0xffff;
	[tilespmem:s6+$0x280] =	vst v18  }
0x4bb: {  	[tilespmem:s29+$0x80] =	vst v14;
	v31 =	vld.idx.msk [tilespmem:v7+s31+$0x0], $0xffff;
	v7 =	vmov v21  }
0x4bc: {  	v21 =	vadd.s32 $0xBB8, v0;
	[tilespmem:s9+$0x80] =	vst v22;
	v18 =	vld.idx.msk [tilespmem:v23+s31+$0x0], $0xffff  }
0x4bd: {  	v22 =	vld.idx.msk [tilespmem:v29+s31+$0x0], $0xffff;
	[tilespmem:s14+$0x80] =	vst v17  }
0x4be: {  	v23 =	vld.idx.msk [tilespmem:v26+s31+$0x0], $0xffff;
	[tilespmem:s4+$0x280] =	vst v32  }
0x4bf: {  	v26 =	vld.idx.msk [tilespmem:v6+s31+$0x0], $0xffff;
	[tilespmem:s12+$0x380] =	vst v20;
	v6 =	vmov v40;
	s12 =	smov.u32 s26  }
0x4c0: {  	[tilespmem:s12+$0x100] =	vst v19;
	v14 =	vld.idx.msk [tilespmem:v1+s31+$0x0], $0xffff;
	v1 =	vmov v2;
	v2 =	vmov v15  }
0x4c1: {  	v17 =	vld.idx.msk [tilespmem:v21+s31+$0x0], $0xffff;
	[tilespmem:s11+$0x300] =	vst v28  }
.Ltmp8:
0x4c2: {  	[tilespmem:s29+$0x100] =	vst v18;
	v15 =	vld.idx.msk [tilespmem:v3+s31+$0x0], $0xffff;
	v3 =	vmov v16;
	(pc) =	sbr.rel @p2 .LBB2_19-.Ltmp8, $4  }
0x4c3: {  	v21 =	vadd.s32 $0xFA0, v0;
	[tilespmem:s9+$0x100] =	vst v22;
	v18 =	vld.idx.msk [tilespmem:v24+s31+$0x0], $0xffff  }
0x4c4: {  	v20 =	vld.idx.msk [tilespmem:v30+s31+$0x0], $0xffff;
	[tilespmem:s14+$0x100] =	vst v23  }
0x4c5: {  	v19 =	vld.idx.msk [tilespmem:v27+s31+$0x0], $0xffff;
	[tilespmem:s6+$0x300] =	vst v31  }
0x4c6: {  	s17 =	sadd.s32 $0x40, s17;
	v16 =	vld.idx.msk [tilespmem:v4+s31+$0x0], $0xffff;
	[tilespmem:s4+$0x300] =	vst v26;
	v4 =	vmov v25  }
0x4c7: {  	_ =	sdelay $0x2  }
0x4c8: {  	[tilespmem:s12+$0x180] =	vst v17  }
0x4c9: {  	v17 =	vld.idx.msk [tilespmem:v21+s31+$0x0], $0xffff;
	[tilespmem:s29+$0x180] =	vst v18  }
0x4ca: {  	v60 =	vadd.s32 $0x1388, v0;
	[tilespmem:s9+$0x180] =	vst v20;
	v13 =	vld.idx.msk [tilespmem:v13+s31+$0x0], $0xffff  }
0x4cb: {  	v12 =	vld.idx.msk [tilespmem:v12+s31+$0x0], $0xffff;
	[tilespmem:s14+$0x180] =	vst v19  }
0x4cc: {  	v11 =	vld.idx.msk [tilespmem:v11+s31+$0x0], $0xffff;
	_ =	sdelay $0x1  }
0x4cd: {  	[tilespmem:s12+$0x200] =	vst v17  }
0x4ce: {  	v17 =	vld.idx.msk [tilespmem:v60+s31+$0x0], $0xffff;
	[tilespmem:s29+$0x200] =	vst v13  }
0x4cf: {  	v61 =	vadd.s32 $0x1770, v0;
	[tilespmem:s9+$0x200] =	vst v12;
	v9 =	vld.idx.msk [tilespmem:v9+s31+$0x0], $0xffff  }
0x4d0: {  	v8 =	vld.idx.msk [tilespmem:v8+s31+$0x0], $0xffff;
	[tilespmem:s14+$0x200] =	vst v11  }
0x4d1: {  	v10 =	vld.idx.msk [tilespmem:v10+s31+$0x0], $0xffff;
	_ =	sdelay $0x1  }
0x4d2: {  	[tilespmem:s12+$0x280] =	vst v17  }
0x4d3: {  	v62 =	vld.idx.msk [tilespmem:v61+s31+$0x0], $0xffff;
	[tilespmem:s29+$0x280] =	vst v9  }
0x4d4: {  	v63 =	vadd.s32 $0x1B58, v0;
	[tilespmem:s9+$0x280] =	vst v8;
	v7 =	vld.idx.msk [tilespmem:v7+s31+$0x0], $0xffff  }
0x4d5: {  	v5 =	vld.idx.msk [tilespmem:v5+s31+$0x0], $0xffff;
	[tilespmem:s14+$0x280] =	vst v10  }
0x4d6: {  	[tilespmem:s11+$0x380] =	vst v15;
	v6 =	vld.idx.msk [tilespmem:v6+s31+$0x0], $0xffff  }
0x4d7: {  	[tilespmem:s21+$0x380] =	vst v14  }
0x4d8: {  	v1 =	vld.idx.msk [tilespmem:v1+s31+$0x0], $0xffff;
	[tilespmem:s12+$0x300] =	vst v62  }
0x4d9: {  	v0 =	vld.idx.msk [tilespmem:v63+s31+$0x0], $0xffff;
	[tilespmem:s29+$0x300] =	vst v7  }
0x4da: {  	[tilespmem:s9+$0x300] =	vst v5;
	v4 =	vld.idx.msk [tilespmem:v4+s31+$0x0], $0xffff  }
0x4db: {  	v3 =	vld.idx.msk [tilespmem:v3+s31+$0x0], $0xffff;
	[tilespmem:s14+$0x300] =	vst v6  }
0x4dc: {  	[tilespmem:s6+$0x380] =	vst v16;
	v2 =	vld.idx.msk [tilespmem:v2+s31+$0x0], $0xffff  }
0x4dd: {  	[tilespmem:s4+$0x380] =	vst v1  }
.Ltmp9:
0x4de: {  	[tilespmem:s12+$0x380] =	vst v0;
	(pc) =	sbr.rel @p0 .LBB2_24-.Ltmp9, $4  }
0x4df: {  	s0 =	sadd.s32 s16, s20;
	[tilespmem:s29+$0x380] =	vst v4  }
0x4e0: {  	s0 =	sshrl.u32 s0, $0x3;
	[tilespmem:s9+$0x380] =	vst v3  }
0x4e1: {  	s0 =	sadd.s32 s2, s0;
	s29 =	simm.s32 $0x10D00;
	[tilespmem:s14+$0x380] =	vst v2  }
0x4e2: {  	[hbm4b:s0+s3] =	stream.linear.scatter [tilespmem:s29], [sflag:$0x3], $0x4000, $0x38;
	[tilespmem:$0x1B8F8] =	vst v63  }
0x4e3: {  	s0 =	simm.s32 $0x4  }
0x4e4: {  	_ =	swait.ge [sflag:s0], $0x4000  }
0x4e5: {  	[sflag:s0] =	ssyncset.done $0x0  }
0x4e6: {  	s6 =	simm.s32 $0x8520;
	[sflag:s0] =	ssyncadd.s32 $0xFFFFC000  }
0x4e7: {  	v7 =	vld [tilespmem:s6+$0x10]  }
0x4e8: {  	v6 =	vld [tilespmem:s6+$0xFFFFFFE0]  }
0x4e9: {  	v0 =	vld [tilespmem:s6+$0xFFFFFFF0];
	_ =	sdelay $0x1  }
0x4ea: {  	v1 =	vld [tilespmem:s6+$0x0];
	_ =	sdelay $0x3  }
0x4eb: {  	v2 =	vld.idx.msk [tilespmem:v7+s28+$0x0], $0xffff  }
0x4ec: {  	s9 =	simm.s32 $0x0;
	v3 =	vadd.s32 $0x3E8, v7;
	v8 =	vld.idx.msk [tilespmem:v6+s28+$0x0], $0xffff  }
0x4ed: {  	s4 =	simm.s32 $0x30;
	s12 =	simm.s32 $0x10;
	s0 =	sand.u32 $0x3C00, s9;
	v9 =	vadd.s32 $0x3E8, v6;
	v4 =	vld.idx.msk [tilespmem:v0+s28+$0x0], $0xffff  }
0x4ee: {  	s14 =	simm.s32 $0x0;
	s11 =	sand.u32 $0x70, s4;
	s6 =	sadd.s32 $0x14D00, s0;
	v5 =	vadd.s32 $0x3E8, v0  }
0x4ef: {  	s4 =	sand.u32 $0x50, s12;
	s12 =	sand.u32 $0x40, s14;
	s9 =	sor.u32 s11, s6;
	v10 =	vld.idx.msk [tilespmem:v1+s28+$0x0], $0xffff  }
0x4f0: {  	s12 =	sor.u32 s12, s6;
	v11 =	vadd.s32 $0x3E8, v1;
	[tilespmem:s9+$0x0] =	vst v2  }
0x4f1: {  	s11 =	simm.s32 $0x20;
	s0 =	sor.u32 s4, s6;
	[tilespmem:s12+$0x0] =	vst v8;
	v2 =	vld.idx.msk [tilespmem:v3+s28+$0x0], $0xffff  }
0x4f2: {  	s17 =	sand.u32 $0x60, s11;
	[tilespmem:s0+$0x0] =	vst v4;
	v3 =	vadd.s32 $0x7D0, v7;
	v8 =	vld.idx.msk [tilespmem:v9+s28+$0x0], $0xffff  }
0x4f3: {  	s21 =	sor.u32 s17, s6;
	v4 =	vld.idx.msk [tilespmem:v5+s28+$0x0], $0xffff;
	v9 =	vadd.s32 $0x7D0, v6  }
0x4f4: {  	[tilespmem:s21+$0x0] =	vst v10;
	v5 =	vadd.s32 $0x7D0, v0  }
0x4f5: {  	v10 =	vld.idx.msk [tilespmem:v11+s28+$0x0], $0xffff  }
0x4f6: {  	v11 =	vadd.s32 $0x7D0, v1;
	[tilespmem:s9+$0x80] =	vst v2  }
0x4f7: {  	[tilespmem:s12+$0x80] =	vst v8;
	v2 =	vld.idx.msk [tilespmem:v3+s28+$0x0], $0xffff  }
0x4f8: {  	[tilespmem:s0+$0x80] =	vst v4;
	v3 =	vadd.s32 $0xBB8, v7;
	v8 =	vld.idx.msk [tilespmem:v9+s28+$0x0], $0xffff  }
0x4f9: {  	v4 =	vld.idx.msk [tilespmem:v5+s28+$0x0], $0xffff;
	v9 =	vadd.s32 $0xBB8, v6  }
0x4fa: {  	[tilespmem:s21+$0x80] =	vst v10  }
0x4fb: {  	v5 =	vadd.s32 $0xBB8, v0;
	v10 =	vld.idx.msk [tilespmem:v11+s28+$0x0], $0xffff  }
0x4fc: {  	v11 =	vadd.s32 $0xBB8, v1;
	[tilespmem:s9+$0x100] =	vst v2  }
0x4fd: {  	[tilespmem:s12+$0x100] =	vst v8;
	v2 =	vld.idx.msk [tilespmem:v3+s28+$0x0], $0xffff  }
0x4fe: {  	s26 =	simm.s32 $0x85A0;
	[tilespmem:s0+$0x100] =	vst v4;
	v4 =	vld.idx.msk [tilespmem:v9+s28+$0x0], $0xffff  }
0x4ff: {  	v21 =	vld [tilespmem:s26+$0xFFFFFFF0];
	v3 =	vadd.s32 $0xFA0, v7  }
0x500: {  	[tilespmem:s21+$0x100] =	vst v10;
	v8 =	vld.idx.msk [tilespmem:v5+s28+$0x0], $0xffff  }
0x501: {  	s18 =	simm.s32 $0x8560;
	v10 =	vadd.s32 $0xFA0, v6;
	v9 =	vld.idx.msk [tilespmem:v11+s28+$0x0], $0xffff  }
0x502: {  	v5 =	vld [tilespmem:s18+$0x10];
	v11 =	vadd.s32 $0xFA0, v0;
	[tilespmem:s9+$0x180] =	vst v2  }
0x503: {  	[tilespmem:s12+$0x180] =	vst v4;
	v4 =	vld [tilespmem:s18+$0xFFFFFFE0]  }
0x504: {  	v13 =	vadd.s32 $0xFA0, v1;
	v12 =	vld.idx.msk [tilespmem:v3+s28+$0x0], $0xffff  }
0x505: {  	v14 =	vadd.s32 $0x1388, v7;
	v3 =	vld [tilespmem:s18+$0xFFFFFFF0]  }
0x506: {  	[tilespmem:s0+$0x180] =	vst v8;
	v8 =	vld.idx.msk [tilespmem:v10+s28+$0x0], $0xffff  }
0x507: {  	[tilespmem:s21+$0x180] =	vst v9;
	v9 =	vld.idx.msk [tilespmem:v11+s28+$0x0], $0xffff;
	v11 =	vadd.s32 $0x1388, v6  }
0x508: {  	v2 =	vld [tilespmem:s18+$0x0]  }
0x509: {  	v10 =	vld.idx.msk [tilespmem:v13+s28+$0x0], $0xffff;
	[tilespmem:s9+$0x200] =	vst v12  }
0x50a: {  	v13 =	vadd.s32 $0x1388, v0;
	v12 =	vld.idx.msk [tilespmem:v14+s28+$0x0], $0xffff  }
0x50b: {  	[tilespmem:s12+$0x200] =	vst v8;
	v14 =	vld.idx.msk [tilespmem:v5+s28+$0x0], $0xffff  }
0x50c: {  	v16 =	vadd.s32 $0x1770, v7;
	[tilespmem:s0+$0x200] =	vst v9;
	v9 =	vld.idx.msk [tilespmem:v11+s28+$0x0], $0xffff  }
0x50d: {  	s19 =	simm.s32 $0x200;
	v18 =	vadd.s32 $0x3E8, v5;
	v8 =	vld.idx.msk [tilespmem:v4+s28+$0x0], $0xffff  }
0x50e: {  	s22 =	simm.s32 $0x70;
	s23 =	simm.s32 $0x50;
	s4 =	sand.u32 $0x3C00, s19;
	v19 =	vadd.s32 $0x1388, v1;
	v15 =	vld.idx.msk [tilespmem:v3+s28+$0x0], $0xffff  }
0x50f: {  	s24 =	simm.s32 $0x40;
	s4 =	sadd.s32 $0x14D00, s4;
	s6 =	sand.u32 $0x70, s22;
	[tilespmem:s21+$0x200] =	vst v10;
	v11 =	vadd.s32 $0x3E8, v4;
	v13 =	vld.idx.msk [tilespmem:v13+s28+$0x0], $0xffff  }
0x510: {  	s11 =	sand.u32 $0x50, s23;
	s17 =	sor.u32 s6, s4;
	s18 =	sand.u32 $0x40, s24;
	v20 =	vadd.s32 $0x3E8, v3;
	v17 =	vld.idx.msk [tilespmem:v2+s28+$0x0], $0xffff;
	[tilespmem:s9+$0x280] =	vst v12  }
0x511: {  	s6 =	sor.u32 s11, s4;
	s11 =	sor.u32 s18, s4;
	[tilespmem:s17+$0x0] =	vst v14;
	v14 =	vld.idx.msk [tilespmem:v16+s28+$0x0], $0xffff  }
0x512: {  	v12 =	vadd.s32 $0x3E8, v2;
	v10 =	vld.idx.msk [tilespmem:v18+s28+$0x0], $0xffff;
	[tilespmem:s11+$0x0] =	vst v8  }
0x513: {  	s14 =	simm.s32 $0x60;
	v16 =	vadd.s32 $0x1770, v6;
	[tilespmem:s6+$0x0] =	vst v15;
	v15 =	vld.idx.msk [tilespmem:v19+s28+$0x0], $0xffff  }
0x514: {  	s14 =	sand.u32 $0x60, s14;
	[tilespmem:s12+$0x280] =	vst v9;
	v18 =	vadd.s32 $0x7D0, v5;
	v11 =	vld.idx.msk [tilespmem:v11+s28+$0x0], $0xffff  }
0x515: {  	s4 =	sor.u32 s14, s4;
	[tilespmem:s0+$0x280] =	vst v13;
	v19 =	vadd.s32 $0x1770, v0;
	v8 =	vld.idx.msk [tilespmem:v20+s28+$0x0], $0xffff  }
0x516: {  	v22 =	vld [tilespmem:s26+$0x0];
	v9 =	vadd.s32 $0x7D0, v4;
	[tilespmem:s4+$0x0] =	vst v17  }
0x517: {  	v17 =	vadd.s32 $0x7D0, v3;
	v12 =	vld.idx.msk [tilespmem:v12+s28+$0x0], $0xffff;
	[tilespmem:s9+$0x300] =	vst v14  }
0x518: {  	v16 =	vld.idx.msk [tilespmem:v16+s28+$0x0], $0xffff;
	v14 =	vadd.s32 $0x7D0, v2;
	[tilespmem:s17+$0x80] =	vst v10  }
0x519: {  	v10 =	vadd.s32 $0x1770, v1;
	v18 =	vld.idx.msk [tilespmem:v18+s28+$0x0], $0xffff;
	[tilespmem:s11+$0x80] =	vst v11  }
0x51a: {  	v13 =	vadd.s32 $0xBB8, v5;
	[tilespmem:s6+$0x80] =	vst v8;
	v8 =	vld.idx.msk [tilespmem:v19+s28+$0x0], $0xffff  }
0x51b: {  	v0 =	vadd.s32 $0x1B58, v0;
	v9 =	vld.idx.msk [tilespmem:v9+s28+$0x0], $0xffff  }
0x51c: {  	v11 =	vld.idx.msk [tilespmem:v17+s28+$0x0], $0xffff;
	[tilespmem:s4+$0x80] =	vst v12  }
0x51d: {  	[tilespmem:s21+$0x280] =	vst v15;
	v17 =	vadd.s32 $0xBB8, v3;
	v14 =	vld.idx.msk [tilespmem:v14+s28+$0x0], $0xffff  }
0x51e: {  	v12 =	vadd.s32 $0xBB8, v4;
	v10 =	vld.idx.msk [tilespmem:v10+s28+$0x0], $0xffff;
	[tilespmem:s17+$0x100] =	vst v18  }
0x51f: {  	v15 =	vadd.s32 $0xBB8, v2;
	v13 =	vld.idx.msk [tilespmem:v13+s28+$0x0], $0xffff;
	[tilespmem:s0+$0x300] =	vst v8  }
0x520: {  	v6 =	vadd.s32 $0x1B58, v6;
	v8 =	vld.idx.msk [tilespmem:v0+s28+$0x0], $0xffff  }
0x521: {  	v7 =	vadd.s32 $0x1B58, v7;
	[tilespmem:s6+$0x100] =	vst v11;
	v0 =	vld [tilespmem:s26+$0x10]  }
0x522: {  	[tilespmem:s11+$0x100] =	vst v9;
	v9 =	vld.idx.msk [tilespmem:v17+s28+$0x0], $0xffff  }
0x523: {  	v11 =	vadd.s32 $0xFA0, v5;
	v12 =	vld.idx.msk [tilespmem:v12+s28+$0x0], $0xffff;
	[tilespmem:s4+$0x100] =	vst v14  }
0x524: {  	[tilespmem:s12+$0x300] =	vst v16;
	v14 =	vld.idx.msk [tilespmem:v15+s28+$0x0], $0xffff;
	v15 =	vadd.s32 $0xFA0, v4  }
0x525: {  	v6 =	vld.idx.msk [tilespmem:v6+s28+$0x0], $0xffff  }
0x526: {  	v7 =	vld.idx.msk [tilespmem:v7+s28+$0x0], $0xffff;
	[tilespmem:s17+$0x180] =	vst v13;
	v13 =	vadd.s32 $0xFA0, v3  }
0x527: {  	v19 =	vld [tilespmem:s26+$0xFFFFFFE0];
	v16 =	vadd.s32 $0xFA0, v2;
	[tilespmem:s21+$0x300] =	vst v10  }
0x528: {  	v11 =	vld.idx.msk [tilespmem:v11+s28+$0x0], $0xffff;
	[tilespmem:s11+$0x180] =	vst v12  }
0x529: {  	[tilespmem:s6+$0x180] =	vst v9;
	v9 =	vld.idx.msk [tilespmem:v15+s28+$0x0], $0xffff  }
0x52a: {  	v17 =	vadd.s32 $0x1388, v5;
	[tilespmem:s12+$0x380] =	vst v6;
	v10 =	vld.idx.msk [tilespmem:v0+s28+$0x0], $0xffff  }
0x52b: {  	[tilespmem:s4+$0x180] =	vst v14;
	v12 =	vld.idx.msk [tilespmem:v13+s28+$0x0], $0xffff  }
0x52c: {  	s23 =	simm.s32 $0x400;
	[tilespmem:s0+$0x380] =	vst v8;
	v13 =	vld.idx.msk [tilespmem:v16+s28+$0x0], $0xffff;
	v16 =	vadd.s32 $0x3E8, v0  }
0x52d: {  	s18 =	sand.u32 $0x3C00, s23;
	v6 =	vld.idx.msk [tilespmem:v21+s28+$0x0], $0xffff;
	s0 =	simm.s32 $0xB0;
	[tilespmem:s17+$0x200] =	vst v11;
	v11 =	vadd.s32 $0x1388, v4  }
0x52e: {  	s14 =	sadd.s32 $0x14D00, s18;
	[tilespmem:s9+$0x380] =	vst v7;
	v8 =	vld.idx.msk [tilespmem:v22+s28+$0x0], $0xffff;
	s19 =	sand.u32 $0x70, s0;
	v14 =	vadd.s32 $0x1388, v3  }
0x52f: {  	s12 =	sor.u32 s19, s14;
	v7 =	vld.idx.msk [tilespmem:v17+s28+$0x0], $0xffff;
	v17 =	vadd.s32 $0x1388, v2;
	[tilespmem:s11+$0x200] =	vst v9  }
0x530: {  	s22 =	simm.s32 $0x90;
	v15 =	vadd.s32 $0x1770, v5;
	v9 =	vld.idx.msk [tilespmem:v19+s28+$0x0], $0xffff;
	[tilespmem:s12+$0x0] =	vst v10  }
0x531: {  	s18 =	sand.u32 $0x50, s22;
	v18 =	vadd.s32 $0x3E8, v21;
	[tilespmem:s4+$0x200] =	vst v13;
	v13 =	vld.idx.msk [tilespmem:v16+s28+$0x0], $0xffff  }
0x532: {  	s29 =	sor.u32 s18, s14;
	[tilespmem:s6+$0x200] =	vst v12;
	v12 =	vadd.s32 $0x3E8, v19;
	v11 =	vld.idx.msk [tilespmem:v11+s28+$0x0], $0xffff  }
0x533: {  	s24 =	simm.s32 $0x80;
	[tilespmem:s29+$0x0] =	vst v6;
	v16 =	vadd.s32 $0x7D0, v0;
	v14 =	vld.idx.msk [tilespmem:v14+s28+$0x0], $0xffff  }
0x534: {  	v1 =	vadd.s32 $0x1B58, v1;
	s9 =	sand.u32 $0x40, s24;
	[tilespmem:s17+$0x280] =	vst v7;
	v6 =	vld.idx.msk [tilespmem:v17+s28+$0x0], $0xffff  }
0x535: {  	s9 =	sor.u32 s9, s14;
	s19 =	simm.s32 $0xA0;
	v7 =	vadd.s32 $0x3E8, v22;
	v10 =	vld.idx.msk [tilespmem:v15+s28+$0x0], $0xffff  }
0x536: {  	s26 =	sand.u32 $0x60, s19;
	v17 =	vadd.s32 $0x1770, v3;
	[tilespmem:s9+$0x0] =	vst v9;
	v9 =	vld.idx.msk [tilespmem:v18+s28+$0x0], $0xffff  }
0x537: {  	s14 =	sor.u32 s26, s14;
	v15 =	vadd.s32 $0x1770, v4;
	v12 =	vld.idx.msk [tilespmem:v12+s28+$0x0], $0xffff;
	[tilespmem:s12+$0x80] =	vst v13  }
0x538: {  	v5 =	vadd.s32 $0x1B58, v5;
	[tilespmem:s14+$0x0] =	vst v8;
	v16 =	vld.idx.msk [tilespmem:v16+s28+$0x0], $0xffff  }
0x539: {  	v8 =	vadd.s32 $0x7D0, v21;
	[tilespmem:s6+$0x280] =	vst v14;
	v14 =	vld.idx.msk [tilespmem:v1+s28+$0x0], $0xffff  }
0x53a: {  	[tilespmem:s11+$0x280] =	vst v11;
	v11 =	vadd.s32 $0x7D0, v19;
	v7 =	vld.idx.msk [tilespmem:v7+s28+$0x0], $0xffff  }
0x53b: {  	v13 =	vadd.s32 $0x1770, v2;
	v23 =	vld.idx.msk [tilespmem:v17+s28+$0x0], $0xffff;
	[tilespmem:s4+$0x280] =	vst v6  }
0x53c: {  	v15 =	vld.idx.msk [tilespmem:v15+s28+$0x0], $0xffff;
	[tilespmem:s17+$0x300] =	vst v10;
	v10 =	vadd.s32 $0x7D0, v22  }
0x53d: {  	v5 =	vld.idx.msk [tilespmem:v5+s28+$0x0], $0xffff;
	[tilespmem:s29+$0x80] =	vst v9;
	v9 =	vadd.s32 $0xBB8, v0  }
0x53e: {  	v4 =	vadd.s32 $0x1B58, v4;
	[tilespmem:s9+$0x80] =	vst v12;
	v8 =	vld.idx.msk [tilespmem:v8+s28+$0x0], $0xffff  }
0x53f: {  	v18 =	vld.idx.msk [tilespmem:v11+s28+$0x0], $0xffff;
	[tilespmem:s14+$0x80] =	vst v7;
	v7 =	vadd.s32 $0xBB8, v21  }
0x540: {  	v25 =	vld.idx.msk [tilespmem:v13+s28+$0x0], $0xffff;
	[tilespmem:s12+$0x100] =	vst v16;
	v16 =	vadd.s32 $0x1B58, v3  }
0x541: {  	v6 =	vadd.s32 $0xBB8, v19;
	[tilespmem:s6+$0x300] =	vst v23;
	v24 =	vld.idx.msk [tilespmem:v10+s28+$0x0], $0xffff  }
0x542: {  	v26 =	vadd.s32 $0xBB8, v22;
	[tilespmem:s11+$0x300] =	vst v15;
	v17 =	vld.idx.msk [tilespmem:v9+s28+$0x0], $0xffff  }
0x543: {  	v13 =	vadd.s32 $0xFA0, v21;
	v15 =	vld.idx.msk [tilespmem:v4+s28+$0x0], $0xffff;
	v9 =	vadd.s32 $0x1388, v21;
	[tilespmem:s29+$0x100] =	vst v8  }
0x544: {  	v4 =	vadd.s32 $0x1B58, v21;
	[tilespmem:s9+$0x100] =	vst v18;
	v18 =	vld.idx.msk [tilespmem:v7+s28+$0x0], $0xffff;
	v7 =	vadd.s32 $0x1770, v21;
	v21 =	vadd.s32 $0xFA0, v0  }
0x545: {  	v1 =	vadd.s32 $0x1B58, v2;
	v2 =	vadd.s32 $0x1B58, v22;
	v12 =	vadd.s32 $0xFA0, v19;
	[tilespmem:s17+$0x380] =	vst v5;
	v16 =	vld.idx.msk [tilespmem:v16+s28+$0x0], $0xffff  }
0x546: {  	v11 =	vadd.s32 $0xFA0, v22;
	v3 =	vadd.s32 $0x1B58, v19;
	v10 =	vadd.s32 $0x1388, v22;
	v20 =	vld.idx.msk [tilespmem:v6+s28+$0x0], $0xffff;
	[tilespmem:s14+$0x100] =	vst v24  }
0x547: {  	s19 =	simm.s32 $0x8;
	v5 =	vadd.s32 $0x1770, v19;
	s17 =	simm.s32 $0x85E0;
	v8 =	vadd.s32 $0x1388, v19;
	[tilespmem:s4+$0x300] =	vst v25;
	v6 =	vadd.s32 $0x1770, v22;
	v19 =	vld.idx.msk [tilespmem:v26+s28+$0x0], $0xffff  }
.LBB2_22:
0x548: {  	v22 =	vld [tilespmem:s17+$0x10];
	[tilespmem:s12+$0x180] =	vst v17  }
0x549: {  	s19 =	sadd.s32 $0x4, s19;
	v17 =	vld.idx.msk [tilespmem:v21+s28+$0x0], $0xffff;
	[tilespmem:s11+$0x380] =	vst v15;
	s11 =	smov.u32 s9  }
0x54a: {  	p2 =	slt.u32 s19, $0x7C;
	v15 =	vld [tilespmem:s17+$0xFFFFFFF0];
	[tilespmem:s29+$0x180] =	vst v18  }
0x54b: {  	v18 =	vld [tilespmem:s17+$0x0];
	[tilespmem:s11+$0x180] =	vst v20;
	v20 =	vadd.s32 $0x1388, v0  }
0x54c: {  	v21 =	vld [tilespmem:s17+$0xFFFFFFE0];
	[tilespmem:s14+$0x180] =	vst v19  }
0x54d: {  	v19 =	vld.idx.msk [tilespmem:v12+s28+$0x0], $0xffff;
	[tilespmem:s6+$0x380] =	vst v16;
	s6 =	smov.u32 s29  }
0x54e: {  	v16 =	vld.idx.msk [tilespmem:v13+s28+$0x0], $0xffff;
	[tilespmem:s21+$0x380] =	vst v14;
	s21 =	smov.u32 s4;
	s4 =	smov.u32 s14  }
0x54f: {  	v14 =	vadd.s32 $0x3E8, v15;
	v23 =	vadd.s32 $0x7D0, v15;
	v24 =	vadd.s32 $0xBB8, v15;
	v25 =	vld.idx.msk [tilespmem:v11+s28+$0x0], $0xffff;
	[tilespmem:s12+$0x200] =	vst v17  }
0x550: {  	v17 =	vadd.s32 $0x3E8, v18;
	v26 =	vadd.s32 $0x7D0, v18;
	v27 =	vadd.s32 $0xBB8, v18;
	v20 =	vld.idx.msk [tilespmem:v20+s28+$0x0], $0xffff  }
0x551: {  	v28 =	vadd.s32 $0x3E8, v21;
	v29 =	vadd.s32 $0x7D0, v21;
	v30 =	vadd.s32 $0xBB8, v21;
	v31 =	vld.idx.msk [tilespmem:v22+s28+$0x0], $0xffff  }
0x552: {  	v33 =	vadd.s32 $0x1770, v0;
	v13 =	vadd.s32 $0xFA0, v15;
	v12 =	vadd.s32 $0xFA0, v21;
	v32 =	vld.idx.msk [tilespmem:v15+s28+$0x0], $0xffff  }
0x553: {  	s23 =	sadd.s32 $0x200, s23;
	v36 =	vadd.s32 $0x3E8, v22;
	v11 =	vadd.s32 $0xFA0, v18;
	v34 =	vadd.s32 $0x1388, v21;
	v35 =	vld.idx.msk [tilespmem:v18+s28+$0x0], $0xffff;
	[tilespmem:s11+$0x200] =	vst v19  }
0x554: {  	s0 =	sadd.s32 $0x40, s0;
	s9 =	sand.u32 $0x3C00, s23;
	v38 =	vadd.s32 $0x1388, v15;
	v39 =	vadd.s32 $0x1388, v18;
	v37 =	vadd.s32 $0x1770, v21;
	v19 =	vld.idx.msk [tilespmem:v21+s28+$0x0], $0xffff;
	[tilespmem:s6+$0x200] =	vst v16  }
0x555: {  	s18 =	sadd.s32 $0x14D00, s9;
	s9 =	sand.u32 $0x70, s0;
	s14 =	sadd.s32 $0xFFFFFFD0, s0;
	v40 =	vadd.s32 $0x1770, v18;
	v16 =	vadd.s32 $0x1B58, v21;
	v21 =	vadd.s32 $0x1770, v15;
	v41 =	vld.idx.msk [tilespmem:v8+s28+$0x0], $0xffff;
	[tilespmem:s4+$0x200] =	vst v25;
	v8 =	vmovc v34  }
0x556: {  	s22 =	sadd.s32 $0xFFFFFFE0, s0;
	s24 =	sadd.s32 $0xFFFFFFF0, s0;
	s26 =	sor.u32 s9, s18;
	v25 =	vadd.s32 $0x1B58, v15;
	v15 =	vadd.s32 $0x1B58, v18;
	v18 =	vld.idx.msk [tilespmem:v9+s28+$0x0], $0xffff;
	[tilespmem:s12+$0x280] =	vst v20;
	v9 =	vmov v38  }
0x557: {  	s9 =	sand.u32 $0x40, s14;
	s14 =	sand.u32 $0x50, s22;
	s22 =	sand.u32 $0x60, s24;
	[tilespmem:s26+$0x0] =	vst v31;
	v20 =	vld.idx.msk [tilespmem:v33+s28+$0x0], $0xffff  }
0x558: {  	s9 =	sor.u32 s9, s18;
	s29 =	sor.u32 s14, s18;
	s14 =	sor.u32 s22, s18;
	v31 =	vld.idx.msk [tilespmem:v36+s28+$0x0], $0xffff  }
0x559: {  	v33 =	vadd.s32 $0x1B58, v0;
	v0 =	vmov v22;
	[tilespmem:s29+$0x0] =	vst v32;
	v32 =	vld.idx.msk [tilespmem:v10+s28+$0x0], $0xffff;
	v10 =	vmov v39  }
0x55a: {  	[tilespmem:s9+$0x0] =	vst v19;
	v14 =	vld.idx.msk [tilespmem:v14+s28+$0x0], $0xffff;
	v19 =	vadd.s32 $0x7D0, v0  }
0x55b: {  	v22 =	vld.idx.msk [tilespmem:v28+s28+$0x0], $0xffff;
	[tilespmem:s14+$0x0] =	vst v35  }
0x55c: {  	v17 =	vld.idx.msk [tilespmem:v17+s28+$0x0], $0xffff;
	[tilespmem:s11+$0x280] =	vst v41  }
0x55d: {  	v28 =	vld.idx.msk [tilespmem:v5+s28+$0x0], $0xffff;
	[tilespmem:s12+$0x300] =	vst v20;
	v5 =	vmov v37  }
0x55e: {  	[tilespmem:s26+$0x80] =	vst v31;
	v20 =	vld.idx.msk [tilespmem:v33+s28+$0x0], $0xffff  }
0x55f: {  	v19 =	vld.idx.msk [tilespmem:v19+s28+$0x0], $0xffff;
	[tilespmem:s6+$0x280] =	vst v18  }
0x560: {  	[tilespmem:s29+$0x80] =	vst v14;
	v31 =	vld.idx.msk [tilespmem:v7+s28+$0x0], $0xffff;
	v7 =	vmov v21  }
0x561: {  	v21 =	vadd.s32 $0xBB8, v0;
	[tilespmem:s9+$0x80] =	vst v22;
	v18 =	vld.idx.msk [tilespmem:v23+s28+$0x0], $0xffff  }
0x562: {  	v22 =	vld.idx.msk [tilespmem:v29+s28+$0x0], $0xffff;
	[tilespmem:s14+$0x80] =	vst v17  }
0x563: {  	v23 =	vld.idx.msk [tilespmem:v26+s28+$0x0], $0xffff;
	[tilespmem:s4+$0x280] =	vst v32  }
0x564: {  	v26 =	vld.idx.msk [tilespmem:v6+s28+$0x0], $0xffff;
	[tilespmem:s12+$0x380] =	vst v20;
	v6 =	vmov v40;
	s12 =	smov.u32 s26  }
0x565: {  	[tilespmem:s12+$0x100] =	vst v19;
	v14 =	vld.idx.msk [tilespmem:v1+s28+$0x0], $0xffff;
	v1 =	vmov v2;
	v2 =	vmov v15  }
0x566: {  	v17 =	vld.idx.msk [tilespmem:v21+s28+$0x0], $0xffff;
	[tilespmem:s11+$0x300] =	vst v28  }
.Ltmp10:
0x567: {  	[tilespmem:s29+$0x100] =	vst v18;
	v15 =	vld.idx.msk [tilespmem:v3+s28+$0x0], $0xffff;
	v3 =	vmov v16;
	(pc) =	sbr.rel @p2 .LBB2_22-.Ltmp10, $4  }
0x568: {  	v21 =	vadd.s32 $0xFA0, v0;
	[tilespmem:s9+$0x100] =	vst v22;
	v18 =	vld.idx.msk [tilespmem:v24+s28+$0x0], $0xffff  }
0x569: {  	v20 =	vld.idx.msk [tilespmem:v30+s28+$0x0], $0xffff;
	[tilespmem:s14+$0x100] =	vst v23  }
0x56a: {  	v19 =	vld.idx.msk [tilespmem:v27+s28+$0x0], $0xffff;
	[tilespmem:s6+$0x300] =	vst v31  }
0x56b: {  	s17 =	sadd.s32 $0x40, s17;
	v16 =	vld.idx.msk [tilespmem:v4+s28+$0x0], $0xffff;
	[tilespmem:s4+$0x300] =	vst v26;
	v4 =	vmov v25  }
0x56c: {  	_ =	sdelay $0x2  }
0x56d: {  	[tilespmem:s12+$0x180] =	vst v17  }
0x56e: {  	v17 =	vld.idx.msk [tilespmem:v21+s28+$0x0], $0xffff;
	[tilespmem:s29+$0x180] =	vst v18  }
0x56f: {  	v60 =	vadd.s32 $0x1388, v0;
	[tilespmem:s9+$0x180] =	vst v20;
	v13 =	vld.idx.msk [tilespmem:v13+s28+$0x0], $0xffff  }
0x570: {  	v12 =	vld.idx.msk [tilespmem:v12+s28+$0x0], $0xffff;
	_ =	sdelay $0x1  }
0x571: {  	[tilespmem:s14+$0x180] =	vst v19  }
0x572: {  	v11 =	vld.idx.msk [tilespmem:v11+s28+$0x0], $0xffff;
	[tilespmem:s12+$0x200] =	vst v17  }
0x573: {  	v17 =	vld.idx.msk [tilespmem:v60+s28+$0x0], $0xffff;
	[tilespmem:s29+$0x200] =	vst v13  }
0x574: {  	v61 =	vadd.s32 $0x1770, v0;
	[tilespmem:s9+$0x200] =	vst v12;
	v9 =	vld.idx.msk [tilespmem:v9+s28+$0x0], $0xffff  }
0x575: {  	v8 =	vld.idx.msk [tilespmem:v8+s28+$0x0], $0xffff;
	_ =	sdelay $0x1  }
0x576: {  	[tilespmem:s14+$0x200] =	vst v11  }
0x577: {  	v10 =	vld.idx.msk [tilespmem:v10+s28+$0x0], $0xffff;
	[tilespmem:s12+$0x280] =	vst v17  }
0x578: {  	v62 =	vld.idx.msk [tilespmem:v61+s28+$0x0], $0xffff;
	[tilespmem:s29+$0x280] =	vst v9  }
0x579: {  	v63 =	vadd.s32 $0x1B58, v0;
	[tilespmem:s9+$0x280] =	vst v8;
	v7 =	vld.idx.msk [tilespmem:v7+s28+$0x0], $0xffff  }
0x57a: {  	v5 =	vld.idx.msk [tilespmem:v5+s28+$0x0], $0xffff  }
0x57b: {  	[tilespmem:s11+$0x380] =	vst v15  }
0x57c: {  	[tilespmem:s14+$0x280] =	vst v10  }
0x57d: {  	v6 =	vld.idx.msk [tilespmem:v6+s28+$0x0], $0xffff;
	[tilespmem:s12+$0x300] =	vst v62  }
0x57e: {  	v0 =	vld.idx.msk [tilespmem:v63+s28+$0x0], $0xffff;
	[tilespmem:s29+$0x300] =	vst v7  }
0x57f: {  	[tilespmem:s9+$0x300] =	vst v5;
	v4 =	vld.idx.msk [tilespmem:v4+s28+$0x0], $0xffff  }
0x580: {  	[tilespmem:s21+$0x380] =	vst v14;
	v3 =	vld.idx.msk [tilespmem:v3+s28+$0x0], $0xffff  }
0x581: {  	[tilespmem:s6+$0x380] =	vst v16  }
0x582: {  	[tilespmem:s14+$0x300] =	vst v6  }
0x583: {  	v1 =	vld.idx.msk [tilespmem:v1+s28+$0x0], $0xffff;
	[tilespmem:s12+$0x380] =	vst v0  }
0x584: {  	v2 =	vld.idx.msk [tilespmem:v2+s28+$0x0], $0xffff;
	[tilespmem:s29+$0x380] =	vst v4  }
0x585: {  	[tilespmem:s9+$0x380] =	vst v3  }
0x586: {  	s0 =	rddreg [dreg:$0xd]  }
0x587: {  	s0 =	sadd.s32 s0, s20  }
0x588: {  	[tilespmem:s4+$0x380] =	vst v1;
	s0 =	sshrl.u32 s0, $0x3  }
0x589: {  	s29 =	simm.s32 $0x14D00;
	[tilespmem:s14+$0x380] =	vst v2;
	s0 =	sadd.s32 s2, s0  }
0x58a: {  	[hbm4b:s0+s3] =	stream.linear.scatter [tilespmem:s29], [sflag:$0x4], $0x4000, $0x38;
	[tilespmem:$0x1B8F8] =	vst v63  }
.LBB2_24:
.Ltmp11:
0x58b: {  	(pc) =	sbr.rel @p1 .LBB2_26-.Ltmp11, $1  }
0x58c: {  	_ =	sdelay $0x3  }
.Ltmp12:
0x58d: {  	(pc) =	sbr.rel .LBB2_4-.Ltmp12, $4  }
0x58e: {  	_ = 	snop  }
0x58f: {  	s0 =	sshll.u32 s15, $0x9;
	s4 =	rddreg [dreg:$0xf]  }
0x590: {  	s29 =	simm.s32 $0x8500;
	s15 =	sadd.s32 $0x1, s15;
	s0 =	sadd.s32 s0, s4  }
0x591: {  	[tilespmem:s29], [sflag:$0x6] =	stream.linear.gather [hbm4b:s0+s3], $0x800, $0x38;
	[tilespmem:$0x1B8F8] =	vst v63  }
.LBB2_26:
0x592: {  	_ =	swait.ge [sflag:s5], $0x4000  }
0x593: {  	[sflag:s5] =	ssyncset.done $0x0  }
0x594: {  	[sflag:s5] =	ssyncadd.s32 $0xFFFFC000  }
0x595: {  	_ =	swait.ge [sflag:s7], $0x4000  }
0x596: {  	[sflag:s7] =	ssyncset.done $0x0  }
0x597: {  	[sflag:s7] =	ssyncadd.s32 $0xFFFFC000  }
0x598: {  	_ =	swait.ge [sflag:s8], $0x4000  }
0x599: {  	[sflag:s8] =	ssyncset.done $0x0  }
0x59a: {  	s0 =	simm.s32 @!p0 $0x4;
	[sflag:s8] =	ssyncadd.s32 $0xFFFFC000  }
0x59b: {  	_ =	swait.ge @!p0 [sflag:s0], $0x4000  }
0x59c: {  	[sflag:s0] =	ssyncset.done @!p0 $0x0  }
0x59d: {  	s29 =	simm.s32 $0x7;
	[sflag:s0] =	ssyncadd.s32 @!p0 $0xFFFFC000  }
0x59e: {  	_ =	swait.ge [sflag:s29], $0xA00  }
0x59f: {  	[sflag:s29] =	ssyncset.done $0x0  }
0x5a0: {  	s4 =	simm.s32 $0x18D20;
	[sflag:s29] =	ssyncadd.s32 $0xFFFFF600  }
0x5a1: {  	v4 =	vld [tilespmem:s4+$0xFFFFFFE0]  }
0x5a2: {  	v8 =	vld [tilespmem:s4+$0xFFFFFFF0];
	_ =	sdelay $0x1  }
0x5a3: {  	s0 =	simm.s32 $0x1AB20;
	v2 =	vld [tilespmem:s4+$0x0]  }
0x5a4: {  	v0 =	vld [tilespmem:s0+$0x0]  }
0x5a5: {  	v3 =	vld [tilespmem:s4+$0x10]  }
0x5a6: {  	v1 =	vld [tilespmem:s0+$0xFFFFFFF0]  }
0x5a7: {  	v7 =	vld [tilespmem:s0+$0xFFFFFFE0]  }
0x5a8: {  	v5 =	vld.idx.msk [tilespmem:v4+s25+$0x0], $0xffff  }
0x5a9: {  	v6 =	vimm.f32 $0.0e+00;
	s6 =	simm.s32 $0x18D60;
	s4 =	simm.s32 $0x0;
	v4 =	vld.idx.msk [tilespmem:v8+s25+$0x0], $0xffff  }
.LBB2_27:
0x5aa: {  	v8 =	vld [tilespmem:s6+$0xFFFFFFE0]  }
0x5ab: {  	s4 =	sadd.s32 $0x4, s4;
	v9 =	vld.idx.msk [tilespmem:v2+s25+$0x0], $0xffff  }
0x5ac: {  	p1 =	slt.u32 s4, $0x9C;
	v10 =	vld [tilespmem:s6+$0xFFFFFFF0]  }
0x5ad: {  	v5 =	vsub.f32 v5, v7;
	v7 =	vld.idx.msk [tilespmem:v3+s25+$0x0], $0xffff  }
0x5ae: {  	v11 =	vld [tilespmem:s0+$0x10]  }
0x5af: {  	v1 =	vsub.f32 v4, v1;
	s0 =	sadd.s32 $0x40, s0;
	v2 =	vld [tilespmem:s6+$0x0];
	v5 =	vadd.f32 v5, v6  }
0x5b0: {  	v12 =	vld [tilespmem:s0+$0x0]  }
.Ltmp13:
0x5b1: {  	v0 =	vsub.f32 v9, v0;
	v3 =	vld [tilespmem:s6+$0x10];
	v4 =	vadd.f32 v1, v5;
	(pc) =	sbr.rel @p1 .LBB2_27-.Ltmp13, $4  }
0x5b2: {  	v1 =	vld [tilespmem:s0+$0xFFFFFFF0]  }
0x5b3: {  	v5 =	vld.idx.msk [tilespmem:v8+s25+$0x0], $0xffff;
	v8 =	vadd.f32 v0, v4;
	v6 =	vsub.f32 v7, v11  }
0x5b4: {  	v7 =	vld [tilespmem:s0+$0xFFFFFFE0]  }
0x5b5: {  	s6 =	sadd.s32 $0x40, s6;
	v4 =	vld.idx.msk [tilespmem:v10+s25+$0x0], $0xffff;
	v6 =	vadd.f32 v6, v8;
	v0 =	vmov v12  }
0x5b6: {  	_ =	sdelay $0x3  }
0x5b7: {  	v2 =	vld.idx.msk [tilespmem:v2+s25+$0x0], $0xffff  }
0x5b8: {  	v3 =	vld.idx.msk [tilespmem:v3+s25+$0x0], $0xffff;
	v5 =	vsub.f32 v5, v7  }
0x5b9: {  	v62 =	vld [tilespmem:s0+$0x10]  }
0x5ba: {  	v1 =	vsub.f32 v4, v1;
	v5 =	vadd.f32 v5, v6;
	_ =	sdelay $0x1  }
0x5bb: {  	v0 =	vsub.f32 v2, v0;
	v1 =	vadd.f32 v1, v5;
	_ =	sdelay $0x1  }
0x5bc: {  	v63 =	vsub.f32 v3, v62;
	v0 =	vadd.f32 v0, v1;
	_ =	sdelay $0x1  }
0x5bd: {  	v0 =	vadd.f32 v63, v0;
	_ =	sdelay $0x1  }
0x5be: {  	s24 =	rddreg [dreg:$0x10];
	s4 =	simm.s32 $0x1B8E8;
	s11 =	simm.s32 $0x8;
	[tilespmem:$0x1B8E8] =	vst v0  }
0x5bf: {  	[hbm4b:s24+s3] =	stream.linear.scatter [tilespmem:s4], [sflag:$0x8], $0x10, $0x38;
	[tilespmem:$0x1B8F8] =	vst v63  }
0x5c0: {  	_ =	swait.ge [sflag:s11], $0x10  }
0x5c1: {  	s26 =	rddreg [dreg:$0x12]  }
0x5c2: {  	s29 =	rddreg [dreg:$0x11];
	s4 =	sadd.s32 $0x1, s26  }
0x5c3: {  	p1 =	sne.s32 s4, s29  }
.Ltmp14:
0x5c4: {  	_ = 	snop;
	(pc) =	sbr.rel @p1 .LBB2_1-.Ltmp14, $3  }
0x5c5: {  	_ =	sdelay $0x1  }
0x5c6: {  	[sflag:s11] =	ssyncset.done $0x0  }
0x5c7: {  	[sflag:s11] =	ssyncadd.s32 $0xFFFFFFF0  }
0x5c8: {  	_ =	sfence.sel $0x180000  }
0x5c9: {  	[bflag:$0x0] =	sbarrier.arrive $0xFFFF  }
0x5ca: {  	_ =	strace $0x90000047  }
0x5cb: {  	s0 =	stileid.u32;
	[bflag:$0x2] =	sbarrier.arrive $0xFFFF  }
0x5cc: {  	p0 =	sne.s32 s0, $0x0;
	s0 =	rddreg [dreg:$0x2]  }
0x5cd: {  	s0 =	sadd.s32 @!p0 $0x100000, s0  }
0x5ce: {  	[sflag:s0] =	ssyncadd.tile.s32 @!p0 $0x1;
	_ =	shalt  }
.Lfunc_end2:
_tile_overlayer_lowered:
.L_overlay_start_2:
0x5cf: {  	(tag) =	ssettag $0x2  }
0x5d0: {  	s0 =	rddreg [dreg:$0x0];
	s2 =	stileid.u32  }
0x5d1: {  	s1 =	rddreg [dreg:$0x1];
	p0 =	sne.s32 s2, $0x0  }
0x5d2: {  	s3 =	rddreg [dreg:$0x2];
	[bflag:$0x3] =	sbarrier.arrive $0xFFFF;
	s2 =	simm.s32 @!p0 $0x1C08  }
0x5d3: {  	[timem:s3], [sflag:s2] =	dma.local @!p0 [hbm:s0], s1  }
0x5d4: {  	s0 =	simm.s32 @!p0 $0x8  }
0x5d5: {  	_ =	swait.ge @!p0 [sflag:s0], s1  }
0x5d6: {  	s1 =	ssub.s32 @!p0 $0x0, s1;
	[sflag:s0] =	ssyncset.done @!p0 $0x0  }
0x5d7: {  	[sflag:s0] =	ssyncadd.s32 @!p0 s1  }
0x5d8: {  	[bflag:$0x3] =	sbarrier.arrive $0xFFFF  }
0x5d9: {  	_ =	shalt  }

</sc_bundles>
